<compile_context>
chip_gen: v7x
topology: tpu7x:2x2x1
jax: 0.10.2.dev20260603
libtpu: 0.0.44.dev20260713+nightly
codegen_flags: <defaults>
</compile_context>

<pallas_src>
import functools

import jax
import jax.numpy as jnp
from jax import lax
from jax.experimental import pallas as pl
from jax.experimental.pallas import tpu as pltpu
from jax.experimental.pallas import tpu_sc as plsc

NC, NS = 2, 16
NW = NC * NS
GW = 128
NG = 4
CHUNK = GW * NG
LANES = 16


def _sc_embed(x3, token_table, pos_table, *, batch, embed, maxlen):
    mesh = plsc.VectorSubcoreMesh(core_axis_name="c", subcore_axis_name="s")
    egroups = CHUNK // LANES

    @functools.partial(
        pl.kernel,
        out_type=jax.ShapeDtypeStruct(
            (maxlen, embed // 8, batch // 128, 8, 128), jnp.float32),
        mesh=mesh,
        scratch_types=[
            pltpu.VMEM((2, NG, GW), jnp.int32),
            pltpu.VMEM((2, CHUNK, embed), jnp.float32),
            pltpu.VMEM((2, embed // 8, 8, CHUNK + 1), jnp.float32),
            pltpu.VMEM((maxlen + 1, embed), jnp.float32),
            pltpu.SemaphoreType.DMA,
            pltpu.SemaphoreType.DMA,
            pltpu.SemaphoreType.DMA,
            pltpu.SemaphoreType.DMA,
            pltpu.SemaphoreType.DMA,
            pltpu.SemaphoreType.DMA,
            pltpu.SemaphoreType.DMA,
        ],
        compiler_params=pltpu.CompilerParams(use_tc_tiling_on_sc=False,
                                             needs_layout_passes=False),
    )
    def sc_kernel(x_hbm, tok_hbm, pos_hbm, out_hbm,
                  idx_v, tok_v, out_v, pos_v,
                  sp, si0, si1, sg0, sg1, so0, so1):
        wid = lax.axis_index("s") * NC + lax.axis_index("c")
        b0 = wid * CHUNK
        brow = wid * NG

        pltpu.async_copy(pos_hbm, pos_v, sp).wait()

        def fire_idx(slot, l, sem):
            pltpu.async_copy(x_hbm.at[l, pl.ds(brow, NG)], idx_v.at[slot], sem)

        def wait_idx(slot, sem):
            pltpu.make_async_copy(
                x_hbm.at[0, pl.ds(0, NG)], idx_v.at[slot], sem).wait()

        def wait_out(slot, sem):
            for bb in range(CHUNK // 128):
                pltpu.make_async_copy(
                    out_v.at[slot, pl.ds(0, embed // 8), pl.ds(0, 8),
                             pl.ds(bb * 128, 128)],
                    out_hbm.at[0, pl.ds(0, embed // 8), 0,
                               pl.ds(0, 8), pl.ds(0, 128)], sem).wait()

        def fire_gathers(slot, sem_g):
            for k in range(NG):
                pltpu.async_copy(tok_hbm.at[idx_v.at[slot, k]],
                                 tok_v.at[slot, pl.ds(k * GW, GW)], sem_g)

        def drain_gathers(slot, sem_g):
            for k in range(NG):
                pltpu.make_async_copy(
                    tok_hbm.at[pl.ds(0, GW)],
                    tok_v.at[slot, pl.ds(k * GW, GW)], sem_g).wait()

        def splat(vec, lane):
            idx = jnp.broadcast_to(lane.astype(jnp.int32), (LANES,))
            return lax.gather(
                vec, idx[:, None],
                dimension_numbers=lax.GatherDimensionNumbers(
                    offset_dims=(), collapsed_slice_dims=(0,),
                    start_index_map=(0,)),
                slice_sizes=(1,),
                mode=lax.GatherScatterMode.PROMISE_IN_BOUNDS)

        def transpose_add(slot, l):
            iota32 = lax.iota(jnp.int32, LANES)
            p1h = [pos_v[l + 1, pl.ds(h * LANES, LANES)]
                   for h in range(embed // LANES)]
            e8cols = [(h * LANES + iota32) // 8 for h in range(embed // LANES)]
            eincols = [(h * LANES + iota32) % 8 for h in range(embed // LANES)]

            @plsc.parallel_loop(0, CHUNK, unroll=8)
            def _(r):
                rv = jnp.broadcast_to(r, (LANES,))
                for h in range(embed // LANES):
                    tok = tok_v[slot, r, pl.ds(h * LANES, LANES)]
                    plsc.store_scatter(out_v.at[slot],
                                       [e8cols[h], eincols[h], rv],
                                       tok + p1h[h])

            mn = idx_v[slot, 0, pl.ds(0, LANES)]
            for k in range(NG):
                for j in range(GW // LANES):
                    if k == 0 and j == 0:
                        continue
                    mn = jnp.minimum(mn, idx_v[slot, k, pl.ds(j * LANES, LANES)])
            has_zero = lax.reduce_min(mn, (0,)) == 0

            @pl.when(has_zero)
            def _():
                p0h = [pos_v[0, pl.ds(h * LANES, LANES)]
                       for h in range(embed // LANES)]

                @pl.loop(0, egroups)
                def _(g):
                    xg = idx_v[slot, g // (GW // LANES),
                               pl.ds((g % (GW // LANES)) * LANES, LANES)]
                    m = xg == 0
                    rows = g * LANES + iota32

                    @pl.when(jnp.any(m))
                    def _():
                        for h in range(embed // LANES):
                            for j in range(LANES):
                                e = h * LANES + j
                                ecol = jnp.broadcast_to(
                                    jnp.int32(e), (LANES,))
                                tokt = plsc.load_gather(
                                    tok_v.at[slot], [rows, ecol], mask=m)
                                p0 = splat(p0h[h], jnp.int32(j))
                                plsc.store_scatter(
                                    out_v.at[slot],
                                    [jnp.broadcast_to(jnp.int32(e // 8),
                                                      (LANES,)),
                                     jnp.broadcast_to(jnp.int32(e % 8),
                                                      (LANES,)),
                                     rows],
                                    tokt + p0, mask=m)

        def fire_out(slot, l, sem_o):
            for bb in range(CHUNK // 128):
                pltpu.async_copy(
                    out_v.at[slot, pl.ds(0, embed // 8), pl.ds(0, 8),
                             pl.ds(bb * 128, 128)],
                    out_hbm.at[l, pl.ds(0, embed // 8),
                               wid * (CHUNK // 128) + bb,
                               pl.ds(0, 8), pl.ds(0, 128)], sem_o)

        def phase_fire(slot, l, sem_i, sem_o):
            wait_idx(slot, sem_i)

            @pl.when(l >= 2)
            def _():
                wait_out(slot, sem_o)

            fire_gathers(slot, (sg0, sg1)[slot])

        def phase_drain(slot, l, sem_i, sem_g, sem_o):
            drain_gathers(slot, sem_g)
            transpose_add(slot, l)

            @pl.when(l + 2 < maxlen)
            def _():
                fire_idx(slot, l + 2, sem_i)

            fire_out(slot, l, sem_o)

        fire_idx(0, 0, si0)
        fire_idx(1, 1, si1)

        @pl.loop(0, maxlen, step=2)
        def _(l0):
            phase_fire(0, l0, si0, so0)
            phase_fire(1, l0 + 1, si1, so1)
            phase_drain(0, l0, si0, sg0, so0)
            phase_drain(1, l0 + 1, si1, sg1, so1)

        wait_out(0, so0)
        wait_out(1, so1)

    return sc_kernel(x3, token_table, pos_table)


def kernel(x, token_table, pos_table):
    batch, maxlen = x.shape
    vocab, embed = token_table.shape
    x3 = x.T.reshape(maxlen, batch // GW, GW).astype(jnp.int32)
    out5 = _sc_embed(x3, token_table, pos_table,
                     batch=batch, embed=embed, maxlen=maxlen)
    return out5.transpose(2, 4, 0, 1, 3).reshape(batch, maxlen, embed)

# --- scband reference (transcript-rebuilt; emitter-appended) ---
"""Pipeline reference for scband-outer-masked-token-and-position-embedding-24627342475329 (READ-ONLY COPY).

The authoritative reference and input builder live on the scoring server;
editing this copy changes nothing except your own understanding.
"""

import jax, jax.numpy as jnp
import numpy as np

MAXLEN = 200
VOCAB = 1000000
EMBED = 32
BATCH = 16384

def setup_inputs(seed: int = 0) -> dict:
    key = jax.random.key(seed)
    k1, k2, k3 = jax.random.split(key, 3)
    x = jax.random.randint(k1, (BATCH, MAXLEN), 0, VOCAB, dtype=jnp.int64 if jax.config.jax_enable_x64 else jnp.int32)
    token_table = jax.random.normal(k2, (VOCAB, EMBED), dtype=jnp.float32) * 0.02
    pos_table = jax.random.normal(k3, (MAXLEN + 1, EMBED), dtype=jnp.float32) * 0.02
    return {"x": x, "token_table": token_table, "pos_table": pos_table}

def reference(x, token_table, pos_table):
    L = x.shape[-1]
    # positions = range(1, L+1) * sign(x)  (sign is 0 for pad token 0, 1 otherwise)
    positions = jnp.arange(1, L + 1, dtype=jnp.int32) * jnp.sign(x).astype(jnp.int32)
    pos = jnp.take(pos_table, positions, axis=0)
    tok = jnp.take(token_table, x, axis=0)
    return tok + pos

if __name__ == "__main__":
    import jax
    _d = setup_inputs()
    print(jax.jit(kernel)(*tuple(_d.values())))

</pallas_src>

<mosaic_0001>
#map = affine_map<(d0, d1) -> (0, 0, 0)>
#map1 = affine_map<(d0, d1) -> (0, 0)>
#map2 = affine_map<(d0, d1) -> (0, 0, 0, 0, 0)>
module attributes {stable_mosaic.version = 14 : i64} {
  func.func @sc_kernel(%arg0: i32, %arg1: i32, %arg2: memref<200x128x128xi32, #tpu.memory_space<hbm>>, %arg3: memref<1000000x32xf32, #tpu.memory_space<hbm>>, %arg4: memref<201x32xf32, #tpu.memory_space<hbm>>, %arg5: memref<200x4x128x8x128xf32, #tpu.memory_space<hbm>>, %arg6: memref<2x4x128xi32, #tpu.memory_space<vmem>>, %arg7: memref<2x512x32xf32, #tpu.memory_space<vmem>>, %arg8: memref<2x4x8x513xf32, #tpu.memory_space<vmem>>, %arg9: memref<201x32xf32, #tpu.memory_space<vmem>>, %arg10: memref<!tpu.dma_semaphore, #tpu.memory_space<semaphore_mem>>, %arg11: memref<!tpu.dma_semaphore, #tpu.memory_space<semaphore_mem>>, %arg12: memref<!tpu.dma_semaphore, #tpu.memory_space<semaphore_mem>>, %arg13: memref<!tpu.dma_semaphore, #tpu.memory_space<semaphore_mem>>, %arg14: memref<!tpu.dma_semaphore, #tpu.memory_space<semaphore_mem>>, %arg15: memref<!tpu.dma_semaphore, #tpu.memory_space<semaphore_mem>>, %arg16: memref<!tpu.dma_semaphore, #tpu.memory_space<semaphore_mem>>) attributes {dimension_semantics = [#tpu.dimension_semantics<core_parallel>, #tpu.dimension_semantics<subcore_parallel>], iteration_bounds = array<i64: 2, 16>, scalar_prefetch = 0 : i64, scratch_operands = 11 : i64, tpu.core_type = #tpu.core_type<sc_vector_subcore>, window_params = [{transform_indices = #map}, {transform_indices = #map1}, {transform_indices = #map1}, {transform_indices = #map2}]} {
    %mul3A = arith.constant 2 : i32
    %mul3A_0 = arith.muli %arg1, %mul3A : i32
    %add3A = arith.addi %mul3A_0, %arg0 : i32
    %mul3A_1 = arith.constant 512 : i32
    %mul3A_2 = arith.muli %add3A, %mul3A_1 : i32
    %mul3A_3 = arith.constant 4 : i32
    %mul3A_4 = arith.muli %add3A, %mul3A_3 : i32
    tpu.enqueue_dma source(%arg4 : memref<201x32xf32, #tpu.memory_space<hbm>>) target(%arg9 : memref<201x32xf32, #tpu.memory_space<vmem>>) target_semaphore(%arg10 : memref<!tpu.dma_semaphore, #tpu.memory_space<semaphore_mem>>)
    tpu.wait_dma2 semaphore(%arg10 : memref<!tpu.dma_semaphore, #tpu.memory_space<semaphore_mem>>) src(%arg4 : memref<201x32xf32, #tpu.memory_space<hbm>>) dst(%arg9 : memref<201x32xf32, #tpu.memory_space<vmem>>)
    %dma_start3A = arith.constant 0 : i32
    %dma_start3A_5 = arith.constant 0 : i32
    %dma_start3A_6 = arith.constant 0 : i32
    %dma_start3A_7 = arith.constant 0 : i32
    %dma_start3A_8 = tpu.memref_slice %arg6[%dma_start3A_5, %dma_start3A_6, %dma_start3A_7] : memref<2x4x128xi32, #tpu.memory_space<vmem>> -> memref<1x4x128xi32, #tpu.memory_space<vmem>>
    %dma_start3A_9 = tpu.memref_squeeze %dma_start3A_8 : memref<1x4x128xi32, #tpu.memory_space<vmem>> -> memref<4x128xi32, #tpu.memory_space<vmem>>
    %dma_start3A_10 = arith.constant 0 : i32
    %dma_start3A_11 = tpu.memref_slice %arg2[%dma_start3A, %mul3A_4, %dma_start3A_10] : memref<200x128x128xi32, #tpu.memory_space<hbm>> -> memref<1x4x128xi32, #tpu.memory_space<hbm>>
    %dma_start3A_12 = tpu.memref_squeeze %dma_start3A_11 : memref<1x4x128xi32, #tpu.memory_space<hbm>> -> memref<4x128xi32, #tpu.memory_space<hbm>>
    %dma_start3A_13 = arith.constant 0 : i32
    %dma_start3A_14 = arith.constant 0 : i32
    %dma_start3A_15 = tpu.memref_slice %arg6[%dma_start3A_5, %dma_start3A_13, %dma_start3A_14] : memref<2x4x128xi32, #tpu.memory_space<vmem>> -> memref<1x4x128xi32, #tpu.memory_space<vmem>>
    %dma_start3A_16 = tpu.memref_squeeze %dma_start3A_15 : memref<1x4x128xi32, #tpu.memory_space<vmem>> -> memref<4x128xi32, #tpu.memory_space<vmem>>
    %dma_start3A_17 = arith.constant 0 : i32
    %dma_start3A_18 = tpu.memref_slice %arg2[%dma_start3A, %mul3A_4, %dma_start3A_17] : memref<200x128x128xi32, #tpu.memory_space<hbm>> -> memref<1x4x128xi32, #tpu.memory_space<hbm>>
    %dma_start3A_19 = tpu.memref_squeeze %dma_start3A_18 : memref<1x4x128xi32, #tpu.memory_space<hbm>> -> memref<4x128xi32, #tpu.memory_space<hbm>>
    tpu.enqueue_dma source(%dma_start3A_19 : memref<4x128xi32, #tpu.memory_space<hbm>>) target(%dma_start3A_16 : memref<4x128xi32, #tpu.memory_space<vmem>>) target_semaphore(%arg11 : memref<!tpu.dma_semaphore, #tpu.memory_space<semaphore_mem>>)
    %dma_start3A_20 = arith.constant 1 : i32
    %dma_start3A_21 = arith.constant 1 : i32
    %dma_start3A_22 = arith.constant 0 : i32
    %dma_start3A_23 = arith.constant 0 : i32
    %dma_start3A_24 = tpu.memref_slice %arg6[%dma_start3A_21, %dma_start3A_22, %dma_start3A_23] : memref<2x4x128xi32, #tpu.memory_space<vmem>> -> memref<1x4x128xi32, #tpu.memory_space<vmem>>
    %dma_start3A_25 = tpu.memref_squeeze %dma_start3A_24 : memref<1x4x128xi32, #tpu.memory_space<vmem>> -> memref<4x128xi32, #tpu.memory_space<vmem>>
    %dma_start3A_26 = arith.constant 0 : i32
    %dma_start3A_27 = tpu.memref_slice %arg2[%dma_start3A_20, %mul3A_4, %dma_start3A_26] : memref<200x128x128xi32, #tpu.memory_space<hbm>> -> memref<1x4x128xi32, #tpu.memory_space<hbm>>
    %dma_start3A_28 = tpu.memref_squeeze %dma_start3A_27 : memref<1x4x128xi32, #tpu.memory_space<hbm>> -> memref<4x128xi32, #tpu.memory_space<hbm>>
    %dma_start3A_29 = arith.constant 0 : i32
    %dma_start3A_30 = arith.constant 0 : i32
    %dma_start3A_31 = tpu.memref_slice %arg6[%dma_start3A_21, %dma_start3A_29, %dma_start3A_30] : memref<2x4x128xi32, #tpu.memory_space<vmem>> -> memref<1x4x128xi32, #tpu.memory_space<vmem>>
    %dma_start3A_32 = tpu.memref_squeeze %dma_start3A_31 : memref<1x4x128xi32, #tpu.memory_space<vmem>> -> memref<4x128xi32, #tpu.memory_space<vmem>>
    %dma_start3A_33 = arith.constant 0 : i32
    %dma_start3A_34 = tpu.memref_slice %arg2[%dma_start3A_20, %mul3A_4, %dma_start3A_33] : memref<200x128x128xi32, #tpu.memory_space<hbm>> -> memref<1x4x128xi32, #tpu.memory_space<hbm>>
    %dma_start3A_35 = tpu.memref_squeeze %dma_start3A_34 : memref<1x4x128xi32, #tpu.memory_space<hbm>> -> memref<4x128xi32, #tpu.memory_space<hbm>>
    tpu.enqueue_dma source(%dma_start3A_35 : memref<4x128xi32, #tpu.memory_space<hbm>>) target(%dma_start3A_32 : memref<4x128xi32, #tpu.memory_space<vmem>>) target_semaphore(%arg12 : memref<!tpu.dma_semaphore, #tpu.memory_space<semaphore_mem>>)
    %scan3A = arith.constant 0 : i32
    %scan3A_36 = arith.constant 100 : i32
    %scan3A_37 = arith.addi %scan3A, %scan3A_36 : i32
    %scan3A_38 = arith.constant 1 : i32
    scf.for %scan3A_223 = %scan3A to %scan3A_37 step %scan3A_38  : i32 {
      %mul3A_224 = arith.constant 2 : i32
      %mul3A_225 = arith.muli %scan3A_223, %mul3A_224 : i32
      %add3A_226 = arith.constant 0 : i32
      %add3A_227 = arith.addi %add3A_226, %mul3A_225 : i32
      %dma_wait3A_228 = arith.constant 0 : i32
      %dma_wait3A_229 = arith.constant 0 : i32
      %dma_wait3A_230 = arith.constant 0 : i32
      %dma_wait3A_231 = arith.constant 0 : i32
      %dma_wait3A_232 = tpu.memref_slice %arg6[%dma_wait3A_229, %dma_wait3A_230, %dma_wait3A_231] : memref<2x4x128xi32, #tpu.memory_space<vmem>> -> memref<1x4x128xi32, #tpu.memory_space<vmem>>
      %dma_wait3A_233 = tpu.memref_squeeze %dma_wait3A_232 : memref<1x4x128xi32, #tpu.memory_space<vmem>> -> memref<4x128xi32, #tpu.memory_space<vmem>>
      %dma_wait3A_234 = arith.constant 0 : i32
      %dma_wait3A_235 = arith.constant 0 : i32
      %dma_wait3A_236 = tpu.memref_slice %arg2[%dma_wait3A_228, %dma_wait3A_234, %dma_wait3A_235] : memref<200x128x128xi32, #tpu.memory_space<hbm>> -> memref<1x4x128xi32, #tpu.memory_space<hbm>>
      %dma_wait3A_237 = tpu.memref_squeeze %dma_wait3A_236 : memref<1x4x128xi32, #tpu.memory_space<hbm>> -> memref<4x128xi32, #tpu.memory_space<hbm>>
      %dma_wait3A_238 = arith.constant 0 : i32
      %dma_wait3A_239 = arith.constant 0 : i32
      %dma_wait3A_240 = tpu.memref_slice %arg6[%dma_wait3A_229, %dma_wait3A_238, %dma_wait3A_239] : memref<2x4x128xi32, #tpu.memory_space<vmem>> -> memref<1x4x128xi32, #tpu.memory_space<vmem>>
      %dma_wait3A_241 = tpu.memref_squeeze %dma_wait3A_240 : memref<1x4x128xi32, #tpu.memory_space<vmem>> -> memref<4x128xi32, #tpu.memory_space<vmem>>
      %dma_wait3A_242 = arith.constant 0 : i32
      %dma_wait3A_243 = arith.constant 0 : i32
      %dma_wait3A_244 = tpu.memref_slice %arg2[%dma_wait3A_228, %dma_wait3A_242, %dma_wait3A_243] : memref<200x128x128xi32, #tpu.memory_space<hbm>> -> memref<1x4x128xi32, #tpu.memory_space<hbm>>
      %dma_wait3A_245 = tpu.memref_squeeze %dma_wait3A_244 : memref<1x4x128xi32, #tpu.memory_space<hbm>> -> memref<4x128xi32, #tpu.memory_space<hbm>>
      tpu.wait_dma2 semaphore(%arg11 : memref<!tpu.dma_semaphore, #tpu.memory_space<semaphore_mem>>) src(%dma_wait3A_245 : memref<4x128xi32, #tpu.memory_space<hbm>>) dst(%dma_wait3A_241 : memref<4x128xi32, #tpu.memory_space<vmem>>)
      %ge3A = arith.constant 2 : i32
      %ge3A_246 = arith.cmpi sge, %add3A_227, %ge3A : i32
      %convert_element_type3A = arith.extui %ge3A_246 : i1 to i32
      %cond3A = arith.constant 0 : i32
      %cond3A_247 = arith.cmpi ne, %convert_element_type3A, %cond3A : i32
      scf.if %cond3A_247 {
        %dma_wait3A_1434 = arith.constant 0 : i32
        %dma_wait3A_1435 = arith.constant 0 : i32
        %dma_wait3A_1436 = arith.constant 0 : i32
        %dma_wait3A_1437 = arith.constant 0 : i32
        %dma_wait3A_1438 = arith.constant 0 : i32
        %dma_wait3A_1439 = arith.constant 0 : i32
        %dma_wait3A_1440 = tpu.memref_slice %arg8[%dma_wait3A_1434, %dma_wait3A_1437, %dma_wait3A_1438, %dma_wait3A_1439] : memref<2x4x8x513xf32, #tpu.memory_space<vmem>> -> memref<1x4x8x128xf32, #tpu.memory_space<vmem>>
        %dma_wait3A_1441 = tpu.memref_squeeze %dma_wait3A_1440 : memref<1x4x8x128xf32, #tpu.memory_space<vmem>> -> memref<4x8x128xf32, #tpu.memory_space<vmem>>
        %dma_wait3A_1442 = arith.constant 0 : i32
        %dma_wait3A_1443 = arith.constant 0 : i32
        %dma_wait3A_1444 = arith.constant 0 : i32
        %dma_wait3A_1445 = tpu.memref_slice %arg5[%dma_wait3A_1435, %dma_wait3A_1442, %dma_wait3A_1436, %dma_wait3A_1443, %dma_wait3A_1444] : memref<200x4x128x8x128xf32, #tpu.memory_space<hbm>> -> memref<1x4x1x8x128xf32, #tpu.memory_space<hbm>>
        %dma_wait3A_1446 = tpu.memref_squeeze %dma_wait3A_1445 : memref<1x4x1x8x128xf32, #tpu.memory_space<hbm>> -> memref<4x8x128xf32, #tpu.memory_space<hbm>>
        %dma_wait3A_1447 = arith.constant 0 : i32
        %dma_wait3A_1448 = arith.constant 0 : i32
        %dma_wait3A_1449 = arith.constant 0 : i32
        %dma_wait3A_1450 = tpu.memref_slice %arg5[%dma_wait3A_1435, %dma_wait3A_1447, %dma_wait3A_1436, %dma_wait3A_1448, %dma_wait3A_1449] : memref<200x4x128x8x128xf32, #tpu.memory_space<hbm>> -> memref<1x4x1x8x128xf32, #tpu.memory_space<hbm>>
        %dma_wait3A_1451 = tpu.memref_squeeze %dma_wait3A_1450 : memref<1x4x1x8x128xf32, #tpu.memory_space<hbm>> -> memref<4x8x128xf32, #tpu.memory_space<hbm>>
        %dma_wait3A_1452 = arith.constant 0 : i32
        %dma_wait3A_1453 = arith.constant 0 : i32
        %dma_wait3A_1454 = arith.constant 0 : i32
        %dma_wait3A_1455 = tpu.memref_slice %arg8[%dma_wait3A_1434, %dma_wait3A_1452, %dma_wait3A_1453, %dma_wait3A_1454] : memref<2x4x8x513xf32, #tpu.memory_space<vmem>> -> memref<1x4x8x128xf32, #tpu.memory_space<vmem>>
        %dma_wait3A_1456 = tpu.memref_squeeze %dma_wait3A_1455 : memref<1x4x8x128xf32, #tpu.memory_space<vmem>> -> memref<4x8x128xf32, #tpu.memory_space<vmem>>
        tpu.wait_dma2 semaphore(%arg15 : memref<!tpu.dma_semaphore, #tpu.memory_space<semaphore_mem>>) src(%dma_wait3A_1456 : memref<4x8x128xf32, #tpu.memory_space<vmem>>) dst(%dma_wait3A_1451 : memref<4x8x128xf32, #tpu.memory_space<hbm>>)
        %dma_wait3A_1457 = arith.constant 0 : i32
        %dma_wait3A_1458 = arith.constant 0 : i32
        %dma_wait3A_1459 = arith.constant 0 : i32
        %dma_wait3A_1460 = arith.constant 0 : i32
        %dma_wait3A_1461 = arith.constant 0 : i32
        %dma_wait3A_1462 = arith.constant 128 : i32
        %dma_wait3A_1463 = tpu.memref_slice %arg8[%dma_wait3A_1457, %dma_wait3A_1460, %dma_wait3A_1461, %dma_wait3A_1462] : memref<2x4x8x513xf32, #tpu.memory_space<vmem>> -> memref<1x4x8x128xf32, #tpu.memory_space<vmem>>
        %dma_wait3A_1464 = tpu.memref_squeeze %dma_wait3A_1463 : memref<1x4x8x128xf32, #tpu.memory_space<vmem>> -> memref<4x8x128xf32, #tpu.memory_space<vmem>>
        %dma_wait3A_1465 = arith.constant 0 : i32
        %dma_wait3A_1466 = arith.constant 0 : i32
        %dma_wait3A_1467 = arith.constant 0 : i32
        %dma_wait3A_1468 = tpu.memref_slice %arg5[%dma_wait3A_1458, %dma_wait3A_1465, %dma_wait3A_1459, %dma_wait3A_1466, %dma_wait3A_1467] : memref<200x4x128x8x128xf32, #tpu.memory_space<hbm>> -> memref<1x4x1x8x128xf32, #tpu.memory_space<hbm>>
        %dma_wait3A_1469 = tpu.memref_squeeze %dma_wait3A_1468 : memref<1x4x1x8x128xf32, #tpu.memory_space<hbm>> -> memref<4x8x128xf32, #tpu.memory_space<hbm>>
        %dma_wait3A_1470 = arith.constant 0 : i32
        %dma_wait3A_1471 = arith.constant 0 : i32
        %dma_wait3A_1472 = arith.constant 0 : i32
        %dma_wait3A_1473 = tpu.memref_slice %arg5[%dma_wait3A_1458, %dma_wait3A_1470, %dma_wait3A_1459, %dma_wait3A_1471, %dma_wait3A_1472] : memref<200x4x128x8x128xf32, #tpu.memory_space<hbm>> -> memref<1x4x1x8x128xf32, #tpu.memory_space<hbm>>
        %dma_wait3A_1474 = tpu.memref_squeeze %dma_wait3A_1473 : memref<1x4x1x8x128xf32, #tpu.memory_space<hbm>> -> memref<4x8x128xf32, #tpu.memory_space<hbm>>
        %dma_wait3A_1475 = arith.constant 0 : i32
        %dma_wait3A_1476 = arith.constant 0 : i32
        %dma_wait3A_1477 = arith.constant 128 : i32
        %dma_wait3A_1478 = tpu.memref_slice %arg8[%dma_wait3A_1457, %dma_wait3A_1475, %dma_wait3A_1476, %dma_wait3A_1477] : memref<2x4x8x513xf32, #tpu.memory_space<vmem>> -> memref<1x4x8x128xf32, #tpu.memory_space<vmem>>
        %dma_wait3A_1479 = tpu.memref_squeeze %dma_wait3A_1478 : memref<1x4x8x128xf32, #tpu.memory_space<vmem>> -> memref<4x8x128xf32, #tpu.memory_space<vmem>>
        tpu.wait_dma2 semaphore(%arg15 : memref<!tpu.dma_semaphore, #tpu.memory_space<semaphore_mem>>) src(%dma_wait3A_1479 : memref<4x8x128xf32, #tpu.memory_space<vmem>>) dst(%dma_wait3A_1474 : memref<4x8x128xf32, #tpu.memory_space<hbm>>)
        %dma_wait3A_1480 = arith.constant 0 : i32
        %dma_wait3A_1481 = arith.constant 0 : i32
        %dma_wait3A_1482 = arith.constant 0 : i32
        %dma_wait3A_1483 = arith.constant 0 : i32
        %dma_wait3A_1484 = arith.constant 0 : i32
        %dma_wait3A_1485 = arith.constant 256 : i32
        %dma_wait3A_1486 = tpu.memref_slice %arg8[%dma_wait3A_1480, %dma_wait3A_1483, %dma_wait3A_1484, %dma_wait3A_1485] : memref<2x4x8x513xf32, #tpu.memory_space<vmem>> -> memref<1x4x8x128xf32, #tpu.memory_space<vmem>>
        %dma_wait3A_1487 = tpu.memref_squeeze %dma_wait3A_1486 : memref<1x4x8x128xf32, #tpu.memory_space<vmem>> -> memref<4x8x128xf32, #tpu.memory_space<vmem>>
        %dma_wait3A_1488 = arith.constant 0 : i32
        %dma_wait3A_1489 = arith.constant 0 : i32
        %dma_wait3A_1490 = arith.constant 0 : i32
        %dma_wait3A_1491 = tpu.memref_slice %arg5[%dma_wait3A_1481, %dma_wait3A_1488, %dma_wait3A_1482, %dma_wait3A_1489, %dma_wait3A_1490] : memref<200x4x128x8x128xf32, #tpu.memory_space<hbm>> -> memref<1x4x1x8x128xf32, #tpu.memory_space<hbm>>
        %dma_wait3A_1492 = tpu.memref_squeeze %dma_wait3A_1491 : memref<1x4x1x8x128xf32, #tpu.memory_space<hbm>> -> memref<4x8x128xf32, #tpu.memory_space<hbm>>
        %dma_wait3A_1493 = arith.constant 0 : i32
        %dma_wait3A_1494 = arith.constant 0 : i32
        %dma_wait3A_1495 = arith.constant 0 : i32
        %dma_wait3A_1496 = tpu.memref_slice %arg5[%dma_wait3A_1481, %dma_wait3A_1493, %dma_wait3A_1482, %dma_wait3A_1494, %dma_wait3A_1495] : memref<200x4x128x8x128xf32, #tpu.memory_space<hbm>> -> memref<1x4x1x8x128xf32, #tpu.memory_space<hbm>>
        %dma_wait3A_1497 = tpu.memref_squeeze %dma_wait3A_1496 : memref<1x4x1x8x128xf32, #tpu.memory_space<hbm>> -> memref<4x8x128xf32, #tpu.memory_space<hbm>>
        %dma_wait3A_1498 = arith.constant 0 : i32
        %dma_wait3A_1499 = arith.constant 0 : i32
        %dma_wait3A_1500 = arith.constant 256 : i32
        %dma_wait3A_1501 = tpu.memref_slice %arg8[%dma_wait3A_1480, %dma_wait3A_1498, %dma_wait3A_1499, %dma_wait3A_1500] : memref<2x4x8x513xf32, #tpu.memory_space<vmem>> -> memref<1x4x8x128xf32, #tpu.memory_space<vmem>>
        %dma_wait3A_1502 = tpu.memref_squeeze %dma_wait3A_1501 : memref<1x4x8x128xf32, #tpu.memory_space<vmem>> -> memref<4x8x128xf32, #tpu.memory_space<vmem>>
        tpu.wait_dma2 semaphore(%arg15 : memref<!tpu.dma_semaphore, #tpu.memory_space<semaphore_mem>>) src(%dma_wait3A_1502 : memref<4x8x128xf32, #tpu.memory_space<vmem>>) dst(%dma_wait3A_1497 : memref<4x8x128xf32, #tpu.memory_space<hbm>>)
        %dma_wait3A_1503 = arith.constant 0 : i32
        %dma_wait3A_1504 = arith.constant 0 : i32
        %dma_wait3A_1505 = arith.constant 0 : i32
        %dma_wait3A_1506 = arith.constant 0 : i32
        %dma_wait3A_1507 = arith.constant 0 : i32
        %dma_wait3A_1508 = arith.constant 384 : i32
        %dma_wait3A_1509 = tpu.memref_slice %arg8[%dma_wait3A_1503, %dma_wait3A_1506, %dma_wait3A_1507, %dma_wait3A_1508] : memref<2x4x8x513xf32, #tpu.memory_space<vmem>> -> memref<1x4x8x128xf32, #tpu.memory_space<vmem>>
        %dma_wait3A_1510 = tpu.memref_squeeze %dma_wait3A_1509 : memref<1x4x8x128xf32, #tpu.memory_space<vmem>> -> memref<4x8x128xf32, #tpu.memory_space<vmem>>
        %dma_wait3A_1511 = arith.constant 0 : i32
        %dma_wait3A_1512 = arith.constant 0 : i32
        %dma_wait3A_1513 = arith.constant 0 : i32
        %dma_wait3A_1514 = tpu.memref_slice %arg5[%dma_wait3A_1504, %dma_wait3A_1511, %dma_wait3A_1505, %dma_wait3A_1512, %dma_wait3A_1513] : memref<200x4x128x8x128xf32, #tpu.memory_space<hbm>> -> memref<1x4x1x8x128xf32, #tpu.memory_space<hbm>>
        %dma_wait3A_1515 = tpu.memref_squeeze %dma_wait3A_1514 : memref<1x4x1x8x128xf32, #tpu.memory_space<hbm>> -> memref<4x8x128xf32, #tpu.memory_space<hbm>>
        %dma_wait3A_1516 = arith.constant 0 : i32
        %dma_wait3A_1517 = arith.constant 0 : i32
        %dma_wait3A_1518 = arith.constant 0 : i32
        %dma_wait3A_1519 = tpu.memref_slice %arg5[%dma_wait3A_1504, %dma_wait3A_1516, %dma_wait3A_1505, %dma_wait3A_1517, %dma_wait3A_1518] : memref<200x4x128x8x128xf32, #tpu.memory_space<hbm>> -> memref<1x4x1x8x128xf32, #tpu.memory_space<hbm>>
        %dma_wait3A_1520 = tpu.memref_squeeze %dma_wait3A_1519 : memref<1x4x1x8x128xf32, #tpu.memory_space<hbm>> -> memref<4x8x128xf32, #tpu.memory_space<hbm>>
        %dma_wait3A_1521 = arith.constant 0 : i32
        %dma_wait3A_1522 = arith.constant 0 : i32
        %dma_wait3A_1523 = arith.constant 384 : i32
        %dma_wait3A_1524 = tpu.memref_slice %arg8[%dma_wait3A_1503, %dma_wait3A_1521, %dma_wait3A_1522, %dma_wait3A_1523] : memref<2x4x8x513xf32, #tpu.memory_space<vmem>> -> memref<1x4x8x128xf32, #tpu.memory_space<vmem>>
        %dma_wait3A_1525 = tpu.memref_squeeze %dma_wait3A_1524 : memref<1x4x8x128xf32, #tpu.memory_space<vmem>> -> memref<4x8x128xf32, #tpu.memory_space<vmem>>
        tpu.wait_dma2 semaphore(%arg15 : memref<!tpu.dma_semaphore, #tpu.memory_space<semaphore_mem>>) src(%dma_wait3A_1525 : memref<4x8x128xf32, #tpu.memory_space<vmem>>) dst(%dma_wait3A_1520 : memref<4x8x128xf32, #tpu.memory_space<hbm>>)
      } else {
      }
      %dma_start3A_248 = arith.constant 0 : i32
      %dma_start3A_249 = arith.constant 0 : i32
      %dma_start3A_250 = arith.constant 0 : i32
      %dma_start3A_251 = arith.constant 0 : i32
      %dma_start3A_252 = arith.constant 0 : i32
      %dma_start3A_253 = tpu.memref_slice %arg7[%dma_start3A_250, %dma_start3A_251, %dma_start3A_252] : memref<2x512x32xf32, #tpu.memory_space<vmem>> -> memref<1x128x32xf32, #tpu.memory_space<vmem>>
      %dma_start3A_254 = tpu.memref_squeeze %dma_start3A_253 : memref<1x128x32xf32, #tpu.memory_space<vmem>> -> memref<128x32xf32, #tpu.memory_space<vmem>>
      %dma_start3A_255 = arith.constant 0 : i32
      %dma_start3A_256 = tpu.memref_slice %arg6[%dma_start3A_248, %dma_start3A_249, %dma_start3A_255] : memref<2x4x128xi32, #tpu.memory_space<vmem>> -> memref<1x1x128xi32, #tpu.memory_space<vmem>>
      %dma_start3A_257 = tpu.memref_squeeze %dma_start3A_256 : memref<1x1x128xi32, #tpu.memory_space<vmem>> -> memref<128xi32, #tpu.memory_space<vmem>>
      %dma_start3A_258 = arith.constant 0 : i32
      %dma_start3A_259 = arith.constant 0 : i32
      %dma_start3A_260 = tpu.memref_slice %arg3[%dma_start3A_258, %dma_start3A_259] : memref<1000000x32xf32, #tpu.memory_space<hbm>> -> memref<1000000x32xf32, #tpu.memory_space<hbm>>
      tpu.enqueue_indirect_dma source(%dma_start3A_260 : memref<1000000x32xf32, #tpu.memory_space<hbm>>) target(%dma_start3A_254 : memref<128x32xf32, #tpu.memory_space<vmem>>) offsets(%dma_start3A_257 : memref<128xi32, #tpu.memory_space<vmem>>) semaphore(%arg13 : memref<!tpu.dma_semaphore, #tpu.memory_space<semaphore_mem>>)
      %dma_start3A_261 = arith.constant 0 : i32
      %dma_start3A_262 = arith.constant 1 : i32
      %dma_start3A_263 = arith.constant 0 : i32
      %dma_start3A_264 = arith.constant 128 : i32
      %dma_start3A_265 = arith.constant 0 : i32
      %dma_start3A_266 = tpu.memref_slice %arg7[%dma_start3A_263, %dma_start3A_264, %dma_start3A_265] : memref<2x512x32xf32, #tpu.memory_space<vmem>> -> memref<1x128x32xf32, #tpu.memory_space<vmem>>
      %dma_start3A_267 = tpu.memref_squeeze %dma_start3A_266 : memref<1x128x32xf32, #tpu.memory_space<vmem>> -> memref<128x32xf32, #tpu.memory_space<vmem>>
      %dma_start3A_268 = arith.constant 0 : i32
      %dma_start3A_269 = tpu.memref_slice %arg6[%dma_start3A_261, %dma_start3A_262, %dma_start3A_268] : memref<2x4x128xi32, #tpu.memory_space<vmem>> -> memref<1x1x128xi32, #tpu.memory_space<vmem>>
      %dma_start3A_270 = tpu.memref_squeeze %dma_start3A_269 : memref<1x1x128xi32, #tpu.memory_space<vmem>> -> memref<128xi32, #tpu.memory_space<vmem>>
      %dma_start3A_271 = arith.constant 0 : i32
      %dma_start3A_272 = arith.constant 0 : i32
      %dma_start3A_273 = tpu.memref_slice %arg3[%dma_start3A_271, %dma_start3A_272] : memref<1000000x32xf32, #tpu.memory_space<hbm>> -> memref<1000000x32xf32, #tpu.memory_space<hbm>>
      tpu.enqueue_indirect_dma source(%dma_start3A_273 : memref<1000000x32xf32, #tpu.memory_space<hbm>>) target(%dma_start3A_267 : memref<128x32xf32, #tpu.memory_space<vmem>>) offsets(%dma_start3A_270 : memref<128xi32, #tpu.memory_space<vmem>>) semaphore(%arg13 : memref<!tpu.dma_semaphore, #tpu.memory_space<semaphore_mem>>)
      %dma_start3A_274 = arith.constant 0 : i32
      %dma_start3A_275 = arith.constant 2 : i32
      %dma_start3A_276 = arith.constant 0 : i32
      %dma_start3A_277 = arith.constant 256 : i32
      %dma_start3A_278 = arith.constant 0 : i32
      %dma_start3A_279 = tpu.memref_slice %arg7[%dma_start3A_276, %dma_start3A_277, %dma_start3A_278] : memref<2x512x32xf32, #tpu.memory_space<vmem>> -> memref<1x128x32xf32, #tpu.memory_space<vmem>>
      %dma_start3A_280 = tpu.memref_squeeze %dma_start3A_279 : memref<1x128x32xf32, #tpu.memory_space<vmem>> -> memref<128x32xf32, #tpu.memory_space<vmem>>
      %dma_start3A_281 = arith.constant 0 : i32
      %dma_start3A_282 = tpu.memref_slice %arg6[%dma_start3A_274, %dma_start3A_275, %dma_start3A_281] : memref<2x4x128xi32, #tpu.memory_space<vmem>> -> memref<1x1x128xi32, #tpu.memory_space<vmem>>
      %dma_start3A_283 = tpu.memref_squeeze %dma_start3A_282 : memref<1x1x128xi32, #tpu.memory_space<vmem>> -> memref<128xi32, #tpu.memory_space<vmem>>
      %dma_start3A_284 = arith.constant 0 : i32
      %dma_start3A_285 = arith.constant 0 : i32
      %dma_start3A_286 = tpu.memref_slice %arg3[%dma_start3A_284, %dma_start3A_285] : memref<1000000x32xf32, #tpu.memory_space<hbm>> -> memref<1000000x32xf32, #tpu.memory_space<hbm>>
      tpu.enqueue_indirect_dma source(%dma_start3A_286 : memref<1000000x32xf32, #tpu.memory_space<hbm>>) target(%dma_start3A_280 : memref<128x32xf32, #tpu.memory_space<vmem>>) offsets(%dma_start3A_283 : memref<128xi32, #tpu.memory_space<vmem>>) semaphore(%arg13 : memref<!tpu.dma_semaphore, #tpu.memory_space<semaphore_mem>>)
      %dma_start3A_287 = arith.constant 0 : i32
      %dma_start3A_288 = arith.constant 3 : i32
      %dma_start3A_289 = arith.constant 0 : i32
      %dma_start3A_290 = arith.constant 384 : i32
      %dma_start3A_291 = arith.constant 0 : i32
      %dma_start3A_292 = tpu.memref_slice %arg7[%dma_start3A_289, %dma_start3A_290, %dma_start3A_291] : memref<2x512x32xf32, #tpu.memory_space<vmem>> -> memref<1x128x32xf32, #tpu.memory_space<vmem>>
      %dma_start3A_293 = tpu.memref_squeeze %dma_start3A_292 : memref<1x128x32xf32, #tpu.memory_space<vmem>> -> memref<128x32xf32, #tpu.memory_space<vmem>>
      %dma_start3A_294 = arith.constant 0 : i32
      %dma_start3A_295 = tpu.memref_slice %arg6[%dma_start3A_287, %dma_start3A_288, %dma_start3A_294] : memref<2x4x128xi32, #tpu.memory_space<vmem>> -> memref<1x1x128xi32, #tpu.memory_space<vmem>>
      %dma_start3A_296 = tpu.memref_squeeze %dma_start3A_295 : memref<1x1x128xi32, #tpu.memory_space<vmem>> -> memref<128xi32, #tpu.memory_space<vmem>>
      %dma_start3A_297 = arith.constant 0 : i32
      %dma_start3A_298 = arith.constant 0 : i32
      %dma_start3A_299 = tpu.memref_slice %arg3[%dma_start3A_297, %dma_start3A_298] : memref<1000000x32xf32, #tpu.memory_space<hbm>> -> memref<1000000x32xf32, #tpu.memory_space<hbm>>
      tpu.enqueue_indirect_dma source(%dma_start3A_299 : memref<1000000x32xf32, #tpu.memory_space<hbm>>) target(%dma_start3A_293 : memref<128x32xf32, #tpu.memory_space<vmem>>) offsets(%dma_start3A_296 : memref<128xi32, #tpu.memory_space<vmem>>) semaphore(%arg13 : memref<!tpu.dma_semaphore, #tpu.memory_space<semaphore_mem>>)
      %add3A_300 = arith.constant 1 : i32
      %add3A_301 = arith.addi %add3A_227, %add3A_300 : i32
      %dma_wait3A_302 = arith.constant 0 : i32
      %dma_wait3A_303 = arith.constant 1 : i32
      %dma_wait3A_304 = arith.constant 0 : i32
      %dma_wait3A_305 = arith.constant 0 : i32
      %dma_wait3A_306 = tpu.memref_slice %arg6[%dma_wait3A_303, %dma_wait3A_304, %dma_wait3A_305] : memref<2x4x128xi32, #tpu.memory_space<vmem>> -> memref<1x4x128xi32, #tpu.memory_space<vmem>>
      %dma_wait3A_307 = tpu.memref_squeeze %dma_wait3A_306 : memref<1x4x128xi32, #tpu.memory_space<vmem>> -> memref<4x128xi32, #tpu.memory_space<vmem>>
      %dma_wait3A_308 = arith.constant 0 : i32
      %dma_wait3A_309 = arith.constant 0 : i32
      %dma_wait3A_310 = tpu.memref_slice %arg2[%dma_wait3A_302, %dma_wait3A_308, %dma_wait3A_309] : memref<200x128x128xi32, #tpu.memory_space<hbm>> -> memref<1x4x128xi32, #tpu.memory_space<hbm>>
      %dma_wait3A_311 = tpu.memref_squeeze %dma_wait3A_310 : memref<1x4x128xi32, #tpu.memory_space<hbm>> -> memref<4x128xi32, #tpu.memory_space<hbm>>
      %dma_wait3A_312 = arith.constant 0 : i32
      %dma_wait3A_313 = arith.constant 0 : i32
      %dma_wait3A_314 = tpu.memref_slice %arg6[%dma_wait3A_303, %dma_wait3A_312, %dma_wait3A_313] : memref<2x4x128xi32, #tpu.memory_space<vmem>> -> memref<1x4x128xi32, #tpu.memory_space<vmem>>
      %dma_wait3A_315 = tpu.memref_squeeze %dma_wait3A_314 : memref<1x4x128xi32, #tpu.memory_space<vmem>> -> memref<4x128xi32, #tpu.memory_space<vmem>>
      %dma_wait3A_316 = arith.constant 0 : i32
      %dma_wait3A_317 = arith.constant 0 : i32
      %dma_wait3A_318 = tpu.memref_slice %arg2[%dma_wait3A_302, %dma_wait3A_316, %dma_wait3A_317] : memref<200x128x128xi32, #tpu.memory_space<hbm>> -> memref<1x4x128xi32, #tpu.memory_space<hbm>>
      %dma_wait3A_319 = tpu.memref_squeeze %dma_wait3A_318 : memref<1x4x128xi32, #tpu.memory_space<hbm>> -> memref<4x128xi32, #tpu.memory_space<hbm>>
      tpu.wait_dma2 semaphore(%arg12 : memref<!tpu.dma_semaphore, #tpu.memory_space<semaphore_mem>>) src(%dma_wait3A_319 : memref<4x128xi32, #tpu.memory_space<hbm>>) dst(%dma_wait3A_315 : memref<4x128xi32, #tpu.memory_space<vmem>>)
      %ge3A_320 = arith.constant 2 : i32
      %ge3A_321 = arith.cmpi sge, %add3A_301, %ge3A_320 : i32
      %convert_element_type3A_322 = arith.extui %ge3A_321 : i1 to i32
      %cond3A_323 = arith.constant 0 : i32
      %cond3A_324 = arith.cmpi ne, %convert_element_type3A_322, %cond3A_323 : i32
      scf.if %cond3A_324 {
        %dma_wait3A_1434 = arith.constant 1 : i32
        %dma_wait3A_1435 = arith.constant 0 : i32
        %dma_wait3A_1436 = arith.constant 0 : i32
        %dma_wait3A_1437 = arith.constant 0 : i32
        %dma_wait3A_1438 = arith.constant 0 : i32
        %dma_wait3A_1439 = arith.constant 0 : i32
        %dma_wait3A_1440 = tpu.memref_slice %arg8[%dma_wait3A_1434, %dma_wait3A_1437, %dma_wait3A_1438, %dma_wait3A_1439] : memref<2x4x8x513xf32, #tpu.memory_space<vmem>> -> memref<1x4x8x128xf32, #tpu.memory_space<vmem>>
        %dma_wait3A_1441 = tpu.memref_squeeze %dma_wait3A_1440 : memref<1x4x8x128xf32, #tpu.memory_space<vmem>> -> memref<4x8x128xf32, #tpu.memory_space<vmem>>
        %dma_wait3A_1442 = arith.constant 0 : i32
        %dma_wait3A_1443 = arith.constant 0 : i32
        %dma_wait3A_1444 = arith.constant 0 : i32
        %dma_wait3A_1445 = tpu.memref_slice %arg5[%dma_wait3A_1435, %dma_wait3A_1442, %dma_wait3A_1436, %dma_wait3A_1443, %dma_wait3A_1444] : memref<200x4x128x8x128xf32, #tpu.memory_space<hbm>> -> memref<1x4x1x8x128xf32, #tpu.memory_space<hbm>>
        %dma_wait3A_1446 = tpu.memref_squeeze %dma_wait3A_1445 : memref<1x4x1x8x128xf32, #tpu.memory_space<hbm>> -> memref<4x8x128xf32, #tpu.memory_space<hbm>>
        %dma_wait3A_1447 = arith.constant 0 : i32
        %dma_wait3A_1448 = arith.constant 0 : i32
        %dma_wait3A_1449 = arith.constant 0 : i32
        %dma_wait3A_1450 = tpu.memref_slice %arg5[%dma_wait3A_1435, %dma_wait3A_1447, %dma_wait3A_1436, %dma_wait3A_1448, %dma_wait3A_1449] : memref<200x4x128x8x128xf32, #tpu.memory_space<hbm>> -> memref<1x4x1x8x128xf32, #tpu.memory_space<hbm>>
        %dma_wait3A_1451 = tpu.memref_squeeze %dma_wait3A_1450 : memref<1x4x1x8x128xf32, #tpu.memory_space<hbm>> -> memref<4x8x128xf32, #tpu.memory_space<hbm>>
        %dma_wait3A_1452 = arith.constant 0 : i32
        %dma_wait3A_1453 = arith.constant 0 : i32
        %dma_wait3A_1454 = arith.constant 0 : i32
        %dma_wait3A_1455 = tpu.memref_slice %arg8[%dma_wait3A_1434, %dma_wait3A_1452, %dma_wait3A_1453, %dma_wait3A_1454] : memref<2x4x8x513xf32, #tpu.memory_space<vmem>> -> memref<1x4x8x128xf32, #tpu.memory_space<vmem>>
        %dma_wait3A_1456 = tpu.memref_squeeze %dma_wait3A_1455 : memref<1x4x8x128xf32, #tpu.memory_space<vmem>> -> memref<4x8x128xf32, #tpu.memory_space<vmem>>
        tpu.wait_dma2 semaphore(%arg16 : memref<!tpu.dma_semaphore, #tpu.memory_space<semaphore_mem>>) src(%dma_wait3A_1456 : memref<4x8x128xf32, #tpu.memory_space<vmem>>) dst(%dma_wait3A_1451 : memref<4x8x128xf32, #tpu.memory_space<hbm>>)
        %dma_wait3A_1457 = arith.constant 1 : i32
        %dma_wait3A_1458 = arith.constant 0 : i32
        %dma_wait3A_1459 = arith.constant 0 : i32
        %dma_wait3A_1460 = arith.constant 0 : i32
        %dma_wait3A_1461 = arith.constant 0 : i32
        %dma_wait3A_1462 = arith.constant 128 : i32
        %dma_wait3A_1463 = tpu.memref_slice %arg8[%dma_wait3A_1457, %dma_wait3A_1460, %dma_wait3A_1461, %dma_wait3A_1462] : memref<2x4x8x513xf32, #tpu.memory_space<vmem>> -> memref<1x4x8x128xf32, #tpu.memory_space<vmem>>
        %dma_wait3A_1464 = tpu.memref_squeeze %dma_wait3A_1463 : memref<1x4x8x128xf32, #tpu.memory_space<vmem>> -> memref<4x8x128xf32, #tpu.memory_space<vmem>>
        %dma_wait3A_1465 = arith.constant 0 : i32
        %dma_wait3A_1466 = arith.constant 0 : i32
        %dma_wait3A_1467 = arith.constant 0 : i32
        %dma_wait3A_1468 = tpu.memref_slice %arg5[%dma_wait3A_1458, %dma_wait3A_1465, %dma_wait3A_1459, %dma_wait3A_1466, %dma_wait3A_1467] : memref<200x4x128x8x128xf32, #tpu.memory_space<hbm>> -> memref<1x4x1x8x128xf32, #tpu.memory_space<hbm>>
        %dma_wait3A_1469 = tpu.memref_squeeze %dma_wait3A_1468 : memref<1x4x1x8x128xf32, #tpu.memory_space<hbm>> -> memref<4x8x128xf32, #tpu.memory_space<hbm>>
        %dma_wait3A_1470 = arith.constant 0 : i32
        %dma_wait3A_1471 = arith.constant 0 : i32
        %dma_wait3A_1472 = arith.constant 0 : i32
        %dma_wait3A_1473 = tpu.memref_slice %arg5[%dma_wait3A_1458, %dma_wait3A_1470, %dma_wait3A_1459, %dma_wait3A_1471, %dma_wait3A_1472] : memref<200x4x128x8x128xf32, #tpu.memory_space<hbm>> -> memref<1x4x1x8x128xf32, #tpu.memory_space<hbm>>
        %dma_wait3A_1474 = tpu.memref_squeeze %dma_wait3A_1473 : memref<1x4x1x8x128xf32, #tpu.memory_space<hbm>> -> memref<4x8x128xf32, #tpu.memory_space<hbm>>
        %dma_wait3A_1475 = arith.constant 0 : i32
        %dma_wait3A_1476 = arith.constant 0 : i32
        %dma_wait3A_1477 = arith.constant 128 : i32
        %dma_wait3A_1478 = tpu.memref_slice %arg8[%dma_wait3A_1457, %dma_wait3A_1475, %dma_wait3A_1476, %dma_wait3A_1477] : memref<2x4x8x513xf32, #tpu.memory_space<vmem>> -> memref<1x4x8x128xf32, #tpu.memory_space<vmem>>
        %dma_wait3A_1479 = tpu.memref_squeeze %dma_wait3A_1478 : memref<1x4x8x128xf32, #tpu.memory_space<vmem>> -> memref<4x8x128xf32, #tpu.memory_space<vmem>>
        tpu.wait_dma2 semaphore(%arg16 : memref<!tpu.dma_semaphore, #tpu.memory_space<semaphore_mem>>) src(%dma_wait3A_1479 : memref<4x8x128xf32, #tpu.memory_space<vmem>>) dst(%dma_wait3A_1474 : memref<4x8x128xf32, #tpu.memory_space<hbm>>)
        %dma_wait3A_1480 = arith.constant 1 : i32
        %dma_wait3A_1481 = arith.constant 0 : i32
        %dma_wait3A_1482 = arith.constant 0 : i32
        %dma_wait3A_1483 = arith.constant 0 : i32
        %dma_wait3A_1484 = arith.constant 0 : i32
        %dma_wait3A_1485 = arith.constant 256 : i32
        %dma_wait3A_1486 = tpu.memref_slice %arg8[%dma_wait3A_1480, %dma_wait3A_1483, %dma_wait3A_1484, %dma_wait3A_1485] : memref<2x4x8x513xf32, #tpu.memory_space<vmem>> -> memref<1x4x8x128xf32, #tpu.memory_space<vmem>>
        %dma_wait3A_1487 = tpu.memref_squeeze %dma_wait3A_1486 : memref<1x4x8x128xf32, #tpu.memory_space<vmem>> -> memref<4x8x128xf32, #tpu.memory_space<vmem>>
        %dma_wait3A_1488 = arith.constant 0 : i32
        %dma_wait3A_1489 = arith.constant 0 : i32
        %dma_wait3A_1490 = arith.constant 0 : i32
        %dma_wait3A_1491 = tpu.memref_slice %arg5[%dma_wait3A_1481, %dma_wait3A_1488, %dma_wait3A_1482, %dma_wait3A_1489, %dma_wait3A_1490] : memref<200x4x128x8x128xf32, #tpu.memory_space<hbm>> -> memref<1x4x1x8x128xf32, #tpu.memory_space<hbm>>
        %dma_wait3A_1492 = tpu.memref_squeeze %dma_wait3A_1491 : memref<1x4x1x8x128xf32, #tpu.memory_space<hbm>> -> memref<4x8x128xf32, #tpu.memory_space<hbm>>
        %dma_wait3A_1493 = arith.constant 0 : i32
        %dma_wait3A_1494 = arith.constant 0 : i32
        %dma_wait3A_1495 = arith.constant 0 : i32
        %dma_wait3A_1496 = tpu.memref_slice %arg5[%dma_wait3A_1481, %dma_wait3A_1493, %dma_wait3A_1482, %dma_wait3A_1494, %dma_wait3A_1495] : memref<200x4x128x8x128xf32, #tpu.memory_space<hbm>> -> memref<1x4x1x8x128xf32, #tpu.memory_space<hbm>>
        %dma_wait3A_1497 = tpu.memref_squeeze %dma_wait3A_1496 : memref<1x4x1x8x128xf32, #tpu.memory_space<hbm>> -> memref<4x8x128xf32, #tpu.memory_space<hbm>>
        %dma_wait3A_1498 = arith.constant 0 : i32
        %dma_wait3A_1499 = arith.constant 0 : i32
        %dma_wait3A_1500 = arith.constant 256 : i32
        %dma_wait3A_1501 = tpu.memref_slice %arg8[%dma_wait3A_1480, %dma_wait3A_1498, %dma_wait3A_1499, %dma_wait3A_1500] : memref<2x4x8x513xf32, #tpu.memory_space<vmem>> -> memref<1x4x8x128xf32, #tpu.memory_space<vmem>>
        %dma_wait3A_1502 = tpu.memref_squeeze %dma_wait3A_1501 : memref<1x4x8x128xf32, #tpu.memory_space<vmem>> -> memref<4x8x128xf32, #tpu.memory_space<vmem>>
        tpu.wait_dma2 semaphore(%arg16 : memref<!tpu.dma_semaphore, #tpu.memory_space<semaphore_mem>>) src(%dma_wait3A_1502 : memref<4x8x128xf32, #tpu.memory_space<vmem>>) dst(%dma_wait3A_1497 : memref<4x8x128xf32, #tpu.memory_space<hbm>>)
        %dma_wait3A_1503 = arith.constant 1 : i32
        %dma_wait3A_1504 = arith.constant 0 : i32
        %dma_wait3A_1505 = arith.constant 0 : i32
        %dma_wait3A_1506 = arith.constant 0 : i32
        %dma_wait3A_1507 = arith.constant 0 : i32
        %dma_wait3A_1508 = arith.constant 384 : i32
        %dma_wait3A_1509 = tpu.memref_slice %arg8[%dma_wait3A_1503, %dma_wait3A_1506, %dma_wait3A_1507, %dma_wait3A_1508] : memref<2x4x8x513xf32, #tpu.memory_space<vmem>> -> memref<1x4x8x128xf32, #tpu.memory_space<vmem>>
        %dma_wait3A_1510 = tpu.memref_squeeze %dma_wait3A_1509 : memref<1x4x8x128xf32, #tpu.memory_space<vmem>> -> memref<4x8x128xf32, #tpu.memory_space<vmem>>
        %dma_wait3A_1511 = arith.constant 0 : i32
        %dma_wait3A_1512 = arith.constant 0 : i32
        %dma_wait3A_1513 = arith.constant 0 : i32
        %dma_wait3A_1514 = tpu.memref_slice %arg5[%dma_wait3A_1504, %dma_wait3A_1511, %dma_wait3A_1505, %dma_wait3A_1512, %dma_wait3A_1513] : memref<200x4x128x8x128xf32, #tpu.memory_space<hbm>> -> memref<1x4x1x8x128xf32, #tpu.memory_space<hbm>>
        %dma_wait3A_1515 = tpu.memref_squeeze %dma_wait3A_1514 : memref<1x4x1x8x128xf32, #tpu.memory_space<hbm>> -> memref<4x8x128xf32, #tpu.memory_space<hbm>>
        %dma_wait3A_1516 = arith.constant 0 : i32
        %dma_wait3A_1517 = arith.constant 0 : i32
        %dma_wait3A_1518 = arith.constant 0 : i32
        %dma_wait3A_1519 = tpu.memref_slice %arg5[%dma_wait3A_1504, %dma_wait3A_1516, %dma_wait3A_1505, %dma_wait3A_1517, %dma_wait3A_1518] : memref<200x4x128x8x128xf32, #tpu.memory_space<hbm>> -> memref<1x4x1x8x128xf32, #tpu.memory_space<hbm>>
        %dma_wait3A_1520 = tpu.memref_squeeze %dma_wait3A_1519 : memref<1x4x1x8x128xf32, #tpu.memory_space<hbm>> -> memref<4x8x128xf32, #tpu.memory_space<hbm>>
        %dma_wait3A_1521 = arith.constant 0 : i32
        %dma_wait3A_1522 = arith.constant 0 : i32
        %dma_wait3A_1523 = arith.constant 384 : i32
        %dma_wait3A_1524 = tpu.memref_slice %arg8[%dma_wait3A_1503, %dma_wait3A_1521, %dma_wait3A_1522, %dma_wait3A_1523] : memref<2x4x8x513xf32, #tpu.memory_space<vmem>> -> memref<1x4x8x128xf32, #tpu.memory_space<vmem>>
        %dma_wait3A_1525 = tpu.memref_squeeze %dma_wait3A_1524 : memref<1x4x8x128xf32, #tpu.memory_space<vmem>> -> memref<4x8x128xf32, #tpu.memory_space<vmem>>
        tpu.wait_dma2 semaphore(%arg16 : memref<!tpu.dma_semaphore, #tpu.memory_space<semaphore_mem>>) src(%dma_wait3A_1525 : memref<4x8x128xf32, #tpu.memory_space<vmem>>) dst(%dma_wait3A_1520 : memref<4x8x128xf32, #tpu.memory_space<hbm>>)
      } else {
      }
      %dma_start3A_325 = arith.constant 1 : i32
      %dma_start3A_326 = arith.constant 0 : i32
      %dma_start3A_327 = arith.constant 1 : i32
      %dma_start3A_328 = arith.constant 0 : i32
      %dma_start3A_329 = arith.constant 0 : i32
      %dma_start3A_330 = tpu.memref_slice %arg7[%dma_start3A_327, %dma_start3A_328, %dma_start3A_329] : memref<2x512x32xf32, #tpu.memory_space<vmem>> -> memref<1x128x32xf32, #tpu.memory_space<vmem>>
      %dma_start3A_331 = tpu.memref_squeeze %dma_start3A_330 : memref<1x128x32xf32, #tpu.memory_space<vmem>> -> memref<128x32xf32, #tpu.memory_space<vmem>>
      %dma_start3A_332 = arith.constant 0 : i32
      %dma_start3A_333 = tpu.memref_slice %arg6[%dma_start3A_325, %dma_start3A_326, %dma_start3A_332] : memref<2x4x128xi32, #tpu.memory_space<vmem>> -> memref<1x1x128xi32, #tpu.memory_space<vmem>>
      %dma_start3A_334 = tpu.memref_squeeze %dma_start3A_333 : memref<1x1x128xi32, #tpu.memory_space<vmem>> -> memref<128xi32, #tpu.memory_space<vmem>>
      %dma_start3A_335 = arith.constant 0 : i32
      %dma_start3A_336 = arith.constant 0 : i32
      %dma_start3A_337 = tpu.memref_slice %arg3[%dma_start3A_335, %dma_start3A_336] : memref<1000000x32xf32, #tpu.memory_space<hbm>> -> memref<1000000x32xf32, #tpu.memory_space<hbm>>
      tpu.enqueue_indirect_dma source(%dma_start3A_337 : memref<1000000x32xf32, #tpu.memory_space<hbm>>) target(%dma_start3A_331 : memref<128x32xf32, #tpu.memory_space<vmem>>) offsets(%dma_start3A_334 : memref<128xi32, #tpu.memory_space<vmem>>) semaphore(%arg14 : memref<!tpu.dma_semaphore, #tpu.memory_space<semaphore_mem>>)
      %dma_start3A_338 = arith.constant 1 : i32
      %dma_start3A_339 = arith.constant 1 : i32
      %dma_start3A_340 = arith.constant 1 : i32
      %dma_start3A_341 = arith.constant 128 : i32
      %dma_start3A_342 = arith.constant 0 : i32
      %dma_start3A_343 = tpu.memref_slice %arg7[%dma_start3A_340, %dma_start3A_341, %dma_start3A_342] : memref<2x512x32xf32, #tpu.memory_space<vmem>> -> memref<1x128x32xf32, #tpu.memory_space<vmem>>
      %dma_start3A_344 = tpu.memref_squeeze %dma_start3A_343 : memref<1x128x32xf32, #tpu.memory_space<vmem>> -> memref<128x32xf32, #tpu.memory_space<vmem>>
      %dma_start3A_345 = arith.constant 0 : i32
      %dma_start3A_346 = tpu.memref_slice %arg6[%dma_start3A_338, %dma_start3A_339, %dma_start3A_345] : memref<2x4x128xi32, #tpu.memory_space<vmem>> -> memref<1x1x128xi32, #tpu.memory_space<vmem>>
      %dma_start3A_347 = tpu.memref_squeeze %dma_start3A_346 : memref<1x1x128xi32, #tpu.memory_space<vmem>> -> memref<128xi32, #tpu.memory_space<vmem>>
      %dma_start3A_348 = arith.constant 0 : i32
      %dma_start3A_349 = arith.constant 0 : i32
      %dma_start3A_350 = tpu.memref_slice %arg3[%dma_start3A_348, %dma_start3A_349] : memref<1000000x32xf32, #tpu.memory_space<hbm>> -> memref<1000000x32xf32, #tpu.memory_space<hbm>>
      tpu.enqueue_indirect_dma source(%dma_start3A_350 : memref<1000000x32xf32, #tpu.memory_space<hbm>>) target(%dma_start3A_344 : memref<128x32xf32, #tpu.memory_space<vmem>>) offsets(%dma_start3A_347 : memref<128xi32, #tpu.memory_space<vmem>>) semaphore(%arg14 : memref<!tpu.dma_semaphore, #tpu.memory_space<semaphore_mem>>)
      %dma_start3A_351 = arith.constant 1 : i32
      %dma_start3A_352 = arith.constant 2 : i32
      %dma_start3A_353 = arith.constant 1 : i32
      %dma_start3A_354 = arith.constant 256 : i32
      %dma_start3A_355 = arith.constant 0 : i32
      %dma_start3A_356 = tpu.memref_slice %arg7[%dma_start3A_353, %dma_start3A_354, %dma_start3A_355] : memref<2x512x32xf32, #tpu.memory_space<vmem>> -> memref<1x128x32xf32, #tpu.memory_space<vmem>>
      %dma_start3A_357 = tpu.memref_squeeze %dma_start3A_356 : memref<1x128x32xf32, #tpu.memory_space<vmem>> -> memref<128x32xf32, #tpu.memory_space<vmem>>
      %dma_start3A_358 = arith.constant 0 : i32
      %dma_start3A_359 = tpu.memref_slice %arg6[%dma_start3A_351, %dma_start3A_352, %dma_start3A_358] : memref<2x4x128xi32, #tpu.memory_space<vmem>> -> memref<1x1x128xi32, #tpu.memory_space<vmem>>
      %dma_start3A_360 = tpu.memref_squeeze %dma_start3A_359 : memref<1x1x128xi32, #tpu.memory_space<vmem>> -> memref<128xi32, #tpu.memory_space<vmem>>
      %dma_start3A_361 = arith.constant 0 : i32
      %dma_start3A_362 = arith.constant 0 : i32
      %dma_start3A_363 = tpu.memref_slice %arg3[%dma_start3A_361, %dma_start3A_362] : memref<1000000x32xf32, #tpu.memory_space<hbm>> -> memref<1000000x32xf32, #tpu.memory_space<hbm>>
      tpu.enqueue_indirect_dma source(%dma_start3A_363 : memref<1000000x32xf32, #tpu.memory_space<hbm>>) target(%dma_start3A_357 : memref<128x32xf32, #tpu.memory_space<vmem>>) offsets(%dma_start3A_360 : memref<128xi32, #tpu.memory_space<vmem>>) semaphore(%arg14 : memref<!tpu.dma_semaphore, #tpu.memory_space<semaphore_mem>>)
      %dma_start3A_364 = arith.constant 1 : i32
      %dma_start3A_365 = arith.constant 3 : i32
      %dma_start3A_366 = arith.constant 1 : i32
      %dma_start3A_367 = arith.constant 384 : i32
      %dma_start3A_368 = arith.constant 0 : i32
      %dma_start3A_369 = tpu.memref_slice %arg7[%dma_start3A_366, %dma_start3A_367, %dma_start3A_368] : memref<2x512x32xf32, #tpu.memory_space<vmem>> -> memref<1x128x32xf32, #tpu.memory_space<vmem>>
      %dma_start3A_370 = tpu.memref_squeeze %dma_start3A_369 : memref<1x128x32xf32, #tpu.memory_space<vmem>> -> memref<128x32xf32, #tpu.memory_space<vmem>>
      %dma_start3A_371 = arith.constant 0 : i32
      %dma_start3A_372 = tpu.memref_slice %arg6[%dma_start3A_364, %dma_start3A_365, %dma_start3A_371] : memref<2x4x128xi32, #tpu.memory_space<vmem>> -> memref<1x1x128xi32, #tpu.memory_space<vmem>>
      %dma_start3A_373 = tpu.memref_squeeze %dma_start3A_372 : memref<1x1x128xi32, #tpu.memory_space<vmem>> -> memref<128xi32, #tpu.memory_space<vmem>>
      %dma_start3A_374 = arith.constant 0 : i32
      %dma_start3A_375 = arith.constant 0 : i32
      %dma_start3A_376 = tpu.memref_slice %arg3[%dma_start3A_374, %dma_start3A_375] : memref<1000000x32xf32, #tpu.memory_space<hbm>> -> memref<1000000x32xf32, #tpu.memory_space<hbm>>
      tpu.enqueue_indirect_dma source(%dma_start3A_376 : memref<1000000x32xf32, #tpu.memory_space<hbm>>) target(%dma_start3A_370 : memref<128x32xf32, #tpu.memory_space<vmem>>) offsets(%dma_start3A_373 : memref<128xi32, #tpu.memory_space<vmem>>) semaphore(%arg14 : memref<!tpu.dma_semaphore, #tpu.memory_space<semaphore_mem>>)
      %dma_wait3A_377 = arith.constant 0 : i32
      %dma_wait3A_378 = arith.constant 0 : i32
      %dma_wait3A_379 = arith.constant 0 : i32
      %dma_wait3A_380 = tpu.memref_slice %arg7[%dma_wait3A_377, %dma_wait3A_378, %dma_wait3A_379] : memref<2x512x32xf32, #tpu.memory_space<vmem>> -> memref<1x128x32xf32, #tpu.memory_space<vmem>>
      %dma_wait3A_381 = tpu.memref_squeeze %dma_wait3A_380 : memref<1x128x32xf32, #tpu.memory_space<vmem>> -> memref<128x32xf32, #tpu.memory_space<vmem>>
      %dma_wait3A_382 = arith.constant 0 : i32
      %dma_wait3A_383 = arith.constant 0 : i32
      %dma_wait3A_384 = tpu.memref_slice %arg3[%dma_wait3A_382, %dma_wait3A_383] : memref<1000000x32xf32, #tpu.memory_space<hbm>> -> memref<128x32xf32, #tpu.memory_space<hbm>>
      %dma_wait3A_385 = arith.constant 0 : i32
      %dma_wait3A_386 = arith.constant 0 : i32
      %dma_wait3A_387 = tpu.memref_slice %arg7[%dma_wait3A_377, %dma_wait3A_385, %dma_wait3A_386] : memref<2x512x32xf32, #tpu.memory_space<vmem>> -> memref<1x128x32xf32, #tpu.memory_space<vmem>>
      %dma_wait3A_388 = tpu.memref_squeeze %dma_wait3A_387 : memref<1x128x32xf32, #tpu.memory_space<vmem>> -> memref<128x32xf32, #tpu.memory_space<vmem>>
      %dma_wait3A_389 = arith.constant 0 : i32
      %dma_wait3A_390 = arith.constant 0 : i32
      %dma_wait3A_391 = tpu.memref_slice %arg3[%dma_wait3A_389, %dma_wait3A_390] : memref<1000000x32xf32, #tpu.memory_space<hbm>> -> memref<128x32xf32, #tpu.memory_space<hbm>>
      tpu.wait_dma2 semaphore(%arg13 : memref<!tpu.dma_semaphore, #tpu.memory_space<semaphore_mem>>) src(%dma_wait3A_391 : memref<128x32xf32, #tpu.memory_space<hbm>>) dst(%dma_wait3A_388 : memref<128x32xf32, #tpu.memory_space<vmem>>)
      %dma_wait3A_392 = arith.constant 0 : i32
      %dma_wait3A_393 = arith.constant 128 : i32
      %dma_wait3A_394 = arith.constant 0 : i32
      %dma_wait3A_395 = tpu.memref_slice %arg7[%dma_wait3A_392, %dma_wait3A_393, %dma_wait3A_394] : memref<2x512x32xf32, #tpu.memory_space<vmem>> -> memref<1x128x32xf32, #tpu.memory_space<vmem>>
      %dma_wait3A_396 = tpu.memref_squeeze %dma_wait3A_395 : memref<1x128x32xf32, #tpu.memory_space<vmem>> -> memref<128x32xf32, #tpu.memory_space<vmem>>
      %dma_wait3A_397 = arith.constant 0 : i32
      %dma_wait3A_398 = arith.constant 0 : i32
      %dma_wait3A_399 = tpu.memref_slice %arg3[%dma_wait3A_397, %dma_wait3A_398] : memref<1000000x32xf32, #tpu.memory_space<hbm>> -> memref<128x32xf32, #tpu.memory_space<hbm>>
      %dma_wait3A_400 = arith.constant 128 : i32
      %dma_wait3A_401 = arith.constant 0 : i32
      %dma_wait3A_402 = tpu.memref_slice %arg7[%dma_wait3A_392, %dma_wait3A_400, %dma_wait3A_401] : memref<2x512x32xf32, #tpu.memory_space<vmem>> -> memref<1x128x32xf32, #tpu.memory_space<vmem>>
      %dma_wait3A_403 = tpu.memref_squeeze %dma_wait3A_402 : memref<1x128x32xf32, #tpu.memory_space<vmem>> -> memref<128x32xf32, #tpu.memory_space<vmem>>
      %dma_wait3A_404 = arith.constant 0 : i32
      %dma_wait3A_405 = arith.constant 0 : i32
      %dma_wait3A_406 = tpu.memref_slice %arg3[%dma_wait3A_404, %dma_wait3A_405] : memref<1000000x32xf32, #tpu.memory_space<hbm>> -> memref<128x32xf32, #tpu.memory_space<hbm>>
      tpu.wait_dma2 semaphore(%arg13 : memref<!tpu.dma_semaphore, #tpu.memory_space<semaphore_mem>>) src(%dma_wait3A_406 : memref<128x32xf32, #tpu.memory_space<hbm>>) dst(%dma_wait3A_403 : memref<128x32xf32, #tpu.memory_space<vmem>>)
      %dma_wait3A_407 = arith.constant 0 : i32
      %dma_wait3A_408 = arith.constant 256 : i32
      %dma_wait3A_409 = arith.constant 0 : i32
      %dma_wait3A_410 = tpu.memref_slice %arg7[%dma_wait3A_407, %dma_wait3A_408, %dma_wait3A_409] : memref<2x512x32xf32, #tpu.memory_space<vmem>> -> memref<1x128x32xf32, #tpu.memory_space<vmem>>
      %dma_wait3A_411 = tpu.memref_squeeze %dma_wait3A_410 : memref<1x128x32xf32, #tpu.memory_space<vmem>> -> memref<128x32xf32, #tpu.memory_space<vmem>>
      %dma_wait3A_412 = arith.constant 0 : i32
      %dma_wait3A_413 = arith.constant 0 : i32
      %dma_wait3A_414 = tpu.memref_slice %arg3[%dma_wait3A_412, %dma_wait3A_413] : memref<1000000x32xf32, #tpu.memory_space<hbm>> -> memref<128x32xf32, #tpu.memory_space<hbm>>
      %dma_wait3A_415 = arith.constant 256 : i32
      %dma_wait3A_416 = arith.constant 0 : i32
      %dma_wait3A_417 = tpu.memref_slice %arg7[%dma_wait3A_407, %dma_wait3A_415, %dma_wait3A_416] : memref<2x512x32xf32, #tpu.memory_space<vmem>> -> memref<1x128x32xf32, #tpu.memory_space<vmem>>
      %dma_wait3A_418 = tpu.memref_squeeze %dma_wait3A_417 : memref<1x128x32xf32, #tpu.memory_space<vmem>> -> memref<128x32xf32, #tpu.memory_space<vmem>>
      %dma_wait3A_419 = arith.constant 0 : i32
      %dma_wait3A_420 = arith.constant 0 : i32
      %dma_wait3A_421 = tpu.memref_slice %arg3[%dma_wait3A_419, %dma_wait3A_420] : memref<1000000x32xf32, #tpu.memory_space<hbm>> -> memref<128x32xf32, #tpu.memory_space<hbm>>
      tpu.wait_dma2 semaphore(%arg13 : memref<!tpu.dma_semaphore, #tpu.memory_space<semaphore_mem>>) src(%dma_wait3A_421 : memref<128x32xf32, #tpu.memory_space<hbm>>) dst(%dma_wait3A_418 : memref<128x32xf32, #tpu.memory_space<vmem>>)
      %dma_wait3A_422 = arith.constant 0 : i32
      %dma_wait3A_423 = arith.constant 384 : i32
      %dma_wait3A_424 = arith.constant 0 : i32
      %dma_wait3A_425 = tpu.memref_slice %arg7[%dma_wait3A_422, %dma_wait3A_423, %dma_wait3A_424] : memref<2x512x32xf32, #tpu.memory_space<vmem>> -> memref<1x128x32xf32, #tpu.memory_space<vmem>>
      %dma_wait3A_426 = tpu.memref_squeeze %dma_wait3A_425 : memref<1x128x32xf32, #tpu.memory_space<vmem>> -> memref<128x32xf32, #tpu.memory_space<vmem>>
      %dma_wait3A_427 = arith.constant 0 : i32
      %dma_wait3A_428 = arith.constant 0 : i32
      %dma_wait3A_429 = tpu.memref_slice %arg3[%dma_wait3A_427, %dma_wait3A_428] : memref<1000000x32xf32, #tpu.memory_space<hbm>> -> memref<128x32xf32, #tpu.memory_space<hbm>>
      %dma_wait3A_430 = arith.constant 384 : i32
      %dma_wait3A_431 = arith.constant 0 : i32
      %dma_wait3A_432 = tpu.memref_slice %arg7[%dma_wait3A_422, %dma_wait3A_430, %dma_wait3A_431] : memref<2x512x32xf32, #tpu.memory_space<vmem>> -> memref<1x128x32xf32, #tpu.memory_space<vmem>>
      %dma_wait3A_433 = tpu.memref_squeeze %dma_wait3A_432 : memref<1x128x32xf32, #tpu.memory_space<vmem>> -> memref<128x32xf32, #tpu.memory_space<vmem>>
      %dma_wait3A_434 = arith.constant 0 : i32
      %dma_wait3A_435 = arith.constant 0 : i32
      %dma_wait3A_436 = tpu.memref_slice %arg3[%dma_wait3A_434, %dma_wait3A_435] : memref<1000000x32xf32, #tpu.memory_space<hbm>> -> memref<128x32xf32, #tpu.memory_space<hbm>>
      tpu.wait_dma2 semaphore(%arg13 : memref<!tpu.dma_semaphore, #tpu.memory_space<semaphore_mem>>) src(%dma_wait3A_436 : memref<128x32xf32, #tpu.memory_space<hbm>>) dst(%dma_wait3A_433 : memref<128x32xf32, #tpu.memory_space<vmem>>)
      %iota3A = tpu.iota {dimensions = array<i32: 0>} : vector<16xi32>
      %add3A_437 = arith.constant 1 : i32
      %add3A_438 = arith.addi %add3A_227, %add3A_437 : i32
      %get3A = arith.index_cast %add3A_438 : i32 to index
      %get3A_439 = arith.constant 0 : index
      %get3A_440 = tpu.vector_load %arg9[%get3A, %get3A_439] {strides = array<i32>} : memref<201x32xf32, #tpu.memory_space<vmem>>, vector<16xf32>,
      %add3A_441 = arith.constant 1 : i32
      %add3A_442 = arith.addi %add3A_227, %add3A_441 : i32
      %get3A_443 = arith.index_cast %add3A_442 : i32 to index
      %get3A_444 = arith.constant 16 : index
      %get3A_445 = tpu.vector_load %arg9[%get3A_443, %get3A_444] {strides = array<i32>} : memref<201x32xf32, #tpu.memory_space<vmem>>, vector<16xf32>,
      %add3A_446 = arith.constant 0 : i32
      %add3A_447 = vector.broadcast %add3A_446 : i32 to vector<16xi32>
      %add3A_448 = arith.addi %add3A_447, %iota3A : vector<16xi32>
      %jit3A = arith.constant 8 : i32
      %div3A = vector.broadcast %jit3A : i32 to vector<16xi32>
      %div3A_449 = arith.divsi %add3A_448, %div3A : vector<16xi32>
      %sign3A = arith.constant 0 : i32
      %sign3A_450 = vector.broadcast %sign3A : i32 to vector<16xi32>
      %sign3A_451 = arith.cmpi sgt, %add3A_448, %sign3A_450 : vector<16xi32>
      %sign3A_452 = arith.extui %sign3A_451 : vector<16xi1> to vector<16xi32>
      %sign3A_453 = arith.constant 0 : i32
      %sign3A_454 = vector.broadcast %sign3A_453 : i32 to vector<16xi32>
      %sign3A_455 = arith.cmpi slt, %add3A_448, %sign3A_454 : vector<16xi32>
      %sign3A_456 = arith.extui %sign3A_455 : vector<16xi1> to vector<16xi32>
      %sign3A_457 = arith.subi %sign3A_452, %sign3A_456 : vector<16xi32>
      %sign3A_458 = arith.constant 0 : i32
      %sign3A_459 = arith.cmpi sgt, %jit3A, %sign3A_458 : i32
      %sign3A_460 = arith.extui %sign3A_459 : i1 to i32
      %sign3A_461 = arith.constant 0 : i32
      %sign3A_462 = arith.cmpi slt, %jit3A, %sign3A_461 : i32
      %sign3A_463 = arith.extui %sign3A_462 : i1 to i32
      %sign3A_464 = arith.subi %sign3A_460, %sign3A_463 : i32
      %ne3A = vector.broadcast %sign3A_464 : i32 to vector<16xi32>
      %ne3A_465 = arith.cmpi ne, %sign3A_457, %ne3A : vector<16xi32>
      %rem3A = vector.broadcast %jit3A : i32 to vector<16xi32>
      %rem3A_466 = arith.remsi %add3A_448, %rem3A : vector<16xi32>
      %ne3A_467 = arith.constant 0 : i32
      %ne3A_468 = vector.broadcast %ne3A_467 : i32 to vector<16xi32>
      %ne3A_469 = arith.cmpi ne, %rem3A_466, %ne3A_468 : vector<16xi32>
      %and3A = arith.andi %ne3A_465, %ne3A_469 : vector<16xi1>
      %sub3A = arith.constant 1 : i32
      %sub3A_470 = vector.broadcast %sub3A : i32 to vector<16xi32>
      %sub3A_471 = arith.subi %div3A_449, %sub3A_470 : vector<16xi32>
      %select_n3A = arith.select %and3A, %sub3A_471, %div3A_449 : vector<16xi1>, vector<16xi32>
      %add3A_472 = arith.constant 16 : i32
      %add3A_473 = vector.broadcast %add3A_472 : i32 to vector<16xi32>
      %add3A_474 = arith.addi %add3A_473, %iota3A : vector<16xi32>
      %jit3A_475 = arith.constant 8 : i32
      %div3A_476 = vector.broadcast %jit3A_475 : i32 to vector<16xi32>
      %div3A_477 = arith.divsi %add3A_474, %div3A_476 : vector<16xi32>
      %sign3A_478 = arith.constant 0 : i32
      %sign3A_479 = vector.broadcast %sign3A_478 : i32 to vector<16xi32>
      %sign3A_480 = arith.cmpi sgt, %add3A_474, %sign3A_479 : vector<16xi32>
      %sign3A_481 = arith.extui %sign3A_480 : vector<16xi1> to vector<16xi32>
      %sign3A_482 = arith.constant 0 : i32
      %sign3A_483 = vector.broadcast %sign3A_482 : i32 to vector<16xi32>
      %sign3A_484 = arith.cmpi slt, %add3A_474, %sign3A_483 : vector<16xi32>
      %sign3A_485 = arith.extui %sign3A_484 : vector<16xi1> to vector<16xi32>
      %sign3A_486 = arith.subi %sign3A_481, %sign3A_485 : vector<16xi32>
      %sign3A_487 = arith.constant 0 : i32
      %sign3A_488 = arith.cmpi sgt, %jit3A_475, %sign3A_487 : i32
      %sign3A_489 = arith.extui %sign3A_488 : i1 to i32
      %sign3A_490 = arith.constant 0 : i32
      %sign3A_491 = arith.cmpi slt, %jit3A_475, %sign3A_490 : i32
      %sign3A_492 = arith.extui %sign3A_491 : i1 to i32
      %sign3A_493 = arith.subi %sign3A_489, %sign3A_492 : i32
      %ne3A_494 = vector.broadcast %sign3A_493 : i32 to vector<16xi32>
      %ne3A_495 = arith.cmpi ne, %sign3A_486, %ne3A_494 : vector<16xi32>
      %rem3A_496 = vector.broadcast %jit3A_475 : i32 to vector<16xi32>
      %rem3A_497 = arith.remsi %add3A_474, %rem3A_496 : vector<16xi32>
      %ne3A_498 = arith.constant 0 : i32
      %ne3A_499 = vector.broadcast %ne3A_498 : i32 to vector<16xi32>
      %ne3A_500 = arith.cmpi ne, %rem3A_497, %ne3A_499 : vector<16xi32>
      %and3A_501 = arith.andi %ne3A_495, %ne3A_500 : vector<16xi1>
      %sub3A_502 = arith.constant 1 : i32
      %sub3A_503 = vector.broadcast %sub3A_502 : i32 to vector<16xi32>
      %sub3A_504 = arith.subi %div3A_477, %sub3A_503 : vector<16xi32>
      %select_n3A_505 = arith.select %and3A_501, %sub3A_504, %div3A_477 : vector<16xi1>, vector<16xi32>
      %add3A_506 = arith.constant 0 : i32
      %add3A_507 = vector.broadcast %add3A_506 : i32 to vector<16xi32>
      %add3A_508 = arith.addi %add3A_507, %iota3A : vector<16xi32>
      %jit3A_509 = arith.constant 8 : i32
      %eq3A = arith.constant 0 : i32
      %eq3A_510 = arith.cmpi eq, %jit3A_509, %eq3A : i32
      %jit3A_511 = arith.constant 1 : i32
      %select_n3A_512 = arith.select %eq3A_510, %jit3A_511, %jit3A_509 : i32
      %rem3A_513 = vector.broadcast %select_n3A_512 : i32 to vector<16xi32>
      %rem3A_514 = arith.remsi %add3A_508, %rem3A_513 : vector<16xi32>
      %ne3A_515 = arith.constant 0 : i32
      %ne3A_516 = vector.broadcast %ne3A_515 : i32 to vector<16xi32>
      %ne3A_517 = arith.cmpi ne, %rem3A_514, %ne3A_516 : vector<16xi32>
      %lt3A = arith.constant 0 : i32
      %lt3A_518 = vector.broadcast %lt3A : i32 to vector<16xi32>
      %lt3A_519 = arith.cmpi slt, %rem3A_514, %lt3A_518 : vector<16xi32>
      %lt3A_520 = arith.constant 0 : i32
      %lt3A_521 = arith.cmpi slt, %select_n3A_512, %lt3A_520 : i32
      %ne3A_522 = vector.broadcast %lt3A_521 : i1 to vector<16xi1>
      %ne3A_523 = vector.broadcast %ne3A_522 : vector<16xi1> to vector<16xi1>
      %ne3A_524 = arith.xori %lt3A_519, %ne3A_523 : vector<16xi1>
      %and3A_525 = arith.andi %ne3A_524, %ne3A_517 : vector<16xi1>
      %add3A_526 = vector.broadcast %select_n3A_512 : i32 to vector<16xi32>
      %add3A_527 = arith.addi %rem3A_514, %add3A_526 : vector<16xi32>
      %select_n3A_528 = arith.select %and3A_525, %add3A_527, %rem3A_514 : vector<16xi1>, vector<16xi32>
      %add3A_529 = arith.constant 16 : i32
      %add3A_530 = vector.broadcast %add3A_529 : i32 to vector<16xi32>
      %add3A_531 = arith.addi %add3A_530, %iota3A : vector<16xi32>
      %jit3A_532 = arith.constant 8 : i32
      %eq3A_533 = arith.constant 0 : i32
      %eq3A_534 = arith.cmpi eq, %jit3A_532, %eq3A_533 : i32
      %jit3A_535 = arith.constant 1 : i32
      %select_n3A_536 = arith.select %eq3A_534, %jit3A_535, %jit3A_532 : i32
      %rem3A_537 = vector.broadcast %select_n3A_536 : i32 to vector<16xi32>
      %rem3A_538 = arith.remsi %add3A_531, %rem3A_537 : vector<16xi32>
      %ne3A_539 = arith.constant 0 : i32
      %ne3A_540 = vector.broadcast %ne3A_539 : i32 to vector<16xi32>
      %ne3A_541 = arith.cmpi ne, %rem3A_538, %ne3A_540 : vector<16xi32>
      %lt3A_542 = arith.constant 0 : i32
      %lt3A_543 = vector.broadcast %lt3A_542 : i32 to vector<16xi32>
      %lt3A_544 = arith.cmpi slt, %rem3A_538, %lt3A_543 : vector<16xi32>
      %lt3A_545 = arith.constant 0 : i32
      %lt3A_546 = arith.cmpi slt, %select_n3A_536, %lt3A_545 : i32
      %ne3A_547 = vector.broadcast %lt3A_546 : i1 to vector<16xi1>
      %ne3A_548 = vector.broadcast %ne3A_547 : vector<16xi1> to vector<16xi1>
      %ne3A_549 = arith.xori %lt3A_544, %ne3A_548 : vector<16xi1>
      %and3A_550 = arith.andi %ne3A_549, %ne3A_541 : vector<16xi1>
      %add3A_551 = vector.broadcast %select_n3A_536 : i32 to vector<16xi32>
      %add3A_552 = arith.addi %rem3A_538, %add3A_551 : vector<16xi32>
      %select_n3A_553 = arith.select %and3A_550, %add3A_552, %rem3A_538 : vector<16xi1>, vector<16xi32>
      %parallel_loop3A = arith.constant 0 : i32
      %parallel_loop3A_554 = arith.constant 512 : i32
      %parallel_loop3A_555 = arith.constant 1 : i32
      scf.for %parallel_loop3A_1434 = %parallel_loop3A to %parallel_loop3A_554 step %parallel_loop3A_555  : i32 {
        %parallel_loop3A_1435 = vector.broadcast %parallel_loop3A_1434 : i32 to vector<16xi32>
        %parallel_loop3A_1436 = arith.constant 0 : i32
        %parallel_loop3A_1437 = arith.index_cast %parallel_loop3A_1436 : i32 to index
        %parallel_loop3A_1438 = arith.index_cast %parallel_loop3A_1434 : i32 to index
        %parallel_loop3A_1439 = arith.constant 0 : index
        %parallel_loop3A_1440 = tpu.vector_load %arg7[%parallel_loop3A_1437, %parallel_loop3A_1438, %parallel_loop3A_1439] {strides = array<i32>} : memref<2x512x32xf32, #tpu.memory_space<vmem>>, vector<16xf32>,
        %parallel_loop3A_1441 = arith.addf %parallel_loop3A_1440, %get3A_440 : vector<16xf32>
        %parallel_loop3A_1442 = arith.constant 0 : i32
        %parallel_loop3A_1443 = arith.constant 0 : i32
        %parallel_loop3A_1444 = arith.constant 0 : i32
        %parallel_loop3A_1445 = arith.constant 0 : i32
        %parallel_loop3A_1446 = tpu.memref_slice %arg8[%parallel_loop3A_1442, %parallel_loop3A_1443, %parallel_loop3A_1444, %parallel_loop3A_1445] : memref<2x4x8x513xf32, #tpu.memory_space<vmem>> -> memref<1x4x8x513xf32, #tpu.memory_space<vmem>>
        %parallel_loop3A_1447 = tpu.memref_squeeze %parallel_loop3A_1446 : memref<1x4x8x513xf32, #tpu.memory_space<vmem>> -> memref<4x8x513xf32, #tpu.memory_space<vmem>>
        tpu.vector_store_idx %parallel_loop3A_1447[%select_n3A, %select_n3A_528, %parallel_loop3A_1435], %parallel_loop3A_1441 : memref<4x8x513xf32, #tpu.memory_space<vmem>>[vector<16xi32>, vector<16xi32>, vector<16xi32>], vector<16xf32>,
        %parallel_loop3A_1448 = arith.constant 0 : i32
        %parallel_loop3A_1449 = arith.index_cast %parallel_loop3A_1448 : i32 to index
        %parallel_loop3A_1450 = arith.index_cast %parallel_loop3A_1434 : i32 to index
        %parallel_loop3A_1451 = arith.constant 16 : index
        %parallel_loop3A_1452 = tpu.vector_load %arg7[%parallel_loop3A_1449, %parallel_loop3A_1450, %parallel_loop3A_1451] {strides = array<i32>} : memref<2x512x32xf32, #tpu.memory_space<vmem>>, vector<16xf32>,
        %parallel_loop3A_1453 = arith.addf %parallel_loop3A_1452, %get3A_445 : vector<16xf32>
        %parallel_loop3A_1454 = arith.constant 0 : i32
        %parallel_loop3A_1455 = arith.constant 0 : i32
        %parallel_loop3A_1456 = arith.constant 0 : i32
        %parallel_loop3A_1457 = arith.constant 0 : i32
        %parallel_loop3A_1458 = tpu.memref_slice %arg8[%parallel_loop3A_1454, %parallel_loop3A_1455, %parallel_loop3A_1456, %parallel_loop3A_1457] : memref<2x4x8x513xf32, #tpu.memory_space<vmem>> -> memref<1x4x8x513xf32, #tpu.memory_space<vmem>>
        %parallel_loop3A_1459 = tpu.memref_squeeze %parallel_loop3A_1458 : memref<1x4x8x513xf32, #tpu.memory_space<vmem>> -> memref<4x8x513xf32, #tpu.memory_space<vmem>>
        tpu.vector_store_idx %parallel_loop3A_1459[%select_n3A_505, %select_n3A_553, %parallel_loop3A_1435], %parallel_loop3A_1453 : memref<4x8x513xf32, #tpu.memory_space<vmem>>[vector<16xi32>, vector<16xi32>, vector<16xi32>], vector<16xf32>,
      } {sc.loop_unroll_factor = 8 : i64, sc.parallel_access}
      %get3A_556 = arith.constant 0 : i32
      %get3A_557 = arith.constant 0 : i32
      %get3A_558 = arith.index_cast %get3A_556 : i32 to index
      %get3A_559 = arith.index_cast %get3A_557 : i32 to index
      %get3A_560 = arith.constant 0 : index
      %get3A_561 = tpu.vector_load %arg6[%get3A_558, %get3A_559, %get3A_560] {strides = array<i32>} : memref<2x4x128xi32, #tpu.memory_space<vmem>>, vector<16xi32>,
      %get3A_562 = arith.constant 0 : i32
      %get3A_563 = arith.constant 0 : i32
      %get3A_564 = arith.index_cast %get3A_562 : i32 to index
      %get3A_565 = arith.index_cast %get3A_563 : i32 to index
      %get3A_566 = arith.constant 16 : index
      %get3A_567 = tpu.vector_load %arg6[%get3A_564, %get3A_565, %get3A_566] {strides = array<i32>} : memref<2x4x128xi32, #tpu.memory_space<vmem>>, vector<16xi32>,
      %min3A = arith.minsi %get3A_561, %get3A_567 : vector<16xi32>
      %get3A_568 = arith.constant 0 : i32
      %get3A_569 = arith.constant 0 : i32
      %get3A_570 = arith.index_cast %get3A_568 : i32 to index
      %get3A_571 = arith.index_cast %get3A_569 : i32 to index
      %get3A_572 = arith.constant 32 : index
      %get3A_573 = tpu.vector_load %arg6[%get3A_570, %get3A_571, %get3A_572] {strides = array<i32>} : memref<2x4x128xi32, #tpu.memory_space<vmem>>, vector<16xi32>,
      %min3A_574 = arith.minsi %min3A, %get3A_573 : vector<16xi32>
      %get3A_575 = arith.constant 0 : i32
      %get3A_576 = arith.constant 0 : i32
      %get3A_577 = arith.index_cast %get3A_575 : i32 to index
      %get3A_578 = arith.index_cast %get3A_576 : i32 to index
      %get3A_579 = arith.constant 48 : index
      %get3A_580 = tpu.vector_load %arg6[%get3A_577, %get3A_578, %get3A_579] {strides = array<i32>} : memref<2x4x128xi32, #tpu.memory_space<vmem>>, vector<16xi32>,
      %min3A_581 = arith.minsi %min3A_574, %get3A_580 : vector<16xi32>
      %get3A_582 = arith.constant 0 : i32
      %get3A_583 = arith.constant 0 : i32
      %get3A_584 = arith.index_cast %get3A_582 : i32 to index
      %get3A_585 = arith.index_cast %get3A_583 : i32 to index
      %get3A_586 = arith.constant 64 : index
      %get3A_587 = tpu.vector_load %arg6[%get3A_584, %get3A_585, %get3A_586] {strides = array<i32>} : memref<2x4x128xi32, #tpu.memory_space<vmem>>, vector<16xi32>,
      %min3A_588 = arith.minsi %min3A_581, %get3A_587 : vector<16xi32>
      %get3A_589 = arith.constant 0 : i32
      %get3A_590 = arith.constant 0 : i32
      %get3A_591 = arith.index_cast %get3A_589 : i32 to index
      %get3A_592 = arith.index_cast %get3A_590 : i32 to index
      %get3A_593 = arith.constant 80 : index
      %get3A_594 = tpu.vector_load %arg6[%get3A_591, %get3A_592, %get3A_593] {strides = array<i32>} : memref<2x4x128xi32, #tpu.memory_space<vmem>>, vector<16xi32>,
      %min3A_595 = arith.minsi %min3A_588, %get3A_594 : vector<16xi32>
      %get3A_596 = arith.constant 0 : i32
      %get3A_597 = arith.constant 0 : i32
      %get3A_598 = arith.index_cast %get3A_596 : i32 to index
      %get3A_599 = arith.index_cast %get3A_597 : i32 to index
      %get3A_600 = arith.constant 96 : index
      %get3A_601 = tpu.vector_load %arg6[%get3A_598, %get3A_599, %get3A_600] {strides = array<i32>} : memref<2x4x128xi32, #tpu.memory_space<vmem>>, vector<16xi32>,
      %min3A_602 = arith.minsi %min3A_595, %get3A_601 : vector<16xi32>
      %get3A_603 = arith.constant 0 : i32
      %get3A_604 = arith.constant 0 : i32
      %get3A_605 = arith.index_cast %get3A_603 : i32 to index
      %get3A_606 = arith.index_cast %get3A_604 : i32 to index
      %get3A_607 = arith.constant 112 : index
      %get3A_608 = tpu.vector_load %arg6[%get3A_605, %get3A_606, %get3A_607] {strides = array<i32>} : memref<2x4x128xi32, #tpu.memory_space<vmem>>, vector<16xi32>,
      %min3A_609 = arith.minsi %min3A_602, %get3A_608 : vector<16xi32>
      %get3A_610 = arith.constant 0 : i32
      %get3A_611 = arith.constant 1 : i32
      %get3A_612 = arith.index_cast %get3A_610 : i32 to index
      %get3A_613 = arith.index_cast %get3A_611 : i32 to index
      %get3A_614 = arith.constant 0 : index
      %get3A_615 = tpu.vector_load %arg6[%get3A_612, %get3A_613, %get3A_614] {strides = array<i32>} : memref<2x4x128xi32, #tpu.memory_space<vmem>>, vector<16xi32>,
      %min3A_616 = arith.minsi %min3A_609, %get3A_615 : vector<16xi32>
      %get3A_617 = arith.constant 0 : i32
      %get3A_618 = arith.constant 1 : i32
      %get3A_619 = arith.index_cast %get3A_617 : i32 to index
      %get3A_620 = arith.index_cast %get3A_618 : i32 to index
      %get3A_621 = arith.constant 16 : index
      %get3A_622 = tpu.vector_load %arg6[%get3A_619, %get3A_620, %get3A_621] {strides = array<i32>} : memref<2x4x128xi32, #tpu.memory_space<vmem>>, vector<16xi32>,
      %min3A_623 = arith.minsi %min3A_616, %get3A_622 : vector<16xi32>
      %get3A_624 = arith.constant 0 : i32
      %get3A_625 = arith.constant 1 : i32
      %get3A_626 = arith.index_cast %get3A_624 : i32 to index
      %get3A_627 = arith.index_cast %get3A_625 : i32 to index
      %get3A_628 = arith.constant 32 : index
      %get3A_629 = tpu.vector_load %arg6[%get3A_626, %get3A_627, %get3A_628] {strides = array<i32>} : memref<2x4x128xi32, #tpu.memory_space<vmem>>, vector<16xi32>,
      %min3A_630 = arith.minsi %min3A_623, %get3A_629 : vector<16xi32>
      %get3A_631 = arith.constant 0 : i32
      %get3A_632 = arith.constant 1 : i32
      %get3A_633 = arith.index_cast %get3A_631 : i32 to index
      %get3A_634 = arith.index_cast %get3A_632 : i32 to index
      %get3A_635 = arith.constant 48 : index
      %get3A_636 = tpu.vector_load %arg6[%get3A_633, %get3A_634, %get3A_635] {strides = array<i32>} : memref<2x4x128xi32, #tpu.memory_space<vmem>>, vector<16xi32>,
      %min3A_637 = arith.minsi %min3A_630, %get3A_636 : vector<16xi32>
      %get3A_638 = arith.constant 0 : i32
      %get3A_639 = arith.constant 1 : i32
      %get3A_640 = arith.index_cast %get3A_638 : i32 to index
      %get3A_641 = arith.index_cast %get3A_639 : i32 to index
      %get3A_642 = arith.constant 64 : index
      %get3A_643 = tpu.vector_load %arg6[%get3A_640, %get3A_641, %get3A_642] {strides = array<i32>} : memref<2x4x128xi32, #tpu.memory_space<vmem>>, vector<16xi32>,
      %min3A_644 = arith.minsi %min3A_637, %get3A_643 : vector<16xi32>
      %get3A_645 = arith.constant 0 : i32
      %get3A_646 = arith.constant 1 : i32
      %get3A_647 = arith.index_cast %get3A_645 : i32 to index
      %get3A_648 = arith.index_cast %get3A_646 : i32 to index
      %get3A_649 = arith.constant 80 : index
      %get3A_650 = tpu.vector_load %arg6[%get3A_647, %get3A_648, %get3A_649] {strides = array<i32>} : memref<2x4x128xi32, #tpu.memory_space<vmem>>, vector<16xi32>,
      %min3A_651 = arith.minsi %min3A_644, %get3A_650 : vector<16xi32>
      %get3A_652 = arith.constant 0 : i32
      %get3A_653 = arith.constant 1 : i32
      %get3A_654 = arith.index_cast %get3A_652 : i32 to index
      %get3A_655 = arith.index_cast %get3A_653 : i32 to index
      %get3A_656 = arith.constant 96 : index
      %get3A_657 = tpu.vector_load %arg6[%get3A_654, %get3A_655, %get3A_656] {strides = array<i32>} : memref<2x4x128xi32, #tpu.memory_space<vmem>>, vector<16xi32>,
      %min3A_658 = arith.minsi %min3A_651, %get3A_657 : vector<16xi32>
      %get3A_659 = arith.constant 0 : i32
      %get3A_660 = arith.constant 1 : i32
      %get3A_661 = arith.index_cast %get3A_659 : i32 to index
      %get3A_662 = arith.index_cast %get3A_660 : i32 to index
      %get3A_663 = arith.constant 112 : index
      %get3A_664 = tpu.vector_load %arg6[%get3A_661, %get3A_662, %get3A_663] {strides = array<i32>} : memref<2x4x128xi32, #tpu.memory_space<vmem>>, vector<16xi32>,
      %min3A_665 = arith.minsi %min3A_658, %get3A_664 : vector<16xi32>
      %get3A_666 = arith.constant 0 : i32
      %get3A_667 = arith.constant 2 : i32
      %get3A_668 = arith.index_cast %get3A_666 : i32 to index
      %get3A_669 = arith.index_cast %get3A_667 : i32 to index
      %get3A_670 = arith.constant 0 : index
      %get3A_671 = tpu.vector_load %arg6[%get3A_668, %get3A_669, %get3A_670] {strides = array<i32>} : memref<2x4x128xi32, #tpu.memory_space<vmem>>, vector<16xi32>,
      %min3A_672 = arith.minsi %min3A_665, %get3A_671 : vector<16xi32>
      %get3A_673 = arith.constant 0 : i32
      %get3A_674 = arith.constant 2 : i32
      %get3A_675 = arith.index_cast %get3A_673 : i32 to index
      %get3A_676 = arith.index_cast %get3A_674 : i32 to index
      %get3A_677 = arith.constant 16 : index
      %get3A_678 = tpu.vector_load %arg6[%get3A_675, %get3A_676, %get3A_677] {strides = array<i32>} : memref<2x4x128xi32, #tpu.memory_space<vmem>>, vector<16xi32>,
      %min3A_679 = arith.minsi %min3A_672, %get3A_678 : vector<16xi32>
      %get3A_680 = arith.constant 0 : i32
      %get3A_681 = arith.constant 2 : i32
      %get3A_682 = arith.index_cast %get3A_680 : i32 to index
      %get3A_683 = arith.index_cast %get3A_681 : i32 to index
      %get3A_684 = arith.constant 32 : index
      %get3A_685 = tpu.vector_load %arg6[%get3A_682, %get3A_683, %get3A_684] {strides = array<i32>} : memref<2x4x128xi32, #tpu.memory_space<vmem>>, vector<16xi32>,
      %min3A_686 = arith.minsi %min3A_679, %get3A_685 : vector<16xi32>
      %get3A_687 = arith.constant 0 : i32
      %get3A_688 = arith.constant 2 : i32
      %get3A_689 = arith.index_cast %get3A_687 : i32 to index
      %get3A_690 = arith.index_cast %get3A_688 : i32 to index
      %get3A_691 = arith.constant 48 : index
      %get3A_692 = tpu.vector_load %arg6[%get3A_689, %get3A_690, %get3A_691] {strides = array<i32>} : memref<2x4x128xi32, #tpu.memory_space<vmem>>, vector<16xi32>,
      %min3A_693 = arith.minsi %min3A_686, %get3A_692 : vector<16xi32>
      %get3A_694 = arith.constant 0 : i32
      %get3A_695 = arith.constant 2 : i32
      %get3A_696 = arith.index_cast %get3A_694 : i32 to index
      %get3A_697 = arith.index_cast %get3A_695 : i32 to index
      %get3A_698 = arith.constant 64 : index
      %get3A_699 = tpu.vector_load %arg6[%get3A_696, %get3A_697, %get3A_698] {strides = array<i32>} : memref<2x4x128xi32, #tpu.memory_space<vmem>>, vector<16xi32>,
      %min3A_700 = arith.minsi %min3A_693, %get3A_699 : vector<16xi32>
      %get3A_701 = arith.constant 0 : i32
      %get3A_702 = arith.constant 2 : i32
      %get3A_703 = arith.index_cast %get3A_701 : i32 to index
      %get3A_704 = arith.index_cast %get3A_702 : i32 to index
      %get3A_705 = arith.constant 80 : index
      %get3A_706 = tpu.vector_load %arg6[%get3A_703, %get3A_704, %get3A_705] {strides = array<i32>} : memref<2x4x128xi32, #tpu.memory_space<vmem>>, vector<16xi32>,
      %min3A_707 = arith.minsi %min3A_700, %get3A_706 : vector<16xi32>
      %get3A_708 = arith.constant 0 : i32
      %get3A_709 = arith.constant 2 : i32
      %get3A_710 = arith.index_cast %get3A_708 : i32 to index
      %get3A_711 = arith.index_cast %get3A_709 : i32 to index
      %get3A_712 = arith.constant 96 : index
      %get3A_713 = tpu.vector_load %arg6[%get3A_710, %get3A_711, %get3A_712] {strides = array<i32>} : memref<2x4x128xi32, #tpu.memory_space<vmem>>, vector<16xi32>,
      %min3A_714 = arith.minsi %min3A_707, %get3A_713 : vector<16xi32>
      %get3A_715 = arith.constant 0 : i32
      %get3A_716 = arith.constant 2 : i32
      %get3A_717 = arith.index_cast %get3A_715 : i32 to index
      %get3A_718 = arith.index_cast %get3A_716 : i32 to index
      %get3A_719 = arith.constant 112 : index
      %get3A_720 = tpu.vector_load %arg6[%get3A_717, %get3A_718, %get3A_719] {strides = array<i32>} : memref<2x4x128xi32, #tpu.memory_space<vmem>>, vector<16xi32>,
      %min3A_721 = arith.minsi %min3A_714, %get3A_720 : vector<16xi32>
      %get3A_722 = arith.constant 0 : i32
      %get3A_723 = arith.constant 3 : i32
      %get3A_724 = arith.index_cast %get3A_722 : i32 to index
      %get3A_725 = arith.index_cast %get3A_723 : i32 to index
      %get3A_726 = arith.constant 0 : index
      %get3A_727 = tpu.vector_load %arg6[%get3A_724, %get3A_725, %get3A_726] {strides = array<i32>} : memref<2x4x128xi32, #tpu.memory_space<vmem>>, vector<16xi32>,
      %min3A_728 = arith.minsi %min3A_721, %get3A_727 : vector<16xi32>
      %get3A_729 = arith.constant 0 : i32
      %get3A_730 = arith.constant 3 : i32
      %get3A_731 = arith.index_cast %get3A_729 : i32 to index
      %get3A_732 = arith.index_cast %get3A_730 : i32 to index
      %get3A_733 = arith.constant 16 : index
      %get3A_734 = tpu.vector_load %arg6[%get3A_731, %get3A_732, %get3A_733] {strides = array<i32>} : memref<2x4x128xi32, #tpu.memory_space<vmem>>, vector<16xi32>,
      %min3A_735 = arith.minsi %min3A_728, %get3A_734 : vector<16xi32>
      %get3A_736 = arith.constant 0 : i32
      %get3A_737 = arith.constant 3 : i32
      %get3A_738 = arith.index_cast %get3A_736 : i32 to index
      %get3A_739 = arith.index_cast %get3A_737 : i32 to index
      %get3A_740 = arith.constant 32 : index
      %get3A_741 = tpu.vector_load %arg6[%get3A_738, %get3A_739, %get3A_740] {strides = array<i32>} : memref<2x4x128xi32, #tpu.memory_space<vmem>>, vector<16xi32>,
      %min3A_742 = arith.minsi %min3A_735, %get3A_741 : vector<16xi32>
      %get3A_743 = arith.constant 0 : i32
      %get3A_744 = arith.constant 3 : i32
      %get3A_745 = arith.index_cast %get3A_743 : i32 to index
      %get3A_746 = arith.index_cast %get3A_744 : i32 to index
      %get3A_747 = arith.constant 48 : index
      %get3A_748 = tpu.vector_load %arg6[%get3A_745, %get3A_746, %get3A_747] {strides = array<i32>} : memref<2x4x128xi32, #tpu.memory_space<vmem>>, vector<16xi32>,
      %min3A_749 = arith.minsi %min3A_742, %get3A_748 : vector<16xi32>
      %get3A_750 = arith.constant 0 : i32
      %get3A_751 = arith.constant 3 : i32
      %get3A_752 = arith.index_cast %get3A_750 : i32 to index
      %get3A_753 = arith.index_cast %get3A_751 : i32 to index
      %get3A_754 = arith.constant 64 : index
      %get3A_755 = tpu.vector_load %arg6[%get3A_752, %get3A_753, %get3A_754] {strides = array<i32>} : memref<2x4x128xi32, #tpu.memory_space<vmem>>, vector<16xi32>,
      %min3A_756 = arith.minsi %min3A_749, %get3A_755 : vector<16xi32>
      %get3A_757 = arith.constant 0 : i32
      %get3A_758 = arith.constant 3 : i32
      %get3A_759 = arith.index_cast %get3A_757 : i32 to index
      %get3A_760 = arith.index_cast %get3A_758 : i32 to index
      %get3A_761 = arith.constant 80 : index
      %get3A_762 = tpu.vector_load %arg6[%get3A_759, %get3A_760, %get3A_761] {strides = array<i32>} : memref<2x4x128xi32, #tpu.memory_space<vmem>>, vector<16xi32>,
      %min3A_763 = arith.minsi %min3A_756, %get3A_762 : vector<16xi32>
      %get3A_764 = arith.constant 0 : i32
      %get3A_765 = arith.constant 3 : i32
      %get3A_766 = arith.index_cast %get3A_764 : i32 to index
      %get3A_767 = arith.index_cast %get3A_765 : i32 to index
      %get3A_768 = arith.constant 96 : index
      %get3A_769 = tpu.vector_load %arg6[%get3A_766, %get3A_767, %get3A_768] {strides = array<i32>} : memref<2x4x128xi32, #tpu.memory_space<vmem>>, vector<16xi32>,
      %min3A_770 = arith.minsi %min3A_763, %get3A_769 : vector<16xi32>
      %get3A_771 = arith.constant 0 : i32
      %get3A_772 = arith.constant 3 : i32
      %get3A_773 = arith.index_cast %get3A_771 : i32 to index
      %get3A_774 = arith.index_cast %get3A_772 : i32 to index
      %get3A_775 = arith.constant 112 : index
      %get3A_776 = tpu.vector_load %arg6[%get3A_773, %get3A_774, %get3A_775] {strides = array<i32>} : memref<2x4x128xi32, #tpu.memory_space<vmem>>, vector<16xi32>,
      %min3A_777 = arith.minsi %min3A_770, %get3A_776 : vector<16xi32>
      %reduce_min3A = arith.constant true
      %reduce_min3A_778 = vector.broadcast %reduce_min3A : i1 to vector<16xi1>
      %reduce_min3A_779 = arith.constant -2147483648 : i32
      %reduce_min3A_780 = vector.broadcast %reduce_min3A_779 : i32 to vector<16xi32>
      %reduce_min3A_781 = arith.xori %min3A_777, %reduce_min3A_780 : vector<16xi32>
      %reduce_min3A_782 = tpu.scan <min>, %reduce_min3A_781 masked %reduce_min3A_778 : vector<16xi32>, vector<16xi1> -> vector<16xi32>
      %reduce_min3A_783 = arith.xori %reduce_min3A_782, %reduce_min3A_780 : vector<16xi32>
      %reduce_min3A_784 = vector.extract %reduce_min3A_783[15] : i32 from vector<16xi32>
      %eq3A_785 = arith.constant 0 : i32
      %eq3A_786 = arith.cmpi eq, %reduce_min3A_784, %eq3A_785 : i32
      %convert_element_type3A_787 = arith.extui %eq3A_786 : i1 to i32
      %cond3A_788 = arith.constant 0 : i32
      %cond3A_789 = arith.cmpi ne, %convert_element_type3A_787, %cond3A_788 : i32
      scf.if %cond3A_789 {
        %get3A_1434 = arith.constant 0 : i32
        %get3A_1435 = arith.index_cast %get3A_1434 : i32 to index
        %get3A_1436 = arith.constant 0 : index
        %get3A_1437 = tpu.vector_load %arg9[%get3A_1435, %get3A_1436] {strides = array<i32>} : memref<201x32xf32, #tpu.memory_space<vmem>>, vector<16xf32>,
        %get3A_1438 = arith.constant 0 : i32
        %get3A_1439 = arith.index_cast %get3A_1438 : i32 to index
        %get3A_1440 = arith.constant 16 : index
        %get3A_1441 = tpu.vector_load %arg9[%get3A_1439, %get3A_1440] {strides = array<i32>} : memref<201x32xf32, #tpu.memory_space<vmem>>, vector<16xf32>,
        %scan3A_1442 = arith.constant 0 : i32
        %scan3A_1443 = arith.constant 32 : i32
        %scan3A_1444 = arith.addi %scan3A_1442, %scan3A_1443 : i32
        %scan3A_1445 = arith.constant 1 : i32
        scf.for %scan3A_1447 = %scan3A_1442 to %scan3A_1444 step %scan3A_1445  : i32 {
          %mul3A_1448 = arith.constant 1 : i32
          %mul3A_1449 = arith.muli %scan3A_1447, %mul3A_1448 : i32
          %add3A_1450 = arith.constant 0 : i32
          %add3A_1451 = arith.addi %add3A_1450, %mul3A_1449 : i32
          %jit3A_1452 = arith.constant 8 : i32
          %div3A_1453 = arith.divsi %add3A_1451, %jit3A_1452 : i32
          %sign3A_1454 = arith.constant 0 : i32
          %sign3A_1455 = arith.cmpi sgt, %add3A_1451, %sign3A_1454 : i32
          %sign3A_1456 = arith.extui %sign3A_1455 : i1 to i32
          %sign3A_1457 = arith.constant 0 : i32
          %sign3A_1458 = arith.cmpi slt, %add3A_1451, %sign3A_1457 : i32
          %sign3A_1459 = arith.extui %sign3A_1458 : i1 to i32
          %sign3A_1460 = arith.subi %sign3A_1456, %sign3A_1459 : i32
          %sign3A_1461 = arith.constant 0 : i32
          %sign3A_1462 = arith.cmpi sgt, %jit3A_1452, %sign3A_1461 : i32
          %sign3A_1463 = arith.extui %sign3A_1462 : i1 to i32
          %sign3A_1464 = arith.constant 0 : i32
          %sign3A_1465 = arith.cmpi slt, %jit3A_1452, %sign3A_1464 : i32
          %sign3A_1466 = arith.extui %sign3A_1465 : i1 to i32
          %sign3A_1467 = arith.subi %sign3A_1463, %sign3A_1466 : i32
          %ne3A_1468 = arith.cmpi ne, %sign3A_1460, %sign3A_1467 : i32
          %rem3A_1469 = arith.remsi %add3A_1451, %jit3A_1452 : i32
          %ne3A_1470 = arith.constant 0 : i32
          %ne3A_1471 = arith.cmpi ne, %rem3A_1469, %ne3A_1470 : i32
          %and3A_1472 = arith.andi %ne3A_1468, %ne3A_1471 : i1
          %sub3A_1473 = arith.constant 1 : i32
          %sub3A_1474 = arith.subi %div3A_1453, %sub3A_1473 : i32
          %select_n3A_1475 = arith.select %and3A_1472, %sub3A_1474, %div3A_1453 : i32
          %jit3A_1476 = arith.constant 8 : i32
          %eq3A_1477 = arith.constant 0 : i32
          %eq3A_1478 = arith.cmpi eq, %jit3A_1476, %eq3A_1477 : i32
          %jit3A_1479 = arith.constant 1 : i32
          %select_n3A_1480 = arith.select %eq3A_1478, %jit3A_1479, %jit3A_1476 : i32
          %rem3A_1481 = arith.remsi %add3A_1451, %select_n3A_1480 : i32
          %ne3A_1482 = arith.constant 0 : i32
          %ne3A_1483 = arith.cmpi ne, %rem3A_1481, %ne3A_1482 : i32
          %lt3A_1484 = arith.constant 0 : i32
          %lt3A_1485 = arith.cmpi slt, %rem3A_1481, %lt3A_1484 : i32
          %lt3A_1486 = arith.constant 0 : i32
          %lt3A_1487 = arith.cmpi slt, %select_n3A_1480, %lt3A_1486 : i32
          %ne3A_1488 = arith.xori %lt3A_1485, %lt3A_1487 : i1
          %and3A_1489 = arith.andi %ne3A_1488, %ne3A_1483 : i1
          %add3A_1490 = arith.addi %rem3A_1481, %select_n3A_1480 : i32
          %select_n3A_1491 = arith.select %and3A_1489, %add3A_1490, %rem3A_1481 : i32
          %mul3A_1492 = arith.constant 16 : i32
          %mul3A_1493 = arith.muli %select_n3A_1491, %mul3A_1492 : i32
          %get3A_1494 = arith.constant 0 : i32
          %get3A_1495 = arith.index_cast %get3A_1494 : i32 to index
          %get3A_1496 = arith.index_cast %select_n3A_1475 : i32 to index
          %get3A_1497 = arith.index_cast %mul3A_1493 : i32 to index
          %get3A_1498 = tpu.vector_load %arg6[%get3A_1495, %get3A_1496, %get3A_1497] {strides = array<i32>} : memref<2x4x128xi32, #tpu.memory_space<vmem>>, vector<16xi32>,
          %eq3A_1499 = arith.constant 0 : i32
          %eq3A_1500 = vector.broadcast %eq3A_1499 : i32 to vector<16xi32>
          %eq3A_1501 = arith.cmpi eq, %get3A_1498, %eq3A_1500 : vector<16xi32>
          %mul3A_1502 = arith.constant 16 : i32
          %mul3A_1503 = arith.muli %add3A_1451, %mul3A_1502 : i32
          %add3A_1504 = vector.broadcast %mul3A_1503 : i32 to vector<16xi32>
          %add3A_1505 = arith.addi %add3A_1504, %iota3A : vector<16xi32>
          %reduce_or3A = arith.constant 1.000000e+00 : f32
          %reduce_or3A_1506 = arith.constant 0.000000e+00 : f32
          %reduce_or3A_1507 = vector.broadcast %reduce_or3A : f32 to vector<16xf32>
          %reduce_or3A_1508 = vector.broadcast %reduce_or3A_1506 : f32 to vector<16xf32>
          %reduce_or3A_1509 = arith.select %eq3A_1501, %reduce_or3A_1507, %reduce_or3A_1508 : vector<16xi1>, vector<16xf32>
          %reduce_or3A_1510 = arith.constant true
          %reduce_or3A_1511 = vector.broadcast %reduce_or3A_1510 : i1 to vector<16xi1>
          %reduce_or3A_1512 = tpu.scan <max>, %reduce_or3A_1509 masked %reduce_or3A_1511 : vector<16xf32>, vector<16xi1> -> vector<16xf32>
          %reduce_or3A_1513 = vector.extract %reduce_or3A_1512[15] : f32 from vector<16xf32>
          %reduce_or3A_1514 = arith.constant 0.000000e+00 : f32
          %reduce_or3A_1515 = arith.cmpf ogt, %reduce_or3A_1513, %reduce_or3A_1514 : f32
          %convert_element_type3A_1516 = arith.extui %reduce_or3A_1515 : i1 to i32
          %cond3A_1517 = arith.constant 0 : i32
          %cond3A_1518 = arith.cmpi ne, %convert_element_type3A_1516, %cond3A_1517 : i32
          scf.if %cond3A_1518 {
            %broadcast_in_dim3A = arith.constant 0 : i32
            %broadcast_in_dim3A_1519 = vector.broadcast %broadcast_in_dim3A : i32 to vector<16xi32>
            %gather3A = arith.constant 0 : i32
            %gather3A_1520 = arith.constant 0 : i32
            %gather3A_1521 = arith.constant 0 : i32
            %gather3A_1522 = tpu.memref_slice %arg7[%gather3A, %gather3A_1520, %gather3A_1521] : memref<2x512x32xf32, #tpu.memory_space<vmem>> -> memref<1x512x32xf32, #tpu.memory_space<vmem>>
            %gather3A_1523 = tpu.memref_squeeze %gather3A_1522 : memref<1x512x32xf32, #tpu.memory_space<vmem>> -> memref<512x32xf32, #tpu.memory_space<vmem>>
            %gather3A_1524 = tpu.vector_load_idx %gather3A_1523[%add3A_1505, %broadcast_in_dim3A_1519] masked %eq3A_1501 : memref<512x32xf32, #tpu.memory_space<vmem>>[vector<16xi32>, vector<16xi32>], vector<16xf32>, vector<16xi1>
            %broadcast_in_dim3A_1525 = arith.constant 0 : i32
            %broadcast_in_dim3A_1526 = vector.broadcast %broadcast_in_dim3A_1525 : i32 to vector<16xi32>
            %broadcast_in_dim3A_1527 = vector.shape_cast %broadcast_in_dim3A_1526 : vector<16xi32> to vector<16x1xi32>
            %gather3A_1528 = vector.shape_cast %broadcast_in_dim3A_1527 : vector<16x1xi32> to vector<16xi32>
            %gather3A_1529 = tpu.dynamic_gather %get3A_1437[%gather3A_1528] in [0] : vector<16xf32>, vector<16xi32> -> vector<16xf32>
            %broadcast_in_dim3A_1530 = arith.constant 0 : i32
            %broadcast_in_dim3A_1531 = vector.broadcast %broadcast_in_dim3A_1530 : i32 to vector<16xi32>
            %broadcast_in_dim3A_1532 = arith.constant 0 : i32
            %broadcast_in_dim3A_1533 = vector.broadcast %broadcast_in_dim3A_1532 : i32 to vector<16xi32>
            %add3A_1534 = arith.addf %gather3A_1524, %gather3A_1529 : vector<16xf32>
            %scatter3A = arith.constant 0 : i32
            %scatter3A_1535 = arith.constant 0 : i32
            %scatter3A_1536 = arith.constant 0 : i32
            %scatter3A_1537 = arith.constant 0 : i32
            %scatter3A_1538 = tpu.memref_slice %arg8[%scatter3A, %scatter3A_1535, %scatter3A_1536, %scatter3A_1537] : memref<2x4x8x513xf32, #tpu.memory_space<vmem>> -> memref<1x4x8x513xf32, #tpu.memory_space<vmem>>
            %scatter3A_1539 = tpu.memref_squeeze %scatter3A_1538 : memref<1x4x8x513xf32, #tpu.memory_space<vmem>> -> memref<4x8x513xf32, #tpu.memory_space<vmem>>
            tpu.vector_store_idx %scatter3A_1539[%broadcast_in_dim3A_1531, %broadcast_in_dim3A_1533, %add3A_1505], %add3A_1534 masked %eq3A_1501 : memref<4x8x513xf32, #tpu.memory_space<vmem>>[vector<16xi32>, vector<16xi32>, vector<16xi32>], vector<16xf32>, vector<16xi1>
            %broadcast_in_dim3A_1540 = arith.constant 1 : i32
            %broadcast_in_dim3A_1541 = vector.broadcast %broadcast_in_dim3A_1540 : i32 to vector<16xi32>
            %gather3A_1542 = arith.constant 0 : i32
            %gather3A_1543 = arith.constant 0 : i32
            %gather3A_1544 = arith.constant 0 : i32
            %gather3A_1545 = tpu.memref_slice %arg7[%gather3A_1542, %gather3A_1543, %gather3A_1544] : memref<2x512x32xf32, #tpu.memory_space<vmem>> -> memref<1x512x32xf32, #tpu.memory_space<vmem>>
            %gather3A_1546 = tpu.memref_squeeze %gather3A_1545 : memref<1x512x32xf32, #tpu.memory_space<vmem>> -> memref<512x32xf32, #tpu.memory_space<vmem>>
            %gather3A_1547 = tpu.vector_load_idx %gather3A_1546[%add3A_1505, %broadcast_in_dim3A_1541] masked %eq3A_1501 : memref<512x32xf32, #tpu.memory_space<vmem>>[vector<16xi32>, vector<16xi32>], vector<16xf32>, vector<16xi1>
            %broadcast_in_dim3A_1548 = arith.constant 1 : i32
            %broadcast_in_dim3A_1549 = vector.broadcast %broadcast_in_dim3A_1548 : i32 to vector<16xi32>
            %broadcast_in_dim3A_1550 = vector.shape_cast %broadcast_in_dim3A_1549 : vector<16xi32> to vector<16x1xi32>
            %gather3A_1551 = vector.shape_cast %broadcast_in_dim3A_1550 : vector<16x1xi32> to vector<16xi32>
            %gather3A_1552 = tpu.dynamic_gather %get3A_1437[%gather3A_1551] in [0] : vector<16xf32>, vector<16xi32> -> vector<16xf32>
            %broadcast_in_dim3A_1553 = arith.constant 0 : i32
            %broadcast_in_dim3A_1554 = vector.broadcast %broadcast_in_dim3A_1553 : i32 to vector<16xi32>
            %broadcast_in_dim3A_1555 = arith.constant 1 : i32
            %broadcast_in_dim3A_1556 = vector.broadcast %broadcast_in_dim3A_1555 : i32 to vector<16xi32>
            %add3A_1557 = arith.addf %gather3A_1547, %gather3A_1552 : vector<16xf32>
            %scatter3A_1558 = arith.constant 0 : i32
            %scatter3A_1559 = arith.constant 0 : i32
            %scatter3A_1560 = arith.constant 0 : i32
            %scatter3A_1561 = arith.constant 0 : i32
            %scatter3A_1562 = tpu.memref_slice %arg8[%scatter3A_1558, %scatter3A_1559, %scatter3A_1560, %scatter3A_1561] : memref<2x4x8x513xf32, #tpu.memory_space<vmem>> -> memref<1x4x8x513xf32, #tpu.memory_space<vmem>>
            %scatter3A_1563 = tpu.memref_squeeze %scatter3A_1562 : memref<1x4x8x513xf32, #tpu.memory_space<vmem>> -> memref<4x8x513xf32, #tpu.memory_space<vmem>>
            tpu.vector_store_idx %scatter3A_1563[%broadcast_in_dim3A_1554, %broadcast_in_dim3A_1556, %add3A_1505], %add3A_1557 masked %eq3A_1501 : memref<4x8x513xf32, #tpu.memory_space<vmem>>[vector<16xi32>, vector<16xi32>, vector<16xi32>], vector<16xf32>, vector<16xi1>
            %broadcast_in_dim3A_1564 = arith.constant 2 : i32
            %broadcast_in_dim3A_1565 = vector.broadcast %broadcast_in_dim3A_1564 : i32 to vector<16xi32>
            %gather3A_1566 = arith.constant 0 : i32
            %gather3A_1567 = arith.constant 0 : i32
            %gather3A_1568 = arith.constant 0 : i32
            %gather3A_1569 = tpu.memref_slice %arg7[%gather3A_1566, %gather3A_1567, %gather3A_1568] : memref<2x512x32xf32, #tpu.memory_space<vmem>> -> memref<1x512x32xf32, #tpu.memory_space<vmem>>
            %gather3A_1570 = tpu.memref_squeeze %gather3A_1569 : memref<1x512x32xf32, #tpu.memory_space<vmem>> -> memref<512x32xf32, #tpu.memory_space<vmem>>
            %gather3A_1571 = tpu.vector_load_idx %gather3A_1570[%add3A_1505, %broadcast_in_dim3A_1565] masked %eq3A_1501 : memref<512x32xf32, #tpu.memory_space<vmem>>[vector<16xi32>, vector<16xi32>], vector<16xf32>, vector<16xi1>
            %broadcast_in_dim3A_1572 = arith.constant 2 : i32
            %broadcast_in_dim3A_1573 = vector.broadcast %broadcast_in_dim3A_1572 : i32 to vector<16xi32>
            %broadcast_in_dim3A_1574 = vector.shape_cast %broadcast_in_dim3A_1573 : vector<16xi32> to vector<16x1xi32>
            %gather3A_1575 = vector.shape_cast %broadcast_in_dim3A_1574 : vector<16x1xi32> to vector<16xi32>
            %gather3A_1576 = tpu.dynamic_gather %get3A_1437[%gather3A_1575] in [0] : vector<16xf32>, vector<16xi32> -> vector<16xf32>
            %broadcast_in_dim3A_1577 = arith.constant 0 : i32
            %broadcast_in_dim3A_1578 = vector.broadcast %broadcast_in_dim3A_1577 : i32 to vector<16xi32>
            %broadcast_in_dim3A_1579 = arith.constant 2 : i32
            %broadcast_in_dim3A_1580 = vector.broadcast %broadcast_in_dim3A_1579 : i32 to vector<16xi32>
            %add3A_1581 = arith.addf %gather3A_1571, %gather3A_1576 : vector<16xf32>
            %scatter3A_1582 = arith.constant 0 : i32
            %scatter3A_1583 = arith.constant 0 : i32
            %scatter3A_1584 = arith.constant 0 : i32
            %scatter3A_1585 = arith.constant 0 : i32
            %scatter3A_1586 = tpu.memref_slice %arg8[%scatter3A_1582, %scatter3A_1583, %scatter3A_1584, %scatter3A_1585] : memref<2x4x8x513xf32, #tpu.memory_space<vmem>> -> memref<1x4x8x513xf32, #tpu.memory_space<vmem>>
            %scatter3A_1587 = tpu.memref_squeeze %scatter3A_1586 : memref<1x4x8x513xf32, #tpu.memory_space<vmem>> -> memref<4x8x513xf32, #tpu.memory_space<vmem>>
            tpu.vector_store_idx %scatter3A_1587[%broadcast_in_dim3A_1578, %broadcast_in_dim3A_1580, %add3A_1505], %add3A_1581 masked %eq3A_1501 : memref<4x8x513xf32, #tpu.memory_space<vmem>>[vector<16xi32>, vector<16xi32>, vector<16xi32>], vector<16xf32>, vector<16xi1>
            %broadcast_in_dim3A_1588 = arith.constant 3 : i32
            %broadcast_in_dim3A_1589 = vector.broadcast %broadcast_in_dim3A_1588 : i32 to vector<16xi32>
            %gather3A_1590 = arith.constant 0 : i32
            %gather3A_1591 = arith.constant 0 : i32
            %gather3A_1592 = arith.constant 0 : i32
            %gather3A_1593 = tpu.memref_slice %arg7[%gather3A_1590, %gather3A_1591, %gather3A_1592] : memref<2x512x32xf32, #tpu.memory_space<vmem>> -> memref<1x512x32xf32, #tpu.memory_space<vmem>>
            %gather3A_1594 = tpu.memref_squeeze %gather3A_1593 : memref<1x512x32xf32, #tpu.memory_space<vmem>> -> memref<512x32xf32, #tpu.memory_space<vmem>>
            %gather3A_1595 = tpu.vector_load_idx %gather3A_1594[%add3A_1505, %broadcast_in_dim3A_1589] masked %eq3A_1501 : memref<512x32xf32, #tpu.memory_space<vmem>>[vector<16xi32>, vector<16xi32>], vector<16xf32>, vector<16xi1>
            %broadcast_in_dim3A_1596 = arith.constant 3 : i32
            %broadcast_in_dim3A_1597 = vector.broadcast %broadcast_in_dim3A_1596 : i32 to vector<16xi32>
            %broadcast_in_dim3A_1598 = vector.shape_cast %broadcast_in_dim3A_1597 : vector<16xi32> to vector<16x1xi32>
            %gather3A_1599 = vector.shape_cast %broadcast_in_dim3A_1598 : vector<16x1xi32> to vector<16xi32>
            %gather3A_1600 = tpu.dynamic_gather %get3A_1437[%gather3A_1599] in [0] : vector<16xf32>, vector<16xi32> -> vector<16xf32>
            %broadcast_in_dim3A_1601 = arith.constant 0 : i32
            %broadcast_in_dim3A_1602 = vector.broadcast %broadcast_in_dim3A_1601 : i32 to vector<16xi32>
            %broadcast_in_dim3A_1603 = arith.constant 3 : i32
            %broadcast_in_dim3A_1604 = vector.broadcast %broadcast_in_dim3A_1603 : i32 to vector<16xi32>
            %add3A_1605 = arith.addf %gather3A_1595, %gather3A_1600 : vector<16xf32>
            %scatter3A_1606 = arith.constant 0 : i32
            %scatter3A_1607 = arith.constant 0 : i32
            %scatter3A_1608 = arith.constant 0 : i32
            %scatter3A_1609 = arith.constant 0 : i32
            %scatter3A_1610 = tpu.memref_slice %arg8[%scatter3A_1606, %scatter3A_1607, %scatter3A_1608, %scatter3A_1609] : memref<2x4x8x513xf32, #tpu.memory_space<vmem>> -> memref<1x4x8x513xf32, #tpu.memory_space<vmem>>
            %scatter3A_1611 = tpu.memref_squeeze %scatter3A_1610 : memref<1x4x8x513xf32, #tpu.memory_space<vmem>> -> memref<4x8x513xf32, #tpu.memory_space<vmem>>
            tpu.vector_store_idx %scatter3A_1611[%broadcast_in_dim3A_1602, %broadcast_in_dim3A_1604, %add3A_1505], %add3A_1605 masked %eq3A_1501 : memref<4x8x513xf32, #tpu.memory_space<vmem>>[vector<16xi32>, vector<16xi32>, vector<16xi32>], vector<16xf32>, vector<16xi1>
            %broadcast_in_dim3A_1612 = arith.constant 4 : i32
            %broadcast_in_dim3A_1613 = vector.broadcast %broadcast_in_dim3A_1612 : i32 to vector<16xi32>
            %gather3A_1614 = arith.constant 0 : i32
            %gather3A_1615 = arith.constant 0 : i32
            %gather3A_1616 = arith.constant 0 : i32
            %gather3A_1617 = tpu.memref_slice %arg7[%gather3A_1614, %gather3A_1615, %gather3A_1616] : memref<2x512x32xf32, #tpu.memory_space<vmem>> -> memref<1x512x32xf32, #tpu.memory_space<vmem>>
            %gather3A_1618 = tpu.memref_squeeze %gather3A_1617 : memref<1x512x32xf32, #tpu.memory_space<vmem>> -> memref<512x32xf32, #tpu.memory_space<vmem>>
            %gather3A_1619 = tpu.vector_load_idx %gather3A_1618[%add3A_1505, %broadcast_in_dim3A_1613] masked %eq3A_1501 : memref<512x32xf32, #tpu.memory_space<vmem>>[vector<16xi32>, vector<16xi32>], vector<16xf32>, vector<16xi1>
            %broadcast_in_dim3A_1620 = arith.constant 4 : i32
            %broadcast_in_dim3A_1621 = vector.broadcast %broadcast_in_dim3A_1620 : i32 to vector<16xi32>
            %broadcast_in_dim3A_1622 = vector.shape_cast %broadcast_in_dim3A_1621 : vector<16xi32> to vector<16x1xi32>
            %gather3A_1623 = vector.shape_cast %broadcast_in_dim3A_1622 : vector<16x1xi32> to vector<16xi32>
            %gather3A_1624 = tpu.dynamic_gather %get3A_1437[%gather3A_1623] in [0] : vector<16xf32>, vector<16xi32> -> vector<16xf32>
            %broadcast_in_dim3A_1625 = arith.constant 0 : i32
            %broadcast_in_dim3A_1626 = vector.broadcast %broadcast_in_dim3A_1625 : i32 to vector<16xi32>
            %broadcast_in_dim3A_1627 = arith.constant 4 : i32
            %broadcast_in_dim3A_1628 = vector.broadcast %broadcast_in_dim3A_1627 : i32 to vector<16xi32>
            %add3A_1629 = arith.addf %gather3A_1619, %gather3A_1624 : vector<16xf32>
            %scatter3A_1630 = arith.constant 0 : i32
            %scatter3A_1631 = arith.constant 0 : i32
            %scatter3A_1632 = arith.constant 0 : i32
            %scatter3A_1633 = arith.constant 0 : i32
            %scatter3A_1634 = tpu.memref_slice %arg8[%scatter3A_1630, %scatter3A_1631, %scatter3A_1632, %scatter3A_1633] : memref<2x4x8x513xf32, #tpu.memory_space<vmem>> -> memref<1x4x8x513xf32, #tpu.memory_space<vmem>>
            %scatter3A_1635 = tpu.memref_squeeze %scatter3A_1634 : memref<1x4x8x513xf32, #tpu.memory_space<vmem>> -> memref<4x8x513xf32, #tpu.memory_space<vmem>>
            tpu.vector_store_idx %scatter3A_1635[%broadcast_in_dim3A_1626, %broadcast_in_dim3A_1628, %add3A_1505], %add3A_1629 masked %eq3A_1501 : memref<4x8x513xf32, #tpu.memory_space<vmem>>[vector<16xi32>, vector<16xi32>, vector<16xi32>], vector<16xf32>, vector<16xi1>
            %broadcast_in_dim3A_1636 = arith.constant 5 : i32
            %broadcast_in_dim3A_1637 = vector.broadcast %broadcast_in_dim3A_1636 : i32 to vector<16xi32>
            %gather3A_1638 = arith.constant 0 : i32
            %gather3A_1639 = arith.constant 0 : i32
            %gather3A_1640 = arith.constant 0 : i32
            %gather3A_1641 = tpu.memref_slice %arg7[%gather3A_1638, %gather3A_1639, %gather3A_1640] : memref<2x512x32xf32, #tpu.memory_space<vmem>> -> memref<1x512x32xf32, #tpu.memory_space<vmem>>
            %gather3A_1642 = tpu.memref_squeeze %gather3A_1641 : memref<1x512x32xf32, #tpu.memory_space<vmem>> -> memref<512x32xf32, #tpu.memory_space<vmem>>
            %gather3A_1643 = tpu.vector_load_idx %gather3A_1642[%add3A_1505, %broadcast_in_dim3A_1637] masked %eq3A_1501 : memref<512x32xf32, #tpu.memory_space<vmem>>[vector<16xi32>, vector<16xi32>], vector<16xf32>, vector<16xi1>
            %broadcast_in_dim3A_1644 = arith.constant 5 : i32
            %broadcast_in_dim3A_1645 = vector.broadcast %broadcast_in_dim3A_1644 : i32 to vector<16xi32>
            %broadcast_in_dim3A_1646 = vector.shape_cast %broadcast_in_dim3A_1645 : vector<16xi32> to vector<16x1xi32>
            %gather3A_1647 = vector.shape_cast %broadcast_in_dim3A_1646 : vector<16x1xi32> to vector<16xi32>
            %gather3A_1648 = tpu.dynamic_gather %get3A_1437[%gather3A_1647] in [0] : vector<16xf32>, vector<16xi32> -> vector<16xf32>
            %broadcast_in_dim3A_1649 = arith.constant 0 : i32
            %broadcast_in_dim3A_1650 = vector.broadcast %broadcast_in_dim3A_1649 : i32 to vector<16xi32>
            %broadcast_in_dim3A_1651 = arith.constant 5 : i32
            %broadcast_in_dim3A_1652 = vector.broadcast %broadcast_in_dim3A_1651 : i32 to vector<16xi32>
            %add3A_1653 = arith.addf %gather3A_1643, %gather3A_1648 : vector<16xf32>
            %scatter3A_1654 = arith.constant 0 : i32
            %scatter3A_1655 = arith.constant 0 : i32
            %scatter3A_1656 = arith.constant 0 : i32
            %scatter3A_1657 = arith.constant 0 : i32
            %scatter3A_1658 = tpu.memref_slice %arg8[%scatter3A_1654, %scatter3A_1655, %scatter3A_1656, %scatter3A_1657] : memref<2x4x8x513xf32, #tpu.memory_space<vmem>> -> memref<1x4x8x513xf32, #tpu.memory_space<vmem>>
            %scatter3A_1659 = tpu.memref_squeeze %scatter3A_1658 : memref<1x4x8x513xf32, #tpu.memory_space<vmem>> -> memref<4x8x513xf32, #tpu.memory_space<vmem>>
            tpu.vector_store_idx %scatter3A_1659[%broadcast_in_dim3A_1650, %broadcast_in_dim3A_1652, %add3A_1505], %add3A_1653 masked %eq3A_1501 : memref<4x8x513xf32, #tpu.memory_space<vmem>>[vector<16xi32>, vector<16xi32>, vector<16xi32>], vector<16xf32>, vector<16xi1>
            %broadcast_in_dim3A_1660 = arith.constant 6 : i32
            %broadcast_in_dim3A_1661 = vector.broadcast %broadcast_in_dim3A_1660 : i32 to vector<16xi32>
            %gather3A_1662 = arith.constant 0 : i32
            %gather3A_1663 = arith.constant 0 : i32
            %gather3A_1664 = arith.constant 0 : i32
            %gather3A_1665 = tpu.memref_slice %arg7[%gather3A_1662, %gather3A_1663, %gather3A_1664] : memref<2x512x32xf32, #tpu.memory_space<vmem>> -> memref<1x512x32xf32, #tpu.memory_space<vmem>>
            %gather3A_1666 = tpu.memref_squeeze %gather3A_1665 : memref<1x512x32xf32, #tpu.memory_space<vmem>> -> memref<512x32xf32, #tpu.memory_space<vmem>>
            %gather3A_1667 = tpu.vector_load_idx %gather3A_1666[%add3A_1505, %broadcast_in_dim3A_1661] masked %eq3A_1501 : memref<512x32xf32, #tpu.memory_space<vmem>>[vector<16xi32>, vector<16xi32>], vector<16xf32>, vector<16xi1>
            %broadcast_in_dim3A_1668 = arith.constant 6 : i32
            %broadcast_in_dim3A_1669 = vector.broadcast %broadcast_in_dim3A_1668 : i32 to vector<16xi32>
            %broadcast_in_dim3A_1670 = vector.shape_cast %broadcast_in_dim3A_1669 : vector<16xi32> to vector<16x1xi32>
            %gather3A_1671 = vector.shape_cast %broadcast_in_dim3A_1670 : vector<16x1xi32> to vector<16xi32>
            %gather3A_1672 = tpu.dynamic_gather %get3A_1437[%gather3A_1671] in [0] : vector<16xf32>, vector<16xi32> -> vector<16xf32>
            %broadcast_in_dim3A_1673 = arith.constant 0 : i32
            %broadcast_in_dim3A_1674 = vector.broadcast %broadcast_in_dim3A_1673 : i32 to vector<16xi32>
            %broadcast_in_dim3A_1675 = arith.constant 6 : i32
            %broadcast_in_dim3A_1676 = vector.broadcast %broadcast_in_dim3A_1675 : i32 to vector<16xi32>
            %add3A_1677 = arith.addf %gather3A_1667, %gather3A_1672 : vector<16xf32>
            %scatter3A_1678 = arith.constant 0 : i32
            %scatter3A_1679 = arith.constant 0 : i32
            %scatter3A_1680 = arith.constant 0 : i32
            %scatter3A_1681 = arith.constant 0 : i32
            %scatter3A_1682 = tpu.memref_slice %arg8[%scatter3A_1678, %scatter3A_1679, %scatter3A_1680, %scatter3A_1681] : memref<2x4x8x513xf32, #tpu.memory_space<vmem>> -> memref<1x4x8x513xf32, #tpu.memory_space<vmem>>
            %scatter3A_1683 = tpu.memref_squeeze %scatter3A_1682 : memref<1x4x8x513xf32, #tpu.memory_space<vmem>> -> memref<4x8x513xf32, #tpu.memory_space<vmem>>
            tpu.vector_store_idx %scatter3A_1683[%broadcast_in_dim3A_1674, %broadcast_in_dim3A_1676, %add3A_1505], %add3A_1677 masked %eq3A_1501 : memref<4x8x513xf32, #tpu.memory_space<vmem>>[vector<16xi32>, vector<16xi32>, vector<16xi32>], vector<16xf32>, vector<16xi1>
            %broadcast_in_dim3A_1684 = arith.constant 7 : i32
            %broadcast_in_dim3A_1685 = vector.broadcast %broadcast_in_dim3A_1684 : i32 to vector<16xi32>
            %gather3A_1686 = arith.constant 0 : i32
            %gather3A_1687 = arith.constant 0 : i32
            %gather3A_1688 = arith.constant 0 : i32
            %gather3A_1689 = tpu.memref_slice %arg7[%gather3A_1686, %gather3A_1687, %gather3A_1688] : memref<2x512x32xf32, #tpu.memory_space<vmem>> -> memref<1x512x32xf32, #tpu.memory_space<vmem>>
            %gather3A_1690 = tpu.memref_squeeze %gather3A_1689 : memref<1x512x32xf32, #tpu.memory_space<vmem>> -> memref<512x32xf32, #tpu.memory_space<vmem>>
            %gather3A_1691 = tpu.vector_load_idx %gather3A_1690[%add3A_1505, %broadcast_in_dim3A_1685] masked %eq3A_1501 : memref<512x32xf32, #tpu.memory_space<vmem>>[vector<16xi32>, vector<16xi32>], vector<16xf32>, vector<16xi1>
            %broadcast_in_dim3A_1692 = arith.constant 7 : i32
            %broadcast_in_dim3A_1693 = vector.broadcast %broadcast_in_dim3A_1692 : i32 to vector<16xi32>
            %broadcast_in_dim3A_1694 = vector.shape_cast %broadcast_in_dim3A_1693 : vector<16xi32> to vector<16x1xi32>
            %gather3A_1695 = vector.shape_cast %broadcast_in_dim3A_1694 : vector<16x1xi32> to vector<16xi32>
            %gather3A_1696 = tpu.dynamic_gather %get3A_1437[%gather3A_1695] in [0] : vector<16xf32>, vector<16xi32> -> vector<16xf32>
            %broadcast_in_dim3A_1697 = arith.constant 0 : i32
            %broadcast_in_dim3A_1698 = vector.broadcast %broadcast_in_dim3A_1697 : i32 to vector<16xi32>
            %broadcast_in_dim3A_1699 = arith.constant 7 : i32
            %broadcast_in_dim3A_1700 = vector.broadcast %broadcast_in_dim3A_1699 : i32 to vector<16xi32>
            %add3A_1701 = arith.addf %gather3A_1691, %gather3A_1696 : vector<16xf32>
            %scatter3A_1702 = arith.constant 0 : i32
            %scatter3A_1703 = arith.constant 0 : i32
            %scatter3A_1704 = arith.constant 0 : i32
            %scatter3A_1705 = arith.constant 0 : i32
            %scatter3A_1706 = tpu.memref_slice %arg8[%scatter3A_1702, %scatter3A_1703, %scatter3A_1704, %scatter3A_1705] : memref<2x4x8x513xf32, #tpu.memory_space<vmem>> -> memref<1x4x8x513xf32, #tpu.memory_space<vmem>>
            %scatter3A_1707 = tpu.memref_squeeze %scatter3A_1706 : memref<1x4x8x513xf32, #tpu.memory_space<vmem>> -> memref<4x8x513xf32, #tpu.memory_space<vmem>>
            tpu.vector_store_idx %scatter3A_1707[%broadcast_in_dim3A_1698, %broadcast_in_dim3A_1700, %add3A_1505], %add3A_1701 masked %eq3A_1501 : memref<4x8x513xf32, #tpu.memory_space<vmem>>[vector<16xi32>, vector<16xi32>, vector<16xi32>], vector<16xf32>, vector<16xi1>
            %broadcast_in_dim3A_1708 = arith.constant 8 : i32
            %broadcast_in_dim3A_1709 = vector.broadcast %broadcast_in_dim3A_1708 : i32 to vector<16xi32>
            %gather3A_1710 = arith.constant 0 : i32
            %gather3A_1711 = arith.constant 0 : i32
            %gather3A_1712 = arith.constant 0 : i32
            %gather3A_1713 = tpu.memref_slice %arg7[%gather3A_1710, %gather3A_1711, %gather3A_1712] : memref<2x512x32xf32, #tpu.memory_space<vmem>> -> memref<1x512x32xf32, #tpu.memory_space<vmem>>
            %gather3A_1714 = tpu.memref_squeeze %gather3A_1713 : memref<1x512x32xf32, #tpu.memory_space<vmem>> -> memref<512x32xf32, #tpu.memory_space<vmem>>
            %gather3A_1715 = tpu.vector_load_idx %gather3A_1714[%add3A_1505, %broadcast_in_dim3A_1709] masked %eq3A_1501 : memref<512x32xf32, #tpu.memory_space<vmem>>[vector<16xi32>, vector<16xi32>], vector<16xf32>, vector<16xi1>
            %broadcast_in_dim3A_1716 = arith.constant 8 : i32
            %broadcast_in_dim3A_1717 = vector.broadcast %broadcast_in_dim3A_1716 : i32 to vector<16xi32>
            %broadcast_in_dim3A_1718 = vector.shape_cast %broadcast_in_dim3A_1717 : vector<16xi32> to vector<16x1xi32>
            %gather3A_1719 = vector.shape_cast %broadcast_in_dim3A_1718 : vector<16x1xi32> to vector<16xi32>
            %gather3A_1720 = tpu.dynamic_gather %get3A_1437[%gather3A_1719] in [0] : vector<16xf32>, vector<16xi32> -> vector<16xf32>
            %broadcast_in_dim3A_1721 = arith.constant 1 : i32
            %broadcast_in_dim3A_1722 = vector.broadcast %broadcast_in_dim3A_1721 : i32 to vector<16xi32>
            %broadcast_in_dim3A_1723 = arith.constant 0 : i32
            %broadcast_in_dim3A_1724 = vector.broadcast %broadcast_in_dim3A_1723 : i32 to vector<16xi32>
            %add3A_1725 = arith.addf %gather3A_1715, %gather3A_1720 : vector<16xf32>
            %scatter3A_1726 = arith.constant 0 : i32
            %scatter3A_1727 = arith.constant 0 : i32
            %scatter3A_1728 = arith.constant 0 : i32
            %scatter3A_1729 = arith.constant 0 : i32
            %scatter3A_1730 = tpu.memref_slice %arg8[%scatter3A_1726, %scatter3A_1727, %scatter3A_1728, %scatter3A_1729] : memref<2x4x8x513xf32, #tpu.memory_space<vmem>> -> memref<1x4x8x513xf32, #tpu.memory_space<vmem>>
            %scatter3A_1731 = tpu.memref_squeeze %scatter3A_1730 : memref<1x4x8x513xf32, #tpu.memory_space<vmem>> -> memref<4x8x513xf32, #tpu.memory_space<vmem>>
            tpu.vector_store_idx %scatter3A_1731[%broadcast_in_dim3A_1722, %broadcast_in_dim3A_1724, %add3A_1505], %add3A_1725 masked %eq3A_1501 : memref<4x8x513xf32, #tpu.memory_space<vmem>>[vector<16xi32>, vector<16xi32>, vector<16xi32>], vector<16xf32>, vector<16xi1>
            %broadcast_in_dim3A_1732 = arith.constant 9 : i32
            %broadcast_in_dim3A_1733 = vector.broadcast %broadcast_in_dim3A_1732 : i32 to vector<16xi32>
            %gather3A_1734 = arith.constant 0 : i32
            %gather3A_1735 = arith.constant 0 : i32
            %gather3A_1736 = arith.constant 0 : i32
            %gather3A_1737 = tpu.memref_slice %arg7[%gather3A_1734, %gather3A_1735, %gather3A_1736] : memref<2x512x32xf32, #tpu.memory_space<vmem>> -> memref<1x512x32xf32, #tpu.memory_space<vmem>>
            %gather3A_1738 = tpu.memref_squeeze %gather3A_1737 : memref<1x512x32xf32, #tpu.memory_space<vmem>> -> memref<512x32xf32, #tpu.memory_space<vmem>>
            %gather3A_1739 = tpu.vector_load_idx %gather3A_1738[%add3A_1505, %broadcast_in_dim3A_1733] masked %eq3A_1501 : memref<512x32xf32, #tpu.memory_space<vmem>>[vector<16xi32>, vector<16xi32>], vector<16xf32>, vector<16xi1>
            %broadcast_in_dim3A_1740 = arith.constant 9 : i32
            %broadcast_in_dim3A_1741 = vector.broadcast %broadcast_in_dim3A_1740 : i32 to vector<16xi32>
            %broadcast_in_dim3A_1742 = vector.shape_cast %broadcast_in_dim3A_1741 : vector<16xi32> to vector<16x1xi32>
            %gather3A_1743 = vector.shape_cast %broadcast_in_dim3A_1742 : vector<16x1xi32> to vector<16xi32>
            %gather3A_1744 = tpu.dynamic_gather %get3A_1437[%gather3A_1743] in [0] : vector<16xf32>, vector<16xi32> -> vector<16xf32>
            %broadcast_in_dim3A_1745 = arith.constant 1 : i32
            %broadcast_in_dim3A_1746 = vector.broadcast %broadcast_in_dim3A_1745 : i32 to vector<16xi32>
            %broadcast_in_dim3A_1747 = arith.constant 1 : i32
            %broadcast_in_dim3A_1748 = vector.broadcast %broadcast_in_dim3A_1747 : i32 to vector<16xi32>
            %add3A_1749 = arith.addf %gather3A_1739, %gather3A_1744 : vector<16xf32>
            %scatter3A_1750 = arith.constant 0 : i32
            %scatter3A_1751 = arith.constant 0 : i32
            %scatter3A_1752 = arith.constant 0 : i32
            %scatter3A_1753 = arith.constant 0 : i32
            %scatter3A_1754 = tpu.memref_slice %arg8[%scatter3A_1750, %scatter3A_1751, %scatter3A_1752, %scatter3A_1753] : memref<2x4x8x513xf32, #tpu.memory_space<vmem>> -> memref<1x4x8x513xf32, #tpu.memory_space<vmem>>
            %scatter3A_1755 = tpu.memref_squeeze %scatter3A_1754 : memref<1x4x8x513xf32, #tpu.memory_space<vmem>> -> memref<4x8x513xf32, #tpu.memory_space<vmem>>
            tpu.vector_store_idx %scatter3A_1755[%broadcast_in_dim3A_1746, %broadcast_in_dim3A_1748, %add3A_1505], %add3A_1749 masked %eq3A_1501 : memref<4x8x513xf32, #tpu.memory_space<vmem>>[vector<16xi32>, vector<16xi32>, vector<16xi32>], vector<16xf32>, vector<16xi1>
            %broadcast_in_dim3A_1756 = arith.constant 10 : i32
            %broadcast_in_dim3A_1757 = vector.broadcast %broadcast_in_dim3A_1756 : i32 to vector<16xi32>
            %gather3A_1758 = arith.constant 0 : i32
            %gather3A_1759 = arith.constant 0 : i32
            %gather3A_1760 = arith.constant 0 : i32
            %gather3A_1761 = tpu.memref_slice %arg7[%gather3A_1758, %gather3A_1759, %gather3A_1760] : memref<2x512x32xf32, #tpu.memory_space<vmem>> -> memref<1x512x32xf32, #tpu.memory_space<vmem>>
            %gather3A_1762 = tpu.memref_squeeze %gather3A_1761 : memref<1x512x32xf32, #tpu.memory_space<vmem>> -> memref<512x32xf32, #tpu.memory_space<vmem>>
            %gather3A_1763 = tpu.vector_load_idx %gather3A_1762[%add3A_1505, %broadcast_in_dim3A_1757] masked %eq3A_1501 : memref<512x32xf32, #tpu.memory_space<vmem>>[vector<16xi32>, vector<16xi32>], vector<16xf32>, vector<16xi1>
            %broadcast_in_dim3A_1764 = arith.constant 10 : i32
            %broadcast_in_dim3A_1765 = vector.broadcast %broadcast_in_dim3A_1764 : i32 to vector<16xi32>
            %broadcast_in_dim3A_1766 = vector.shape_cast %broadcast_in_dim3A_1765 : vector<16xi32> to vector<16x1xi32>
            %gather3A_1767 = vector.shape_cast %broadcast_in_dim3A_1766 : vector<16x1xi32> to vector<16xi32>
            %gather3A_1768 = tpu.dynamic_gather %get3A_1437[%gather3A_1767] in [0] : vector<16xf32>, vector<16xi32> -> vector<16xf32>
            %broadcast_in_dim3A_1769 = arith.constant 1 : i32
            %broadcast_in_dim3A_1770 = vector.broadcast %broadcast_in_dim3A_1769 : i32 to vector<16xi32>
            %broadcast_in_dim3A_1771 = arith.constant 2 : i32
            %broadcast_in_dim3A_1772 = vector.broadcast %broadcast_in_dim3A_1771 : i32 to vector<16xi32>
            %add3A_1773 = arith.addf %gather3A_1763, %gather3A_1768 : vector<16xf32>
            %scatter3A_1774 = arith.constant 0 : i32
            %scatter3A_1775 = arith.constant 0 : i32
            %scatter3A_1776 = arith.constant 0 : i32
            %scatter3A_1777 = arith.constant 0 : i32
            %scatter3A_1778 = tpu.memref_slice %arg8[%scatter3A_1774, %scatter3A_1775, %scatter3A_1776, %scatter3A_1777] : memref<2x4x8x513xf32, #tpu.memory_space<vmem>> -> memref<1x4x8x513xf32, #tpu.memory_space<vmem>>
            %scatter3A_1779 = tpu.memref_squeeze %scatter3A_1778 : memref<1x4x8x513xf32, #tpu.memory_space<vmem>> -> memref<4x8x513xf32, #tpu.memory_space<vmem>>
            tpu.vector_store_idx %scatter3A_1779[%broadcast_in_dim3A_1770, %broadcast_in_dim3A_1772, %add3A_1505], %add3A_1773 masked %eq3A_1501 : memref<4x8x513xf32, #tpu.memory_space<vmem>>[vector<16xi32>, vector<16xi32>, vector<16xi32>], vector<16xf32>, vector<16xi1>
            %broadcast_in_dim3A_1780 = arith.constant 11 : i32
            %broadcast_in_dim3A_1781 = vector.broadcast %broadcast_in_dim3A_1780 : i32 to vector<16xi32>
            %gather3A_1782 = arith.constant 0 : i32
            %gather3A_1783 = arith.constant 0 : i32
            %gather3A_1784 = arith.constant 0 : i32
            %gather3A_1785 = tpu.memref_slice %arg7[%gather3A_1782, %gather3A_1783, %gather3A_1784] : memref<2x512x32xf32, #tpu.memory_space<vmem>> -> memref<1x512x32xf32, #tpu.memory_space<vmem>>
            %gather3A_1786 = tpu.memref_squeeze %gather3A_1785 : memref<1x512x32xf32, #tpu.memory_space<vmem>> -> memref<512x32xf32, #tpu.memory_space<vmem>>
            %gather3A_1787 = tpu.vector_load_idx %gather3A_1786[%add3A_1505, %broadcast_in_dim3A_1781] masked %eq3A_1501 : memref<512x32xf32, #tpu.memory_space<vmem>>[vector<16xi32>, vector<16xi32>], vector<16xf32>, vector<16xi1>
            %broadcast_in_dim3A_1788 = arith.constant 11 : i32
            %broadcast_in_dim3A_1789 = vector.broadcast %broadcast_in_dim3A_1788 : i32 to vector<16xi32>
            %broadcast_in_dim3A_1790 = vector.shape_cast %broadcast_in_dim3A_1789 : vector<16xi32> to vector<16x1xi32>
            %gather3A_1791 = vector.shape_cast %broadcast_in_dim3A_1790 : vector<16x1xi32> to vector<16xi32>
            %gather3A_1792 = tpu.dynamic_gather %get3A_1437[%gather3A_1791] in [0] : vector<16xf32>, vector<16xi32> -> vector<16xf32>
            %broadcast_in_dim3A_1793 = arith.constant 1 : i32
            %broadcast_in_dim3A_1794 = vector.broadcast %broadcast_in_dim3A_1793 : i32 to vector<16xi32>
            %broadcast_in_dim3A_1795 = arith.constant 3 : i32
            %broadcast_in_dim3A_1796 = vector.broadcast %broadcast_in_dim3A_1795 : i32 to vector<16xi32>
            %add3A_1797 = arith.addf %gather3A_1787, %gather3A_1792 : vector<16xf32>
            %scatter3A_1798 = arith.constant 0 : i32
            %scatter3A_1799 = arith.constant 0 : i32
            %scatter3A_1800 = arith.constant 0 : i32
            %scatter3A_1801 = arith.constant 0 : i32
            %scatter3A_1802 = tpu.memref_slice %arg8[%scatter3A_1798, %scatter3A_1799, %scatter3A_1800, %scatter3A_1801] : memref<2x4x8x513xf32, #tpu.memory_space<vmem>> -> memref<1x4x8x513xf32, #tpu.memory_space<vmem>>
            %scatter3A_1803 = tpu.memref_squeeze %scatter3A_1802 : memref<1x4x8x513xf32, #tpu.memory_space<vmem>> -> memref<4x8x513xf32, #tpu.memory_space<vmem>>
            tpu.vector_store_idx %scatter3A_1803[%broadcast_in_dim3A_1794, %broadcast_in_dim3A_1796, %add3A_1505], %add3A_1797 masked %eq3A_1501 : memref<4x8x513xf32, #tpu.memory_space<vmem>>[vector<16xi32>, vector<16xi32>, vector<16xi32>], vector<16xf32>, vector<16xi1>
            %broadcast_in_dim3A_1804 = arith.constant 12 : i32
            %broadcast_in_dim3A_1805 = vector.broadcast %broadcast_in_dim3A_1804 : i32 to vector<16xi32>
            %gather3A_1806 = arith.constant 0 : i32
            %gather3A_1807 = arith.constant 0 : i32
            %gather3A_1808 = arith.constant 0 : i32
            %gather3A_1809 = tpu.memref_slice %arg7[%gather3A_1806, %gather3A_1807, %gather3A_1808] : memref<2x512x32xf32, #tpu.memory_space<vmem>> -> memref<1x512x32xf32, #tpu.memory_space<vmem>>
            %gather3A_1810 = tpu.memref_squeeze %gather3A_1809 : memref<1x512x32xf32, #tpu.memory_space<vmem>> -> memref<512x32xf32, #tpu.memory_space<vmem>>
            %gather3A_1811 = tpu.vector_load_idx %gather3A_1810[%add3A_1505, %broadcast_in_dim3A_1805] masked %eq3A_1501 : memref<512x32xf32, #tpu.memory_space<vmem>>[vector<16xi32>, vector<16xi32>], vector<16xf32>, vector<16xi1>
            %broadcast_in_dim3A_1812 = arith.constant 12 : i32
            %broadcast_in_dim3A_1813 = vector.broadcast %broadcast_in_dim3A_1812 : i32 to vector<16xi32>
            %broadcast_in_dim3A_1814 = vector.shape_cast %broadcast_in_dim3A_1813 : vector<16xi32> to vector<16x1xi32>
            %gather3A_1815 = vector.shape_cast %broadcast_in_dim3A_1814 : vector<16x1xi32> to vector<16xi32>
            %gather3A_1816 = tpu.dynamic_gather %get3A_1437[%gather3A_1815] in [0] : vector<16xf32>, vector<16xi32> -> vector<16xf32>
            %broadcast_in_dim3A_1817 = arith.constant 1 : i32
            %broadcast_in_dim3A_1818 = vector.broadcast %broadcast_in_dim3A_1817 : i32 to vector<16xi32>
            %broadcast_in_dim3A_1819 = arith.constant 4 : i32
            %broadcast_in_dim3A_1820 = vector.broadcast %broadcast_in_dim3A_1819 : i32 to vector<16xi32>
            %add3A_1821 = arith.addf %gather3A_1811, %gather3A_1816 : vector<16xf32>
            %scatter3A_1822 = arith.constant 0 : i32
            %scatter3A_1823 = arith.constant 0 : i32
            %scatter3A_1824 = arith.constant 0 : i32
            %scatter3A_1825 = arith.constant 0 : i32
            %scatter3A_1826 = tpu.memref_slice %arg8[%scatter3A_1822, %scatter3A_1823, %scatter3A_1824, %scatter3A_1825] : memref<2x4x8x513xf32, #tpu.memory_space<vmem>> -> memref<1x4x8x513xf32, #tpu.memory_space<vmem>>
            %scatter3A_1827 = tpu.memref_squeeze %scatter3A_1826 : memref<1x4x8x513xf32, #tpu.memory_space<vmem>> -> memref<4x8x513xf32, #tpu.memory_space<vmem>>
            tpu.vector_store_idx %scatter3A_1827[%broadcast_in_dim3A_1818, %broadcast_in_dim3A_1820, %add3A_1505], %add3A_1821 masked %eq3A_1501 : memref<4x8x513xf32, #tpu.memory_space<vmem>>[vector<16xi32>, vector<16xi32>, vector<16xi32>], vector<16xf32>, vector<16xi1>
            %broadcast_in_dim3A_1828 = arith.constant 13 : i32
            %broadcast_in_dim3A_1829 = vector.broadcast %broadcast_in_dim3A_1828 : i32 to vector<16xi32>
            %gather3A_1830 = arith.constant 0 : i32
            %gather3A_1831 = arith.constant 0 : i32
            %gather3A_1832 = arith.constant 0 : i32
            %gather3A_1833 = tpu.memref_slice %arg7[%gather3A_1830, %gather3A_1831, %gather3A_1832] : memref<2x512x32xf32, #tpu.memory_space<vmem>> -> memref<1x512x32xf32, #tpu.memory_space<vmem>>
            %gather3A_1834 = tpu.memref_squeeze %gather3A_1833 : memref<1x512x32xf32, #tpu.memory_space<vmem>> -> memref<512x32xf32, #tpu.memory_space<vmem>>
            %gather3A_1835 = tpu.vector_load_idx %gather3A_1834[%add3A_1505, %broadcast_in_dim3A_1829] masked %eq3A_1501 : memref<512x32xf32, #tpu.memory_space<vmem>>[vector<16xi32>, vector<16xi32>], vector<16xf32>, vector<16xi1>
            %broadcast_in_dim3A_1836 = arith.constant 13 : i32
            %broadcast_in_dim3A_1837 = vector.broadcast %broadcast_in_dim3A_1836 : i32 to vector<16xi32>
            %broadcast_in_dim3A_1838 = vector.shape_cast %broadcast_in_dim3A_1837 : vector<16xi32> to vector<16x1xi32>
            %gather3A_1839 = vector.shape_cast %broadcast_in_dim3A_1838 : vector<16x1xi32> to vector<16xi32>
            %gather3A_1840 = tpu.dynamic_gather %get3A_1437[%gather3A_1839] in [0] : vector<16xf32>, vector<16xi32> -> vector<16xf32>
            %broadcast_in_dim3A_1841 = arith.constant 1 : i32
            %broadcast_in_dim3A_1842 = vector.broadcast %broadcast_in_dim3A_1841 : i32 to vector<16xi32>
            %broadcast_in_dim3A_1843 = arith.constant 5 : i32
            %broadcast_in_dim3A_1844 = vector.broadcast %broadcast_in_dim3A_1843 : i32 to vector<16xi32>
            %add3A_1845 = arith.addf %gather3A_1835, %gather3A_1840 : vector<16xf32>
            %scatter3A_1846 = arith.constant 0 : i32
            %scatter3A_1847 = arith.constant 0 : i32
            %scatter3A_1848 = arith.constant 0 : i32
            %scatter3A_1849 = arith.constant 0 : i32
            %scatter3A_1850 = tpu.memref_slice %arg8[%scatter3A_1846, %scatter3A_1847, %scatter3A_1848, %scatter3A_1849] : memref<2x4x8x513xf32, #tpu.memory_space<vmem>> -> memref<1x4x8x513xf32, #tpu.memory_space<vmem>>
            %scatter3A_1851 = tpu.memref_squeeze %scatter3A_1850 : memref<1x4x8x513xf32, #tpu.memory_space<vmem>> -> memref<4x8x513xf32, #tpu.memory_space<vmem>>
            tpu.vector_store_idx %scatter3A_1851[%broadcast_in_dim3A_1842, %broadcast_in_dim3A_1844, %add3A_1505], %add3A_1845 masked %eq3A_1501 : memref<4x8x513xf32, #tpu.memory_space<vmem>>[vector<16xi32>, vector<16xi32>, vector<16xi32>], vector<16xf32>, vector<16xi1>
            %broadcast_in_dim3A_1852 = arith.constant 14 : i32
            %broadcast_in_dim3A_1853 = vector.broadcast %broadcast_in_dim3A_1852 : i32 to vector<16xi32>
            %gather3A_1854 = arith.constant 0 : i32
            %gather3A_1855 = arith.constant 0 : i32
            %gather3A_1856 = arith.constant 0 : i32
            %gather3A_1857 = tpu.memref_slice %arg7[%gather3A_1854, %gather3A_1855, %gather3A_1856] : memref<2x512x32xf32, #tpu.memory_space<vmem>> -> memref<1x512x32xf32, #tpu.memory_space<vmem>>
            %gather3A_1858 = tpu.memref_squeeze %gather3A_1857 : memref<1x512x32xf32, #tpu.memory_space<vmem>> -> memref<512x32xf32, #tpu.memory_space<vmem>>
            %gather3A_1859 = tpu.vector_load_idx %gather3A_1858[%add3A_1505, %broadcast_in_dim3A_1853] masked %eq3A_1501 : memref<512x32xf32, #tpu.memory_space<vmem>>[vector<16xi32>, vector<16xi32>], vector<16xf32>, vector<16xi1>
            %broadcast_in_dim3A_1860 = arith.constant 14 : i32
            %broadcast_in_dim3A_1861 = vector.broadcast %broadcast_in_dim3A_1860 : i32 to vector<16xi32>
            %broadcast_in_dim3A_1862 = vector.shape_cast %broadcast_in_dim3A_1861 : vector<16xi32> to vector<16x1xi32>
            %gather3A_1863 = vector.shape_cast %broadcast_in_dim3A_1862 : vector<16x1xi32> to vector<16xi32>
            %gather3A_1864 = tpu.dynamic_gather %get3A_1437[%gather3A_1863] in [0] : vector<16xf32>, vector<16xi32> -> vector<16xf32>
            %broadcast_in_dim3A_1865 = arith.constant 1 : i32
            %broadcast_in_dim3A_1866 = vector.broadcast %broadcast_in_dim3A_1865 : i32 to vector<16xi32>
            %broadcast_in_dim3A_1867 = arith.constant 6 : i32
            %broadcast_in_dim3A_1868 = vector.broadcast %broadcast_in_dim3A_1867 : i32 to vector<16xi32>
            %add3A_1869 = arith.addf %gather3A_1859, %gather3A_1864 : vector<16xf32>
            %scatter3A_1870 = arith.constant 0 : i32
            %scatter3A_1871 = arith.constant 0 : i32
            %scatter3A_1872 = arith.constant 0 : i32
            %scatter3A_1873 = arith.constant 0 : i32
            %scatter3A_1874 = tpu.memref_slice %arg8[%scatter3A_1870, %scatter3A_1871, %scatter3A_1872, %scatter3A_1873] : memref<2x4x8x513xf32, #tpu.memory_space<vmem>> -> memref<1x4x8x513xf32, #tpu.memory_space<vmem>>
            %scatter3A_1875 = tpu.memref_squeeze %scatter3A_1874 : memref<1x4x8x513xf32, #tpu.memory_space<vmem>> -> memref<4x8x513xf32, #tpu.memory_space<vmem>>
            tpu.vector_store_idx %scatter3A_1875[%broadcast_in_dim3A_1866, %broadcast_in_dim3A_1868, %add3A_1505], %add3A_1869 masked %eq3A_1501 : memref<4x8x513xf32, #tpu.memory_space<vmem>>[vector<16xi32>, vector<16xi32>, vector<16xi32>], vector<16xf32>, vector<16xi1>
            %broadcast_in_dim3A_1876 = arith.constant 15 : i32
            %broadcast_in_dim3A_1877 = vector.broadcast %broadcast_in_dim3A_1876 : i32 to vector<16xi32>
            %gather3A_1878 = arith.constant 0 : i32
            %gather3A_1879 = arith.constant 0 : i32
            %gather3A_1880 = arith.constant 0 : i32
            %gather3A_1881 = tpu.memref_slice %arg7[%gather3A_1878, %gather3A_1879, %gather3A_1880] : memref<2x512x32xf32, #tpu.memory_space<vmem>> -> memref<1x512x32xf32, #tpu.memory_space<vmem>>
            %gather3A_1882 = tpu.memref_squeeze %gather3A_1881 : memref<1x512x32xf32, #tpu.memory_space<vmem>> -> memref<512x32xf32, #tpu.memory_space<vmem>>
            %gather3A_1883 = tpu.vector_load_idx %gather3A_1882[%add3A_1505, %broadcast_in_dim3A_1877] masked %eq3A_1501 : memref<512x32xf32, #tpu.memory_space<vmem>>[vector<16xi32>, vector<16xi32>], vector<16xf32>, vector<16xi1>
            %broadcast_in_dim3A_1884 = arith.constant 15 : i32
            %broadcast_in_dim3A_1885 = vector.broadcast %broadcast_in_dim3A_1884 : i32 to vector<16xi32>
            %broadcast_in_dim3A_1886 = vector.shape_cast %broadcast_in_dim3A_1885 : vector<16xi32> to vector<16x1xi32>
            %gather3A_1887 = vector.shape_cast %broadcast_in_dim3A_1886 : vector<16x1xi32> to vector<16xi32>
            %gather3A_1888 = tpu.dynamic_gather %get3A_1437[%gather3A_1887] in [0] : vector<16xf32>, vector<16xi32> -> vector<16xf32>
            %broadcast_in_dim3A_1889 = arith.constant 1 : i32
            %broadcast_in_dim3A_1890 = vector.broadcast %broadcast_in_dim3A_1889 : i32 to vector<16xi32>
            %broadcast_in_dim3A_1891 = arith.constant 7 : i32
            %broadcast_in_dim3A_1892 = vector.broadcast %broadcast_in_dim3A_1891 : i32 to vector<16xi32>
            %add3A_1893 = arith.addf %gather3A_1883, %gather3A_1888 : vector<16xf32>
            %scatter3A_1894 = arith.constant 0 : i32
            %scatter3A_1895 = arith.constant 0 : i32
            %scatter3A_1896 = arith.constant 0 : i32
            %scatter3A_1897 = arith.constant 0 : i32
            %scatter3A_1898 = tpu.memref_slice %arg8[%scatter3A_1894, %scatter3A_1895, %scatter3A_1896, %scatter3A_1897] : memref<2x4x8x513xf32, #tpu.memory_space<vmem>> -> memref<1x4x8x513xf32, #tpu.memory_space<vmem>>
            %scatter3A_1899 = tpu.memref_squeeze %scatter3A_1898 : memref<1x4x8x513xf32, #tpu.memory_space<vmem>> -> memref<4x8x513xf32, #tpu.memory_space<vmem>>
            tpu.vector_store_idx %scatter3A_1899[%broadcast_in_dim3A_1890, %broadcast_in_dim3A_1892, %add3A_1505], %add3A_1893 masked %eq3A_1501 : memref<4x8x513xf32, #tpu.memory_space<vmem>>[vector<16xi32>, vector<16xi32>, vector<16xi32>], vector<16xf32>, vector<16xi1>
            %broadcast_in_dim3A_1900 = arith.constant 16 : i32
            %broadcast_in_dim3A_1901 = vector.broadcast %broadcast_in_dim3A_1900 : i32 to vector<16xi32>
            %gather3A_1902 = arith.constant 0 : i32
            %gather3A_1903 = arith.constant 0 : i32
            %gather3A_1904 = arith.constant 0 : i32
            %gather3A_1905 = tpu.memref_slice %arg7[%gather3A_1902, %gather3A_1903, %gather3A_1904] : memref<2x512x32xf32, #tpu.memory_space<vmem>> -> memref<1x512x32xf32, #tpu.memory_space<vmem>>
            %gather3A_1906 = tpu.memref_squeeze %gather3A_1905 : memref<1x512x32xf32, #tpu.memory_space<vmem>> -> memref<512x32xf32, #tpu.memory_space<vmem>>
            %gather3A_1907 = tpu.vector_load_idx %gather3A_1906[%add3A_1505, %broadcast_in_dim3A_1901] masked %eq3A_1501 : memref<512x32xf32, #tpu.memory_space<vmem>>[vector<16xi32>, vector<16xi32>], vector<16xf32>, vector<16xi1>
            %broadcast_in_dim3A_1908 = arith.constant 0 : i32
            %broadcast_in_dim3A_1909 = vector.broadcast %broadcast_in_dim3A_1908 : i32 to vector<16xi32>
            %broadcast_in_dim3A_1910 = vector.shape_cast %broadcast_in_dim3A_1909 : vector<16xi32> to vector<16x1xi32>
            %gather3A_1911 = vector.shape_cast %broadcast_in_dim3A_1910 : vector<16x1xi32> to vector<16xi32>
            %gather3A_1912 = tpu.dynamic_gather %get3A_1441[%gather3A_1911] in [0] : vector<16xf32>, vector<16xi32> -> vector<16xf32>
            %broadcast_in_dim3A_1913 = arith.constant 2 : i32
            %broadcast_in_dim3A_1914 = vector.broadcast %broadcast_in_dim3A_1913 : i32 to vector<16xi32>
            %broadcast_in_dim3A_1915 = arith.constant 0 : i32
            %broadcast_in_dim3A_1916 = vector.broadcast %broadcast_in_dim3A_1915 : i32 to vector<16xi32>
            %add3A_1917 = arith.addf %gather3A_1907, %gather3A_1912 : vector<16xf32>
            %scatter3A_1918 = arith.constant 0 : i32
            %scatter3A_1919 = arith.constant 0 : i32
            %scatter3A_1920 = arith.constant 0 : i32
            %scatter3A_1921 = arith.constant 0 : i32
            %scatter3A_1922 = tpu.memref_slice %arg8[%scatter3A_1918, %scatter3A_1919, %scatter3A_1920, %scatter3A_1921] : memref<2x4x8x513xf32, #tpu.memory_space<vmem>> -> memref<1x4x8x513xf32, #tpu.memory_space<vmem>>
            %scatter3A_1923 = tpu.memref_squeeze %scatter3A_1922 : memref<1x4x8x513xf32, #tpu.memory_space<vmem>> -> memref<4x8x513xf32, #tpu.memory_space<vmem>>
            tpu.vector_store_idx %scatter3A_1923[%broadcast_in_dim3A_1914, %broadcast_in_dim3A_1916, %add3A_1505], %add3A_1917 masked %eq3A_1501 : memref<4x8x513xf32, #tpu.memory_space<vmem>>[vector<16xi32>, vector<16xi32>, vector<16xi32>], vector<16xf32>, vector<16xi1>
            %broadcast_in_dim3A_1924 = arith.constant 17 : i32
            %broadcast_in_dim3A_1925 = vector.broadcast %broadcast_in_dim3A_1924 : i32 to vector<16xi32>
            %gather3A_1926 = arith.constant 0 : i32
            %gather3A_1927 = arith.constant 0 : i32
            %gather3A_1928 = arith.constant 0 : i32
            %gather3A_1929 = tpu.memref_slice %arg7[%gather3A_1926, %gather3A_1927, %gather3A_1928] : memref<2x512x32xf32, #tpu.memory_space<vmem>> -> memref<1x512x32xf32, #tpu.memory_space<vmem>>
            %gather3A_1930 = tpu.memref_squeeze %gather3A_1929 : memref<1x512x32xf32, #tpu.memory_space<vmem>> -> memref<512x32xf32, #tpu.memory_space<vmem>>
            %gather3A_1931 = tpu.vector_load_idx %gather3A_1930[%add3A_1505, %broadcast_in_dim3A_1925] masked %eq3A_1501 : memref<512x32xf32, #tpu.memory_space<vmem>>[vector<16xi32>, vector<16xi32>], vector<16xf32>, vector<16xi1>
            %broadcast_in_dim3A_1932 = arith.constant 1 : i32
            %broadcast_in_dim3A_1933 = vector.broadcast %broadcast_in_dim3A_1932 : i32 to vector<16xi32>
            %broadcast_in_dim3A_1934 = vector.shape_cast %broadcast_in_dim3A_1933 : vector<16xi32> to vector<16x1xi32>
            %gather3A_1935 = vector.shape_cast %broadcast_in_dim3A_1934 : vector<16x1xi32> to vector<16xi32>
            %gather3A_1936 = tpu.dynamic_gather %get3A_1441[%gather3A_1935] in [0] : vector<16xf32>, vector<16xi32> -> vector<16xf32>
            %broadcast_in_dim3A_1937 = arith.constant 2 : i32
            %broadcast_in_dim3A_1938 = vector.broadcast %broadcast_in_dim3A_1937 : i32 to vector<16xi32>
            %broadcast_in_dim3A_1939 = arith.constant 1 : i32
            %broadcast_in_dim3A_1940 = vector.broadcast %broadcast_in_dim3A_1939 : i32 to vector<16xi32>
            %add3A_1941 = arith.addf %gather3A_1931, %gather3A_1936 : vector<16xf32>
            %scatter3A_1942 = arith.constant 0 : i32
            %scatter3A_1943 = arith.constant 0 : i32
            %scatter3A_1944 = arith.constant 0 : i32
            %scatter3A_1945 = arith.constant 0 : i32
            %scatter3A_1946 = tpu.memref_slice %arg8[%scatter3A_1942, %scatter3A_1943, %scatter3A_1944, %scatter3A_1945] : memref<2x4x8x513xf32, #tpu.memory_space<vmem>> -> memref<1x4x8x513xf32, #tpu.memory_space<vmem>>
            %scatter3A_1947 = tpu.memref_squeeze %scatter3A_1946 : memref<1x4x8x513xf32, #tpu.memory_space<vmem>> -> memref<4x8x513xf32, #tpu.memory_space<vmem>>
            tpu.vector_store_idx %scatter3A_1947[%broadcast_in_dim3A_1938, %broadcast_in_dim3A_1940, %add3A_1505], %add3A_1941 masked %eq3A_1501 : memref<4x8x513xf32, #tpu.memory_space<vmem>>[vector<16xi32>, vector<16xi32>, vector<16xi32>], vector<16xf32>, vector<16xi1>
            %broadcast_in_dim3A_1948 = arith.constant 18 : i32
            %broadcast_in_dim3A_1949 = vector.broadcast %broadcast_in_dim3A_1948 : i32 to vector<16xi32>
            %gather3A_1950 = arith.constant 0 : i32
            %gather3A_1951 = arith.constant 0 : i32
            %gather3A_1952 = arith.constant 0 : i32
            %gather3A_1953 = tpu.memref_slice %arg7[%gather3A_1950, %gather3A_1951, %gather3A_1952] : memref<2x512x32xf32, #tpu.memory_space<vmem>> -> memref<1x512x32xf32, #tpu.memory_space<vmem>>
            %gather3A_1954 = tpu.memref_squeeze %gather3A_1953 : memref<1x512x32xf32, #tpu.memory_space<vmem>> -> memref<512x32xf32, #tpu.memory_space<vmem>>
            %gather3A_1955 = tpu.vector_load_idx %gather3A_1954[%add3A_1505, %broadcast_in_dim3A_1949] masked %eq3A_1501 : memref<512x32xf32, #tpu.memory_space<vmem>>[vector<16xi32>, vector<16xi32>], vector<16xf32>, vector<16xi1>
            %broadcast_in_dim3A_1956 = arith.constant 2 : i32
            %broadcast_in_dim3A_1957 = vector.broadcast %broadcast_in_dim3A_1956 : i32 to vector<16xi32>
            %broadcast_in_dim3A_1958 = vector.shape_cast %broadcast_in_dim3A_1957 : vector<16xi32> to vector<16x1xi32>
            %gather3A_1959 = vector.shape_cast %broadcast_in_dim3A_1958 : vector<16x1xi32> to vector<16xi32>
            %gather3A_1960 = tpu.dynamic_gather %get3A_1441[%gather3A_1959] in [0] : vector<16xf32>, vector<16xi32> -> vector<16xf32>
            %broadcast_in_dim3A_1961 = arith.constant 2 : i32
            %broadcast_in_dim3A_1962 = vector.broadcast %broadcast_in_dim3A_1961 : i32 to vector<16xi32>
            %broadcast_in_dim3A_1963 = arith.constant 2 : i32
            %broadcast_in_dim3A_1964 = vector.broadcast %broadcast_in_dim3A_1963 : i32 to vector<16xi32>
            %add3A_1965 = arith.addf %gather3A_1955, %gather3A_1960 : vector<16xf32>
            %scatter3A_1966 = arith.constant 0 : i32
            %scatter3A_1967 = arith.constant 0 : i32
            %scatter3A_1968 = arith.constant 0 : i32
            %scatter3A_1969 = arith.constant 0 : i32
            %scatter3A_1970 = tpu.memref_slice %arg8[%scatter3A_1966, %scatter3A_1967, %scatter3A_1968, %scatter3A_1969] : memref<2x4x8x513xf32, #tpu.memory_space<vmem>> -> memref<1x4x8x513xf32, #tpu.memory_space<vmem>>
            %scatter3A_1971 = tpu.memref_squeeze %scatter3A_1970 : memref<1x4x8x513xf32, #tpu.memory_space<vmem>> -> memref<4x8x513xf32, #tpu.memory_space<vmem>>
            tpu.vector_store_idx %scatter3A_1971[%broadcast_in_dim3A_1962, %broadcast_in_dim3A_1964, %add3A_1505], %add3A_1965 masked %eq3A_1501 : memref<4x8x513xf32, #tpu.memory_space<vmem>>[vector<16xi32>, vector<16xi32>, vector<16xi32>], vector<16xf32>, vector<16xi1>
            %broadcast_in_dim3A_1972 = arith.constant 19 : i32
            %broadcast_in_dim3A_1973 = vector.broadcast %broadcast_in_dim3A_1972 : i32 to vector<16xi32>
            %gather3A_1974 = arith.constant 0 : i32
            %gather3A_1975 = arith.constant 0 : i32
            %gather3A_1976 = arith.constant 0 : i32
            %gather3A_1977 = tpu.memref_slice %arg7[%gather3A_1974, %gather3A_1975, %gather3A_1976] : memref<2x512x32xf32, #tpu.memory_space<vmem>> -> memref<1x512x32xf32, #tpu.memory_space<vmem>>
            %gather3A_1978 = tpu.memref_squeeze %gather3A_1977 : memref<1x512x32xf32, #tpu.memory_space<vmem>> -> memref<512x32xf32, #tpu.memory_space<vmem>>
            %gather3A_1979 = tpu.vector_load_idx %gather3A_1978[%add3A_1505, %broadcast_in_dim3A_1973] masked %eq3A_1501 : memref<512x32xf32, #tpu.memory_space<vmem>>[vector<16xi32>, vector<16xi32>], vector<16xf32>, vector<16xi1>
            %broadcast_in_dim3A_1980 = arith.constant 3 : i32
            %broadcast_in_dim3A_1981 = vector.broadcast %broadcast_in_dim3A_1980 : i32 to vector<16xi32>
            %broadcast_in_dim3A_1982 = vector.shape_cast %broadcast_in_dim3A_1981 : vector<16xi32> to vector<16x1xi32>
            %gather3A_1983 = vector.shape_cast %broadcast_in_dim3A_1982 : vector<16x1xi32> to vector<16xi32>
            %gather3A_1984 = tpu.dynamic_gather %get3A_1441[%gather3A_1983] in [0] : vector<16xf32>, vector<16xi32> -> vector<16xf32>
            %broadcast_in_dim3A_1985 = arith.constant 2 : i32
            %broadcast_in_dim3A_1986 = vector.broadcast %broadcast_in_dim3A_1985 : i32 to vector<16xi32>
            %broadcast_in_dim3A_1987 = arith.constant 3 : i32
            %broadcast_in_dim3A_1988 = vector.broadcast %broadcast_in_dim3A_1987 : i32 to vector<16xi32>
            %add3A_1989 = arith.addf %gather3A_1979, %gather3A_1984 : vector<16xf32>
            %scatter3A_1990 = arith.constant 0 : i32
            %scatter3A_1991 = arith.constant 0 : i32
            %scatter3A_1992 = arith.constant 0 : i32
            %scatter3A_1993 = arith.constant 0 : i32
            %scatter3A_1994 = tpu.memref_slice %arg8[%scatter3A_1990, %scatter3A_1991, %scatter3A_1992, %scatter3A_1993] : memref<2x4x8x513xf32, #tpu.memory_space<vmem>> -> memref<1x4x8x513xf32, #tpu.memory_space<vmem>>
            %scatter3A_1995 = tpu.memref_squeeze %scatter3A_1994 : memref<1x4x8x513xf32, #tpu.memory_space<vmem>> -> memref<4x8x513xf32, #tpu.memory_space<vmem>>
            tpu.vector_store_idx %scatter3A_1995[%broadcast_in_dim3A_1986, %broadcast_in_dim3A_1988, %add3A_1505], %add3A_1989 masked %eq3A_1501 : memref<4x8x513xf32, #tpu.memory_space<vmem>>[vector<16xi32>, vector<16xi32>, vector<16xi32>], vector<16xf32>, vector<16xi1>
            %broadcast_in_dim3A_1996 = arith.constant 20 : i32
            %broadcast_in_dim3A_1997 = vector.broadcast %broadcast_in_dim3A_1996 : i32 to vector<16xi32>
            %gather3A_1998 = arith.constant 0 : i32
            %gather3A_1999 = arith.constant 0 : i32
            %gather3A_2000 = arith.constant 0 : i32
            %gather3A_2001 = tpu.memref_slice %arg7[%gather3A_1998, %gather3A_1999, %gather3A_2000] : memref<2x512x32xf32, #tpu.memory_space<vmem>> -> memref<1x512x32xf32, #tpu.memory_space<vmem>>
            %gather3A_2002 = tpu.memref_squeeze %gather3A_2001 : memref<1x512x32xf32, #tpu.memory_space<vmem>> -> memref<512x32xf32, #tpu.memory_space<vmem>>
            %gather3A_2003 = tpu.vector_load_idx %gather3A_2002[%add3A_1505, %broadcast_in_dim3A_1997] masked %eq3A_1501 : memref<512x32xf32, #tpu.memory_space<vmem>>[vector<16xi32>, vector<16xi32>], vector<16xf32>, vector<16xi1>
            %broadcast_in_dim3A_2004 = arith.constant 4 : i32
            %broadcast_in_dim3A_2005 = vector.broadcast %broadcast_in_dim3A_2004 : i32 to vector<16xi32>
            %broadcast_in_dim3A_2006 = vector.shape_cast %broadcast_in_dim3A_2005 : vector<16xi32> to vector<16x1xi32>
            %gather3A_2007 = vector.shape_cast %broadcast_in_dim3A_2006 : vector<16x1xi32> to vector<16xi32>
            %gather3A_2008 = tpu.dynamic_gather %get3A_1441[%gather3A_2007] in [0] : vector<16xf32>, vector<16xi32> -> vector<16xf32>
            %broadcast_in_dim3A_2009 = arith.constant 2 : i32
            %broadcast_in_dim3A_2010 = vector.broadcast %broadcast_in_dim3A_2009 : i32 to vector<16xi32>
            %broadcast_in_dim3A_2011 = arith.constant 4 : i32
            %broadcast_in_dim3A_2012 = vector.broadcast %broadcast_in_dim3A_2011 : i32 to vector<16xi32>
            %add3A_2013 = arith.addf %gather3A_2003, %gather3A_2008 : vector<16xf32>
            %scatter3A_2014 = arith.constant 0 : i32
            %scatter3A_2015 = arith.constant 0 : i32
            %scatter3A_2016 = arith.constant 0 : i32
            %scatter3A_2017 = arith.constant 0 : i32
            %scatter3A_2018 = tpu.memref_slice %arg8[%scatter3A_2014, %scatter3A_2015, %scatter3A_2016, %scatter3A_2017] : memref<2x4x8x513xf32, #tpu.memory_space<vmem>> -> memref<1x4x8x513xf32, #tpu.memory_space<vmem>>
            %scatter3A_2019 = tpu.memref_squeeze %scatter3A_2018 : memref<1x4x8x513xf32, #tpu.memory_space<vmem>> -> memref<4x8x513xf32, #tpu.memory_space<vmem>>
            tpu.vector_store_idx %scatter3A_2019[%broadcast_in_dim3A_2010, %broadcast_in_dim3A_2012, %add3A_1505], %add3A_2013 masked %eq3A_1501 : memref<4x8x513xf32, #tpu.memory_space<vmem>>[vector<16xi32>, vector<16xi32>, vector<16xi32>], vector<16xf32>, vector<16xi1>
            %broadcast_in_dim3A_2020 = arith.constant 21 : i32
            %broadcast_in_dim3A_2021 = vector.broadcast %broadcast_in_dim3A_2020 : i32 to vector<16xi32>
            %gather3A_2022 = arith.constant 0 : i32
            %gather3A_2023 = arith.constant 0 : i32
            %gather3A_2024 = arith.constant 0 : i32
            %gather3A_2025 = tpu.memref_slice %arg7[%gather3A_2022, %gather3A_2023, %gather3A_2024] : memref<2x512x32xf32, #tpu.memory_space<vmem>> -> memref<1x512x32xf32, #tpu.memory_space<vmem>>
            %gather3A_2026 = tpu.memref_squeeze %gather3A_2025 : memref<1x512x32xf32, #tpu.memory_space<vmem>> -> memref<512x32xf32, #tpu.memory_space<vmem>>
            %gather3A_2027 = tpu.vector_load_idx %gather3A_2026[%add3A_1505, %broadcast_in_dim3A_2021] masked %eq3A_1501 : memref<512x32xf32, #tpu.memory_space<vmem>>[vector<16xi32>, vector<16xi32>], vector<16xf32>, vector<16xi1>
            %broadcast_in_dim3A_2028 = arith.constant 5 : i32
            %broadcast_in_dim3A_2029 = vector.broadcast %broadcast_in_dim3A_2028 : i32 to vector<16xi32>
            %broadcast_in_dim3A_2030 = vector.shape_cast %broadcast_in_dim3A_2029 : vector<16xi32> to vector<16x1xi32>
            %gather3A_2031 = vector.shape_cast %broadcast_in_dim3A_2030 : vector<16x1xi32> to vector<16xi32>
            %gather3A_2032 = tpu.dynamic_gather %get3A_1441[%gather3A_2031] in [0] : vector<16xf32>, vector<16xi32> -> vector<16xf32>
            %broadcast_in_dim3A_2033 = arith.constant 2 : i32
            %broadcast_in_dim3A_2034 = vector.broadcast %broadcast_in_dim3A_2033 : i32 to vector<16xi32>
            %broadcast_in_dim3A_2035 = arith.constant 5 : i32
            %broadcast_in_dim3A_2036 = vector.broadcast %broadcast_in_dim3A_2035 : i32 to vector<16xi32>
            %add3A_2037 = arith.addf %gather3A_2027, %gather3A_2032 : vector<16xf32>
            %scatter3A_2038 = arith.constant 0 : i32
            %scatter3A_2039 = arith.constant 0 : i32
            %scatter3A_2040 = arith.constant 0 : i32
            %scatter3A_2041 = arith.constant 0 : i32
            %scatter3A_2042 = tpu.memref_slice %arg8[%scatter3A_2038, %scatter3A_2039, %scatter3A_2040, %scatter3A_2041] : memref<2x4x8x513xf32, #tpu.memory_space<vmem>> -> memref<1x4x8x513xf32, #tpu.memory_space<vmem>>
            %scatter3A_2043 = tpu.memref_squeeze %scatter3A_2042 : memref<1x4x8x513xf32, #tpu.memory_space<vmem>> -> memref<4x8x513xf32, #tpu.memory_space<vmem>>
            tpu.vector_store_idx %scatter3A_2043[%broadcast_in_dim3A_2034, %broadcast_in_dim3A_2036, %add3A_1505], %add3A_2037 masked %eq3A_1501 : memref<4x8x513xf32, #tpu.memory_space<vmem>>[vector<16xi32>, vector<16xi32>, vector<16xi32>], vector<16xf32>, vector<16xi1>
            %broadcast_in_dim3A_2044 = arith.constant 22 : i32
            %broadcast_in_dim3A_2045 = vector.broadcast %broadcast_in_dim3A_2044 : i32 to vector<16xi32>
            %gather3A_2046 = arith.constant 0 : i32
            %gather3A_2047 = arith.constant 0 : i32
            %gather3A_2048 = arith.constant 0 : i32
            %gather3A_2049 = tpu.memref_slice %arg7[%gather3A_2046, %gather3A_2047, %gather3A_2048] : memref<2x512x32xf32, #tpu.memory_space<vmem>> -> memref<1x512x32xf32, #tpu.memory_space<vmem>>
            %gather3A_2050 = tpu.memref_squeeze %gather3A_2049 : memref<1x512x32xf32, #tpu.memory_space<vmem>> -> memref<512x32xf32, #tpu.memory_space<vmem>>
            %gather3A_2051 = tpu.vector_load_idx %gather3A_2050[%add3A_1505, %broadcast_in_dim3A_2045] masked %eq3A_1501 : memref<512x32xf32, #tpu.memory_space<vmem>>[vector<16xi32>, vector<16xi32>], vector<16xf32>, vector<16xi1>
            %broadcast_in_dim3A_2052 = arith.constant 6 : i32
            %broadcast_in_dim3A_2053 = vector.broadcast %broadcast_in_dim3A_2052 : i32 to vector<16xi32>
            %broadcast_in_dim3A_2054 = vector.shape_cast %broadcast_in_dim3A_2053 : vector<16xi32> to vector<16x1xi32>
            %gather3A_2055 = vector.shape_cast %broadcast_in_dim3A_2054 : vector<16x1xi32> to vector<16xi32>
            %gather3A_2056 = tpu.dynamic_gather %get3A_1441[%gather3A_2055] in [0] : vector<16xf32>, vector<16xi32> -> vector<16xf32>
            %broadcast_in_dim3A_2057 = arith.constant 2 : i32
            %broadcast_in_dim3A_2058 = vector.broadcast %broadcast_in_dim3A_2057 : i32 to vector<16xi32>
            %broadcast_in_dim3A_2059 = arith.constant 6 : i32
            %broadcast_in_dim3A_2060 = vector.broadcast %broadcast_in_dim3A_2059 : i32 to vector<16xi32>
            %add3A_2061 = arith.addf %gather3A_2051, %gather3A_2056 : vector<16xf32>
            %scatter3A_2062 = arith.constant 0 : i32
            %scatter3A_2063 = arith.constant 0 : i32
            %scatter3A_2064 = arith.constant 0 : i32
            %scatter3A_2065 = arith.constant 0 : i32
            %scatter3A_2066 = tpu.memref_slice %arg8[%scatter3A_2062, %scatter3A_2063, %scatter3A_2064, %scatter3A_2065] : memref<2x4x8x513xf32, #tpu.memory_space<vmem>> -> memref<1x4x8x513xf32, #tpu.memory_space<vmem>>
            %scatter3A_2067 = tpu.memref_squeeze %scatter3A_2066 : memref<1x4x8x513xf32, #tpu.memory_space<vmem>> -> memref<4x8x513xf32, #tpu.memory_space<vmem>>
            tpu.vector_store_idx %scatter3A_2067[%broadcast_in_dim3A_2058, %broadcast_in_dim3A_2060, %add3A_1505], %add3A_2061 masked %eq3A_1501 : memref<4x8x513xf32, #tpu.memory_space<vmem>>[vector<16xi32>, vector<16xi32>, vector<16xi32>], vector<16xf32>, vector<16xi1>
            %broadcast_in_dim3A_2068 = arith.constant 23 : i32
            %broadcast_in_dim3A_2069 = vector.broadcast %broadcast_in_dim3A_2068 : i32 to vector<16xi32>
            %gather3A_2070 = arith.constant 0 : i32
            %gather3A_2071 = arith.constant 0 : i32
            %gather3A_2072 = arith.constant 0 : i32
            %gather3A_2073 = tpu.memref_slice %arg7[%gather3A_2070, %gather3A_2071, %gather3A_2072] : memref<2x512x32xf32, #tpu.memory_space<vmem>> -> memref<1x512x32xf32, #tpu.memory_space<vmem>>
            %gather3A_2074 = tpu.memref_squeeze %gather3A_2073 : memref<1x512x32xf32, #tpu.memory_space<vmem>> -> memref<512x32xf32, #tpu.memory_space<vmem>>
            %gather3A_2075 = tpu.vector_load_idx %gather3A_2074[%add3A_1505, %broadcast_in_dim3A_2069] masked %eq3A_1501 : memref<512x32xf32, #tpu.memory_space<vmem>>[vector<16xi32>, vector<16xi32>], vector<16xf32>, vector<16xi1>
            %broadcast_in_dim3A_2076 = arith.constant 7 : i32
            %broadcast_in_dim3A_2077 = vector.broadcast %broadcast_in_dim3A_2076 : i32 to vector<16xi32>
            %broadcast_in_dim3A_2078 = vector.shape_cast %broadcast_in_dim3A_2077 : vector<16xi32> to vector<16x1xi32>
            %gather3A_2079 = vector.shape_cast %broadcast_in_dim3A_2078 : vector<16x1xi32> to vector<16xi32>
            %gather3A_2080 = tpu.dynamic_gather %get3A_1441[%gather3A_2079] in [0] : vector<16xf32>, vector<16xi32> -> vector<16xf32>
            %broadcast_in_dim3A_2081 = arith.constant 2 : i32
            %broadcast_in_dim3A_2082 = vector.broadcast %broadcast_in_dim3A_2081 : i32 to vector<16xi32>
            %broadcast_in_dim3A_2083 = arith.constant 7 : i32
            %broadcast_in_dim3A_2084 = vector.broadcast %broadcast_in_dim3A_2083 : i32 to vector<16xi32>
            %add3A_2085 = arith.addf %gather3A_2075, %gather3A_2080 : vector<16xf32>
            %scatter3A_2086 = arith.constant 0 : i32
            %scatter3A_2087 = arith.constant 0 : i32
            %scatter3A_2088 = arith.constant 0 : i32
            %scatter3A_2089 = arith.constant 0 : i32
            %scatter3A_2090 = tpu.memref_slice %arg8[%scatter3A_2086, %scatter3A_2087, %scatter3A_2088, %scatter3A_2089] : memref<2x4x8x513xf32, #tpu.memory_space<vmem>> -> memref<1x4x8x513xf32, #tpu.memory_space<vmem>>
            %scatter3A_2091 = tpu.memref_squeeze %scatter3A_2090 : memref<1x4x8x513xf32, #tpu.memory_space<vmem>> -> memref<4x8x513xf32, #tpu.memory_space<vmem>>
            tpu.vector_store_idx %scatter3A_2091[%broadcast_in_dim3A_2082, %broadcast_in_dim3A_2084, %add3A_1505], %add3A_2085 masked %eq3A_1501 : memref<4x8x513xf32, #tpu.memory_space<vmem>>[vector<16xi32>, vector<16xi32>, vector<16xi32>], vector<16xf32>, vector<16xi1>
            %broadcast_in_dim3A_2092 = arith.constant 24 : i32
            %broadcast_in_dim3A_2093 = vector.broadcast %broadcast_in_dim3A_2092 : i32 to vector<16xi32>
            %gather3A_2094 = arith.constant 0 : i32
            %gather3A_2095 = arith.constant 0 : i32
            %gather3A_2096 = arith.constant 0 : i32
            %gather3A_2097 = tpu.memref_slice %arg7[%gather3A_2094, %gather3A_2095, %gather3A_2096] : memref<2x512x32xf32, #tpu.memory_space<vmem>> -> memref<1x512x32xf32, #tpu.memory_space<vmem>>
            %gather3A_2098 = tpu.memref_squeeze %gather3A_2097 : memref<1x512x32xf32, #tpu.memory_space<vmem>> -> memref<512x32xf32, #tpu.memory_space<vmem>>
            %gather3A_2099 = tpu.vector_load_idx %gather3A_2098[%add3A_1505, %broadcast_in_dim3A_2093] masked %eq3A_1501 : memref<512x32xf32, #tpu.memory_space<vmem>>[vector<16xi32>, vector<16xi32>], vector<16xf32>, vector<16xi1>
            %broadcast_in_dim3A_2100 = arith.constant 8 : i32
            %broadcast_in_dim3A_2101 = vector.broadcast %broadcast_in_dim3A_2100 : i32 to vector<16xi32>
            %broadcast_in_dim3A_2102 = vector.shape_cast %broadcast_in_dim3A_2101 : vector<16xi32> to vector<16x1xi32>
            %gather3A_2103 = vector.shape_cast %broadcast_in_dim3A_2102 : vector<16x1xi32> to vector<16xi32>
            %gather3A_2104 = tpu.dynamic_gather %get3A_1441[%gather3A_2103] in [0] : vector<16xf32>, vector<16xi32> -> vector<16xf32>
            %broadcast_in_dim3A_2105 = arith.constant 3 : i32
            %broadcast_in_dim3A_2106 = vector.broadcast %broadcast_in_dim3A_2105 : i32 to vector<16xi32>
            %broadcast_in_dim3A_2107 = arith.constant 0 : i32
            %broadcast_in_dim3A_2108 = vector.broadcast %broadcast_in_dim3A_2107 : i32 to vector<16xi32>
            %add3A_2109 = arith.addf %gather3A_2099, %gather3A_2104 : vector<16xf32>
            %scatter3A_2110 = arith.constant 0 : i32
            %scatter3A_2111 = arith.constant 0 : i32
            %scatter3A_2112 = arith.constant 0 : i32
            %scatter3A_2113 = arith.constant 0 : i32
            %scatter3A_2114 = tpu.memref_slice %arg8[%scatter3A_2110, %scatter3A_2111, %scatter3A_2112, %scatter3A_2113] : memref<2x4x8x513xf32, #tpu.memory_space<vmem>> -> memref<1x4x8x513xf32, #tpu.memory_space<vmem>>
            %scatter3A_2115 = tpu.memref_squeeze %scatter3A_2114 : memref<1x4x8x513xf32, #tpu.memory_space<vmem>> -> memref<4x8x513xf32, #tpu.memory_space<vmem>>
            tpu.vector_store_idx %scatter3A_2115[%broadcast_in_dim3A_2106, %broadcast_in_dim3A_2108, %add3A_1505], %add3A_2109 masked %eq3A_1501 : memref<4x8x513xf32, #tpu.memory_space<vmem>>[vector<16xi32>, vector<16xi32>, vector<16xi32>], vector<16xf32>, vector<16xi1>
            %broadcast_in_dim3A_2116 = arith.constant 25 : i32
            %broadcast_in_dim3A_2117 = vector.broadcast %broadcast_in_dim3A_2116 : i32 to vector<16xi32>
            %gather3A_2118 = arith.constant 0 : i32
            %gather3A_2119 = arith.constant 0 : i32
            %gather3A_2120 = arith.constant 0 : i32
            %gather3A_2121 = tpu.memref_slice %arg7[%gather3A_2118, %gather3A_2119, %gather3A_2120] : memref<2x512x32xf32, #tpu.memory_space<vmem>> -> memref<1x512x32xf32, #tpu.memory_space<vmem>>
            %gather3A_2122 = tpu.memref_squeeze %gather3A_2121 : memref<1x512x32xf32, #tpu.memory_space<vmem>> -> memref<512x32xf32, #tpu.memory_space<vmem>>
            %gather3A_2123 = tpu.vector_load_idx %gather3A_2122[%add3A_1505, %broadcast_in_dim3A_2117] masked %eq3A_1501 : memref<512x32xf32, #tpu.memory_space<vmem>>[vector<16xi32>, vector<16xi32>], vector<16xf32>, vector<16xi1>
            %broadcast_in_dim3A_2124 = arith.constant 9 : i32
            %broadcast_in_dim3A_2125 = vector.broadcast %broadcast_in_dim3A_2124 : i32 to vector<16xi32>
            %broadcast_in_dim3A_2126 = vector.shape_cast %broadcast_in_dim3A_2125 : vector<16xi32> to vector<16x1xi32>
            %gather3A_2127 = vector.shape_cast %broadcast_in_dim3A_2126 : vector<16x1xi32> to vector<16xi32>
            %gather3A_2128 = tpu.dynamic_gather %get3A_1441[%gather3A_2127] in [0] : vector<16xf32>, vector<16xi32> -> vector<16xf32>
            %broadcast_in_dim3A_2129 = arith.constant 3 : i32
            %broadcast_in_dim3A_2130 = vector.broadcast %broadcast_in_dim3A_2129 : i32 to vector<16xi32>
            %broadcast_in_dim3A_2131 = arith.constant 1 : i32
            %broadcast_in_dim3A_2132 = vector.broadcast %broadcast_in_dim3A_2131 : i32 to vector<16xi32>
            %add3A_2133 = arith.addf %gather3A_2123, %gather3A_2128 : vector<16xf32>
            %scatter3A_2134 = arith.constant 0 : i32
            %scatter3A_2135 = arith.constant 0 : i32
            %scatter3A_2136 = arith.constant 0 : i32
            %scatter3A_2137 = arith.constant 0 : i32
            %scatter3A_2138 = tpu.memref_slice %arg8[%scatter3A_2134, %scatter3A_2135, %scatter3A_2136, %scatter3A_2137] : memref<2x4x8x513xf32, #tpu.memory_space<vmem>> -> memref<1x4x8x513xf32, #tpu.memory_space<vmem>>
            %scatter3A_2139 = tpu.memref_squeeze %scatter3A_2138 : memref<1x4x8x513xf32, #tpu.memory_space<vmem>> -> memref<4x8x513xf32, #tpu.memory_space<vmem>>
            tpu.vector_store_idx %scatter3A_2139[%broadcast_in_dim3A_2130, %broadcast_in_dim3A_2132, %add3A_1505], %add3A_2133 masked %eq3A_1501 : memref<4x8x513xf32, #tpu.memory_space<vmem>>[vector<16xi32>, vector<16xi32>, vector<16xi32>], vector<16xf32>, vector<16xi1>
            %broadcast_in_dim3A_2140 = arith.constant 26 : i32
            %broadcast_in_dim3A_2141 = vector.broadcast %broadcast_in_dim3A_2140 : i32 to vector<16xi32>
            %gather3A_2142 = arith.constant 0 : i32
            %gather3A_2143 = arith.constant 0 : i32
            %gather3A_2144 = arith.constant 0 : i32
            %gather3A_2145 = tpu.memref_slice %arg7[%gather3A_2142, %gather3A_2143, %gather3A_2144] : memref<2x512x32xf32, #tpu.memory_space<vmem>> -> memref<1x512x32xf32, #tpu.memory_space<vmem>>
            %gather3A_2146 = tpu.memref_squeeze %gather3A_2145 : memref<1x512x32xf32, #tpu.memory_space<vmem>> -> memref<512x32xf32, #tpu.memory_space<vmem>>
            %gather3A_2147 = tpu.vector_load_idx %gather3A_2146[%add3A_1505, %broadcast_in_dim3A_2141] masked %eq3A_1501 : memref<512x32xf32, #tpu.memory_space<vmem>>[vector<16xi32>, vector<16xi32>], vector<16xf32>, vector<16xi1>
            %broadcast_in_dim3A_2148 = arith.constant 10 : i32
            %broadcast_in_dim3A_2149 = vector.broadcast %broadcast_in_dim3A_2148 : i32 to vector<16xi32>
            %broadcast_in_dim3A_2150 = vector.shape_cast %broadcast_in_dim3A_2149 : vector<16xi32> to vector<16x1xi32>
            %gather3A_2151 = vector.shape_cast %broadcast_in_dim3A_2150 : vector<16x1xi32> to vector<16xi32>
            %gather3A_2152 = tpu.dynamic_gather %get3A_1441[%gather3A_2151] in [0] : vector<16xf32>, vector<16xi32> -> vector<16xf32>
            %broadcast_in_dim3A_2153 = arith.constant 3 : i32
            %broadcast_in_dim3A_2154 = vector.broadcast %broadcast_in_dim3A_2153 : i32 to vector<16xi32>
            %broadcast_in_dim3A_2155 = arith.constant 2 : i32
            %broadcast_in_dim3A_2156 = vector.broadcast %broadcast_in_dim3A_2155 : i32 to vector<16xi32>
            %add3A_2157 = arith.addf %gather3A_2147, %gather3A_2152 : vector<16xf32>
            %scatter3A_2158 = arith.constant 0 : i32
            %scatter3A_2159 = arith.constant 0 : i32
            %scatter3A_2160 = arith.constant 0 : i32
            %scatter3A_2161 = arith.constant 0 : i32
            %scatter3A_2162 = tpu.memref_slice %arg8[%scatter3A_2158, %scatter3A_2159, %scatter3A_2160, %scatter3A_2161] : memref<2x4x8x513xf32, #tpu.memory_space<vmem>> -> memref<1x4x8x513xf32, #tpu.memory_space<vmem>>
            %scatter3A_2163 = tpu.memref_squeeze %scatter3A_2162 : memref<1x4x8x513xf32, #tpu.memory_space<vmem>> -> memref<4x8x513xf32, #tpu.memory_space<vmem>>
            tpu.vector_store_idx %scatter3A_2163[%broadcast_in_dim3A_2154, %broadcast_in_dim3A_2156, %add3A_1505], %add3A_2157 masked %eq3A_1501 : memref<4x8x513xf32, #tpu.memory_space<vmem>>[vector<16xi32>, vector<16xi32>, vector<16xi32>], vector<16xf32>, vector<16xi1>
            %broadcast_in_dim3A_2164 = arith.constant 27 : i32
            %broadcast_in_dim3A_2165 = vector.broadcast %broadcast_in_dim3A_2164 : i32 to vector<16xi32>
            %gather3A_2166 = arith.constant 0 : i32
            %gather3A_2167 = arith.constant 0 : i32
            %gather3A_2168 = arith.constant 0 : i32
            %gather3A_2169 = tpu.memref_slice %arg7[%gather3A_2166, %gather3A_2167, %gather3A_2168] : memref<2x512x32xf32, #tpu.memory_space<vmem>> -> memref<1x512x32xf32, #tpu.memory_space<vmem>>
            %gather3A_2170 = tpu.memref_squeeze %gather3A_2169 : memref<1x512x32xf32, #tpu.memory_space<vmem>> -> memref<512x32xf32, #tpu.memory_space<vmem>>
            %gather3A_2171 = tpu.vector_load_idx %gather3A_2170[%add3A_1505, %broadcast_in_dim3A_2165] masked %eq3A_1501 : memref<512x32xf32, #tpu.memory_space<vmem>>[vector<16xi32>, vector<16xi32>], vector<16xf32>, vector<16xi1>
            %broadcast_in_dim3A_2172 = arith.constant 11 : i32
            %broadcast_in_dim3A_2173 = vector.broadcast %broadcast_in_dim3A_2172 : i32 to vector<16xi32>
            %broadcast_in_dim3A_2174 = vector.shape_cast %broadcast_in_dim3A_2173 : vector<16xi32> to vector<16x1xi32>
            %gather3A_2175 = vector.shape_cast %broadcast_in_dim3A_2174 : vector<16x1xi32> to vector<16xi32>
            %gather3A_2176 = tpu.dynamic_gather %get3A_1441[%gather3A_2175] in [0] : vector<16xf32>, vector<16xi32> -> vector<16xf32>
            %broadcast_in_dim3A_2177 = arith.constant 3 : i32
            %broadcast_in_dim3A_2178 = vector.broadcast %broadcast_in_dim3A_2177 : i32 to vector<16xi32>
            %broadcast_in_dim3A_2179 = arith.constant 3 : i32
            %broadcast_in_dim3A_2180 = vector.broadcast %broadcast_in_dim3A_2179 : i32 to vector<16xi32>
            %add3A_2181 = arith.addf %gather3A_2171, %gather3A_2176 : vector<16xf32>
            %scatter3A_2182 = arith.constant 0 : i32
            %scatter3A_2183 = arith.constant 0 : i32
            %scatter3A_2184 = arith.constant 0 : i32
            %scatter3A_2185 = arith.constant 0 : i32
            %scatter3A_2186 = tpu.memref_slice %arg8[%scatter3A_2182, %scatter3A_2183, %scatter3A_2184, %scatter3A_2185] : memref<2x4x8x513xf32, #tpu.memory_space<vmem>> -> memref<1x4x8x513xf32, #tpu.memory_space<vmem>>
            %scatter3A_2187 = tpu.memref_squeeze %scatter3A_2186 : memref<1x4x8x513xf32, #tpu.memory_space<vmem>> -> memref<4x8x513xf32, #tpu.memory_space<vmem>>
            tpu.vector_store_idx %scatter3A_2187[%broadcast_in_dim3A_2178, %broadcast_in_dim3A_2180, %add3A_1505], %add3A_2181 masked %eq3A_1501 : memref<4x8x513xf32, #tpu.memory_space<vmem>>[vector<16xi32>, vector<16xi32>, vector<16xi32>], vector<16xf32>, vector<16xi1>
            %broadcast_in_dim3A_2188 = arith.constant 28 : i32
            %broadcast_in_dim3A_2189 = vector.broadcast %broadcast_in_dim3A_2188 : i32 to vector<16xi32>
            %gather3A_2190 = arith.constant 0 : i32
            %gather3A_2191 = arith.constant 0 : i32
            %gather3A_2192 = arith.constant 0 : i32
            %gather3A_2193 = tpu.memref_slice %arg7[%gather3A_2190, %gather3A_2191, %gather3A_2192] : memref<2x512x32xf32, #tpu.memory_space<vmem>> -> memref<1x512x32xf32, #tpu.memory_space<vmem>>
            %gather3A_2194 = tpu.memref_squeeze %gather3A_2193 : memref<1x512x32xf32, #tpu.memory_space<vmem>> -> memref<512x32xf32, #tpu.memory_space<vmem>>
            %gather3A_2195 = tpu.vector_load_idx %gather3A_2194[%add3A_1505, %broadcast_in_dim3A_2189] masked %eq3A_1501 : memref<512x32xf32, #tpu.memory_space<vmem>>[vector<16xi32>, vector<16xi32>], vector<16xf32>, vector<16xi1>
            %broadcast_in_dim3A_2196 = arith.constant 12 : i32
            %broadcast_in_dim3A_2197 = vector.broadcast %broadcast_in_dim3A_2196 : i32 to vector<16xi32>
            %broadcast_in_dim3A_2198 = vector.shape_cast %broadcast_in_dim3A_2197 : vector<16xi32> to vector<16x1xi32>
            %gather3A_2199 = vector.shape_cast %broadcast_in_dim3A_2198 : vector<16x1xi32> to vector<16xi32>
            %gather3A_2200 = tpu.dynamic_gather %get3A_1441[%gather3A_2199] in [0] : vector<16xf32>, vector<16xi32> -> vector<16xf32>
            %broadcast_in_dim3A_2201 = arith.constant 3 : i32
            %broadcast_in_dim3A_2202 = vector.broadcast %broadcast_in_dim3A_2201 : i32 to vector<16xi32>
            %broadcast_in_dim3A_2203 = arith.constant 4 : i32
            %broadcast_in_dim3A_2204 = vector.broadcast %broadcast_in_dim3A_2203 : i32 to vector<16xi32>
            %add3A_2205 = arith.addf %gather3A_2195, %gather3A_2200 : vector<16xf32>
            %scatter3A_2206 = arith.constant 0 : i32
            %scatter3A_2207 = arith.constant 0 : i32
            %scatter3A_2208 = arith.constant 0 : i32
            %scatter3A_2209 = arith.constant 0 : i32
            %scatter3A_2210 = tpu.memref_slice %arg8[%scatter3A_2206, %scatter3A_2207, %scatter3A_2208, %scatter3A_2209] : memref<2x4x8x513xf32, #tpu.memory_space<vmem>> -> memref<1x4x8x513xf32, #tpu.memory_space<vmem>>
            %scatter3A_2211 = tpu.memref_squeeze %scatter3A_2210 : memref<1x4x8x513xf32, #tpu.memory_space<vmem>> -> memref<4x8x513xf32, #tpu.memory_space<vmem>>
            tpu.vector_store_idx %scatter3A_2211[%broadcast_in_dim3A_2202, %broadcast_in_dim3A_2204, %add3A_1505], %add3A_2205 masked %eq3A_1501 : memref<4x8x513xf32, #tpu.memory_space<vmem>>[vector<16xi32>, vector<16xi32>, vector<16xi32>], vector<16xf32>, vector<16xi1>
            %broadcast_in_dim3A_2212 = arith.constant 29 : i32
            %broadcast_in_dim3A_2213 = vector.broadcast %broadcast_in_dim3A_2212 : i32 to vector<16xi32>
            %gather3A_2214 = arith.constant 0 : i32
            %gather3A_2215 = arith.constant 0 : i32
            %gather3A_2216 = arith.constant 0 : i32
            %gather3A_2217 = tpu.memref_slice %arg7[%gather3A_2214, %gather3A_2215, %gather3A_2216] : memref<2x512x32xf32, #tpu.memory_space<vmem>> -> memref<1x512x32xf32, #tpu.memory_space<vmem>>
            %gather3A_2218 = tpu.memref_squeeze %gather3A_2217 : memref<1x512x32xf32, #tpu.memory_space<vmem>> -> memref<512x32xf32, #tpu.memory_space<vmem>>
            %gather3A_2219 = tpu.vector_load_idx %gather3A_2218[%add3A_1505, %broadcast_in_dim3A_2213] masked %eq3A_1501 : memref<512x32xf32, #tpu.memory_space<vmem>>[vector<16xi32>, vector<16xi32>], vector<16xf32>, vector<16xi1>
            %broadcast_in_dim3A_2220 = arith.constant 13 : i32
            %broadcast_in_dim3A_2221 = vector.broadcast %broadcast_in_dim3A_2220 : i32 to vector<16xi32>
            %broadcast_in_dim3A_2222 = vector.shape_cast %broadcast_in_dim3A_2221 : vector<16xi32> to vector<16x1xi32>
            %gather3A_2223 = vector.shape_cast %broadcast_in_dim3A_2222 : vector<16x1xi32> to vector<16xi32>
            %gather3A_2224 = tpu.dynamic_gather %get3A_1441[%gather3A_2223] in [0] : vector<16xf32>, vector<16xi32> -> vector<16xf32>
            %broadcast_in_dim3A_2225 = arith.constant 3 : i32
            %broadcast_in_dim3A_2226 = vector.broadcast %broadcast_in_dim3A_2225 : i32 to vector<16xi32>
            %broadcast_in_dim3A_2227 = arith.constant 5 : i32
            %broadcast_in_dim3A_2228 = vector.broadcast %broadcast_in_dim3A_2227 : i32 to vector<16xi32>
            %add3A_2229 = arith.addf %gather3A_2219, %gather3A_2224 : vector<16xf32>
            %scatter3A_2230 = arith.constant 0 : i32
            %scatter3A_2231 = arith.constant 0 : i32
            %scatter3A_2232 = arith.constant 0 : i32
            %scatter3A_2233 = arith.constant 0 : i32
            %scatter3A_2234 = tpu.memref_slice %arg8[%scatter3A_2230, %scatter3A_2231, %scatter3A_2232, %scatter3A_2233] : memref<2x4x8x513xf32, #tpu.memory_space<vmem>> -> memref<1x4x8x513xf32, #tpu.memory_space<vmem>>
            %scatter3A_2235 = tpu.memref_squeeze %scatter3A_2234 : memref<1x4x8x513xf32, #tpu.memory_space<vmem>> -> memref<4x8x513xf32, #tpu.memory_space<vmem>>
            tpu.vector_store_idx %scatter3A_2235[%broadcast_in_dim3A_2226, %broadcast_in_dim3A_2228, %add3A_1505], %add3A_2229 masked %eq3A_1501 : memref<4x8x513xf32, #tpu.memory_space<vmem>>[vector<16xi32>, vector<16xi32>, vector<16xi32>], vector<16xf32>, vector<16xi1>
            %broadcast_in_dim3A_2236 = arith.constant 30 : i32
            %broadcast_in_dim3A_2237 = vector.broadcast %broadcast_in_dim3A_2236 : i32 to vector<16xi32>
            %gather3A_2238 = arith.constant 0 : i32
            %gather3A_2239 = arith.constant 0 : i32
            %gather3A_2240 = arith.constant 0 : i32
            %gather3A_2241 = tpu.memref_slice %arg7[%gather3A_2238, %gather3A_2239, %gather3A_2240] : memref<2x512x32xf32, #tpu.memory_space<vmem>> -> memref<1x512x32xf32, #tpu.memory_space<vmem>>
            %gather3A_2242 = tpu.memref_squeeze %gather3A_2241 : memref<1x512x32xf32, #tpu.memory_space<vmem>> -> memref<512x32xf32, #tpu.memory_space<vmem>>
            %gather3A_2243 = tpu.vector_load_idx %gather3A_2242[%add3A_1505, %broadcast_in_dim3A_2237] masked %eq3A_1501 : memref<512x32xf32, #tpu.memory_space<vmem>>[vector<16xi32>, vector<16xi32>], vector<16xf32>, vector<16xi1>
            %broadcast_in_dim3A_2244 = arith.constant 14 : i32
            %broadcast_in_dim3A_2245 = vector.broadcast %broadcast_in_dim3A_2244 : i32 to vector<16xi32>
            %broadcast_in_dim3A_2246 = vector.shape_cast %broadcast_in_dim3A_2245 : vector<16xi32> to vector<16x1xi32>
            %gather3A_2247 = vector.shape_cast %broadcast_in_dim3A_2246 : vector<16x1xi32> to vector<16xi32>
            %gather3A_2248 = tpu.dynamic_gather %get3A_1441[%gather3A_2247] in [0] : vector<16xf32>, vector<16xi32> -> vector<16xf32>
            %broadcast_in_dim3A_2249 = arith.constant 3 : i32
            %broadcast_in_dim3A_2250 = vector.broadcast %broadcast_in_dim3A_2249 : i32 to vector<16xi32>
            %broadcast_in_dim3A_2251 = arith.constant 6 : i32
            %broadcast_in_dim3A_2252 = vector.broadcast %broadcast_in_dim3A_2251 : i32 to vector<16xi32>
            %add3A_2253 = arith.addf %gather3A_2243, %gather3A_2248 : vector<16xf32>
            %scatter3A_2254 = arith.constant 0 : i32
            %scatter3A_2255 = arith.constant 0 : i32
            %scatter3A_2256 = arith.constant 0 : i32
            %scatter3A_2257 = arith.constant 0 : i32
            %scatter3A_2258 = tpu.memref_slice %arg8[%scatter3A_2254, %scatter3A_2255, %scatter3A_2256, %scatter3A_2257] : memref<2x4x8x513xf32, #tpu.memory_space<vmem>> -> memref<1x4x8x513xf32, #tpu.memory_space<vmem>>
            %scatter3A_2259 = tpu.memref_squeeze %scatter3A_2258 : memref<1x4x8x513xf32, #tpu.memory_space<vmem>> -> memref<4x8x513xf32, #tpu.memory_space<vmem>>
            tpu.vector_store_idx %scatter3A_2259[%broadcast_in_dim3A_2250, %broadcast_in_dim3A_2252, %add3A_1505], %add3A_2253 masked %eq3A_1501 : memref<4x8x513xf32, #tpu.memory_space<vmem>>[vector<16xi32>, vector<16xi32>, vector<16xi32>], vector<16xf32>, vector<16xi1>
            %broadcast_in_dim3A_2260 = arith.constant 31 : i32
            %broadcast_in_dim3A_2261 = vector.broadcast %broadcast_in_dim3A_2260 : i32 to vector<16xi32>
            %gather3A_2262 = arith.constant 0 : i32
            %gather3A_2263 = arith.constant 0 : i32
            %gather3A_2264 = arith.constant 0 : i32
            %gather3A_2265 = tpu.memref_slice %arg7[%gather3A_2262, %gather3A_2263, %gather3A_2264] : memref<2x512x32xf32, #tpu.memory_space<vmem>> -> memref<1x512x32xf32, #tpu.memory_space<vmem>>
            %gather3A_2266 = tpu.memref_squeeze %gather3A_2265 : memref<1x512x32xf32, #tpu.memory_space<vmem>> -> memref<512x32xf32, #tpu.memory_space<vmem>>
            %gather3A_2267 = tpu.vector_load_idx %gather3A_2266[%add3A_1505, %broadcast_in_dim3A_2261] masked %eq3A_1501 : memref<512x32xf32, #tpu.memory_space<vmem>>[vector<16xi32>, vector<16xi32>], vector<16xf32>, vector<16xi1>
            %broadcast_in_dim3A_2268 = arith.constant 15 : i32
            %broadcast_in_dim3A_2269 = vector.broadcast %broadcast_in_dim3A_2268 : i32 to vector<16xi32>
            %broadcast_in_dim3A_2270 = vector.shape_cast %broadcast_in_dim3A_2269 : vector<16xi32> to vector<16x1xi32>
            %gather3A_2271 = vector.shape_cast %broadcast_in_dim3A_2270 : vector<16x1xi32> to vector<16xi32>
            %gather3A_2272 = tpu.dynamic_gather %get3A_1441[%gather3A_2271] in [0] : vector<16xf32>, vector<16xi32> -> vector<16xf32>
            %broadcast_in_dim3A_2273 = arith.constant 3 : i32
            %broadcast_in_dim3A_2274 = vector.broadcast %broadcast_in_dim3A_2273 : i32 to vector<16xi32>
            %broadcast_in_dim3A_2275 = arith.constant 7 : i32
            %broadcast_in_dim3A_2276 = vector.broadcast %broadcast_in_dim3A_2275 : i32 to vector<16xi32>
            %add3A_2277 = arith.addf %gather3A_2267, %gather3A_2272 : vector<16xf32>
            %scatter3A_2278 = arith.constant 0 : i32
            %scatter3A_2279 = arith.constant 0 : i32
            %scatter3A_2280 = arith.constant 0 : i32
            %scatter3A_2281 = arith.constant 0 : i32
            %scatter3A_2282 = tpu.memref_slice %arg8[%scatter3A_2278, %scatter3A_2279, %scatter3A_2280, %scatter3A_2281] : memref<2x4x8x513xf32, #tpu.memory_space<vmem>> -> memref<1x4x8x513xf32, #tpu.memory_space<vmem>>
            %scatter3A_2283 = tpu.memref_squeeze %scatter3A_2282 : memref<1x4x8x513xf32, #tpu.memory_space<vmem>> -> memref<4x8x513xf32, #tpu.memory_space<vmem>>
            tpu.vector_store_idx %scatter3A_2283[%broadcast_in_dim3A_2274, %broadcast_in_dim3A_2276, %add3A_1505], %add3A_2277 masked %eq3A_1501 : memref<4x8x513xf32, #tpu.memory_space<vmem>>[vector<16xi32>, vector<16xi32>, vector<16xi32>], vector<16xf32>, vector<16xi1>
          } else {
          }
        }
        %scan3A_1446 = arith.constant 32 : i32
      } else {
      }
      %add3A_790 = arith.constant 2 : i32
      %add3A_791 = arith.addi %add3A_227, %add3A_790 : i32
      %lt3A_792 = arith.constant 200 : i32
      %lt3A_793 = arith.cmpi slt, %add3A_791, %lt3A_792 : i32
      %convert_element_type3A_794 = arith.extui %lt3A_793 : i1 to i32
      %cond3A_795 = arith.constant 0 : i32
      %cond3A_796 = arith.cmpi ne, %convert_element_type3A_794, %cond3A_795 : i32
      scf.if %cond3A_796 {
        %add3A_1434 = arith.constant 2 : i32
        %add3A_1435 = arith.addi %add3A_227, %add3A_1434 : i32
        %dma_start3A_1436 = arith.constant 0 : i32
        %dma_start3A_1437 = arith.constant 0 : i32
        %dma_start3A_1438 = arith.constant 0 : i32
        %dma_start3A_1439 = tpu.memref_slice %arg6[%dma_start3A_1436, %dma_start3A_1437, %dma_start3A_1438] : memref<2x4x128xi32, #tpu.memory_space<vmem>> -> memref<1x4x128xi32, #tpu.memory_space<vmem>>
        %dma_start3A_1440 = tpu.memref_squeeze %dma_start3A_1439 : memref<1x4x128xi32, #tpu.memory_space<vmem>> -> memref<4x128xi32, #tpu.memory_space<vmem>>
        %dma_start3A_1441 = arith.constant 0 : i32
        %dma_start3A_1442 = tpu.memref_slice %arg2[%add3A_1435, %mul3A_4, %dma_start3A_1441] : memref<200x128x128xi32, #tpu.memory_space<hbm>> -> memref<1x4x128xi32, #tpu.memory_space<hbm>>
        %dma_start3A_1443 = tpu.memref_squeeze %dma_start3A_1442 : memref<1x4x128xi32, #tpu.memory_space<hbm>> -> memref<4x128xi32, #tpu.memory_space<hbm>>
        %dma_start3A_1444 = arith.constant 0 : i32
        %dma_start3A_1445 = arith.constant 0 : i32
        %dma_start3A_1446 = tpu.memref_slice %arg6[%dma_start3A_1436, %dma_start3A_1444, %dma_start3A_1445] : memref<2x4x128xi32, #tpu.memory_space<vmem>> -> memref<1x4x128xi32, #tpu.memory_space<vmem>>
        %dma_start3A_1447 = tpu.memref_squeeze %dma_start3A_1446 : memref<1x4x128xi32, #tpu.memory_space<vmem>> -> memref<4x128xi32, #tpu.memory_space<vmem>>
        %dma_start3A_1448 = arith.constant 0 : i32
        %dma_start3A_1449 = tpu.memref_slice %arg2[%add3A_1435, %mul3A_4, %dma_start3A_1448] : memref<200x128x128xi32, #tpu.memory_space<hbm>> -> memref<1x4x128xi32, #tpu.memory_space<hbm>>
        %dma_start3A_1450 = tpu.memref_squeeze %dma_start3A_1449 : memref<1x4x128xi32, #tpu.memory_space<hbm>> -> memref<4x128xi32, #tpu.memory_space<hbm>>
        tpu.enqueue_dma source(%dma_start3A_1450 : memref<4x128xi32, #tpu.memory_space<hbm>>) target(%dma_start3A_1447 : memref<4x128xi32, #tpu.memory_space<vmem>>) target_semaphore(%arg11 : memref<!tpu.dma_semaphore, #tpu.memory_space<semaphore_mem>>)
      } else {
      }
      %mul3A_797 = arith.constant 4 : i32
      %mul3A_798 = arith.muli %add3A, %mul3A_797 : i32
      %add3A_799 = arith.constant 0 : i32
      %add3A_800 = arith.addi %mul3A_798, %add3A_799 : i32
      %dma_start3A_801 = arith.constant 0 : i32
      %dma_start3A_802 = arith.constant 0 : i32
      %dma_start3A_803 = arith.constant 0 : i32
      %dma_start3A_804 = arith.constant 0 : i32
      %dma_start3A_805 = tpu.memref_slice %arg8[%dma_start3A_801, %dma_start3A_802, %dma_start3A_803, %dma_start3A_804] : memref<2x4x8x513xf32, #tpu.memory_space<vmem>> -> memref<1x4x8x128xf32, #tpu.memory_space<vmem>>
      %dma_start3A_806 = tpu.memref_squeeze %dma_start3A_805 : memref<1x4x8x128xf32, #tpu.memory_space<vmem>> -> memref<4x8x128xf32, #tpu.memory_space<vmem>>
      %dma_start3A_807 = arith.constant 0 : i32
      %dma_start3A_808 = arith.constant 0 : i32
      %dma_start3A_809 = arith.constant 0 : i32
      %dma_start3A_810 = tpu.memref_slice %arg5[%add3A_227, %dma_start3A_807, %add3A_800, %dma_start3A_808, %dma_start3A_809] : memref<200x4x128x8x128xf32, #tpu.memory_space<hbm>> -> memref<1x4x1x8x128xf32, #tpu.memory_space<hbm>>
      %dma_start3A_811 = tpu.memref_squeeze %dma_start3A_810 : memref<1x4x1x8x128xf32, #tpu.memory_space<hbm>> -> memref<4x8x128xf32, #tpu.memory_space<hbm>>
      %dma_start3A_812 = arith.constant 0 : i32
      %dma_start3A_813 = arith.constant 0 : i32
      %dma_start3A_814 = arith.constant 0 : i32
      %dma_start3A_815 = tpu.memref_slice %arg5[%add3A_227, %dma_start3A_812, %add3A_800, %dma_start3A_813, %dma_start3A_814] : memref<200x4x128x8x128xf32, #tpu.memory_space<hbm>> -> memref<1x4x1x8x128xf32, #tpu.memory_space<hbm>>
      %dma_start3A_816 = tpu.memref_squeeze %dma_start3A_815 : memref<1x4x1x8x128xf32, #tpu.memory_space<hbm>> -> memref<4x8x128xf32, #tpu.memory_space<hbm>>
      %dma_start3A_817 = arith.constant 0 : i32
      %dma_start3A_818 = arith.constant 0 : i32
      %dma_start3A_819 = arith.constant 0 : i32
      %dma_start3A_820 = tpu.memref_slice %arg8[%dma_start3A_801, %dma_start3A_817, %dma_start3A_818, %dma_start3A_819] : memref<2x4x8x513xf32, #tpu.memory_space<vmem>> -> memref<1x4x8x128xf32, #tpu.memory_space<vmem>>
      %dma_start3A_821 = tpu.memref_squeeze %dma_start3A_820 : memref<1x4x8x128xf32, #tpu.memory_space<vmem>> -> memref<4x8x128xf32, #tpu.memory_space<vmem>>
      tpu.enqueue_dma source(%dma_start3A_821 : memref<4x8x128xf32, #tpu.memory_space<vmem>>) target(%dma_start3A_816 : memref<4x8x128xf32, #tpu.memory_space<hbm>>) target_semaphore(%arg15 : memref<!tpu.dma_semaphore, #tpu.memory_space<semaphore_mem>>)
      %mul3A_822 = arith.constant 4 : i32
      %mul3A_823 = arith.muli %add3A, %mul3A_822 : i32
      %add3A_824 = arith.constant 1 : i32
      %add3A_825 = arith.addi %mul3A_823, %add3A_824 : i32
      %dma_start3A_826 = arith.constant 0 : i32
      %dma_start3A_827 = arith.constant 0 : i32
      %dma_start3A_828 = arith.constant 0 : i32
      %dma_start3A_829 = arith.constant 128 : i32
      %dma_start3A_830 = tpu.memref_slice %arg8[%dma_start3A_826, %dma_start3A_827, %dma_start3A_828, %dma_start3A_829] : memref<2x4x8x513xf32, #tpu.memory_space<vmem>> -> memref<1x4x8x128xf32, #tpu.memory_space<vmem>>
      %dma_start3A_831 = tpu.memref_squeeze %dma_start3A_830 : memref<1x4x8x128xf32, #tpu.memory_space<vmem>> -> memref<4x8x128xf32, #tpu.memory_space<vmem>>
      %dma_start3A_832 = arith.constant 0 : i32
      %dma_start3A_833 = arith.constant 0 : i32
      %dma_start3A_834 = arith.constant 0 : i32
      %dma_start3A_835 = tpu.memref_slice %arg5[%add3A_227, %dma_start3A_832, %add3A_825, %dma_start3A_833, %dma_start3A_834] : memref<200x4x128x8x128xf32, #tpu.memory_space<hbm>> -> memref<1x4x1x8x128xf32, #tpu.memory_space<hbm>>
      %dma_start3A_836 = tpu.memref_squeeze %dma_start3A_835 : memref<1x4x1x8x128xf32, #tpu.memory_space<hbm>> -> memref<4x8x128xf32, #tpu.memory_space<hbm>>
      %dma_start3A_837 = arith.constant 0 : i32
      %dma_start3A_838 = arith.constant 0 : i32
      %dma_start3A_839 = arith.constant 0 : i32
      %dma_start3A_840 = tpu.memref_slice %arg5[%add3A_227, %dma_start3A_837, %add3A_825, %dma_start3A_838, %dma_start3A_839] : memref<200x4x128x8x128xf32, #tpu.memory_space<hbm>> -> memref<1x4x1x8x128xf32, #tpu.memory_space<hbm>>
      %dma_start3A_841 = tpu.memref_squeeze %dma_start3A_840 : memref<1x4x1x8x128xf32, #tpu.memory_space<hbm>> -> memref<4x8x128xf32, #tpu.memory_space<hbm>>
      %dma_start3A_842 = arith.constant 0 : i32
      %dma_start3A_843 = arith.constant 0 : i32
      %dma_start3A_844 = arith.constant 128 : i32
      %dma_start3A_845 = tpu.memref_slice %arg8[%dma_start3A_826, %dma_start3A_842, %dma_start3A_843, %dma_start3A_844] : memref<2x4x8x513xf32, #tpu.memory_space<vmem>> -> memref<1x4x8x128xf32, #tpu.memory_space<vmem>>
      %dma_start3A_846 = tpu.memref_squeeze %dma_start3A_845 : memref<1x4x8x128xf32, #tpu.memory_space<vmem>> -> memref<4x8x128xf32, #tpu.memory_space<vmem>>
      tpu.enqueue_dma source(%dma_start3A_846 : memref<4x8x128xf32, #tpu.memory_space<vmem>>) target(%dma_start3A_841 : memref<4x8x128xf32, #tpu.memory_space<hbm>>) target_semaphore(%arg15 : memref<!tpu.dma_semaphore, #tpu.memory_space<semaphore_mem>>)
      %mul3A_847 = arith.constant 4 : i32
      %mul3A_848 = arith.muli %add3A, %mul3A_847 : i32
      %add3A_849 = arith.constant 2 : i32
      %add3A_850 = arith.addi %mul3A_848, %add3A_849 : i32
      %dma_start3A_851 = arith.constant 0 : i32
      %dma_start3A_852 = arith.constant 0 : i32
      %dma_start3A_853 = arith.constant 0 : i32
      %dma_start3A_854 = arith.constant 256 : i32
      %dma_start3A_855 = tpu.memref_slice %arg8[%dma_start3A_851, %dma_start3A_852, %dma_start3A_853, %dma_start3A_854] : memref<2x4x8x513xf32, #tpu.memory_space<vmem>> -> memref<1x4x8x128xf32, #tpu.memory_space<vmem>>
      %dma_start3A_856 = tpu.memref_squeeze %dma_start3A_855 : memref<1x4x8x128xf32, #tpu.memory_space<vmem>> -> memref<4x8x128xf32, #tpu.memory_space<vmem>>
      %dma_start3A_857 = arith.constant 0 : i32
      %dma_start3A_858 = arith.constant 0 : i32
      %dma_start3A_859 = arith.constant 0 : i32
      %dma_start3A_860 = tpu.memref_slice %arg5[%add3A_227, %dma_start3A_857, %add3A_850, %dma_start3A_858, %dma_start3A_859] : memref<200x4x128x8x128xf32, #tpu.memory_space<hbm>> -> memref<1x4x1x8x128xf32, #tpu.memory_space<hbm>>
      %dma_start3A_861 = tpu.memref_squeeze %dma_start3A_860 : memref<1x4x1x8x128xf32, #tpu.memory_space<hbm>> -> memref<4x8x128xf32, #tpu.memory_space<hbm>>
      %dma_start3A_862 = arith.constant 0 : i32
      %dma_start3A_863 = arith.constant 0 : i32
      %dma_start3A_864 = arith.constant 0 : i32
      %dma_start3A_865 = tpu.memref_slice %arg5[%add3A_227, %dma_start3A_862, %add3A_850, %dma_start3A_863, %dma_start3A_864] : memref<200x4x128x8x128xf32, #tpu.memory_space<hbm>> -> memref<1x4x1x8x128xf32, #tpu.memory_space<hbm>>
      %dma_start3A_866 = tpu.memref_squeeze %dma_start3A_865 : memref<1x4x1x8x128xf32, #tpu.memory_space<hbm>> -> memref<4x8x128xf32, #tpu.memory_space<hbm>>
      %dma_start3A_867 = arith.constant 0 : i32
      %dma_start3A_868 = arith.constant 0 : i32
      %dma_start3A_869 = arith.constant 256 : i32
      %dma_start3A_870 = tpu.memref_slice %arg8[%dma_start3A_851, %dma_start3A_867, %dma_start3A_868, %dma_start3A_869] : memref<2x4x8x513xf32, #tpu.memory_space<vmem>> -> memref<1x4x8x128xf32, #tpu.memory_space<vmem>>
      %dma_start3A_871 = tpu.memref_squeeze %dma_start3A_870 : memref<1x4x8x128xf32, #tpu.memory_space<vmem>> -> memref<4x8x128xf32, #tpu.memory_space<vmem>>
      tpu.enqueue_dma source(%dma_start3A_871 : memref<4x8x128xf32, #tpu.memory_space<vmem>>) target(%dma_start3A_866 : memref<4x8x128xf32, #tpu.memory_space<hbm>>) target_semaphore(%arg15 : memref<!tpu.dma_semaphore, #tpu.memory_space<semaphore_mem>>)
      %mul3A_872 = arith.constant 4 : i32
      %mul3A_873 = arith.muli %add3A, %mul3A_872 : i32
      %add3A_874 = arith.constant 3 : i32
      %add3A_875 = arith.addi %mul3A_873, %add3A_874 : i32
      %dma_start3A_876 = arith.constant 0 : i32
      %dma_start3A_877 = arith.constant 0 : i32
      %dma_start3A_878 = arith.constant 0 : i32
      %dma_start3A_879 = arith.constant 384 : i32
      %dma_start3A_880 = tpu.memref_slice %arg8[%dma_start3A_876, %dma_start3A_877, %dma_start3A_878, %dma_start3A_879] : memref<2x4x8x513xf32, #tpu.memory_space<vmem>> -> memref<1x4x8x128xf32, #tpu.memory_space<vmem>>
      %dma_start3A_881 = tpu.memref_squeeze %dma_start3A_880 : memref<1x4x8x128xf32, #tpu.memory_space<vmem>> -> memref<4x8x128xf32, #tpu.memory_space<vmem>>
      %dma_start3A_882 = arith.constant 0 : i32
      %dma_start3A_883 = arith.constant 0 : i32
      %dma_start3A_884 = arith.constant 0 : i32
      %dma_start3A_885 = tpu.memref_slice %arg5[%add3A_227, %dma_start3A_882, %add3A_875, %dma_start3A_883, %dma_start3A_884] : memref<200x4x128x8x128xf32, #tpu.memory_space<hbm>> -> memref<1x4x1x8x128xf32, #tpu.memory_space<hbm>>
      %dma_start3A_886 = tpu.memref_squeeze %dma_start3A_885 : memref<1x4x1x8x128xf32, #tpu.memory_space<hbm>> -> memref<4x8x128xf32, #tpu.memory_space<hbm>>
      %dma_start3A_887 = arith.constant 0 : i32
      %dma_start3A_888 = arith.constant 0 : i32
      %dma_start3A_889 = arith.constant 0 : i32
      %dma_start3A_890 = tpu.memref_slice %arg5[%add3A_227, %dma_start3A_887, %add3A_875, %dma_start3A_888, %dma_start3A_889] : memref<200x4x128x8x128xf32, #tpu.memory_space<hbm>> -> memref<1x4x1x8x128xf32, #tpu.memory_space<hbm>>
      %dma_start3A_891 = tpu.memref_squeeze %dma_start3A_890 : memref<1x4x1x8x128xf32, #tpu.memory_space<hbm>> -> memref<4x8x128xf32, #tpu.memory_space<hbm>>
      %dma_start3A_892 = arith.constant 0 : i32
      %dma_start3A_893 = arith.constant 0 : i32
      %dma_start3A_894 = arith.constant 384 : i32
      %dma_start3A_895 = tpu.memref_slice %arg8[%dma_start3A_876, %dma_start3A_892, %dma_start3A_893, %dma_start3A_894] : memref<2x4x8x513xf32, #tpu.memory_space<vmem>> -> memref<1x4x8x128xf32, #tpu.memory_space<vmem>>
      %dma_start3A_896 = tpu.memref_squeeze %dma_start3A_895 : memref<1x4x8x128xf32, #tpu.memory_space<vmem>> -> memref<4x8x128xf32, #tpu.memory_space<vmem>>
      tpu.enqueue_dma source(%dma_start3A_896 : memref<4x8x128xf32, #tpu.memory_space<vmem>>) target(%dma_start3A_891 : memref<4x8x128xf32, #tpu.memory_space<hbm>>) target_semaphore(%arg15 : memref<!tpu.dma_semaphore, #tpu.memory_space<semaphore_mem>>)
      %add3A_897 = arith.constant 1 : i32
      %add3A_898 = arith.addi %add3A_227, %add3A_897 : i32
      %dma_wait3A_899 = arith.constant 1 : i32
      %dma_wait3A_900 = arith.constant 0 : i32
      %dma_wait3A_901 = arith.constant 0 : i32
      %dma_wait3A_902 = tpu.memref_slice %arg7[%dma_wait3A_899, %dma_wait3A_900, %dma_wait3A_901] : memref<2x512x32xf32, #tpu.memory_space<vmem>> -> memref<1x128x32xf32, #tpu.memory_space<vmem>>
      %dma_wait3A_903 = tpu.memref_squeeze %dma_wait3A_902 : memref<1x128x32xf32, #tpu.memory_space<vmem>> -> memref<128x32xf32, #tpu.memory_space<vmem>>
      %dma_wait3A_904 = arith.constant 0 : i32
      %dma_wait3A_905 = arith.constant 0 : i32
      %dma_wait3A_906 = tpu.memref_slice %arg3[%dma_wait3A_904, %dma_wait3A_905] : memref<1000000x32xf32, #tpu.memory_space<hbm>> -> memref<128x32xf32, #tpu.memory_space<hbm>>
      %dma_wait3A_907 = arith.constant 0 : i32
      %dma_wait3A_908 = arith.constant 0 : i32
      %dma_wait3A_909 = tpu.memref_slice %arg7[%dma_wait3A_899, %dma_wait3A_907, %dma_wait3A_908] : memref<2x512x32xf32, #tpu.memory_space<vmem>> -> memref<1x128x32xf32, #tpu.memory_space<vmem>>
      %dma_wait3A_910 = tpu.memref_squeeze %dma_wait3A_909 : memref<1x128x32xf32, #tpu.memory_space<vmem>> -> memref<128x32xf32, #tpu.memory_space<vmem>>
      %dma_wait3A_911 = arith.constant 0 : i32
      %dma_wait3A_912 = arith.constant 0 : i32
      %dma_wait3A_913 = tpu.memref_slice %arg3[%dma_wait3A_911, %dma_wait3A_912] : memref<1000000x32xf32, #tpu.memory_space<hbm>> -> memref<128x32xf32, #tpu.memory_space<hbm>>
      tpu.wait_dma2 semaphore(%arg14 : memref<!tpu.dma_semaphore, #tpu.memory_space<semaphore_mem>>) src(%dma_wait3A_913 : memref<128x32xf32, #tpu.memory_space<hbm>>) dst(%dma_wait3A_910 : memref<128x32xf32, #tpu.memory_space<vmem>>)
      %dma_wait3A_914 = arith.constant 1 : i32
      %dma_wait3A_915 = arith.constant 128 : i32
      %dma_wait3A_916 = arith.constant 0 : i32
      %dma_wait3A_917 = tpu.memref_slice %arg7[%dma_wait3A_914, %dma_wait3A_915, %dma_wait3A_916] : memref<2x512x32xf32, #tpu.memory_space<vmem>> -> memref<1x128x32xf32, #tpu.memory_space<vmem>>
      %dma_wait3A_918 = tpu.memref_squeeze %dma_wait3A_917 : memref<1x128x32xf32, #tpu.memory_space<vmem>> -> memref<128x32xf32, #tpu.memory_space<vmem>>
      %dma_wait3A_919 = arith.constant 0 : i32
      %dma_wait3A_920 = arith.constant 0 : i32
      %dma_wait3A_921 = tpu.memref_slice %arg3[%dma_wait3A_919, %dma_wait3A_920] : memref<1000000x32xf32, #tpu.memory_space<hbm>> -> memref<128x32xf32, #tpu.memory_space<hbm>>
      %dma_wait3A_922 = arith.constant 128 : i32
      %dma_wait3A_923 = arith.constant 0 : i32
      %dma_wait3A_924 = tpu.memref_slice %arg7[%dma_wait3A_914, %dma_wait3A_922, %dma_wait3A_923] : memref<2x512x32xf32, #tpu.memory_space<vmem>> -> memref<1x128x32xf32, #tpu.memory_space<vmem>>
      %dma_wait3A_925 = tpu.memref_squeeze %dma_wait3A_924 : memref<1x128x32xf32, #tpu.memory_space<vmem>> -> memref<128x32xf32, #tpu.memory_space<vmem>>
      %dma_wait3A_926 = arith.constant 0 : i32
      %dma_wait3A_927 = arith.constant 0 : i32
      %dma_wait3A_928 = tpu.memref_slice %arg3[%dma_wait3A_926, %dma_wait3A_927] : memref<1000000x32xf32, #tpu.memory_space<hbm>> -> memref<128x32xf32, #tpu.memory_space<hbm>>
      tpu.wait_dma2 semaphore(%arg14 : memref<!tpu.dma_semaphore, #tpu.memory_space<semaphore_mem>>) src(%dma_wait3A_928 : memref<128x32xf32, #tpu.memory_space<hbm>>) dst(%dma_wait3A_925 : memref<128x32xf32, #tpu.memory_space<vmem>>)
      %dma_wait3A_929 = arith.constant 1 : i32
      %dma_wait3A_930 = arith.constant 256 : i32
      %dma_wait3A_931 = arith.constant 0 : i32
      %dma_wait3A_932 = tpu.memref_slice %arg7[%dma_wait3A_929, %dma_wait3A_930, %dma_wait3A_931] : memref<2x512x32xf32, #tpu.memory_space<vmem>> -> memref<1x128x32xf32, #tpu.memory_space<vmem>>
      %dma_wait3A_933 = tpu.memref_squeeze %dma_wait3A_932 : memref<1x128x32xf32, #tpu.memory_space<vmem>> -> memref<128x32xf32, #tpu.memory_space<vmem>>
      %dma_wait3A_934 = arith.constant 0 : i32
      %dma_wait3A_935 = arith.constant 0 : i32
      %dma_wait3A_936 = tpu.memref_slice %arg3[%dma_wait3A_934, %dma_wait3A_935] : memref<1000000x32xf32, #tpu.memory_space<hbm>> -> memref<128x32xf32, #tpu.memory_space<hbm>>
      %dma_wait3A_937 = arith.constant 256 : i32
      %dma_wait3A_938 = arith.constant 0 : i32
      %dma_wait3A_939 = tpu.memref_slice %arg7[%dma_wait3A_929, %dma_wait3A_937, %dma_wait3A_938] : memref<2x512x32xf32, #tpu.memory_space<vmem>> -> memref<1x128x32xf32, #tpu.memory_space<vmem>>
      %dma_wait3A_940 = tpu.memref_squeeze %dma_wait3A_939 : memref<1x128x32xf32, #tpu.memory_space<vmem>> -> memref<128x32xf32, #tpu.memory_space<vmem>>
      %dma_wait3A_941 = arith.constant 0 : i32
      %dma_wait3A_942 = arith.constant 0 : i32
      %dma_wait3A_943 = tpu.memref_slice %arg3[%dma_wait3A_941, %dma_wait3A_942] : memref<1000000x32xf32, #tpu.memory_space<hbm>> -> memref<128x32xf32, #tpu.memory_space<hbm>>
      tpu.wait_dma2 semaphore(%arg14 : memref<!tpu.dma_semaphore, #tpu.memory_space<semaphore_mem>>) src(%dma_wait3A_943 : memref<128x32xf32, #tpu.memory_space<hbm>>) dst(%dma_wait3A_940 : memref<128x32xf32, #tpu.memory_space<vmem>>)
      %dma_wait3A_944 = arith.constant 1 : i32
      %dma_wait3A_945 = arith.constant 384 : i32
      %dma_wait3A_946 = arith.constant 0 : i32
      %dma_wait3A_947 = tpu.memref_slice %arg7[%dma_wait3A_944, %dma_wait3A_945, %dma_wait3A_946] : memref<2x512x32xf32, #tpu.memory_space<vmem>> -> memref<1x128x32xf32, #tpu.memory_space<vmem>>
      %dma_wait3A_948 = tpu.memref_squeeze %dma_wait3A_947 : memref<1x128x32xf32, #tpu.memory_space<vmem>> -> memref<128x32xf32, #tpu.memory_space<vmem>>
      %dma_wait3A_949 = arith.constant 0 : i32
      %dma_wait3A_950 = arith.constant 0 : i32
      %dma_wait3A_951 = tpu.memref_slice %arg3[%dma_wait3A_949, %dma_wait3A_950] : memref<1000000x32xf32, #tpu.memory_space<hbm>> -> memref<128x32xf32, #tpu.memory_space<hbm>>
      %dma_wait3A_952 = arith.constant 384 : i32
      %dma_wait3A_953 = arith.constant 0 : i32
      %dma_wait3A_954 = tpu.memref_slice %arg7[%dma_wait3A_944, %dma_wait3A_952, %dma_wait3A_953] : memref<2x512x32xf32, #tpu.memory_space<vmem>> -> memref<1x128x32xf32, #tpu.memory_space<vmem>>
      %dma_wait3A_955 = tpu.memref_squeeze %dma_wait3A_954 : memref<1x128x32xf32, #tpu.memory_space<vmem>> -> memref<128x32xf32, #tpu.memory_space<vmem>>
      %dma_wait3A_956 = arith.constant 0 : i32
      %dma_wait3A_957 = arith.constant 0 : i32
      %dma_wait3A_958 = tpu.memref_slice %arg3[%dma_wait3A_956, %dma_wait3A_957] : memref<1000000x32xf32, #tpu.memory_space<hbm>> -> memref<128x32xf32, #tpu.memory_space<hbm>>
      tpu.wait_dma2 semaphore(%arg14 : memref<!tpu.dma_semaphore, #tpu.memory_space<semaphore_mem>>) src(%dma_wait3A_958 : memref<128x32xf32, #tpu.memory_space<hbm>>) dst(%dma_wait3A_955 : memref<128x32xf32, #tpu.memory_space<vmem>>)
      %iota3A_959 = tpu.iota {dimensions = array<i32: 0>} : vector<16xi32>
      %add3A_960 = arith.constant 1 : i32
      %add3A_961 = arith.addi %add3A_898, %add3A_960 : i32
      %get3A_962 = arith.index_cast %add3A_961 : i32 to index
      %get3A_963 = arith.constant 0 : index
      %get3A_964 = tpu.vector_load %arg9[%get3A_962, %get3A_963] {strides = array<i32>} : memref<201x32xf32, #tpu.memory_space<vmem>>, vector<16xf32>,
      %add3A_965 = arith.constant 1 : i32
      %add3A_966 = arith.addi %add3A_898, %add3A_965 : i32
      %get3A_967 = arith.index_cast %add3A_966 : i32 to index
      %get3A_968 = arith.constant 16 : index
      %get3A_969 = tpu.vector_load %arg9[%get3A_967, %get3A_968] {strides = array<i32>} : memref<201x32xf32, #tpu.memory_space<vmem>>, vector<16xf32>,
      %add3A_970 = arith.constant 0 : i32
      %add3A_971 = vector.broadcast %add3A_970 : i32 to vector<16xi32>
      %add3A_972 = arith.addi %add3A_971, %iota3A_959 : vector<16xi32>
      %jit3A_973 = arith.constant 8 : i32
      %div3A_974 = vector.broadcast %jit3A_973 : i32 to vector<16xi32>
      %div3A_975 = arith.divsi %add3A_972, %div3A_974 : vector<16xi32>
      %sign3A_976 = arith.constant 0 : i32
      %sign3A_977 = vector.broadcast %sign3A_976 : i32 to vector<16xi32>
      %sign3A_978 = arith.cmpi sgt, %add3A_972, %sign3A_977 : vector<16xi32>
      %sign3A_979 = arith.extui %sign3A_978 : vector<16xi1> to vector<16xi32>
      %sign3A_980 = arith.constant 0 : i32
      %sign3A_981 = vector.broadcast %sign3A_980 : i32 to vector<16xi32>
      %sign3A_982 = arith.cmpi slt, %add3A_972, %sign3A_981 : vector<16xi32>
      %sign3A_983 = arith.extui %sign3A_982 : vector<16xi1> to vector<16xi32>
      %sign3A_984 = arith.subi %sign3A_979, %sign3A_983 : vector<16xi32>
      %sign3A_985 = arith.constant 0 : i32
      %sign3A_986 = arith.cmpi sgt, %jit3A_973, %sign3A_985 : i32
      %sign3A_987 = arith.extui %sign3A_986 : i1 to i32
      %sign3A_988 = arith.constant 0 : i32
      %sign3A_989 = arith.cmpi slt, %jit3A_973, %sign3A_988 : i32
      %sign3A_990 = arith.extui %sign3A_989 : i1 to i32
      %sign3A_991 = arith.subi %sign3A_987, %sign3A_990 : i32
      %ne3A_992 = vector.broadcast %sign3A_991 : i32 to vector<16xi32>
      %ne3A_993 = arith.cmpi ne, %sign3A_984, %ne3A_992 : vector<16xi32>
      %rem3A_994 = vector.broadcast %jit3A_973 : i32 to vector<16xi32>
      %rem3A_995 = arith.remsi %add3A_972, %rem3A_994 : vector<16xi32>
      %ne3A_996 = arith.constant 0 : i32
      %ne3A_997 = vector.broadcast %ne3A_996 : i32 to vector<16xi32>
      %ne3A_998 = arith.cmpi ne, %rem3A_995, %ne3A_997 : vector<16xi32>
      %and3A_999 = arith.andi %ne3A_993, %ne3A_998 : vector<16xi1>
      %sub3A_1000 = arith.constant 1 : i32
      %sub3A_1001 = vector.broadcast %sub3A_1000 : i32 to vector<16xi32>
      %sub3A_1002 = arith.subi %div3A_975, %sub3A_1001 : vector<16xi32>
      %select_n3A_1003 = arith.select %and3A_999, %sub3A_1002, %div3A_975 : vector<16xi1>, vector<16xi32>
      %add3A_1004 = arith.constant 16 : i32
      %add3A_1005 = vector.broadcast %add3A_1004 : i32 to vector<16xi32>
      %add3A_1006 = arith.addi %add3A_1005, %iota3A_959 : vector<16xi32>
      %jit3A_1007 = arith.constant 8 : i32
      %div3A_1008 = vector.broadcast %jit3A_1007 : i32 to vector<16xi32>
      %div3A_1009 = arith.divsi %add3A_1006, %div3A_1008 : vector<16xi32>
      %sign3A_1010 = arith.constant 0 : i32
      %sign3A_1011 = vector.broadcast %sign3A_1010 : i32 to vector<16xi32>
      %sign3A_1012 = arith.cmpi sgt, %add3A_1006, %sign3A_1011 : vector<16xi32>
      %sign3A_1013 = arith.extui %sign3A_1012 : vector<16xi1> to vector<16xi32>
      %sign3A_1014 = arith.constant 0 : i32
      %sign3A_1015 = vector.broadcast %sign3A_1014 : i32 to vector<16xi32>
      %sign3A_1016 = arith.cmpi slt, %add3A_1006, %sign3A_1015 : vector<16xi32>
      %sign3A_1017 = arith.extui %sign3A_1016 : vector<16xi1> to vector<16xi32>
      %sign3A_1018 = arith.subi %sign3A_1013, %sign3A_1017 : vector<16xi32>
      %sign3A_1019 = arith.constant 0 : i32
      %sign3A_1020 = arith.cmpi sgt, %jit3A_1007, %sign3A_1019 : i32
      %sign3A_1021 = arith.extui %sign3A_1020 : i1 to i32
      %sign3A_1022 = arith.constant 0 : i32
      %sign3A_1023 = arith.cmpi slt, %jit3A_1007, %sign3A_1022 : i32
      %sign3A_1024 = arith.extui %sign3A_1023 : i1 to i32
      %sign3A_1025 = arith.subi %sign3A_1021, %sign3A_1024 : i32
      %ne3A_1026 = vector.broadcast %sign3A_1025 : i32 to vector<16xi32>
      %ne3A_1027 = arith.cmpi ne, %sign3A_1018, %ne3A_1026 : vector<16xi32>
      %rem3A_1028 = vector.broadcast %jit3A_1007 : i32 to vector<16xi32>
      %rem3A_1029 = arith.remsi %add3A_1006, %rem3A_1028 : vector<16xi32>
      %ne3A_1030 = arith.constant 0 : i32
      %ne3A_1031 = vector.broadcast %ne3A_1030 : i32 to vector<16xi32>
      %ne3A_1032 = arith.cmpi ne, %rem3A_1029, %ne3A_1031 : vector<16xi32>
      %and3A_1033 = arith.andi %ne3A_1027, %ne3A_1032 : vector<16xi1>
      %sub3A_1034 = arith.constant 1 : i32
      %sub3A_1035 = vector.broadcast %sub3A_1034 : i32 to vector<16xi32>
      %sub3A_1036 = arith.subi %div3A_1009, %sub3A_1035 : vector<16xi32>
      %select_n3A_1037 = arith.select %and3A_1033, %sub3A_1036, %div3A_1009 : vector<16xi1>, vector<16xi32>
      %add3A_1038 = arith.constant 0 : i32
      %add3A_1039 = vector.broadcast %add3A_1038 : i32 to vector<16xi32>
      %add3A_1040 = arith.addi %add3A_1039, %iota3A_959 : vector<16xi32>
      %jit3A_1041 = arith.constant 8 : i32
      %eq3A_1042 = arith.constant 0 : i32
      %eq3A_1043 = arith.cmpi eq, %jit3A_1041, %eq3A_1042 : i32
      %jit3A_1044 = arith.constant 1 : i32
      %select_n3A_1045 = arith.select %eq3A_1043, %jit3A_1044, %jit3A_1041 : i32
      %rem3A_1046 = vector.broadcast %select_n3A_1045 : i32 to vector<16xi32>
      %rem3A_1047 = arith.remsi %add3A_1040, %rem3A_1046 : vector<16xi32>
      %ne3A_1048 = arith.constant 0 : i32
      %ne3A_1049 = vector.broadcast %ne3A_1048 : i32 to vector<16xi32>
      %ne3A_1050 = arith.cmpi ne, %rem3A_1047, %ne3A_1049 : vector<16xi32>
      %lt3A_1051 = arith.constant 0 : i32
      %lt3A_1052 = vector.broadcast %lt3A_1051 : i32 to vector<16xi32>
      %lt3A_1053 = arith.cmpi slt, %rem3A_1047, %lt3A_1052 : vector<16xi32>
      %lt3A_1054 = arith.constant 0 : i32
      %lt3A_1055 = arith.cmpi slt, %select_n3A_1045, %lt3A_1054 : i32
      %ne3A_1056 = vector.broadcast %lt3A_1055 : i1 to vector<16xi1>
      %ne3A_1057 = vector.broadcast %ne3A_1056 : vector<16xi1> to vector<16xi1>
      %ne3A_1058 = arith.xori %lt3A_1053, %ne3A_1057 : vector<16xi1>
      %and3A_1059 = arith.andi %ne3A_1058, %ne3A_1050 : vector<16xi1>
      %add3A_1060 = vector.broadcast %select_n3A_1045 : i32 to vector<16xi32>
      %add3A_1061 = arith.addi %rem3A_1047, %add3A_1060 : vector<16xi32>
      %select_n3A_1062 = arith.select %and3A_1059, %add3A_1061, %rem3A_1047 : vector<16xi1>, vector<16xi32>
      %add3A_1063 = arith.constant 16 : i32
      %add3A_1064 = vector.broadcast %add3A_1063 : i32 to vector<16xi32>
      %add3A_1065 = arith.addi %add3A_1064, %iota3A_959 : vector<16xi32>
      %jit3A_1066 = arith.constant 8 : i32
      %eq3A_1067 = arith.constant 0 : i32
      %eq3A_1068 = arith.cmpi eq, %jit3A_1066, %eq3A_1067 : i32
      %jit3A_1069 = arith.constant 1 : i32
      %select_n3A_1070 = arith.select %eq3A_1068, %jit3A_1069, %jit3A_1066 : i32
      %rem3A_1071 = vector.broadcast %select_n3A_1070 : i32 to vector<16xi32>
      %rem3A_1072 = arith.remsi %add3A_1065, %rem3A_1071 : vector<16xi32>
      %ne3A_1073 = arith.constant 0 : i32
      %ne3A_1074 = vector.broadcast %ne3A_1073 : i32 to vector<16xi32>
      %ne3A_1075 = arith.cmpi ne, %rem3A_1072, %ne3A_1074 : vector<16xi32>
      %lt3A_1076 = arith.constant 0 : i32
      %lt3A_1077 = vector.broadcast %lt3A_1076 : i32 to vector<16xi32>
      %lt3A_1078 = arith.cmpi slt, %rem3A_1072, %lt3A_1077 : vector<16xi32>
      %lt3A_1079 = arith.constant 0 : i32
      %lt3A_1080 = arith.cmpi slt, %select_n3A_1070, %lt3A_1079 : i32
      %ne3A_1081 = vector.broadcast %lt3A_1080 : i1 to vector<16xi1>
      %ne3A_1082 = vector.broadcast %ne3A_1081 : vector<16xi1> to vector<16xi1>
      %ne3A_1083 = arith.xori %lt3A_1078, %ne3A_1082 : vector<16xi1>
      %and3A_1084 = arith.andi %ne3A_1083, %ne3A_1075 : vector<16xi1>
      %add3A_1085 = vector.broadcast %select_n3A_1070 : i32 to vector<16xi32>
      %add3A_1086 = arith.addi %rem3A_1072, %add3A_1085 : vector<16xi32>
      %select_n3A_1087 = arith.select %and3A_1084, %add3A_1086, %rem3A_1072 : vector<16xi1>, vector<16xi32>
      %parallel_loop3A_1088 = arith.constant 0 : i32
      %parallel_loop3A_1089 = arith.constant 512 : i32
      %parallel_loop3A_1090 = arith.constant 1 : i32
      scf.for %parallel_loop3A_1434 = %parallel_loop3A_1088 to %parallel_loop3A_1089 step %parallel_loop3A_1090  : i32 {
        %parallel_loop3A_1435 = vector.broadcast %parallel_loop3A_1434 : i32 to vector<16xi32>
        %parallel_loop3A_1436 = arith.constant 1 : i32
        %parallel_loop3A_1437 = arith.index_cast %parallel_loop3A_1436 : i32 to index
        %parallel_loop3A_1438 = arith.index_cast %parallel_loop3A_1434 : i32 to index
        %parallel_loop3A_1439 = arith.constant 0 : index
        %parallel_loop3A_1440 = tpu.vector_load %arg7[%parallel_loop3A_1437, %parallel_loop3A_1438, %parallel_loop3A_1439] {strides = array<i32>} : memref<2x512x32xf32, #tpu.memory_space<vmem>>, vector<16xf32>,
        %parallel_loop3A_1441 = arith.addf %parallel_loop3A_1440, %get3A_964 : vector<16xf32>
        %parallel_loop3A_1442 = arith.constant 1 : i32
        %parallel_loop3A_1443 = arith.constant 0 : i32
        %parallel_loop3A_1444 = arith.constant 0 : i32
        %parallel_loop3A_1445 = arith.constant 0 : i32
        %parallel_loop3A_1446 = tpu.memref_slice %arg8[%parallel_loop3A_1442, %parallel_loop3A_1443, %parallel_loop3A_1444, %parallel_loop3A_1445] : memref<2x4x8x513xf32, #tpu.memory_space<vmem>> -> memref<1x4x8x513xf32, #tpu.memory_space<vmem>>
        %parallel_loop3A_1447 = tpu.memref_squeeze %parallel_loop3A_1446 : memref<1x4x8x513xf32, #tpu.memory_space<vmem>> -> memref<4x8x513xf32, #tpu.memory_space<vmem>>
        tpu.vector_store_idx %parallel_loop3A_1447[%select_n3A_1003, %select_n3A_1062, %parallel_loop3A_1435], %parallel_loop3A_1441 : memref<4x8x513xf32, #tpu.memory_space<vmem>>[vector<16xi32>, vector<16xi32>, vector<16xi32>], vector<16xf32>,
        %parallel_loop3A_1448 = arith.constant 1 : i32
        %parallel_loop3A_1449 = arith.index_cast %parallel_loop3A_1448 : i32 to index
        %parallel_loop3A_1450 = arith.index_cast %parallel_loop3A_1434 : i32 to index
        %parallel_loop3A_1451 = arith.constant 16 : index
        %parallel_loop3A_1452 = tpu.vector_load %arg7[%parallel_loop3A_1449, %parallel_loop3A_1450, %parallel_loop3A_1451] {strides = array<i32>} : memref<2x512x32xf32, #tpu.memory_space<vmem>>, vector<16xf32>,
        %parallel_loop3A_1453 = arith.addf %parallel_loop3A_1452, %get3A_969 : vector<16xf32>
        %parallel_loop3A_1454 = arith.constant 1 : i32
        %parallel_loop3A_1455 = arith.constant 0 : i32
        %parallel_loop3A_1456 = arith.constant 0 : i32
        %parallel_loop3A_1457 = arith.constant 0 : i32
        %parallel_loop3A_1458 = tpu.memref_slice %arg8[%parallel_loop3A_1454, %parallel_loop3A_1455, %parallel_loop3A_1456, %parallel_loop3A_1457] : memref<2x4x8x513xf32, #tpu.memory_space<vmem>> -> memref<1x4x8x513xf32, #tpu.memory_space<vmem>>
        %parallel_loop3A_1459 = tpu.memref_squeeze %parallel_loop3A_1458 : memref<1x4x8x513xf32, #tpu.memory_space<vmem>> -> memref<4x8x513xf32, #tpu.memory_space<vmem>>
        tpu.vector_store_idx %parallel_loop3A_1459[%select_n3A_1037, %select_n3A_1087, %parallel_loop3A_1435], %parallel_loop3A_1453 : memref<4x8x513xf32, #tpu.memory_space<vmem>>[vector<16xi32>, vector<16xi32>, vector<16xi32>], vector<16xf32>,
      } {sc.loop_unroll_factor = 8 : i64, sc.parallel_access}
      %get3A_1091 = arith.constant 1 : i32
      %get3A_1092 = arith.constant 0 : i32
      %get3A_1093 = arith.index_cast %get3A_1091 : i32 to index
      %get3A_1094 = arith.index_cast %get3A_1092 : i32 to index
      %get3A_1095 = arith.constant 0 : index
      %get3A_1096 = tpu.vector_load %arg6[%get3A_1093, %get3A_1094, %get3A_1095] {strides = array<i32>} : memref<2x4x128xi32, #tpu.memory_space<vmem>>, vector<16xi32>,
      %get3A_1097 = arith.constant 1 : i32
      %get3A_1098 = arith.constant 0 : i32
      %get3A_1099 = arith.index_cast %get3A_1097 : i32 to index
      %get3A_1100 = arith.index_cast %get3A_1098 : i32 to index
      %get3A_1101 = arith.constant 16 : index
      %get3A_1102 = tpu.vector_load %arg6[%get3A_1099, %get3A_1100, %get3A_1101] {strides = array<i32>} : memref<2x4x128xi32, #tpu.memory_space<vmem>>, vector<16xi32>,
      %min3A_1103 = arith.minsi %get3A_1096, %get3A_1102 : vector<16xi32>
      %get3A_1104 = arith.constant 1 : i32
      %get3A_1105 = arith.constant 0 : i32
      %get3A_1106 = arith.index_cast %get3A_1104 : i32 to index
      %get3A_1107 = arith.index_cast %get3A_1105 : i32 to index
      %get3A_1108 = arith.constant 32 : index
      %get3A_1109 = tpu.vector_load %arg6[%get3A_1106, %get3A_1107, %get3A_1108] {strides = array<i32>} : memref<2x4x128xi32, #tpu.memory_space<vmem>>, vector<16xi32>,
      %min3A_1110 = arith.minsi %min3A_1103, %get3A_1109 : vector<16xi32>
      %get3A_1111 = arith.constant 1 : i32
      %get3A_1112 = arith.constant 0 : i32
      %get3A_1113 = arith.index_cast %get3A_1111 : i32 to index
      %get3A_1114 = arith.index_cast %get3A_1112 : i32 to index
      %get3A_1115 = arith.constant 48 : index
      %get3A_1116 = tpu.vector_load %arg6[%get3A_1113, %get3A_1114, %get3A_1115] {strides = array<i32>} : memref<2x4x128xi32, #tpu.memory_space<vmem>>, vector<16xi32>,
      %min3A_1117 = arith.minsi %min3A_1110, %get3A_1116 : vector<16xi32>
      %get3A_1118 = arith.constant 1 : i32
      %get3A_1119 = arith.constant 0 : i32
      %get3A_1120 = arith.index_cast %get3A_1118 : i32 to index
      %get3A_1121 = arith.index_cast %get3A_1119 : i32 to index
      %get3A_1122 = arith.constant 64 : index
      %get3A_1123 = tpu.vector_load %arg6[%get3A_1120, %get3A_1121, %get3A_1122] {strides = array<i32>} : memref<2x4x128xi32, #tpu.memory_space<vmem>>, vector<16xi32>,
      %min3A_1124 = arith.minsi %min3A_1117, %get3A_1123 : vector<16xi32>
      %get3A_1125 = arith.constant 1 : i32
      %get3A_1126 = arith.constant 0 : i32
      %get3A_1127 = arith.index_cast %get3A_1125 : i32 to index
      %get3A_1128 = arith.index_cast %get3A_1126 : i32 to index
      %get3A_1129 = arith.constant 80 : index
      %get3A_1130 = tpu.vector_load %arg6[%get3A_1127, %get3A_1128, %get3A_1129] {strides = array<i32>} : memref<2x4x128xi32, #tpu.memory_space<vmem>>, vector<16xi32>,
      %min3A_1131 = arith.minsi %min3A_1124, %get3A_1130 : vector<16xi32>
      %get3A_1132 = arith.constant 1 : i32
      %get3A_1133 = arith.constant 0 : i32
      %get3A_1134 = arith.index_cast %get3A_1132 : i32 to index
      %get3A_1135 = arith.index_cast %get3A_1133 : i32 to index
      %get3A_1136 = arith.constant 96 : index
      %get3A_1137 = tpu.vector_load %arg6[%get3A_1134, %get3A_1135, %get3A_1136] {strides = array<i32>} : memref<2x4x128xi32, #tpu.memory_space<vmem>>, vector<16xi32>,
      %min3A_1138 = arith.minsi %min3A_1131, %get3A_1137 : vector<16xi32>
      %get3A_1139 = arith.constant 1 : i32
      %get3A_1140 = arith.constant 0 : i32
      %get3A_1141 = arith.index_cast %get3A_1139 : i32 to index
      %get3A_1142 = arith.index_cast %get3A_1140 : i32 to index
      %get3A_1143 = arith.constant 112 : index
      %get3A_1144 = tpu.vector_load %arg6[%get3A_1141, %get3A_1142, %get3A_1143] {strides = array<i32>} : memref<2x4x128xi32, #tpu.memory_space<vmem>>, vector<16xi32>,
      %min3A_1145 = arith.minsi %min3A_1138, %get3A_1144 : vector<16xi32>
      %get3A_1146 = arith.constant 1 : i32
      %get3A_1147 = arith.constant 1 : i32
      %get3A_1148 = arith.index_cast %get3A_1146 : i32 to index
      %get3A_1149 = arith.index_cast %get3A_1147 : i32 to index
      %get3A_1150 = arith.constant 0 : index
      %get3A_1151 = tpu.vector_load %arg6[%get3A_1148, %get3A_1149, %get3A_1150] {strides = array<i32>} : memref<2x4x128xi32, #tpu.memory_space<vmem>>, vector<16xi32>,
      %min3A_1152 = arith.minsi %min3A_1145, %get3A_1151 : vector<16xi32>
      %get3A_1153 = arith.constant 1 : i32
      %get3A_1154 = arith.constant 1 : i32
      %get3A_1155 = arith.index_cast %get3A_1153 : i32 to index
      %get3A_1156 = arith.index_cast %get3A_1154 : i32 to index
      %get3A_1157 = arith.constant 16 : index
      %get3A_1158 = tpu.vector_load %arg6[%get3A_1155, %get3A_1156, %get3A_1157] {strides = array<i32>} : memref<2x4x128xi32, #tpu.memory_space<vmem>>, vector<16xi32>,
      %min3A_1159 = arith.minsi %min3A_1152, %get3A_1158 : vector<16xi32>
      %get3A_1160 = arith.constant 1 : i32
      %get3A_1161 = arith.constant 1 : i32
      %get3A_1162 = arith.index_cast %get3A_1160 : i32 to index
      %get3A_1163 = arith.index_cast %get3A_1161 : i32 to index
      %get3A_1164 = arith.constant 32 : index
      %get3A_1165 = tpu.vector_load %arg6[%get3A_1162, %get3A_1163, %get3A_1164] {strides = array<i32>} : memref<2x4x128xi32, #tpu.memory_space<vmem>>, vector<16xi32>,
      %min3A_1166 = arith.minsi %min3A_1159, %get3A_1165 : vector<16xi32>
      %get3A_1167 = arith.constant 1 : i32
      %get3A_1168 = arith.constant 1 : i32
      %get3A_1169 = arith.index_cast %get3A_1167 : i32 to index
      %get3A_1170 = arith.index_cast %get3A_1168 : i32 to index
      %get3A_1171 = arith.constant 48 : index
      %get3A_1172 = tpu.vector_load %arg6[%get3A_1169, %get3A_1170, %get3A_1171] {strides = array<i32>} : memref<2x4x128xi32, #tpu.memory_space<vmem>>, vector<16xi32>,
      %min3A_1173 = arith.minsi %min3A_1166, %get3A_1172 : vector<16xi32>
      %get3A_1174 = arith.constant 1 : i32
      %get3A_1175 = arith.constant 1 : i32
      %get3A_1176 = arith.index_cast %get3A_1174 : i32 to index
      %get3A_1177 = arith.index_cast %get3A_1175 : i32 to index
      %get3A_1178 = arith.constant 64 : index
      %get3A_1179 = tpu.vector_load %arg6[%get3A_1176, %get3A_1177, %get3A_1178] {strides = array<i32>} : memref<2x4x128xi32, #tpu.memory_space<vmem>>, vector<16xi32>,
      %min3A_1180 = arith.minsi %min3A_1173, %get3A_1179 : vector<16xi32>
      %get3A_1181 = arith.constant 1 : i32
      %get3A_1182 = arith.constant 1 : i32
      %get3A_1183 = arith.index_cast %get3A_1181 : i32 to index
      %get3A_1184 = arith.index_cast %get3A_1182 : i32 to index
      %get3A_1185 = arith.constant 80 : index
      %get3A_1186 = tpu.vector_load %arg6[%get3A_1183, %get3A_1184, %get3A_1185] {strides = array<i32>} : memref<2x4x128xi32, #tpu.memory_space<vmem>>, vector<16xi32>,
      %min3A_1187 = arith.minsi %min3A_1180, %get3A_1186 : vector<16xi32>
      %get3A_1188 = arith.constant 1 : i32
      %get3A_1189 = arith.constant 1 : i32
      %get3A_1190 = arith.index_cast %get3A_1188 : i32 to index
      %get3A_1191 = arith.index_cast %get3A_1189 : i32 to index
      %get3A_1192 = arith.constant 96 : index
      %get3A_1193 = tpu.vector_load %arg6[%get3A_1190, %get3A_1191, %get3A_1192] {strides = array<i32>} : memref<2x4x128xi32, #tpu.memory_space<vmem>>, vector<16xi32>,
      %min3A_1194 = arith.minsi %min3A_1187, %get3A_1193 : vector<16xi32>
      %get3A_1195 = arith.constant 1 : i32
      %get3A_1196 = arith.constant 1 : i32
      %get3A_1197 = arith.index_cast %get3A_1195 : i32 to index
      %get3A_1198 = arith.index_cast %get3A_1196 : i32 to index
      %get3A_1199 = arith.constant 112 : index
      %get3A_1200 = tpu.vector_load %arg6[%get3A_1197, %get3A_1198, %get3A_1199] {strides = array<i32>} : memref<2x4x128xi32, #tpu.memory_space<vmem>>, vector<16xi32>,
      %min3A_1201 = arith.minsi %min3A_1194, %get3A_1200 : vector<16xi32>
      %get3A_1202 = arith.constant 1 : i32
      %get3A_1203 = arith.constant 2 : i32
      %get3A_1204 = arith.index_cast %get3A_1202 : i32 to index
      %get3A_1205 = arith.index_cast %get3A_1203 : i32 to index
      %get3A_1206 = arith.constant 0 : index
      %get3A_1207 = tpu.vector_load %arg6[%get3A_1204, %get3A_1205, %get3A_1206] {strides = array<i32>} : memref<2x4x128xi32, #tpu.memory_space<vmem>>, vector<16xi32>,
      %min3A_1208 = arith.minsi %min3A_1201, %get3A_1207 : vector<16xi32>
      %get3A_1209 = arith.constant 1 : i32
      %get3A_1210 = arith.constant 2 : i32
      %get3A_1211 = arith.index_cast %get3A_1209 : i32 to index
      %get3A_1212 = arith.index_cast %get3A_1210 : i32 to index
      %get3A_1213 = arith.constant 16 : index
      %get3A_1214 = tpu.vector_load %arg6[%get3A_1211, %get3A_1212, %get3A_1213] {strides = array<i32>} : memref<2x4x128xi32, #tpu.memory_space<vmem>>, vector<16xi32>,
      %min3A_1215 = arith.minsi %min3A_1208, %get3A_1214 : vector<16xi32>
      %get3A_1216 = arith.constant 1 : i32
      %get3A_1217 = arith.constant 2 : i32
      %get3A_1218 = arith.index_cast %get3A_1216 : i32 to index
      %get3A_1219 = arith.index_cast %get3A_1217 : i32 to index
      %get3A_1220 = arith.constant 32 : index
      %get3A_1221 = tpu.vector_load %arg6[%get3A_1218, %get3A_1219, %get3A_1220] {strides = array<i32>} : memref<2x4x128xi32, #tpu.memory_space<vmem>>, vector<16xi32>,
      %min3A_1222 = arith.minsi %min3A_1215, %get3A_1221 : vector<16xi32>
      %get3A_1223 = arith.constant 1 : i32
      %get3A_1224 = arith.constant 2 : i32
      %get3A_1225 = arith.index_cast %get3A_1223 : i32 to index
      %get3A_1226 = arith.index_cast %get3A_1224 : i32 to index
      %get3A_1227 = arith.constant 48 : index
      %get3A_1228 = tpu.vector_load %arg6[%get3A_1225, %get3A_1226, %get3A_1227] {strides = array<i32>} : memref<2x4x128xi32, #tpu.memory_space<vmem>>, vector<16xi32>,
      %min3A_1229 = arith.minsi %min3A_1222, %get3A_1228 : vector<16xi32>
      %get3A_1230 = arith.constant 1 : i32
      %get3A_1231 = arith.constant 2 : i32
      %get3A_1232 = arith.index_cast %get3A_1230 : i32 to index
      %get3A_1233 = arith.index_cast %get3A_1231 : i32 to index
      %get3A_1234 = arith.constant 64 : index
      %get3A_1235 = tpu.vector_load %arg6[%get3A_1232, %get3A_1233, %get3A_1234] {strides = array<i32>} : memref<2x4x128xi32, #tpu.memory_space<vmem>>, vector<16xi32>,
      %min3A_1236 = arith.minsi %min3A_1229, %get3A_1235 : vector<16xi32>
      %get3A_1237 = arith.constant 1 : i32
      %get3A_1238 = arith.constant 2 : i32
      %get3A_1239 = arith.index_cast %get3A_1237 : i32 to index
      %get3A_1240 = arith.index_cast %get3A_1238 : i32 to index
      %get3A_1241 = arith.constant 80 : index
      %get3A_1242 = tpu.vector_load %arg6[%get3A_1239, %get3A_1240, %get3A_1241] {strides = array<i32>} : memref<2x4x128xi32, #tpu.memory_space<vmem>>, vector<16xi32>,
      %min3A_1243 = arith.minsi %min3A_1236, %get3A_1242 : vector<16xi32>
      %get3A_1244 = arith.constant 1 : i32
      %get3A_1245 = arith.constant 2 : i32
      %get3A_1246 = arith.index_cast %get3A_1244 : i32 to index
      %get3A_1247 = arith.index_cast %get3A_1245 : i32 to index
      %get3A_1248 = arith.constant 96 : index
      %get3A_1249 = tpu.vector_load %arg6[%get3A_1246, %get3A_1247, %get3A_1248] {strides = array<i32>} : memref<2x4x128xi32, #tpu.memory_space<vmem>>, vector<16xi32>,
      %min3A_1250 = arith.minsi %min3A_1243, %get3A_1249 : vector<16xi32>
      %get3A_1251 = arith.constant 1 : i32
      %get3A_1252 = arith.constant 2 : i32
      %get3A_1253 = arith.index_cast %get3A_1251 : i32 to index
      %get3A_1254 = arith.index_cast %get3A_1252 : i32 to index
      %get3A_1255 = arith.constant 112 : index
      %get3A_1256 = tpu.vector_load %arg6[%get3A_1253, %get3A_1254, %get3A_1255] {strides = array<i32>} : memref<2x4x128xi32, #tpu.memory_space<vmem>>, vector<16xi32>,
      %min3A_1257 = arith.minsi %min3A_1250, %get3A_1256 : vector<16xi32>
      %get3A_1258 = arith.constant 1 : i32
      %get3A_1259 = arith.constant 3 : i32
      %get3A_1260 = arith.index_cast %get3A_1258 : i32 to index
      %get3A_1261 = arith.index_cast %get3A_1259 : i32 to index
      %get3A_1262 = arith.constant 0 : index
      %get3A_1263 = tpu.vector_load %arg6[%get3A_1260, %get3A_1261, %get3A_1262] {strides = array<i32>} : memref<2x4x128xi32, #tpu.memory_space<vmem>>, vector<16xi32>,
      %min3A_1264 = arith.minsi %min3A_1257, %get3A_1263 : vector<16xi32>
      %get3A_1265 = arith.constant 1 : i32
      %get3A_1266 = arith.constant 3 : i32
      %get3A_1267 = arith.index_cast %get3A_1265 : i32 to index
      %get3A_1268 = arith.index_cast %get3A_1266 : i32 to index
      %get3A_1269 = arith.constant 16 : index
      %get3A_1270 = tpu.vector_load %arg6[%get3A_1267, %get3A_1268, %get3A_1269] {strides = array<i32>} : memref<2x4x128xi32, #tpu.memory_space<vmem>>, vector<16xi32>,
      %min3A_1271 = arith.minsi %min3A_1264, %get3A_1270 : vector<16xi32>
      %get3A_1272 = arith.constant 1 : i32
      %get3A_1273 = arith.constant 3 : i32
      %get3A_1274 = arith.index_cast %get3A_1272 : i32 to index
      %get3A_1275 = arith.index_cast %get3A_1273 : i32 to index
      %get3A_1276 = arith.constant 32 : index
      %get3A_1277 = tpu.vector_load %arg6[%get3A_1274, %get3A_1275, %get3A_1276] {strides = array<i32>} : memref<2x4x128xi32, #tpu.memory_space<vmem>>, vector<16xi32>,
      %min3A_1278 = arith.minsi %min3A_1271, %get3A_1277 : vector<16xi32>
      %get3A_1279 = arith.constant 1 : i32
      %get3A_1280 = arith.constant 3 : i32
      %get3A_1281 = arith.index_cast %get3A_1279 : i32 to index
      %get3A_1282 = arith.index_cast %get3A_1280 : i32 to index
      %get3A_1283 = arith.constant 48 : index
      %get3A_1284 = tpu.vector_load %arg6[%get3A_1281, %get3A_1282, %get3A_1283] {strides = array<i32>} : memref<2x4x128xi32, #tpu.memory_space<vmem>>, vector<16xi32>,
      %min3A_1285 = arith.minsi %min3A_1278, %get3A_1284 : vector<16xi32>
      %get3A_1286 = arith.constant 1 : i32
      %get3A_1287 = arith.constant 3 : i32
      %get3A_1288 = arith.index_cast %get3A_1286 : i32 to index
      %get3A_1289 = arith.index_cast %get3A_1287 : i32 to index
      %get3A_1290 = arith.constant 64 : index
      %get3A_1291 = tpu.vector_load %arg6[%get3A_1288, %get3A_1289, %get3A_1290] {strides = array<i32>} : memref<2x4x128xi32, #tpu.memory_space<vmem>>, vector<16xi32>,
      %min3A_1292 = arith.minsi %min3A_1285, %get3A_1291 : vector<16xi32>
      %get3A_1293 = arith.constant 1 : i32
      %get3A_1294 = arith.constant 3 : i32
      %get3A_1295 = arith.index_cast %get3A_1293 : i32 to index
      %get3A_1296 = arith.index_cast %get3A_1294 : i32 to index
      %get3A_1297 = arith.constant 80 : index
      %get3A_1298 = tpu.vector_load %arg6[%get3A_1295, %get3A_1296, %get3A_1297] {strides = array<i32>} : memref<2x4x128xi32, #tpu.memory_space<vmem>>, vector<16xi32>,
      %min3A_1299 = arith.minsi %min3A_1292, %get3A_1298 : vector<16xi32>
      %get3A_1300 = arith.constant 1 : i32
      %get3A_1301 = arith.constant 3 : i32
      %get3A_1302 = arith.index_cast %get3A_1300 : i32 to index
      %get3A_1303 = arith.index_cast %get3A_1301 : i32 to index
      %get3A_1304 = arith.constant 96 : index
      %get3A_1305 = tpu.vector_load %arg6[%get3A_1302, %get3A_1303, %get3A_1304] {strides = array<i32>} : memref<2x4x128xi32, #tpu.memory_space<vmem>>, vector<16xi32>,
      %min3A_1306 = arith.minsi %min3A_1299, %get3A_1305 : vector<16xi32>
      %get3A_1307 = arith.constant 1 : i32
      %get3A_1308 = arith.constant 3 : i32
      %get3A_1309 = arith.index_cast %get3A_1307 : i32 to index
      %get3A_1310 = arith.index_cast %get3A_1308 : i32 to index
      %get3A_1311 = arith.constant 112 : index
      %get3A_1312 = tpu.vector_load %arg6[%get3A_1309, %get3A_1310, %get3A_1311] {strides = array<i32>} : memref<2x4x128xi32, #tpu.memory_space<vmem>>, vector<16xi32>,
      %min3A_1313 = arith.minsi %min3A_1306, %get3A_1312 : vector<16xi32>
      %reduce_min3A_1314 = arith.constant true
      %reduce_min3A_1315 = vector.broadcast %reduce_min3A_1314 : i1 to vector<16xi1>
      %reduce_min3A_1316 = arith.constant -2147483648 : i32
      %reduce_min3A_1317 = vector.broadcast %reduce_min3A_1316 : i32 to vector<16xi32>
      %reduce_min3A_1318 = arith.xori %min3A_1313, %reduce_min3A_1317 : vector<16xi32>
      %reduce_min3A_1319 = tpu.scan <min>, %reduce_min3A_1318 masked %reduce_min3A_1315 : vector<16xi32>, vector<16xi1> -> vector<16xi32>
      %reduce_min3A_1320 = arith.xori %reduce_min3A_1319, %reduce_min3A_1317 : vector<16xi32>
      %reduce_min3A_1321 = vector.extract %reduce_min3A_1320[15] : i32 from vector<16xi32>
      %eq3A_1322 = arith.constant 0 : i32
      %eq3A_1323 = arith.cmpi eq, %reduce_min3A_1321, %eq3A_1322 : i32
      %convert_element_type3A_1324 = arith.extui %eq3A_1323 : i1 to i32
      %cond3A_1325 = arith.constant 0 : i32
      %cond3A_1326 = arith.cmpi ne, %convert_element_type3A_1324, %cond3A_1325 : i32
      scf.if %cond3A_1326 {
        %get3A_1434 = arith.constant 0 : i32
        %get3A_1435 = arith.index_cast %get3A_1434 : i32 to index
        %get3A_1436 = arith.constant 0 : index
        %get3A_1437 = tpu.vector_load %arg9[%get3A_1435, %get3A_1436] {strides = array<i32>} : memref<201x32xf32, #tpu.memory_space<vmem>>, vector<16xf32>,
        %get3A_1438 = arith.constant 0 : i32
        %get3A_1439 = arith.index_cast %get3A_1438 : i32 to index
        %get3A_1440 = arith.constant 16 : index
        %get3A_1441 = tpu.vector_load %arg9[%get3A_1439, %get3A_1440] {strides = array<i32>} : memref<201x32xf32, #tpu.memory_space<vmem>>, vector<16xf32>,
        %scan3A_1442 = arith.constant 0 : i32
        %scan3A_1443 = arith.constant 32 : i32
        %scan3A_1444 = arith.addi %scan3A_1442, %scan3A_1443 : i32
        %scan3A_1445 = arith.constant 1 : i32
        scf.for %scan3A_1447 = %scan3A_1442 to %scan3A_1444 step %scan3A_1445  : i32 {
          %mul3A_1448 = arith.constant 1 : i32
          %mul3A_1449 = arith.muli %scan3A_1447, %mul3A_1448 : i32
          %add3A_1450 = arith.constant 0 : i32
          %add3A_1451 = arith.addi %add3A_1450, %mul3A_1449 : i32
          %jit3A_1452 = arith.constant 8 : i32
          %div3A_1453 = arith.divsi %add3A_1451, %jit3A_1452 : i32
          %sign3A_1454 = arith.constant 0 : i32
          %sign3A_1455 = arith.cmpi sgt, %add3A_1451, %sign3A_1454 : i32
          %sign3A_1456 = arith.extui %sign3A_1455 : i1 to i32
          %sign3A_1457 = arith.constant 0 : i32
          %sign3A_1458 = arith.cmpi slt, %add3A_1451, %sign3A_1457 : i32
          %sign3A_1459 = arith.extui %sign3A_1458 : i1 to i32
          %sign3A_1460 = arith.subi %sign3A_1456, %sign3A_1459 : i32
          %sign3A_1461 = arith.constant 0 : i32
          %sign3A_1462 = arith.cmpi sgt, %jit3A_1452, %sign3A_1461 : i32
          %sign3A_1463 = arith.extui %sign3A_1462 : i1 to i32
          %sign3A_1464 = arith.constant 0 : i32
          %sign3A_1465 = arith.cmpi slt, %jit3A_1452, %sign3A_1464 : i32
          %sign3A_1466 = arith.extui %sign3A_1465 : i1 to i32
          %sign3A_1467 = arith.subi %sign3A_1463, %sign3A_1466 : i32
          %ne3A_1468 = arith.cmpi ne, %sign3A_1460, %sign3A_1467 : i32
          %rem3A_1469 = arith.remsi %add3A_1451, %jit3A_1452 : i32
          %ne3A_1470 = arith.constant 0 : i32
          %ne3A_1471 = arith.cmpi ne, %rem3A_1469, %ne3A_1470 : i32
          %and3A_1472 = arith.andi %ne3A_1468, %ne3A_1471 : i1
          %sub3A_1473 = arith.constant 1 : i32
          %sub3A_1474 = arith.subi %div3A_1453, %sub3A_1473 : i32
          %select_n3A_1475 = arith.select %and3A_1472, %sub3A_1474, %div3A_1453 : i32
          %jit3A_1476 = arith.constant 8 : i32
          %eq3A_1477 = arith.constant 0 : i32
          %eq3A_1478 = arith.cmpi eq, %jit3A_1476, %eq3A_1477 : i32
          %jit3A_1479 = arith.constant 1 : i32
          %select_n3A_1480 = arith.select %eq3A_1478, %jit3A_1479, %jit3A_1476 : i32
          %rem3A_1481 = arith.remsi %add3A_1451, %select_n3A_1480 : i32
          %ne3A_1482 = arith.constant 0 : i32
          %ne3A_1483 = arith.cmpi ne, %rem3A_1481, %ne3A_1482 : i32
          %lt3A_1484 = arith.constant 0 : i32
          %lt3A_1485 = arith.cmpi slt, %rem3A_1481, %lt3A_1484 : i32
          %lt3A_1486 = arith.constant 0 : i32
          %lt3A_1487 = arith.cmpi slt, %select_n3A_1480, %lt3A_1486 : i32
          %ne3A_1488 = arith.xori %lt3A_1485, %lt3A_1487 : i1
          %and3A_1489 = arith.andi %ne3A_1488, %ne3A_1483 : i1
          %add3A_1490 = arith.addi %rem3A_1481, %select_n3A_1480 : i32
          %select_n3A_1491 = arith.select %and3A_1489, %add3A_1490, %rem3A_1481 : i32
          %mul3A_1492 = arith.constant 16 : i32
          %mul3A_1493 = arith.muli %select_n3A_1491, %mul3A_1492 : i32
          %get3A_1494 = arith.constant 1 : i32
          %get3A_1495 = arith.index_cast %get3A_1494 : i32 to index
          %get3A_1496 = arith.index_cast %select_n3A_1475 : i32 to index
          %get3A_1497 = arith.index_cast %mul3A_1493 : i32 to index
          %get3A_1498 = tpu.vector_load %arg6[%get3A_1495, %get3A_1496, %get3A_1497] {strides = array<i32>} : memref<2x4x128xi32, #tpu.memory_space<vmem>>, vector<16xi32>,
          %eq3A_1499 = arith.constant 0 : i32
          %eq3A_1500 = vector.broadcast %eq3A_1499 : i32 to vector<16xi32>
          %eq3A_1501 = arith.cmpi eq, %get3A_1498, %eq3A_1500 : vector<16xi32>
          %mul3A_1502 = arith.constant 16 : i32
          %mul3A_1503 = arith.muli %add3A_1451, %mul3A_1502 : i32
          %add3A_1504 = vector.broadcast %mul3A_1503 : i32 to vector<16xi32>
          %add3A_1505 = arith.addi %add3A_1504, %iota3A_959 : vector<16xi32>
          %reduce_or3A = arith.constant 1.000000e+00 : f32
          %reduce_or3A_1506 = arith.constant 0.000000e+00 : f32
          %reduce_or3A_1507 = vector.broadcast %reduce_or3A : f32 to vector<16xf32>
          %reduce_or3A_1508 = vector.broadcast %reduce_or3A_1506 : f32 to vector<16xf32>
          %reduce_or3A_1509 = arith.select %eq3A_1501, %reduce_or3A_1507, %reduce_or3A_1508 : vector<16xi1>, vector<16xf32>
          %reduce_or3A_1510 = arith.constant true
          %reduce_or3A_1511 = vector.broadcast %reduce_or3A_1510 : i1 to vector<16xi1>
          %reduce_or3A_1512 = tpu.scan <max>, %reduce_or3A_1509 masked %reduce_or3A_1511 : vector<16xf32>, vector<16xi1> -> vector<16xf32>
          %reduce_or3A_1513 = vector.extract %reduce_or3A_1512[15] : f32 from vector<16xf32>
          %reduce_or3A_1514 = arith.constant 0.000000e+00 : f32
          %reduce_or3A_1515 = arith.cmpf ogt, %reduce_or3A_1513, %reduce_or3A_1514 : f32
          %convert_element_type3A_1516 = arith.extui %reduce_or3A_1515 : i1 to i32
          %cond3A_1517 = arith.constant 0 : i32
          %cond3A_1518 = arith.cmpi ne, %convert_element_type3A_1516, %cond3A_1517 : i32
          scf.if %cond3A_1518 {
            %broadcast_in_dim3A = arith.constant 0 : i32
            %broadcast_in_dim3A_1519 = vector.broadcast %broadcast_in_dim3A : i32 to vector<16xi32>
            %gather3A = arith.constant 1 : i32
            %gather3A_1520 = arith.constant 0 : i32
            %gather3A_1521 = arith.constant 0 : i32
            %gather3A_1522 = tpu.memref_slice %arg7[%gather3A, %gather3A_1520, %gather3A_1521] : memref<2x512x32xf32, #tpu.memory_space<vmem>> -> memref<1x512x32xf32, #tpu.memory_space<vmem>>
            %gather3A_1523 = tpu.memref_squeeze %gather3A_1522 : memref<1x512x32xf32, #tpu.memory_space<vmem>> -> memref<512x32xf32, #tpu.memory_space<vmem>>
            %gather3A_1524 = tpu.vector_load_idx %gather3A_1523[%add3A_1505, %broadcast_in_dim3A_1519] masked %eq3A_1501 : memref<512x32xf32, #tpu.memory_space<vmem>>[vector<16xi32>, vector<16xi32>], vector<16xf32>, vector<16xi1>
            %broadcast_in_dim3A_1525 = arith.constant 0 : i32
            %broadcast_in_dim3A_1526 = vector.broadcast %broadcast_in_dim3A_1525 : i32 to vector<16xi32>
            %broadcast_in_dim3A_1527 = vector.shape_cast %broadcast_in_dim3A_1526 : vector<16xi32> to vector<16x1xi32>
            %gather3A_1528 = vector.shape_cast %broadcast_in_dim3A_1527 : vector<16x1xi32> to vector<16xi32>
            %gather3A_1529 = tpu.dynamic_gather %get3A_1437[%gather3A_1528] in [0] : vector<16xf32>, vector<16xi32> -> vector<16xf32>
            %broadcast_in_dim3A_1530 = arith.constant 0 : i32
            %broadcast_in_dim3A_1531 = vector.broadcast %broadcast_in_dim3A_1530 : i32 to vector<16xi32>
            %broadcast_in_dim3A_1532 = arith.constant 0 : i32
            %broadcast_in_dim3A_1533 = vector.broadcast %broadcast_in_dim3A_1532 : i32 to vector<16xi32>
            %add3A_1534 = arith.addf %gather3A_1524, %gather3A_1529 : vector<16xf32>
            %scatter3A = arith.constant 1 : i32
            %scatter3A_1535 = arith.constant 0 : i32
            %scatter3A_1536 = arith.constant 0 : i32
            %scatter3A_1537 = arith.constant 0 : i32
            %scatter3A_1538 = tpu.memref_slice %arg8[%scatter3A, %scatter3A_1535, %scatter3A_1536, %scatter3A_1537] : memref<2x4x8x513xf32, #tpu.memory_space<vmem>> -> memref<1x4x8x513xf32, #tpu.memory_space<vmem>>
            %scatter3A_1539 = tpu.memref_squeeze %scatter3A_1538 : memref<1x4x8x513xf32, #tpu.memory_space<vmem>> -> memref<4x8x513xf32, #tpu.memory_space<vmem>>
            tpu.vector_store_idx %scatter3A_1539[%broadcast_in_dim3A_1531, %broadcast_in_dim3A_1533, %add3A_1505], %add3A_1534 masked %eq3A_1501 : memref<4x8x513xf32, #tpu.memory_space<vmem>>[vector<16xi32>, vector<16xi32>, vector<16xi32>], vector<16xf32>, vector<16xi1>
            %broadcast_in_dim3A_1540 = arith.constant 1 : i32
            %broadcast_in_dim3A_1541 = vector.broadcast %broadcast_in_dim3A_1540 : i32 to vector<16xi32>
            %gather3A_1542 = arith.constant 1 : i32
            %gather3A_1543 = arith.constant 0 : i32
            %gather3A_1544 = arith.constant 0 : i32
            %gather3A_1545 = tpu.memref_slice %arg7[%gather3A_1542, %gather3A_1543, %gather3A_1544] : memref<2x512x32xf32, #tpu.memory_space<vmem>> -> memref<1x512x32xf32, #tpu.memory_space<vmem>>
            %gather3A_1546 = tpu.memref_squeeze %gather3A_1545 : memref<1x512x32xf32, #tpu.memory_space<vmem>> -> memref<512x32xf32, #tpu.memory_space<vmem>>
            %gather3A_1547 = tpu.vector_load_idx %gather3A_1546[%add3A_1505, %broadcast_in_dim3A_1541] masked %eq3A_1501 : memref<512x32xf32, #tpu.memory_space<vmem>>[vector<16xi32>, vector<16xi32>], vector<16xf32>, vector<16xi1>
            %broadcast_in_dim3A_1548 = arith.constant 1 : i32
            %broadcast_in_dim3A_1549 = vector.broadcast %broadcast_in_dim3A_1548 : i32 to vector<16xi32>
            %broadcast_in_dim3A_1550 = vector.shape_cast %broadcast_in_dim3A_1549 : vector<16xi32> to vector<16x1xi32>
            %gather3A_1551 = vector.shape_cast %broadcast_in_dim3A_1550 : vector<16x1xi32> to vector<16xi32>
            %gather3A_1552 = tpu.dynamic_gather %get3A_1437[%gather3A_1551] in [0] : vector<16xf32>, vector<16xi32> -> vector<16xf32>
            %broadcast_in_dim3A_1553 = arith.constant 0 : i32
            %broadcast_in_dim3A_1554 = vector.broadcast %broadcast_in_dim3A_1553 : i32 to vector<16xi32>
            %broadcast_in_dim3A_1555 = arith.constant 1 : i32
            %broadcast_in_dim3A_1556 = vector.broadcast %broadcast_in_dim3A_1555 : i32 to vector<16xi32>
            %add3A_1557 = arith.addf %gather3A_1547, %gather3A_1552 : vector<16xf32>
            %scatter3A_1558 = arith.constant 1 : i32
            %scatter3A_1559 = arith.constant 0 : i32
            %scatter3A_1560 = arith.constant 0 : i32
            %scatter3A_1561 = arith.constant 0 : i32
            %scatter3A_1562 = tpu.memref_slice %arg8[%scatter3A_1558, %scatter3A_1559, %scatter3A_1560, %scatter3A_1561] : memref<2x4x8x513xf32, #tpu.memory_space<vmem>> -> memref<1x4x8x513xf32, #tpu.memory_space<vmem>>
            %scatter3A_1563 = tpu.memref_squeeze %scatter3A_1562 : memref<1x4x8x513xf32, #tpu.memory_space<vmem>> -> memref<4x8x513xf32, #tpu.memory_space<vmem>>
            tpu.vector_store_idx %scatter3A_1563[%broadcast_in_dim3A_1554, %broadcast_in_dim3A_1556, %add3A_1505], %add3A_1557 masked %eq3A_1501 : memref<4x8x513xf32, #tpu.memory_space<vmem>>[vector<16xi32>, vector<16xi32>, vector<16xi32>], vector<16xf32>, vector<16xi1>
            %broadcast_in_dim3A_1564 = arith.constant 2 : i32
            %broadcast_in_dim3A_1565 = vector.broadcast %broadcast_in_dim3A_1564 : i32 to vector<16xi32>
            %gather3A_1566 = arith.constant 1 : i32
            %gather3A_1567 = arith.constant 0 : i32
            %gather3A_1568 = arith.constant 0 : i32
            %gather3A_1569 = tpu.memref_slice %arg7[%gather3A_1566, %gather3A_1567, %gather3A_1568] : memref<2x512x32xf32, #tpu.memory_space<vmem>> -> memref<1x512x32xf32, #tpu.memory_space<vmem>>
            %gather3A_1570 = tpu.memref_squeeze %gather3A_1569 : memref<1x512x32xf32, #tpu.memory_space<vmem>> -> memref<512x32xf32, #tpu.memory_space<vmem>>
            %gather3A_1571 = tpu.vector_load_idx %gather3A_1570[%add3A_1505, %broadcast_in_dim3A_1565] masked %eq3A_1501 : memref<512x32xf32, #tpu.memory_space<vmem>>[vector<16xi32>, vector<16xi32>], vector<16xf32>, vector<16xi1>
            %broadcast_in_dim3A_1572 = arith.constant 2 : i32
            %broadcast_in_dim3A_1573 = vector.broadcast %broadcast_in_dim3A_1572 : i32 to vector<16xi32>
            %broadcast_in_dim3A_1574 = vector.shape_cast %broadcast_in_dim3A_1573 : vector<16xi32> to vector<16x1xi32>
            %gather3A_1575 = vector.shape_cast %broadcast_in_dim3A_1574 : vector<16x1xi32> to vector<16xi32>
            %gather3A_1576 = tpu.dynamic_gather %get3A_1437[%gather3A_1575] in [0] : vector<16xf32>, vector<16xi32> -> vector<16xf32>
            %broadcast_in_dim3A_1577 = arith.constant 0 : i32
            %broadcast_in_dim3A_1578 = vector.broadcast %broadcast_in_dim3A_1577 : i32 to vector<16xi32>
            %broadcast_in_dim3A_1579 = arith.constant 2 : i32
            %broadcast_in_dim3A_1580 = vector.broadcast %broadcast_in_dim3A_1579 : i32 to vector<16xi32>
            %add3A_1581 = arith.addf %gather3A_1571, %gather3A_1576 : vector<16xf32>
            %scatter3A_1582 = arith.constant 1 : i32
            %scatter3A_1583 = arith.constant 0 : i32
            %scatter3A_1584 = arith.constant 0 : i32
            %scatter3A_1585 = arith.constant 0 : i32
            %scatter3A_1586 = tpu.memref_slice %arg8[%scatter3A_1582, %scatter3A_1583, %scatter3A_1584, %scatter3A_1585] : memref<2x4x8x513xf32, #tpu.memory_space<vmem>> -> memref<1x4x8x513xf32, #tpu.memory_space<vmem>>
            %scatter3A_1587 = tpu.memref_squeeze %scatter3A_1586 : memref<1x4x8x513xf32, #tpu.memory_space<vmem>> -> memref<4x8x513xf32, #tpu.memory_space<vmem>>
            tpu.vector_store_idx %scatter3A_1587[%broadcast_in_dim3A_1578, %broadcast_in_dim3A_1580, %add3A_1505], %add3A_1581 masked %eq3A_1501 : memref<4x8x513xf32, #tpu.memory_space<vmem>>[vector<16xi32>, vector<16xi32>, vector<16xi32>], vector<16xf32>, vector<16xi1>
            %broadcast_in_dim3A_1588 = arith.constant 3 : i32
            %broadcast_in_dim3A_1589 = vector.broadcast %broadcast_in_dim3A_1588 : i32 to vector<16xi32>
            %gather3A_1590 = arith.constant 1 : i32
            %gather3A_1591 = arith.constant 0 : i32
            %gather3A_1592 = arith.constant 0 : i32
            %gather3A_1593 = tpu.memref_slice %arg7[%gather3A_1590, %gather3A_1591, %gather3A_1592] : memref<2x512x32xf32, #tpu.memory_space<vmem>> -> memref<1x512x32xf32, #tpu.memory_space<vmem>>
            %gather3A_1594 = tpu.memref_squeeze %gather3A_1593 : memref<1x512x32xf32, #tpu.memory_space<vmem>> -> memref<512x32xf32, #tpu.memory_space<vmem>>
            %gather3A_1595 = tpu.vector_load_idx %gather3A_1594[%add3A_1505, %broadcast_in_dim3A_1589] masked %eq3A_1501 : memref<512x32xf32, #tpu.memory_space<vmem>>[vector<16xi32>, vector<16xi32>], vector<16xf32>, vector<16xi1>
            %broadcast_in_dim3A_1596 = arith.constant 3 : i32
            %broadcast_in_dim3A_1597 = vector.broadcast %broadcast_in_dim3A_1596 : i32 to vector<16xi32>
            %broadcast_in_dim3A_1598 = vector.shape_cast %broadcast_in_dim3A_1597 : vector<16xi32> to vector<16x1xi32>
            %gather3A_1599 = vector.shape_cast %broadcast_in_dim3A_1598 : vector<16x1xi32> to vector<16xi32>
            %gather3A_1600 = tpu.dynamic_gather %get3A_1437[%gather3A_1599] in [0] : vector<16xf32>, vector<16xi32> -> vector<16xf32>
            %broadcast_in_dim3A_1601 = arith.constant 0 : i32
            %broadcast_in_dim3A_1602 = vector.broadcast %broadcast_in_dim3A_1601 : i32 to vector<16xi32>
            %broadcast_in_dim3A_1603 = arith.constant 3 : i32
            %broadcast_in_dim3A_1604 = vector.broadcast %broadcast_in_dim3A_1603 : i32 to vector<16xi32>
            %add3A_1605 = arith.addf %gather3A_1595, %gather3A_1600 : vector<16xf32>
            %scatter3A_1606 = arith.constant 1 : i32
            %scatter3A_1607 = arith.constant 0 : i32
            %scatter3A_1608 = arith.constant 0 : i32
            %scatter3A_1609 = arith.constant 0 : i32
            %scatter3A_1610 = tpu.memref_slice %arg8[%scatter3A_1606, %scatter3A_1607, %scatter3A_1608, %scatter3A_1609] : memref<2x4x8x513xf32, #tpu.memory_space<vmem>> -> memref<1x4x8x513xf32, #tpu.memory_space<vmem>>
            %scatter3A_1611 = tpu.memref_squeeze %scatter3A_1610 : memref<1x4x8x513xf32, #tpu.memory_space<vmem>> -> memref<4x8x513xf32, #tpu.memory_space<vmem>>
            tpu.vector_store_idx %scatter3A_1611[%broadcast_in_dim3A_1602, %broadcast_in_dim3A_1604, %add3A_1505], %add3A_1605 masked %eq3A_1501 : memref<4x8x513xf32, #tpu.memory_space<vmem>>[vector<16xi32>, vector<16xi32>, vector<16xi32>], vector<16xf32>, vector<16xi1>
            %broadcast_in_dim3A_1612 = arith.constant 4 : i32
            %broadcast_in_dim3A_1613 = vector.broadcast %broadcast_in_dim3A_1612 : i32 to vector<16xi32>
            %gather3A_1614 = arith.constant 1 : i32
            %gather3A_1615 = arith.constant 0 : i32
            %gather3A_1616 = arith.constant 0 : i32
            %gather3A_1617 = tpu.memref_slice %arg7[%gather3A_1614, %gather3A_1615, %gather3A_1616] : memref<2x512x32xf32, #tpu.memory_space<vmem>> -> memref<1x512x32xf32, #tpu.memory_space<vmem>>
            %gather3A_1618 = tpu.memref_squeeze %gather3A_1617 : memref<1x512x32xf32, #tpu.memory_space<vmem>> -> memref<512x32xf32, #tpu.memory_space<vmem>>
            %gather3A_1619 = tpu.vector_load_idx %gather3A_1618[%add3A_1505, %broadcast_in_dim3A_1613] masked %eq3A_1501 : memref<512x32xf32, #tpu.memory_space<vmem>>[vector<16xi32>, vector<16xi32>], vector<16xf32>, vector<16xi1>
            %broadcast_in_dim3A_1620 = arith.constant 4 : i32
            %broadcast_in_dim3A_1621 = vector.broadcast %broadcast_in_dim3A_1620 : i32 to vector<16xi32>
            %broadcast_in_dim3A_1622 = vector.shape_cast %broadcast_in_dim3A_1621 : vector<16xi32> to vector<16x1xi32>
            %gather3A_1623 = vector.shape_cast %broadcast_in_dim3A_1622 : vector<16x1xi32> to vector<16xi32>
            %gather3A_1624 = tpu.dynamic_gather %get3A_1437[%gather3A_1623] in [0] : vector<16xf32>, vector<16xi32> -> vector<16xf32>
            %broadcast_in_dim3A_1625 = arith.constant 0 : i32
            %broadcast_in_dim3A_1626 = vector.broadcast %broadcast_in_dim3A_1625 : i32 to vector<16xi32>
            %broadcast_in_dim3A_1627 = arith.constant 4 : i32
            %broadcast_in_dim3A_1628 = vector.broadcast %broadcast_in_dim3A_1627 : i32 to vector<16xi32>
            %add3A_1629 = arith.addf %gather3A_1619, %gather3A_1624 : vector<16xf32>
            %scatter3A_1630 = arith.constant 1 : i32
            %scatter3A_1631 = arith.constant 0 : i32
            %scatter3A_1632 = arith.constant 0 : i32
            %scatter3A_1633 = arith.constant 0 : i32
            %scatter3A_1634 = tpu.memref_slice %arg8[%scatter3A_1630, %scatter3A_1631, %scatter3A_1632, %scatter3A_1633] : memref<2x4x8x513xf32, #tpu.memory_space<vmem>> -> memref<1x4x8x513xf32, #tpu.memory_space<vmem>>
            %scatter3A_1635 = tpu.memref_squeeze %scatter3A_1634 : memref<1x4x8x513xf32, #tpu.memory_space<vmem>> -> memref<4x8x513xf32, #tpu.memory_space<vmem>>
            tpu.vector_store_idx %scatter3A_1635[%broadcast_in_dim3A_1626, %broadcast_in_dim3A_1628, %add3A_1505], %add3A_1629 masked %eq3A_1501 : memref<4x8x513xf32, #tpu.memory_space<vmem>>[vector<16xi32>, vector<16xi32>, vector<16xi32>], vector<16xf32>, vector<16xi1>
            %broadcast_in_dim3A_1636 = arith.constant 5 : i32
            %broadcast_in_dim3A_1637 = vector.broadcast %broadcast_in_dim3A_1636 : i32 to vector<16xi32>
            %gather3A_1638 = arith.constant 1 : i32
            %gather3A_1639 = arith.constant 0 : i32
            %gather3A_1640 = arith.constant 0 : i32
            %gather3A_1641 = tpu.memref_slice %arg7[%gather3A_1638, %gather3A_1639, %gather3A_1640] : memref<2x512x32xf32, #tpu.memory_space<vmem>> -> memref<1x512x32xf32, #tpu.memory_space<vmem>>
            %gather3A_1642 = tpu.memref_squeeze %gather3A_1641 : memref<1x512x32xf32, #tpu.memory_space<vmem>> -> memref<512x32xf32, #tpu.memory_space<vmem>>
            %gather3A_1643 = tpu.vector_load_idx %gather3A_1642[%add3A_1505, %broadcast_in_dim3A_1637] masked %eq3A_1501 : memref<512x32xf32, #tpu.memory_space<vmem>>[vector<16xi32>, vector<16xi32>], vector<16xf32>, vector<16xi1>
            %broadcast_in_dim3A_1644 = arith.constant 5 : i32
            %broadcast_in_dim3A_1645 = vector.broadcast %broadcast_in_dim3A_1644 : i32 to vector<16xi32>
            %broadcast_in_dim3A_1646 = vector.shape_cast %broadcast_in_dim3A_1645 : vector<16xi32> to vector<16x1xi32>
            %gather3A_1647 = vector.shape_cast %broadcast_in_dim3A_1646 : vector<16x1xi32> to vector<16xi32>
            %gather3A_1648 = tpu.dynamic_gather %get3A_1437[%gather3A_1647] in [0] : vector<16xf32>, vector<16xi32> -> vector<16xf32>
            %broadcast_in_dim3A_1649 = arith.constant 0 : i32
            %broadcast_in_dim3A_1650 = vector.broadcast %broadcast_in_dim3A_1649 : i32 to vector<16xi32>
            %broadcast_in_dim3A_1651 = arith.constant 5 : i32
            %broadcast_in_dim3A_1652 = vector.broadcast %broadcast_in_dim3A_1651 : i32 to vector<16xi32>
            %add3A_1653 = arith.addf %gather3A_1643, %gather3A_1648 : vector<16xf32>
            %scatter3A_1654 = arith.constant 1 : i32
            %scatter3A_1655 = arith.constant 0 : i32
            %scatter3A_1656 = arith.constant 0 : i32
            %scatter3A_1657 = arith.constant 0 : i32
            %scatter3A_1658 = tpu.memref_slice %arg8[%scatter3A_1654, %scatter3A_1655, %scatter3A_1656, %scatter3A_1657] : memref<2x4x8x513xf32, #tpu.memory_space<vmem>> -> memref<1x4x8x513xf32, #tpu.memory_space<vmem>>
            %scatter3A_1659 = tpu.memref_squeeze %scatter3A_1658 : memref<1x4x8x513xf32, #tpu.memory_space<vmem>> -> memref<4x8x513xf32, #tpu.memory_space<vmem>>
            tpu.vector_store_idx %scatter3A_1659[%broadcast_in_dim3A_1650, %broadcast_in_dim3A_1652, %add3A_1505], %add3A_1653 masked %eq3A_1501 : memref<4x8x513xf32, #tpu.memory_space<vmem>>[vector<16xi32>, vector<16xi32>, vector<16xi32>], vector<16xf32>, vector<16xi1>
            %broadcast_in_dim3A_1660 = arith.constant 6 : i32
            %broadcast_in_dim3A_1661 = vector.broadcast %broadcast_in_dim3A_1660 : i32 to vector<16xi32>
            %gather3A_1662 = arith.constant 1 : i32
            %gather3A_1663 = arith.constant 0 : i32
            %gather3A_1664 = arith.constant 0 : i32
            %gather3A_1665 = tpu.memref_slice %arg7[%gather3A_1662, %gather3A_1663, %gather3A_1664] : memref<2x512x32xf32, #tpu.memory_space<vmem>> -> memref<1x512x32xf32, #tpu.memory_space<vmem>>
            %gather3A_1666 = tpu.memref_squeeze %gather3A_1665 : memref<1x512x32xf32, #tpu.memory_space<vmem>> -> memref<512x32xf32, #tpu.memory_space<vmem>>
            %gather3A_1667 = tpu.vector_load_idx %gather3A_1666[%add3A_1505, %broadcast_in_dim3A_1661] masked %eq3A_1501 : memref<512x32xf32, #tpu.memory_space<vmem>>[vector<16xi32>, vector<16xi32>], vector<16xf32>, vector<16xi1>
            %broadcast_in_dim3A_1668 = arith.constant 6 : i32
            %broadcast_in_dim3A_1669 = vector.broadcast %broadcast_in_dim3A_1668 : i32 to vector<16xi32>
            %broadcast_in_dim3A_1670 = vector.shape_cast %broadcast_in_dim3A_1669 : vector<16xi32> to vector<16x1xi32>
            %gather3A_1671 = vector.shape_cast %broadcast_in_dim3A_1670 : vector<16x1xi32> to vector<16xi32>
            %gather3A_1672 = tpu.dynamic_gather %get3A_1437[%gather3A_1671] in [0] : vector<16xf32>, vector<16xi32> -> vector<16xf32>
            %broadcast_in_dim3A_1673 = arith.constant 0 : i32
            %broadcast_in_dim3A_1674 = vector.broadcast %broadcast_in_dim3A_1673 : i32 to vector<16xi32>
            %broadcast_in_dim3A_1675 = arith.constant 6 : i32
            %broadcast_in_dim3A_1676 = vector.broadcast %broadcast_in_dim3A_1675 : i32 to vector<16xi32>
            %add3A_1677 = arith.addf %gather3A_1667, %gather3A_1672 : vector<16xf32>
            %scatter3A_1678 = arith.constant 1 : i32
            %scatter3A_1679 = arith.constant 0 : i32
            %scatter3A_1680 = arith.constant 0 : i32
            %scatter3A_1681 = arith.constant 0 : i32
            %scatter3A_1682 = tpu.memref_slice %arg8[%scatter3A_1678, %scatter3A_1679, %scatter3A_1680, %scatter3A_1681] : memref<2x4x8x513xf32, #tpu.memory_space<vmem>> -> memref<1x4x8x513xf32, #tpu.memory_space<vmem>>
            %scatter3A_1683 = tpu.memref_squeeze %scatter3A_1682 : memref<1x4x8x513xf32, #tpu.memory_space<vmem>> -> memref<4x8x513xf32, #tpu.memory_space<vmem>>
            tpu.vector_store_idx %scatter3A_1683[%broadcast_in_dim3A_1674, %broadcast_in_dim3A_1676, %add3A_1505], %add3A_1677 masked %eq3A_1501 : memref<4x8x513xf32, #tpu.memory_space<vmem>>[vector<16xi32>, vector<16xi32>, vector<16xi32>], vector<16xf32>, vector<16xi1>
            %broadcast_in_dim3A_1684 = arith.constant 7 : i32
            %broadcast_in_dim3A_1685 = vector.broadcast %broadcast_in_dim3A_1684 : i32 to vector<16xi32>
            %gather3A_1686 = arith.constant 1 : i32
            %gather3A_1687 = arith.constant 0 : i32
            %gather3A_1688 = arith.constant 0 : i32
            %gather3A_1689 = tpu.memref_slice %arg7[%gather3A_1686, %gather3A_1687, %gather3A_1688] : memref<2x512x32xf32, #tpu.memory_space<vmem>> -> memref<1x512x32xf32, #tpu.memory_space<vmem>>
            %gather3A_1690 = tpu.memref_squeeze %gather3A_1689 : memref<1x512x32xf32, #tpu.memory_space<vmem>> -> memref<512x32xf32, #tpu.memory_space<vmem>>
            %gather3A_1691 = tpu.vector_load_idx %gather3A_1690[%add3A_1505, %broadcast_in_dim3A_1685] masked %eq3A_1501 : memref<512x32xf32, #tpu.memory_space<vmem>>[vector<16xi32>, vector<16xi32>], vector<16xf32>, vector<16xi1>
            %broadcast_in_dim3A_1692 = arith.constant 7 : i32
            %broadcast_in_dim3A_1693 = vector.broadcast %broadcast_in_dim3A_1692 : i32 to vector<16xi32>
            %broadcast_in_dim3A_1694 = vector.shape_cast %broadcast_in_dim3A_1693 : vector<16xi32> to vector<16x1xi32>
            %gather3A_1695 = vector.shape_cast %broadcast_in_dim3A_1694 : vector<16x1xi32> to vector<16xi32>
            %gather3A_1696 = tpu.dynamic_gather %get3A_1437[%gather3A_1695] in [0] : vector<16xf32>, vector<16xi32> -> vector<16xf32>
            %broadcast_in_dim3A_1697 = arith.constant 0 : i32
            %broadcast_in_dim3A_1698 = vector.broadcast %broadcast_in_dim3A_1697 : i32 to vector<16xi32>
            %broadcast_in_dim3A_1699 = arith.constant 7 : i32
            %broadcast_in_dim3A_1700 = vector.broadcast %broadcast_in_dim3A_1699 : i32 to vector<16xi32>
            %add3A_1701 = arith.addf %gather3A_1691, %gather3A_1696 : vector<16xf32>
            %scatter3A_1702 = arith.constant 1 : i32
            %scatter3A_1703 = arith.constant 0 : i32
            %scatter3A_1704 = arith.constant 0 : i32
            %scatter3A_1705 = arith.constant 0 : i32
            %scatter3A_1706 = tpu.memref_slice %arg8[%scatter3A_1702, %scatter3A_1703, %scatter3A_1704, %scatter3A_1705] : memref<2x4x8x513xf32, #tpu.memory_space<vmem>> -> memref<1x4x8x513xf32, #tpu.memory_space<vmem>>
            %scatter3A_1707 = tpu.memref_squeeze %scatter3A_1706 : memref<1x4x8x513xf32, #tpu.memory_space<vmem>> -> memref<4x8x513xf32, #tpu.memory_space<vmem>>
            tpu.vector_store_idx %scatter3A_1707[%broadcast_in_dim3A_1698, %broadcast_in_dim3A_1700, %add3A_1505], %add3A_1701 masked %eq3A_1501 : memref<4x8x513xf32, #tpu.memory_space<vmem>>[vector<16xi32>, vector<16xi32>, vector<16xi32>], vector<16xf32>, vector<16xi1>
            %broadcast_in_dim3A_1708 = arith.constant 8 : i32
            %broadcast_in_dim3A_1709 = vector.broadcast %broadcast_in_dim3A_1708 : i32 to vector<16xi32>
            %gather3A_1710 = arith.constant 1 : i32
            %gather3A_1711 = arith.constant 0 : i32
            %gather3A_1712 = arith.constant 0 : i32
            %gather3A_1713 = tpu.memref_slice %arg7[%gather3A_1710, %gather3A_1711, %gather3A_1712] : memref<2x512x32xf32, #tpu.memory_space<vmem>> -> memref<1x512x32xf32, #tpu.memory_space<vmem>>
            %gather3A_1714 = tpu.memref_squeeze %gather3A_1713 : memref<1x512x32xf32, #tpu.memory_space<vmem>> -> memref<512x32xf32, #tpu.memory_space<vmem>>
            %gather3A_1715 = tpu.vector_load_idx %gather3A_1714[%add3A_1505, %broadcast_in_dim3A_1709] masked %eq3A_1501 : memref<512x32xf32, #tpu.memory_space<vmem>>[vector<16xi32>, vector<16xi32>], vector<16xf32>, vector<16xi1>
            %broadcast_in_dim3A_1716 = arith.constant 8 : i32
            %broadcast_in_dim3A_1717 = vector.broadcast %broadcast_in_dim3A_1716 : i32 to vector<16xi32>
            %broadcast_in_dim3A_1718 = vector.shape_cast %broadcast_in_dim3A_1717 : vector<16xi32> to vector<16x1xi32>
            %gather3A_1719 = vector.shape_cast %broadcast_in_dim3A_1718 : vector<16x1xi32> to vector<16xi32>
            %gather3A_1720 = tpu.dynamic_gather %get3A_1437[%gather3A_1719] in [0] : vector<16xf32>, vector<16xi32> -> vector<16xf32>
            %broadcast_in_dim3A_1721 = arith.constant 1 : i32
            %broadcast_in_dim3A_1722 = vector.broadcast %broadcast_in_dim3A_1721 : i32 to vector<16xi32>
            %broadcast_in_dim3A_1723 = arith.constant 0 : i32
            %broadcast_in_dim3A_1724 = vector.broadcast %broadcast_in_dim3A_1723 : i32 to vector<16xi32>
            %add3A_1725 = arith.addf %gather3A_1715, %gather3A_1720 : vector<16xf32>
            %scatter3A_1726 = arith.constant 1 : i32
            %scatter3A_1727 = arith.constant 0 : i32
            %scatter3A_1728 = arith.constant 0 : i32
            %scatter3A_1729 = arith.constant 0 : i32
            %scatter3A_1730 = tpu.memref_slice %arg8[%scatter3A_1726, %scatter3A_1727, %scatter3A_1728, %scatter3A_1729] : memref<2x4x8x513xf32, #tpu.memory_space<vmem>> -> memref<1x4x8x513xf32, #tpu.memory_space<vmem>>
            %scatter3A_1731 = tpu.memref_squeeze %scatter3A_1730 : memref<1x4x8x513xf32, #tpu.memory_space<vmem>> -> memref<4x8x513xf32, #tpu.memory_space<vmem>>
            tpu.vector_store_idx %scatter3A_1731[%broadcast_in_dim3A_1722, %broadcast_in_dim3A_1724, %add3A_1505], %add3A_1725 masked %eq3A_1501 : memref<4x8x513xf32, #tpu.memory_space<vmem>>[vector<16xi32>, vector<16xi32>, vector<16xi32>], vector<16xf32>, vector<16xi1>
            %broadcast_in_dim3A_1732 = arith.constant 9 : i32
            %broadcast_in_dim3A_1733 = vector.broadcast %broadcast_in_dim3A_1732 : i32 to vector<16xi32>
            %gather3A_1734 = arith.constant 1 : i32
            %gather3A_1735 = arith.constant 0 : i32
            %gather3A_1736 = arith.constant 0 : i32
            %gather3A_1737 = tpu.memref_slice %arg7[%gather3A_1734, %gather3A_1735, %gather3A_1736] : memref<2x512x32xf32, #tpu.memory_space<vmem>> -> memref<1x512x32xf32, #tpu.memory_space<vmem>>
            %gather3A_1738 = tpu.memref_squeeze %gather3A_1737 : memref<1x512x32xf32, #tpu.memory_space<vmem>> -> memref<512x32xf32, #tpu.memory_space<vmem>>
            %gather3A_1739 = tpu.vector_load_idx %gather3A_1738[%add3A_1505, %broadcast_in_dim3A_1733] masked %eq3A_1501 : memref<512x32xf32, #tpu.memory_space<vmem>>[vector<16xi32>, vector<16xi32>], vector<16xf32>, vector<16xi1>
            %broadcast_in_dim3A_1740 = arith.constant 9 : i32
            %broadcast_in_dim3A_1741 = vector.broadcast %broadcast_in_dim3A_1740 : i32 to vector<16xi32>
            %broadcast_in_dim3A_1742 = vector.shape_cast %broadcast_in_dim3A_1741 : vector<16xi32> to vector<16x1xi32>
            %gather3A_1743 = vector.shape_cast %broadcast_in_dim3A_1742 : vector<16x1xi32> to vector<16xi32>
            %gather3A_1744 = tpu.dynamic_gather %get3A_1437[%gather3A_1743] in [0] : vector<16xf32>, vector<16xi32> -> vector<16xf32>
            %broadcast_in_dim3A_1745 = arith.constant 1 : i32
            %broadcast_in_dim3A_1746 = vector.broadcast %broadcast_in_dim3A_1745 : i32 to vector<16xi32>
            %broadcast_in_dim3A_1747 = arith.constant 1 : i32
            %broadcast_in_dim3A_1748 = vector.broadcast %broadcast_in_dim3A_1747 : i32 to vector<16xi32>
            %add3A_1749 = arith.addf %gather3A_1739, %gather3A_1744 : vector<16xf32>
            %scatter3A_1750 = arith.constant 1 : i32
            %scatter3A_1751 = arith.constant 0 : i32
            %scatter3A_1752 = arith.constant 0 : i32
            %scatter3A_1753 = arith.constant 0 : i32
            %scatter3A_1754 = tpu.memref_slice %arg8[%scatter3A_1750, %scatter3A_1751, %scatter3A_1752, %scatter3A_1753] : memref<2x4x8x513xf32, #tpu.memory_space<vmem>> -> memref<1x4x8x513xf32, #tpu.memory_space<vmem>>
            %scatter3A_1755 = tpu.memref_squeeze %scatter3A_1754 : memref<1x4x8x513xf32, #tpu.memory_space<vmem>> -> memref<4x8x513xf32, #tpu.memory_space<vmem>>
            tpu.vector_store_idx %scatter3A_1755[%broadcast_in_dim3A_1746, %broadcast_in_dim3A_1748, %add3A_1505], %add3A_1749 masked %eq3A_1501 : memref<4x8x513xf32, #tpu.memory_space<vmem>>[vector<16xi32>, vector<16xi32>, vector<16xi32>], vector<16xf32>, vector<16xi1>
            %broadcast_in_dim3A_1756 = arith.constant 10 : i32
            %broadcast_in_dim3A_1757 = vector.broadcast %broadcast_in_dim3A_1756 : i32 to vector<16xi32>
            %gather3A_1758 = arith.constant 1 : i32
            %gather3A_1759 = arith.constant 0 : i32
            %gather3A_1760 = arith.constant 0 : i32
            %gather3A_1761 = tpu.memref_slice %arg7[%gather3A_1758, %gather3A_1759, %gather3A_1760] : memref<2x512x32xf32, #tpu.memory_space<vmem>> -> memref<1x512x32xf32, #tpu.memory_space<vmem>>
            %gather3A_1762 = tpu.memref_squeeze %gather3A_1761 : memref<1x512x32xf32, #tpu.memory_space<vmem>> -> memref<512x32xf32, #tpu.memory_space<vmem>>
            %gather3A_1763 = tpu.vector_load_idx %gather3A_1762[%add3A_1505, %broadcast_in_dim3A_1757] masked %eq3A_1501 : memref<512x32xf32, #tpu.memory_space<vmem>>[vector<16xi32>, vector<16xi32>], vector<16xf32>, vector<16xi1>
            %broadcast_in_dim3A_1764 = arith.constant 10 : i32
            %broadcast_in_dim3A_1765 = vector.broadcast %broadcast_in_dim3A_1764 : i32 to vector<16xi32>
            %broadcast_in_dim3A_1766 = vector.shape_cast %broadcast_in_dim3A_1765 : vector<16xi32> to vector<16x1xi32>
            %gather3A_1767 = vector.shape_cast %broadcast_in_dim3A_1766 : vector<16x1xi32> to vector<16xi32>
            %gather3A_1768 = tpu.dynamic_gather %get3A_1437[%gather3A_1767] in [0] : vector<16xf32>, vector<16xi32> -> vector<16xf32>
            %broadcast_in_dim3A_1769 = arith.constant 1 : i32
            %broadcast_in_dim3A_1770 = vector.broadcast %broadcast_in_dim3A_1769 : i32 to vector<16xi32>
            %broadcast_in_dim3A_1771 = arith.constant 2 : i32
            %broadcast_in_dim3A_1772 = vector.broadcast %broadcast_in_dim3A_1771 : i32 to vector<16xi32>
            %add3A_1773 = arith.addf %gather3A_1763, %gather3A_1768 : vector<16xf32>
            %scatter3A_1774 = arith.constant 1 : i32
            %scatter3A_1775 = arith.constant 0 : i32
            %scatter3A_1776 = arith.constant 0 : i32
            %scatter3A_1777 = arith.constant 0 : i32
            %scatter3A_1778 = tpu.memref_slice %arg8[%scatter3A_1774, %scatter3A_1775, %scatter3A_1776, %scatter3A_1777] : memref<2x4x8x513xf32, #tpu.memory_space<vmem>> -> memref<1x4x8x513xf32, #tpu.memory_space<vmem>>
            %scatter3A_1779 = tpu.memref_squeeze %scatter3A_1778 : memref<1x4x8x513xf32, #tpu.memory_space<vmem>> -> memref<4x8x513xf32, #tpu.memory_space<vmem>>
            tpu.vector_store_idx %scatter3A_1779[%broadcast_in_dim3A_1770, %broadcast_in_dim3A_1772, %add3A_1505], %add3A_1773 masked %eq3A_1501 : memref<4x8x513xf32, #tpu.memory_space<vmem>>[vector<16xi32>, vector<16xi32>, vector<16xi32>], vector<16xf32>, vector<16xi1>
            %broadcast_in_dim3A_1780 = arith.constant 11 : i32
            %broadcast_in_dim3A_1781 = vector.broadcast %broadcast_in_dim3A_1780 : i32 to vector<16xi32>
            %gather3A_1782 = arith.constant 1 : i32
            %gather3A_1783 = arith.constant 0 : i32
            %gather3A_1784 = arith.constant 0 : i32
            %gather3A_1785 = tpu.memref_slice %arg7[%gather3A_1782, %gather3A_1783, %gather3A_1784] : memref<2x512x32xf32, #tpu.memory_space<vmem>> -> memref<1x512x32xf32, #tpu.memory_space<vmem>>
            %gather3A_1786 = tpu.memref_squeeze %gather3A_1785 : memref<1x512x32xf32, #tpu.memory_space<vmem>> -> memref<512x32xf32, #tpu.memory_space<vmem>>
            %gather3A_1787 = tpu.vector_load_idx %gather3A_1786[%add3A_1505, %broadcast_in_dim3A_1781] masked %eq3A_1501 : memref<512x32xf32, #tpu.memory_space<vmem>>[vector<16xi32>, vector<16xi32>], vector<16xf32>, vector<16xi1>
            %broadcast_in_dim3A_1788 = arith.constant 11 : i32
            %broadcast_in_dim3A_1789 = vector.broadcast %broadcast_in_dim3A_1788 : i32 to vector<16xi32>
            %broadcast_in_dim3A_1790 = vector.shape_cast %broadcast_in_dim3A_1789 : vector<16xi32> to vector<16x1xi32>
            %gather3A_1791 = vector.shape_cast %broadcast_in_dim3A_1790 : vector<16x1xi32> to vector<16xi32>
            %gather3A_1792 = tpu.dynamic_gather %get3A_1437[%gather3A_1791] in [0] : vector<16xf32>, vector<16xi32> -> vector<16xf32>
            %broadcast_in_dim3A_1793 = arith.constant 1 : i32
            %broadcast_in_dim3A_1794 = vector.broadcast %broadcast_in_dim3A_1793 : i32 to vector<16xi32>
            %broadcast_in_dim3A_1795 = arith.constant 3 : i32
            %broadcast_in_dim3A_1796 = vector.broadcast %broadcast_in_dim3A_1795 : i32 to vector<16xi32>
            %add3A_1797 = arith.addf %gather3A_1787, %gather3A_1792 : vector<16xf32>
            %scatter3A_1798 = arith.constant 1 : i32
            %scatter3A_1799 = arith.constant 0 : i32
            %scatter3A_1800 = arith.constant 0 : i32
            %scatter3A_1801 = arith.constant 0 : i32
            %scatter3A_1802 = tpu.memref_slice %arg8[%scatter3A_1798, %scatter3A_1799, %scatter3A_1800, %scatter3A_1801] : memref<2x4x8x513xf32, #tpu.memory_space<vmem>> -> memref<1x4x8x513xf32, #tpu.memory_space<vmem>>
            %scatter3A_1803 = tpu.memref_squeeze %scatter3A_1802 : memref<1x4x8x513xf32, #tpu.memory_space<vmem>> -> memref<4x8x513xf32, #tpu.memory_space<vmem>>
            tpu.vector_store_idx %scatter3A_1803[%broadcast_in_dim3A_1794, %broadcast_in_dim3A_1796, %add3A_1505], %add3A_1797 masked %eq3A_1501 : memref<4x8x513xf32, #tpu.memory_space<vmem>>[vector<16xi32>, vector<16xi32>, vector<16xi32>], vector<16xf32>, vector<16xi1>
            %broadcast_in_dim3A_1804 = arith.constant 12 : i32
            %broadcast_in_dim3A_1805 = vector.broadcast %broadcast_in_dim3A_1804 : i32 to vector<16xi32>
            %gather3A_1806 = arith.constant 1 : i32
            %gather3A_1807 = arith.constant 0 : i32
            %gather3A_1808 = arith.constant 0 : i32
            %gather3A_1809 = tpu.memref_slice %arg7[%gather3A_1806, %gather3A_1807, %gather3A_1808] : memref<2x512x32xf32, #tpu.memory_space<vmem>> -> memref<1x512x32xf32, #tpu.memory_space<vmem>>
            %gather3A_1810 = tpu.memref_squeeze %gather3A_1809 : memref<1x512x32xf32, #tpu.memory_space<vmem>> -> memref<512x32xf32, #tpu.memory_space<vmem>>
            %gather3A_1811 = tpu.vector_load_idx %gather3A_1810[%add3A_1505, %broadcast_in_dim3A_1805] masked %eq3A_1501 : memref<512x32xf32, #tpu.memory_space<vmem>>[vector<16xi32>, vector<16xi32>], vector<16xf32>, vector<16xi1>
            %broadcast_in_dim3A_1812 = arith.constant 12 : i32
            %broadcast_in_dim3A_1813 = vector.broadcast %broadcast_in_dim3A_1812 : i32 to vector<16xi32>
            %broadcast_in_dim3A_1814 = vector.shape_cast %broadcast_in_dim3A_1813 : vector<16xi32> to vector<16x1xi32>
            %gather3A_1815 = vector.shape_cast %broadcast_in_dim3A_1814 : vector<16x1xi32> to vector<16xi32>
            %gather3A_1816 = tpu.dynamic_gather %get3A_1437[%gather3A_1815] in [0] : vector<16xf32>, vector<16xi32> -> vector<16xf32>
            %broadcast_in_dim3A_1817 = arith.constant 1 : i32
            %broadcast_in_dim3A_1818 = vector.broadcast %broadcast_in_dim3A_1817 : i32 to vector<16xi32>
            %broadcast_in_dim3A_1819 = arith.constant 4 : i32
            %broadcast_in_dim3A_1820 = vector.broadcast %broadcast_in_dim3A_1819 : i32 to vector<16xi32>
            %add3A_1821 = arith.addf %gather3A_1811, %gather3A_1816 : vector<16xf32>
            %scatter3A_1822 = arith.constant 1 : i32
            %scatter3A_1823 = arith.constant 0 : i32
            %scatter3A_1824 = arith.constant 0 : i32
            %scatter3A_1825 = arith.constant 0 : i32
            %scatter3A_1826 = tpu.memref_slice %arg8[%scatter3A_1822, %scatter3A_1823, %scatter3A_1824, %scatter3A_1825] : memref<2x4x8x513xf32, #tpu.memory_space<vmem>> -> memref<1x4x8x513xf32, #tpu.memory_space<vmem>>
            %scatter3A_1827 = tpu.memref_squeeze %scatter3A_1826 : memref<1x4x8x513xf32, #tpu.memory_space<vmem>> -> memref<4x8x513xf32, #tpu.memory_space<vmem>>
            tpu.vector_store_idx %scatter3A_1827[%broadcast_in_dim3A_1818, %broadcast_in_dim3A_1820, %add3A_1505], %add3A_1821 masked %eq3A_1501 : memref<4x8x513xf32, #tpu.memory_space<vmem>>[vector<16xi32>, vector<16xi32>, vector<16xi32>], vector<16xf32>, vector<16xi1>
            %broadcast_in_dim3A_1828 = arith.constant 13 : i32
            %broadcast_in_dim3A_1829 = vector.broadcast %broadcast_in_dim3A_1828 : i32 to vector<16xi32>
            %gather3A_1830 = arith.constant 1 : i32
            %gather3A_1831 = arith.constant 0 : i32
            %gather3A_1832 = arith.constant 0 : i32
            %gather3A_1833 = tpu.memref_slice %arg7[%gather3A_1830, %gather3A_1831, %gather3A_1832] : memref<2x512x32xf32, #tpu.memory_space<vmem>> -> memref<1x512x32xf32, #tpu.memory_space<vmem>>
            %gather3A_1834 = tpu.memref_squeeze %gather3A_1833 : memref<1x512x32xf32, #tpu.memory_space<vmem>> -> memref<512x32xf32, #tpu.memory_space<vmem>>
            %gather3A_1835 = tpu.vector_load_idx %gather3A_1834[%add3A_1505, %broadcast_in_dim3A_1829] masked %eq3A_1501 : memref<512x32xf32, #tpu.memory_space<vmem>>[vector<16xi32>, vector<16xi32>], vector<16xf32>, vector<16xi1>
            %broadcast_in_dim3A_1836 = arith.constant 13 : i32
            %broadcast_in_dim3A_1837 = vector.broadcast %broadcast_in_dim3A_1836 : i32 to vector<16xi32>
            %broadcast_in_dim3A_1838 = vector.shape_cast %broadcast_in_dim3A_1837 : vector<16xi32> to vector<16x1xi32>
            %gather3A_1839 = vector.shape_cast %broadcast_in_dim3A_1838 : vector<16x1xi32> to vector<16xi32>
            %gather3A_1840 = tpu.dynamic_gather %get3A_1437[%gather3A_1839] in [0] : vector<16xf32>, vector<16xi32> -> vector<16xf32>
            %broadcast_in_dim3A_1841 = arith.constant 1 : i32
            %broadcast_in_dim3A_1842 = vector.broadcast %broadcast_in_dim3A_1841 : i32 to vector<16xi32>
            %broadcast_in_dim3A_1843 = arith.constant 5 : i32
            %broadcast_in_dim3A_1844 = vector.broadcast %broadcast_in_dim3A_1843 : i32 to vector<16xi32>
            %add3A_1845 = arith.addf %gather3A_1835, %gather3A_1840 : vector<16xf32>
            %scatter3A_1846 = arith.constant 1 : i32
            %scatter3A_1847 = arith.constant 0 : i32
            %scatter3A_1848 = arith.constant 0 : i32
            %scatter3A_1849 = arith.constant 0 : i32
            %scatter3A_1850 = tpu.memref_slice %arg8[%scatter3A_1846, %scatter3A_1847, %scatter3A_1848, %scatter3A_1849] : memref<2x4x8x513xf32, #tpu.memory_space<vmem>> -> memref<1x4x8x513xf32, #tpu.memory_space<vmem>>
            %scatter3A_1851 = tpu.memref_squeeze %scatter3A_1850 : memref<1x4x8x513xf32, #tpu.memory_space<vmem>> -> memref<4x8x513xf32, #tpu.memory_space<vmem>>
            tpu.vector_store_idx %scatter3A_1851[%broadcast_in_dim3A_1842, %broadcast_in_dim3A_1844, %add3A_1505], %add3A_1845 masked %eq3A_1501 : memref<4x8x513xf32, #tpu.memory_space<vmem>>[vector<16xi32>, vector<16xi32>, vector<16xi32>], vector<16xf32>, vector<16xi1>
            %broadcast_in_dim3A_1852 = arith.constant 14 : i32
            %broadcast_in_dim3A_1853 = vector.broadcast %broadcast_in_dim3A_1852 : i32 to vector<16xi32>
            %gather3A_1854 = arith.constant 1 : i32
            %gather3A_1855 = arith.constant 0 : i32
            %gather3A_1856 = arith.constant 0 : i32
            %gather3A_1857 = tpu.memref_slice %arg7[%gather3A_1854, %gather3A_1855, %gather3A_1856] : memref<2x512x32xf32, #tpu.memory_space<vmem>> -> memref<1x512x32xf32, #tpu.memory_space<vmem>>
            %gather3A_1858 = tpu.memref_squeeze %gather3A_1857 : memref<1x512x32xf32, #tpu.memory_space<vmem>> -> memref<512x32xf32, #tpu.memory_space<vmem>>
            %gather3A_1859 = tpu.vector_load_idx %gather3A_1858[%add3A_1505, %broadcast_in_dim3A_1853] masked %eq3A_1501 : memref<512x32xf32, #tpu.memory_space<vmem>>[vector<16xi32>, vector<16xi32>], vector<16xf32>, vector<16xi1>
            %broadcast_in_dim3A_1860 = arith.constant 14 : i32
            %broadcast_in_dim3A_1861 = vector.broadcast %broadcast_in_dim3A_1860 : i32 to vector<16xi32>
            %broadcast_in_dim3A_1862 = vector.shape_cast %broadcast_in_dim3A_1861 : vector<16xi32> to vector<16x1xi32>
            %gather3A_1863 = vector.shape_cast %broadcast_in_dim3A_1862 : vector<16x1xi32> to vector<16xi32>
            %gather3A_1864 = tpu.dynamic_gather %get3A_1437[%gather3A_1863] in [0] : vector<16xf32>, vector<16xi32> -> vector<16xf32>
            %broadcast_in_dim3A_1865 = arith.constant 1 : i32
            %broadcast_in_dim3A_1866 = vector.broadcast %broadcast_in_dim3A_1865 : i32 to vector<16xi32>
            %broadcast_in_dim3A_1867 = arith.constant 6 : i32
            %broadcast_in_dim3A_1868 = vector.broadcast %broadcast_in_dim3A_1867 : i32 to vector<16xi32>
            %add3A_1869 = arith.addf %gather3A_1859, %gather3A_1864 : vector<16xf32>
            %scatter3A_1870 = arith.constant 1 : i32
            %scatter3A_1871 = arith.constant 0 : i32
            %scatter3A_1872 = arith.constant 0 : i32
            %scatter3A_1873 = arith.constant 0 : i32
            %scatter3A_1874 = tpu.memref_slice %arg8[%scatter3A_1870, %scatter3A_1871, %scatter3A_1872, %scatter3A_1873] : memref<2x4x8x513xf32, #tpu.memory_space<vmem>> -> memref<1x4x8x513xf32, #tpu.memory_space<vmem>>
            %scatter3A_1875 = tpu.memref_squeeze %scatter3A_1874 : memref<1x4x8x513xf32, #tpu.memory_space<vmem>> -> memref<4x8x513xf32, #tpu.memory_space<vmem>>
            tpu.vector_store_idx %scatter3A_1875[%broadcast_in_dim3A_1866, %broadcast_in_dim3A_1868, %add3A_1505], %add3A_1869 masked %eq3A_1501 : memref<4x8x513xf32, #tpu.memory_space<vmem>>[vector<16xi32>, vector<16xi32>, vector<16xi32>], vector<16xf32>, vector<16xi1>
            %broadcast_in_dim3A_1876 = arith.constant 15 : i32
            %broadcast_in_dim3A_1877 = vector.broadcast %broadcast_in_dim3A_1876 : i32 to vector<16xi32>
            %gather3A_1878 = arith.constant 1 : i32
            %gather3A_1879 = arith.constant 0 : i32
            %gather3A_1880 = arith.constant 0 : i32
            %gather3A_1881 = tpu.memref_slice %arg7[%gather3A_1878, %gather3A_1879, %gather3A_1880] : memref<2x512x32xf32, #tpu.memory_space<vmem>> -> memref<1x512x32xf32, #tpu.memory_space<vmem>>
            %gather3A_1882 = tpu.memref_squeeze %gather3A_1881 : memref<1x512x32xf32, #tpu.memory_space<vmem>> -> memref<512x32xf32, #tpu.memory_space<vmem>>
            %gather3A_1883 = tpu.vector_load_idx %gather3A_1882[%add3A_1505, %broadcast_in_dim3A_1877] masked %eq3A_1501 : memref<512x32xf32, #tpu.memory_space<vmem>>[vector<16xi32>, vector<16xi32>], vector<16xf32>, vector<16xi1>
            %broadcast_in_dim3A_1884 = arith.constant 15 : i32
            %broadcast_in_dim3A_1885 = vector.broadcast %broadcast_in_dim3A_1884 : i32 to vector<16xi32>
            %broadcast_in_dim3A_1886 = vector.shape_cast %broadcast_in_dim3A_1885 : vector<16xi32> to vector<16x1xi32>
            %gather3A_1887 = vector.shape_cast %broadcast_in_dim3A_1886 : vector<16x1xi32> to vector<16xi32>
            %gather3A_1888 = tpu.dynamic_gather %get3A_1437[%gather3A_1887] in [0] : vector<16xf32>, vector<16xi32> -> vector<16xf32>
            %broadcast_in_dim3A_1889 = arith.constant 1 : i32
            %broadcast_in_dim3A_1890 = vector.broadcast %broadcast_in_dim3A_1889 : i32 to vector<16xi32>
            %broadcast_in_dim3A_1891 = arith.constant 7 : i32
            %broadcast_in_dim3A_1892 = vector.broadcast %broadcast_in_dim3A_1891 : i32 to vector<16xi32>
            %add3A_1893 = arith.addf %gather3A_1883, %gather3A_1888 : vector<16xf32>
            %scatter3A_1894 = arith.constant 1 : i32
            %scatter3A_1895 = arith.constant 0 : i32
            %scatter3A_1896 = arith.constant 0 : i32
            %scatter3A_1897 = arith.constant 0 : i32
            %scatter3A_1898 = tpu.memref_slice %arg8[%scatter3A_1894, %scatter3A_1895, %scatter3A_1896, %scatter3A_1897] : memref<2x4x8x513xf32, #tpu.memory_space<vmem>> -> memref<1x4x8x513xf32, #tpu.memory_space<vmem>>
            %scatter3A_1899 = tpu.memref_squeeze %scatter3A_1898 : memref<1x4x8x513xf32, #tpu.memory_space<vmem>> -> memref<4x8x513xf32, #tpu.memory_space<vmem>>
            tpu.vector_store_idx %scatter3A_1899[%broadcast_in_dim3A_1890, %broadcast_in_dim3A_1892, %add3A_1505], %add3A_1893 masked %eq3A_1501 : memref<4x8x513xf32, #tpu.memory_space<vmem>>[vector<16xi32>, vector<16xi32>, vector<16xi32>], vector<16xf32>, vector<16xi1>
            %broadcast_in_dim3A_1900 = arith.constant 16 : i32
            %broadcast_in_dim3A_1901 = vector.broadcast %broadcast_in_dim3A_1900 : i32 to vector<16xi32>
            %gather3A_1902 = arith.constant 1 : i32
            %gather3A_1903 = arith.constant 0 : i32
            %gather3A_1904 = arith.constant 0 : i32
            %gather3A_1905 = tpu.memref_slice %arg7[%gather3A_1902, %gather3A_1903, %gather3A_1904] : memref<2x512x32xf32, #tpu.memory_space<vmem>> -> memref<1x512x32xf32, #tpu.memory_space<vmem>>
            %gather3A_1906 = tpu.memref_squeeze %gather3A_1905 : memref<1x512x32xf32, #tpu.memory_space<vmem>> -> memref<512x32xf32, #tpu.memory_space<vmem>>
            %gather3A_1907 = tpu.vector_load_idx %gather3A_1906[%add3A_1505, %broadcast_in_dim3A_1901] masked %eq3A_1501 : memref<512x32xf32, #tpu.memory_space<vmem>>[vector<16xi32>, vector<16xi32>], vector<16xf32>, vector<16xi1>
            %broadcast_in_dim3A_1908 = arith.constant 0 : i32
            %broadcast_in_dim3A_1909 = vector.broadcast %broadcast_in_dim3A_1908 : i32 to vector<16xi32>
            %broadcast_in_dim3A_1910 = vector.shape_cast %broadcast_in_dim3A_1909 : vector<16xi32> to vector<16x1xi32>
            %gather3A_1911 = vector.shape_cast %broadcast_in_dim3A_1910 : vector<16x1xi32> to vector<16xi32>
            %gather3A_1912 = tpu.dynamic_gather %get3A_1441[%gather3A_1911] in [0] : vector<16xf32>, vector<16xi32> -> vector<16xf32>
            %broadcast_in_dim3A_1913 = arith.constant 2 : i32
            %broadcast_in_dim3A_1914 = vector.broadcast %broadcast_in_dim3A_1913 : i32 to vector<16xi32>
            %broadcast_in_dim3A_1915 = arith.constant 0 : i32
            %broadcast_in_dim3A_1916 = vector.broadcast %broadcast_in_dim3A_1915 : i32 to vector<16xi32>
            %add3A_1917 = arith.addf %gather3A_1907, %gather3A_1912 : vector<16xf32>
            %scatter3A_1918 = arith.constant 1 : i32
            %scatter3A_1919 = arith.constant 0 : i32
            %scatter3A_1920 = arith.constant 0 : i32
            %scatter3A_1921 = arith.constant 0 : i32
            %scatter3A_1922 = tpu.memref_slice %arg8[%scatter3A_1918, %scatter3A_1919, %scatter3A_1920, %scatter3A_1921] : memref<2x4x8x513xf32, #tpu.memory_space<vmem>> -> memref<1x4x8x513xf32, #tpu.memory_space<vmem>>
            %scatter3A_1923 = tpu.memref_squeeze %scatter3A_1922 : memref<1x4x8x513xf32, #tpu.memory_space<vmem>> -> memref<4x8x513xf32, #tpu.memory_space<vmem>>
            tpu.vector_store_idx %scatter3A_1923[%broadcast_in_dim3A_1914, %broadcast_in_dim3A_1916, %add3A_1505], %add3A_1917 masked %eq3A_1501 : memref<4x8x513xf32, #tpu.memory_space<vmem>>[vector<16xi32>, vector<16xi32>, vector<16xi32>], vector<16xf32>, vector<16xi1>
            %broadcast_in_dim3A_1924 = arith.constant 17 : i32
            %broadcast_in_dim3A_1925 = vector.broadcast %broadcast_in_dim3A_1924 : i32 to vector<16xi32>
            %gather3A_1926 = arith.constant 1 : i32
            %gather3A_1927 = arith.constant 0 : i32
            %gather3A_1928 = arith.constant 0 : i32
            %gather3A_1929 = tpu.memref_slice %arg7[%gather3A_1926, %gather3A_1927, %gather3A_1928] : memref<2x512x32xf32, #tpu.memory_space<vmem>> -> memref<1x512x32xf32, #tpu.memory_space<vmem>>
            %gather3A_1930 = tpu.memref_squeeze %gather3A_1929 : memref<1x512x32xf32, #tpu.memory_space<vmem>> -> memref<512x32xf32, #tpu.memory_space<vmem>>
            %gather3A_1931 = tpu.vector_load_idx %gather3A_1930[%add3A_1505, %broadcast_in_dim3A_1925] masked %eq3A_1501 : memref<512x32xf32, #tpu.memory_space<vmem>>[vector<16xi32>, vector<16xi32>], vector<16xf32>, vector<16xi1>
            %broadcast_in_dim3A_1932 = arith.constant 1 : i32
            %broadcast_in_dim3A_1933 = vector.broadcast %broadcast_in_dim3A_1932 : i32 to vector<16xi32>
            %broadcast_in_dim3A_1934 = vector.shape_cast %broadcast_in_dim3A_1933 : vector<16xi32> to vector<16x1xi32>
            %gather3A_1935 = vector.shape_cast %broadcast_in_dim3A_1934 : vector<16x1xi32> to vector<16xi32>
            %gather3A_1936 = tpu.dynamic_gather %get3A_1441[%gather3A_1935] in [0] : vector<16xf32>, vector<16xi32> -> vector<16xf32>
            %broadcast_in_dim3A_1937 = arith.constant 2 : i32
            %broadcast_in_dim3A_1938 = vector.broadcast %broadcast_in_dim3A_1937 : i32 to vector<16xi32>
            %broadcast_in_dim3A_1939 = arith.constant 1 : i32
            %broadcast_in_dim3A_1940 = vector.broadcast %broadcast_in_dim3A_1939 : i32 to vector<16xi32>
            %add3A_1941 = arith.addf %gather3A_1931, %gather3A_1936 : vector<16xf32>
            %scatter3A_1942 = arith.constant 1 : i32
            %scatter3A_1943 = arith.constant 0 : i32
            %scatter3A_1944 = arith.constant 0 : i32
            %scatter3A_1945 = arith.constant 0 : i32
            %scatter3A_1946 = tpu.memref_slice %arg8[%scatter3A_1942, %scatter3A_1943, %scatter3A_1944, %scatter3A_1945] : memref<2x4x8x513xf32, #tpu.memory_space<vmem>> -> memref<1x4x8x513xf32, #tpu.memory_space<vmem>>
            %scatter3A_1947 = tpu.memref_squeeze %scatter3A_1946 : memref<1x4x8x513xf32, #tpu.memory_space<vmem>> -> memref<4x8x513xf32, #tpu.memory_space<vmem>>
            tpu.vector_store_idx %scatter3A_1947[%broadcast_in_dim3A_1938, %broadcast_in_dim3A_1940, %add3A_1505], %add3A_1941 masked %eq3A_1501 : memref<4x8x513xf32, #tpu.memory_space<vmem>>[vector<16xi32>, vector<16xi32>, vector<16xi32>], vector<16xf32>, vector<16xi1>
            %broadcast_in_dim3A_1948 = arith.constant 18 : i32
            %broadcast_in_dim3A_1949 = vector.broadcast %broadcast_in_dim3A_1948 : i32 to vector<16xi32>
            %gather3A_1950 = arith.constant 1 : i32
            %gather3A_1951 = arith.constant 0 : i32
            %gather3A_1952 = arith.constant 0 : i32
            %gather3A_1953 = tpu.memref_slice %arg7[%gather3A_1950, %gather3A_1951, %gather3A_1952] : memref<2x512x32xf32, #tpu.memory_space<vmem>> -> memref<1x512x32xf32, #tpu.memory_space<vmem>>
            %gather3A_1954 = tpu.memref_squeeze %gather3A_1953 : memref<1x512x32xf32, #tpu.memory_space<vmem>> -> memref<512x32xf32, #tpu.memory_space<vmem>>
            %gather3A_1955 = tpu.vector_load_idx %gather3A_1954[%add3A_1505, %broadcast_in_dim3A_1949] masked %eq3A_1501 : memref<512x32xf32, #tpu.memory_space<vmem>>[vector<16xi32>, vector<16xi32>], vector<16xf32>, vector<16xi1>
            %broadcast_in_dim3A_1956 = arith.constant 2 : i32
            %broadcast_in_dim3A_1957 = vector.broadcast %broadcast_in_dim3A_1956 : i32 to vector<16xi32>
            %broadcast_in_dim3A_1958 = vector.shape_cast %broadcast_in_dim3A_1957 : vector<16xi32> to vector<16x1xi32>
            %gather3A_1959 = vector.shape_cast %broadcast_in_dim3A_1958 : vector<16x1xi32> to vector<16xi32>
            %gather3A_1960 = tpu.dynamic_gather %get3A_1441[%gather3A_1959] in [0] : vector<16xf32>, vector<16xi32> -> vector<16xf32>
            %broadcast_in_dim3A_1961 = arith.constant 2 : i32
            %broadcast_in_dim3A_1962 = vector.broadcast %broadcast_in_dim3A_1961 : i32 to vector<16xi32>
            %broadcast_in_dim3A_1963 = arith.constant 2 : i32
            %broadcast_in_dim3A_1964 = vector.broadcast %broadcast_in_dim3A_1963 : i32 to vector<16xi32>
            %add3A_1965 = arith.addf %gather3A_1955, %gather3A_1960 : vector<16xf32>
            %scatter3A_1966 = arith.constant 1 : i32
            %scatter3A_1967 = arith.constant 0 : i32
            %scatter3A_1968 = arith.constant 0 : i32
            %scatter3A_1969 = arith.constant 0 : i32
            %scatter3A_1970 = tpu.memref_slice %arg8[%scatter3A_1966, %scatter3A_1967, %scatter3A_1968, %scatter3A_1969] : memref<2x4x8x513xf32, #tpu.memory_space<vmem>> -> memref<1x4x8x513xf32, #tpu.memory_space<vmem>>
            %scatter3A_1971 = tpu.memref_squeeze %scatter3A_1970 : memref<1x4x8x513xf32, #tpu.memory_space<vmem>> -> memref<4x8x513xf32, #tpu.memory_space<vmem>>
            tpu.vector_store_idx %scatter3A_1971[%broadcast_in_dim3A_1962, %broadcast_in_dim3A_1964, %add3A_1505], %add3A_1965 masked %eq3A_1501 : memref<4x8x513xf32, #tpu.memory_space<vmem>>[vector<16xi32>, vector<16xi32>, vector<16xi32>], vector<16xf32>, vector<16xi1>
            %broadcast_in_dim3A_1972 = arith.constant 19 : i32
            %broadcast_in_dim3A_1973 = vector.broadcast %broadcast_in_dim3A_1972 : i32 to vector<16xi32>
            %gather3A_1974 = arith.constant 1 : i32
            %gather3A_1975 = arith.constant 0 : i32
            %gather3A_1976 = arith.constant 0 : i32
            %gather3A_1977 = tpu.memref_slice %arg7[%gather3A_1974, %gather3A_1975, %gather3A_1976] : memref<2x512x32xf32, #tpu.memory_space<vmem>> -> memref<1x512x32xf32, #tpu.memory_space<vmem>>
            %gather3A_1978 = tpu.memref_squeeze %gather3A_1977 : memref<1x512x32xf32, #tpu.memory_space<vmem>> -> memref<512x32xf32, #tpu.memory_space<vmem>>
            %gather3A_1979 = tpu.vector_load_idx %gather3A_1978[%add3A_1505, %broadcast_in_dim3A_1973] masked %eq3A_1501 : memref<512x32xf32, #tpu.memory_space<vmem>>[vector<16xi32>, vector<16xi32>], vector<16xf32>, vector<16xi1>
            %broadcast_in_dim3A_1980 = arith.constant 3 : i32
            %broadcast_in_dim3A_1981 = vector.broadcast %broadcast_in_dim3A_1980 : i32 to vector<16xi32>
            %broadcast_in_dim3A_1982 = vector.shape_cast %broadcast_in_dim3A_1981 : vector<16xi32> to vector<16x1xi32>
            %gather3A_1983 = vector.shape_cast %broadcast_in_dim3A_1982 : vector<16x1xi32> to vector<16xi32>
            %gather3A_1984 = tpu.dynamic_gather %get3A_1441[%gather3A_1983] in [0] : vector<16xf32>, vector<16xi32> -> vector<16xf32>
            %broadcast_in_dim3A_1985 = arith.constant 2 : i32
            %broadcast_in_dim3A_1986 = vector.broadcast %broadcast_in_dim3A_1985 : i32 to vector<16xi32>
            %broadcast_in_dim3A_1987 = arith.constant 3 : i32
            %broadcast_in_dim3A_1988 = vector.broadcast %broadcast_in_dim3A_1987 : i32 to vector<16xi32>
            %add3A_1989 = arith.addf %gather3A_1979, %gather3A_1984 : vector<16xf32>
            %scatter3A_1990 = arith.constant 1 : i32
            %scatter3A_1991 = arith.constant 0 : i32
            %scatter3A_1992 = arith.constant 0 : i32
            %scatter3A_1993 = arith.constant 0 : i32
            %scatter3A_1994 = tpu.memref_slice %arg8[%scatter3A_1990, %scatter3A_1991, %scatter3A_1992, %scatter3A_1993] : memref<2x4x8x513xf32, #tpu.memory_space<vmem>> -> memref<1x4x8x513xf32, #tpu.memory_space<vmem>>
            %scatter3A_1995 = tpu.memref_squeeze %scatter3A_1994 : memref<1x4x8x513xf32, #tpu.memory_space<vmem>> -> memref<4x8x513xf32, #tpu.memory_space<vmem>>
            tpu.vector_store_idx %scatter3A_1995[%broadcast_in_dim3A_1986, %broadcast_in_dim3A_1988, %add3A_1505], %add3A_1989 masked %eq3A_1501 : memref<4x8x513xf32, #tpu.memory_space<vmem>>[vector<16xi32>, vector<16xi32>, vector<16xi32>], vector<16xf32>, vector<16xi1>
            %broadcast_in_dim3A_1996 = arith.constant 20 : i32
            %broadcast_in_dim3A_1997 = vector.broadcast %broadcast_in_dim3A_1996 : i32 to vector<16xi32>
            %gather3A_1998 = arith.constant 1 : i32
            %gather3A_1999 = arith.constant 0 : i32
            %gather3A_2000 = arith.constant 0 : i32
            %gather3A_2001 = tpu.memref_slice %arg7[%gather3A_1998, %gather3A_1999, %gather3A_2000] : memref<2x512x32xf32, #tpu.memory_space<vmem>> -> memref<1x512x32xf32, #tpu.memory_space<vmem>>
            %gather3A_2002 = tpu.memref_squeeze %gather3A_2001 : memref<1x512x32xf32, #tpu.memory_space<vmem>> -> memref<512x32xf32, #tpu.memory_space<vmem>>
            %gather3A_2003 = tpu.vector_load_idx %gather3A_2002[%add3A_1505, %broadcast_in_dim3A_1997] masked %eq3A_1501 : memref<512x32xf32, #tpu.memory_space<vmem>>[vector<16xi32>, vector<16xi32>], vector<16xf32>, vector<16xi1>
            %broadcast_in_dim3A_2004 = arith.constant 4 : i32
            %broadcast_in_dim3A_2005 = vector.broadcast %broadcast_in_dim3A_2004 : i32 to vector<16xi32>
            %broadcast_in_dim3A_2006 = vector.shape_cast %broadcast_in_dim3A_2005 : vector<16xi32> to vector<16x1xi32>
            %gather3A_2007 = vector.shape_cast %broadcast_in_dim3A_2006 : vector<16x1xi32> to vector<16xi32>
            %gather3A_2008 = tpu.dynamic_gather %get3A_1441[%gather3A_2007] in [0] : vector<16xf32>, vector<16xi32> -> vector<16xf32>
            %broadcast_in_dim3A_2009 = arith.constant 2 : i32
            %broadcast_in_dim3A_2010 = vector.broadcast %broadcast_in_dim3A_2009 : i32 to vector<16xi32>
            %broadcast_in_dim3A_2011 = arith.constant 4 : i32
            %broadcast_in_dim3A_2012 = vector.broadcast %broadcast_in_dim3A_2011 : i32 to vector<16xi32>
            %add3A_2013 = arith.addf %gather3A_2003, %gather3A_2008 : vector<16xf32>
            %scatter3A_2014 = arith.constant 1 : i32
            %scatter3A_2015 = arith.constant 0 : i32
            %scatter3A_2016 = arith.constant 0 : i32
            %scatter3A_2017 = arith.constant 0 : i32
            %scatter3A_2018 = tpu.memref_slice %arg8[%scatter3A_2014, %scatter3A_2015, %scatter3A_2016, %scatter3A_2017] : memref<2x4x8x513xf32, #tpu.memory_space<vmem>> -> memref<1x4x8x513xf32, #tpu.memory_space<vmem>>
            %scatter3A_2019 = tpu.memref_squeeze %scatter3A_2018 : memref<1x4x8x513xf32, #tpu.memory_space<vmem>> -> memref<4x8x513xf32, #tpu.memory_space<vmem>>
            tpu.vector_store_idx %scatter3A_2019[%broadcast_in_dim3A_2010, %broadcast_in_dim3A_2012, %add3A_1505], %add3A_2013 masked %eq3A_1501 : memref<4x8x513xf32, #tpu.memory_space<vmem>>[vector<16xi32>, vector<16xi32>, vector<16xi32>], vector<16xf32>, vector<16xi1>
            %broadcast_in_dim3A_2020 = arith.constant 21 : i32
            %broadcast_in_dim3A_2021 = vector.broadcast %broadcast_in_dim3A_2020 : i32 to vector<16xi32>
            %gather3A_2022 = arith.constant 1 : i32
            %gather3A_2023 = arith.constant 0 : i32
            %gather3A_2024 = arith.constant 0 : i32
            %gather3A_2025 = tpu.memref_slice %arg7[%gather3A_2022, %gather3A_2023, %gather3A_2024] : memref<2x512x32xf32, #tpu.memory_space<vmem>> -> memref<1x512x32xf32, #tpu.memory_space<vmem>>
            %gather3A_2026 = tpu.memref_squeeze %gather3A_2025 : memref<1x512x32xf32, #tpu.memory_space<vmem>> -> memref<512x32xf32, #tpu.memory_space<vmem>>
            %gather3A_2027 = tpu.vector_load_idx %gather3A_2026[%add3A_1505, %broadcast_in_dim3A_2021] masked %eq3A_1501 : memref<512x32xf32, #tpu.memory_space<vmem>>[vector<16xi32>, vector<16xi32>], vector<16xf32>, vector<16xi1>
            %broadcast_in_dim3A_2028 = arith.constant 5 : i32
            %broadcast_in_dim3A_2029 = vector.broadcast %broadcast_in_dim3A_2028 : i32 to vector<16xi32>
            %broadcast_in_dim3A_2030 = vector.shape_cast %broadcast_in_dim3A_2029 : vector<16xi32> to vector<16x1xi32>
            %gather3A_2031 = vector.shape_cast %broadcast_in_dim3A_2030 : vector<16x1xi32> to vector<16xi32>
            %gather3A_2032 = tpu.dynamic_gather %get3A_1441[%gather3A_2031] in [0] : vector<16xf32>, vector<16xi32> -> vector<16xf32>
            %broadcast_in_dim3A_2033 = arith.constant 2 : i32
            %broadcast_in_dim3A_2034 = vector.broadcast %broadcast_in_dim3A_2033 : i32 to vector<16xi32>
            %broadcast_in_dim3A_2035 = arith.constant 5 : i32
            %broadcast_in_dim3A_2036 = vector.broadcast %broadcast_in_dim3A_2035 : i32 to vector<16xi32>
            %add3A_2037 = arith.addf %gather3A_2027, %gather3A_2032 : vector<16xf32>
            %scatter3A_2038 = arith.constant 1 : i32
            %scatter3A_2039 = arith.constant 0 : i32
            %scatter3A_2040 = arith.constant 0 : i32
            %scatter3A_2041 = arith.constant 0 : i32
            %scatter3A_2042 = tpu.memref_slice %arg8[%scatter3A_2038, %scatter3A_2039, %scatter3A_2040, %scatter3A_2041] : memref<2x4x8x513xf32, #tpu.memory_space<vmem>> -> memref<1x4x8x513xf32, #tpu.memory_space<vmem>>
            %scatter3A_2043 = tpu.memref_squeeze %scatter3A_2042 : memref<1x4x8x513xf32, #tpu.memory_space<vmem>> -> memref<4x8x513xf32, #tpu.memory_space<vmem>>
            tpu.vector_store_idx %scatter3A_2043[%broadcast_in_dim3A_2034, %broadcast_in_dim3A_2036, %add3A_1505], %add3A_2037 masked %eq3A_1501 : memref<4x8x513xf32, #tpu.memory_space<vmem>>[vector<16xi32>, vector<16xi32>, vector<16xi32>], vector<16xf32>, vector<16xi1>
            %broadcast_in_dim3A_2044 = arith.constant 22 : i32
            %broadcast_in_dim3A_2045 = vector.broadcast %broadcast_in_dim3A_2044 : i32 to vector<16xi32>
            %gather3A_2046 = arith.constant 1 : i32
            %gather3A_2047 = arith.constant 0 : i32
            %gather3A_2048 = arith.constant 0 : i32
            %gather3A_2049 = tpu.memref_slice %arg7[%gather3A_2046, %gather3A_2047, %gather3A_2048] : memref<2x512x32xf32, #tpu.memory_space<vmem>> -> memref<1x512x32xf32, #tpu.memory_space<vmem>>
            %gather3A_2050 = tpu.memref_squeeze %gather3A_2049 : memref<1x512x32xf32, #tpu.memory_space<vmem>> -> memref<512x32xf32, #tpu.memory_space<vmem>>
            %gather3A_2051 = tpu.vector_load_idx %gather3A_2050[%add3A_1505, %broadcast_in_dim3A_2045] masked %eq3A_1501 : memref<512x32xf32, #tpu.memory_space<vmem>>[vector<16xi32>, vector<16xi32>], vector<16xf32>, vector<16xi1>
            %broadcast_in_dim3A_2052 = arith.constant 6 : i32
            %broadcast_in_dim3A_2053 = vector.broadcast %broadcast_in_dim3A_2052 : i32 to vector<16xi32>
            %broadcast_in_dim3A_2054 = vector.shape_cast %broadcast_in_dim3A_2053 : vector<16xi32> to vector<16x1xi32>
            %gather3A_2055 = vector.shape_cast %broadcast_in_dim3A_2054 : vector<16x1xi32> to vector<16xi32>
            %gather3A_2056 = tpu.dynamic_gather %get3A_1441[%gather3A_2055] in [0] : vector<16xf32>, vector<16xi32> -> vector<16xf32>
            %broadcast_in_dim3A_2057 = arith.constant 2 : i32
            %broadcast_in_dim3A_2058 = vector.broadcast %broadcast_in_dim3A_2057 : i32 to vector<16xi32>
            %broadcast_in_dim3A_2059 = arith.constant 6 : i32
            %broadcast_in_dim3A_2060 = vector.broadcast %broadcast_in_dim3A_2059 : i32 to vector<16xi32>
            %add3A_2061 = arith.addf %gather3A_2051, %gather3A_2056 : vector<16xf32>
            %scatter3A_2062 = arith.constant 1 : i32
            %scatter3A_2063 = arith.constant 0 : i32
            %scatter3A_2064 = arith.constant 0 : i32
            %scatter3A_2065 = arith.constant 0 : i32
            %scatter3A_2066 = tpu.memref_slice %arg8[%scatter3A_2062, %scatter3A_2063, %scatter3A_2064, %scatter3A_2065] : memref<2x4x8x513xf32, #tpu.memory_space<vmem>> -> memref<1x4x8x513xf32, #tpu.memory_space<vmem>>
            %scatter3A_2067 = tpu.memref_squeeze %scatter3A_2066 : memref<1x4x8x513xf32, #tpu.memory_space<vmem>> -> memref<4x8x513xf32, #tpu.memory_space<vmem>>
            tpu.vector_store_idx %scatter3A_2067[%broadcast_in_dim3A_2058, %broadcast_in_dim3A_2060, %add3A_1505], %add3A_2061 masked %eq3A_1501 : memref<4x8x513xf32, #tpu.memory_space<vmem>>[vector<16xi32>, vector<16xi32>, vector<16xi32>], vector<16xf32>, vector<16xi1>
            %broadcast_in_dim3A_2068 = arith.constant 23 : i32
            %broadcast_in_dim3A_2069 = vector.broadcast %broadcast_in_dim3A_2068 : i32 to vector<16xi32>
            %gather3A_2070 = arith.constant 1 : i32
            %gather3A_2071 = arith.constant 0 : i32
            %gather3A_2072 = arith.constant 0 : i32
            %gather3A_2073 = tpu.memref_slice %arg7[%gather3A_2070, %gather3A_2071, %gather3A_2072] : memref<2x512x32xf32, #tpu.memory_space<vmem>> -> memref<1x512x32xf32, #tpu.memory_space<vmem>>
            %gather3A_2074 = tpu.memref_squeeze %gather3A_2073 : memref<1x512x32xf32, #tpu.memory_space<vmem>> -> memref<512x32xf32, #tpu.memory_space<vmem>>
            %gather3A_2075 = tpu.vector_load_idx %gather3A_2074[%add3A_1505, %broadcast_in_dim3A_2069] masked %eq3A_1501 : memref<512x32xf32, #tpu.memory_space<vmem>>[vector<16xi32>, vector<16xi32>], vector<16xf32>, vector<16xi1>
            %broadcast_in_dim3A_2076 = arith.constant 7 : i32
            %broadcast_in_dim3A_2077 = vector.broadcast %broadcast_in_dim3A_2076 : i32 to vector<16xi32>
            %broadcast_in_dim3A_2078 = vector.shape_cast %broadcast_in_dim3A_2077 : vector<16xi32> to vector<16x1xi32>
            %gather3A_2079 = vector.shape_cast %broadcast_in_dim3A_2078 : vector<16x1xi32> to vector<16xi32>
            %gather3A_2080 = tpu.dynamic_gather %get3A_1441[%gather3A_2079] in [0] : vector<16xf32>, vector<16xi32> -> vector<16xf32>
            %broadcast_in_dim3A_2081 = arith.constant 2 : i32
            %broadcast_in_dim3A_2082 = vector.broadcast %broadcast_in_dim3A_2081 : i32 to vector<16xi32>
            %broadcast_in_dim3A_2083 = arith.constant 7 : i32
            %broadcast_in_dim3A_2084 = vector.broadcast %broadcast_in_dim3A_2083 : i32 to vector<16xi32>
            %add3A_2085 = arith.addf %gather3A_2075, %gather3A_2080 : vector<16xf32>
            %scatter3A_2086 = arith.constant 1 : i32
            %scatter3A_2087 = arith.constant 0 : i32
            %scatter3A_2088 = arith.constant 0 : i32
            %scatter3A_2089 = arith.constant 0 : i32
            %scatter3A_2090 = tpu.memref_slice %arg8[%scatter3A_2086, %scatter3A_2087, %scatter3A_2088, %scatter3A_2089] : memref<2x4x8x513xf32, #tpu.memory_space<vmem>> -> memref<1x4x8x513xf32, #tpu.memory_space<vmem>>
            %scatter3A_2091 = tpu.memref_squeeze %scatter3A_2090 : memref<1x4x8x513xf32, #tpu.memory_space<vmem>> -> memref<4x8x513xf32, #tpu.memory_space<vmem>>
            tpu.vector_store_idx %scatter3A_2091[%broadcast_in_dim3A_2082, %broadcast_in_dim3A_2084, %add3A_1505], %add3A_2085 masked %eq3A_1501 : memref<4x8x513xf32, #tpu.memory_space<vmem>>[vector<16xi32>, vector<16xi32>, vector<16xi32>], vector<16xf32>, vector<16xi1>
            %broadcast_in_dim3A_2092 = arith.constant 24 : i32
            %broadcast_in_dim3A_2093 = vector.broadcast %broadcast_in_dim3A_2092 : i32 to vector<16xi32>
            %gather3A_2094 = arith.constant 1 : i32
            %gather3A_2095 = arith.constant 0 : i32
            %gather3A_2096 = arith.constant 0 : i32
            %gather3A_2097 = tpu.memref_slice %arg7[%gather3A_2094, %gather3A_2095, %gather3A_2096] : memref<2x512x32xf32, #tpu.memory_space<vmem>> -> memref<1x512x32xf32, #tpu.memory_space<vmem>>
            %gather3A_2098 = tpu.memref_squeeze %gather3A_2097 : memref<1x512x32xf32, #tpu.memory_space<vmem>> -> memref<512x32xf32, #tpu.memory_space<vmem>>
            %gather3A_2099 = tpu.vector_load_idx %gather3A_2098[%add3A_1505, %broadcast_in_dim3A_2093] masked %eq3A_1501 : memref<512x32xf32, #tpu.memory_space<vmem>>[vector<16xi32>, vector<16xi32>], vector<16xf32>, vector<16xi1>
            %broadcast_in_dim3A_2100 = arith.constant 8 : i32
            %broadcast_in_dim3A_2101 = vector.broadcast %broadcast_in_dim3A_2100 : i32 to vector<16xi32>
            %broadcast_in_dim3A_2102 = vector.shape_cast %broadcast_in_dim3A_2101 : vector<16xi32> to vector<16x1xi32>
            %gather3A_2103 = vector.shape_cast %broadcast_in_dim3A_2102 : vector<16x1xi32> to vector<16xi32>
            %gather3A_2104 = tpu.dynamic_gather %get3A_1441[%gather3A_2103] in [0] : vector<16xf32>, vector<16xi32> -> vector<16xf32>
            %broadcast_in_dim3A_2105 = arith.constant 3 : i32
            %broadcast_in_dim3A_2106 = vector.broadcast %broadcast_in_dim3A_2105 : i32 to vector<16xi32>
            %broadcast_in_dim3A_2107 = arith.constant 0 : i32
            %broadcast_in_dim3A_2108 = vector.broadcast %broadcast_in_dim3A_2107 : i32 to vector<16xi32>
            %add3A_2109 = arith.addf %gather3A_2099, %gather3A_2104 : vector<16xf32>
            %scatter3A_2110 = arith.constant 1 : i32
            %scatter3A_2111 = arith.constant 0 : i32
            %scatter3A_2112 = arith.constant 0 : i32
            %scatter3A_2113 = arith.constant 0 : i32
            %scatter3A_2114 = tpu.memref_slice %arg8[%scatter3A_2110, %scatter3A_2111, %scatter3A_2112, %scatter3A_2113] : memref<2x4x8x513xf32, #tpu.memory_space<vmem>> -> memref<1x4x8x513xf32, #tpu.memory_space<vmem>>
            %scatter3A_2115 = tpu.memref_squeeze %scatter3A_2114 : memref<1x4x8x513xf32, #tpu.memory_space<vmem>> -> memref<4x8x513xf32, #tpu.memory_space<vmem>>
            tpu.vector_store_idx %scatter3A_2115[%broadcast_in_dim3A_2106, %broadcast_in_dim3A_2108, %add3A_1505], %add3A_2109 masked %eq3A_1501 : memref<4x8x513xf32, #tpu.memory_space<vmem>>[vector<16xi32>, vector<16xi32>, vector<16xi32>], vector<16xf32>, vector<16xi1>
            %broadcast_in_dim3A_2116 = arith.constant 25 : i32
            %broadcast_in_dim3A_2117 = vector.broadcast %broadcast_in_dim3A_2116 : i32 to vector<16xi32>
            %gather3A_2118 = arith.constant 1 : i32
            %gather3A_2119 = arith.constant 0 : i32
            %gather3A_2120 = arith.constant 0 : i32
            %gather3A_2121 = tpu.memref_slice %arg7[%gather3A_2118, %gather3A_2119, %gather3A_2120] : memref<2x512x32xf32, #tpu.memory_space<vmem>> -> memref<1x512x32xf32, #tpu.memory_space<vmem>>
            %gather3A_2122 = tpu.memref_squeeze %gather3A_2121 : memref<1x512x32xf32, #tpu.memory_space<vmem>> -> memref<512x32xf32, #tpu.memory_space<vmem>>
            %gather3A_2123 = tpu.vector_load_idx %gather3A_2122[%add3A_1505, %broadcast_in_dim3A_2117] masked %eq3A_1501 : memref<512x32xf32, #tpu.memory_space<vmem>>[vector<16xi32>, vector<16xi32>], vector<16xf32>, vector<16xi1>
            %broadcast_in_dim3A_2124 = arith.constant 9 : i32
            %broadcast_in_dim3A_2125 = vector.broadcast %broadcast_in_dim3A_2124 : i32 to vector<16xi32>
            %broadcast_in_dim3A_2126 = vector.shape_cast %broadcast_in_dim3A_2125 : vector<16xi32> to vector<16x1xi32>
            %gather3A_2127 = vector.shape_cast %broadcast_in_dim3A_2126 : vector<16x1xi32> to vector<16xi32>
            %gather3A_2128 = tpu.dynamic_gather %get3A_1441[%gather3A_2127] in [0] : vector<16xf32>, vector<16xi32> -> vector<16xf32>
            %broadcast_in_dim3A_2129 = arith.constant 3 : i32
            %broadcast_in_dim3A_2130 = vector.broadcast %broadcast_in_dim3A_2129 : i32 to vector<16xi32>
            %broadcast_in_dim3A_2131 = arith.constant 1 : i32
            %broadcast_in_dim3A_2132 = vector.broadcast %broadcast_in_dim3A_2131 : i32 to vector<16xi32>
            %add3A_2133 = arith.addf %gather3A_2123, %gather3A_2128 : vector<16xf32>
            %scatter3A_2134 = arith.constant 1 : i32
            %scatter3A_2135 = arith.constant 0 : i32
            %scatter3A_2136 = arith.constant 0 : i32
            %scatter3A_2137 = arith.constant 0 : i32
            %scatter3A_2138 = tpu.memref_slice %arg8[%scatter3A_2134, %scatter3A_2135, %scatter3A_2136, %scatter3A_2137] : memref<2x4x8x513xf32, #tpu.memory_space<vmem>> -> memref<1x4x8x513xf32, #tpu.memory_space<vmem>>
            %scatter3A_2139 = tpu.memref_squeeze %scatter3A_2138 : memref<1x4x8x513xf32, #tpu.memory_space<vmem>> -> memref<4x8x513xf32, #tpu.memory_space<vmem>>
            tpu.vector_store_idx %scatter3A_2139[%broadcast_in_dim3A_2130, %broadcast_in_dim3A_2132, %add3A_1505], %add3A_2133 masked %eq3A_1501 : memref<4x8x513xf32, #tpu.memory_space<vmem>>[vector<16xi32>, vector<16xi32>, vector<16xi32>], vector<16xf32>, vector<16xi1>
            %broadcast_in_dim3A_2140 = arith.constant 26 : i32
            %broadcast_in_dim3A_2141 = vector.broadcast %broadcast_in_dim3A_2140 : i32 to vector<16xi32>
            %gather3A_2142 = arith.constant 1 : i32
            %gather3A_2143 = arith.constant 0 : i32
            %gather3A_2144 = arith.constant 0 : i32
            %gather3A_2145 = tpu.memref_slice %arg7[%gather3A_2142, %gather3A_2143, %gather3A_2144] : memref<2x512x32xf32, #tpu.memory_space<vmem>> -> memref<1x512x32xf32, #tpu.memory_space<vmem>>
            %gather3A_2146 = tpu.memref_squeeze %gather3A_2145 : memref<1x512x32xf32, #tpu.memory_space<vmem>> -> memref<512x32xf32, #tpu.memory_space<vmem>>
            %gather3A_2147 = tpu.vector_load_idx %gather3A_2146[%add3A_1505, %broadcast_in_dim3A_2141] masked %eq3A_1501 : memref<512x32xf32, #tpu.memory_space<vmem>>[vector<16xi32>, vector<16xi32>], vector<16xf32>, vector<16xi1>
            %broadcast_in_dim3A_2148 = arith.constant 10 : i32
            %broadcast_in_dim3A_2149 = vector.broadcast %broadcast_in_dim3A_2148 : i32 to vector<16xi32>
            %broadcast_in_dim3A_2150 = vector.shape_cast %broadcast_in_dim3A_2149 : vector<16xi32> to vector<16x1xi32>
            %gather3A_2151 = vector.shape_cast %broadcast_in_dim3A_2150 : vector<16x1xi32> to vector<16xi32>
            %gather3A_2152 = tpu.dynamic_gather %get3A_1441[%gather3A_2151] in [0] : vector<16xf32>, vector<16xi32> -> vector<16xf32>
            %broadcast_in_dim3A_2153 = arith.constant 3 : i32
            %broadcast_in_dim3A_2154 = vector.broadcast %broadcast_in_dim3A_2153 : i32 to vector<16xi32>
            %broadcast_in_dim3A_2155 = arith.constant 2 : i32
            %broadcast_in_dim3A_2156 = vector.broadcast %broadcast_in_dim3A_2155 : i32 to vector<16xi32>
            %add3A_2157 = arith.addf %gather3A_2147, %gather3A_2152 : vector<16xf32>
            %scatter3A_2158 = arith.constant 1 : i32
            %scatter3A_2159 = arith.constant 0 : i32
            %scatter3A_2160 = arith.constant 0 : i32
            %scatter3A_2161 = arith.constant 0 : i32
            %scatter3A_2162 = tpu.memref_slice %arg8[%scatter3A_2158, %scatter3A_2159, %scatter3A_2160, %scatter3A_2161] : memref<2x4x8x513xf32, #tpu.memory_space<vmem>> -> memref<1x4x8x513xf32, #tpu.memory_space<vmem>>
            %scatter3A_2163 = tpu.memref_squeeze %scatter3A_2162 : memref<1x4x8x513xf32, #tpu.memory_space<vmem>> -> memref<4x8x513xf32, #tpu.memory_space<vmem>>
            tpu.vector_store_idx %scatter3A_2163[%broadcast_in_dim3A_2154, %broadcast_in_dim3A_2156, %add3A_1505], %add3A_2157 masked %eq3A_1501 : memref<4x8x513xf32, #tpu.memory_space<vmem>>[vector<16xi32>, vector<16xi32>, vector<16xi32>], vector<16xf32>, vector<16xi1>
            %broadcast_in_dim3A_2164 = arith.constant 27 : i32
            %broadcast_in_dim3A_2165 = vector.broadcast %broadcast_in_dim3A_2164 : i32 to vector<16xi32>
            %gather3A_2166 = arith.constant 1 : i32
            %gather3A_2167 = arith.constant 0 : i32
            %gather3A_2168 = arith.constant 0 : i32
            %gather3A_2169 = tpu.memref_slice %arg7[%gather3A_2166, %gather3A_2167, %gather3A_2168] : memref<2x512x32xf32, #tpu.memory_space<vmem>> -> memref<1x512x32xf32, #tpu.memory_space<vmem>>
            %gather3A_2170 = tpu.memref_squeeze %gather3A_2169 : memref<1x512x32xf32, #tpu.memory_space<vmem>> -> memref<512x32xf32, #tpu.memory_space<vmem>>
            %gather3A_2171 = tpu.vector_load_idx %gather3A_2170[%add3A_1505, %broadcast_in_dim3A_2165] masked %eq3A_1501 : memref<512x32xf32, #tpu.memory_space<vmem>>[vector<16xi32>, vector<16xi32>], vector<16xf32>, vector<16xi1>
            %broadcast_in_dim3A_2172 = arith.constant 11 : i32
            %broadcast_in_dim3A_2173 = vector.broadcast %broadcast_in_dim3A_2172 : i32 to vector<16xi32>
            %broadcast_in_dim3A_2174 = vector.shape_cast %broadcast_in_dim3A_2173 : vector<16xi32> to vector<16x1xi32>
            %gather3A_2175 = vector.shape_cast %broadcast_in_dim3A_2174 : vector<16x1xi32> to vector<16xi32>
            %gather3A_2176 = tpu.dynamic_gather %get3A_1441[%gather3A_2175] in [0] : vector<16xf32>, vector<16xi32> -> vector<16xf32>
            %broadcast_in_dim3A_2177 = arith.constant 3 : i32
            %broadcast_in_dim3A_2178 = vector.broadcast %broadcast_in_dim3A_2177 : i32 to vector<16xi32>
            %broadcast_in_dim3A_2179 = arith.constant 3 : i32
            %broadcast_in_dim3A_2180 = vector.broadcast %broadcast_in_dim3A_2179 : i32 to vector<16xi32>
            %add3A_2181 = arith.addf %gather3A_2171, %gather3A_2176 : vector<16xf32>
            %scatter3A_2182 = arith.constant 1 : i32
            %scatter3A_2183 = arith.constant 0 : i32
            %scatter3A_2184 = arith.constant 0 : i32
            %scatter3A_2185 = arith.constant 0 : i32
            %scatter3A_2186 = tpu.memref_slice %arg8[%scatter3A_2182, %scatter3A_2183, %scatter3A_2184, %scatter3A_2185] : memref<2x4x8x513xf32, #tpu.memory_space<vmem>> -> memref<1x4x8x513xf32, #tpu.memory_space<vmem>>
            %scatter3A_2187 = tpu.memref_squeeze %scatter3A_2186 : memref<1x4x8x513xf32, #tpu.memory_space<vmem>> -> memref<4x8x513xf32, #tpu.memory_space<vmem>>
            tpu.vector_store_idx %scatter3A_2187[%broadcast_in_dim3A_2178, %broadcast_in_dim3A_2180, %add3A_1505], %add3A_2181 masked %eq3A_1501 : memref<4x8x513xf32, #tpu.memory_space<vmem>>[vector<16xi32>, vector<16xi32>, vector<16xi32>], vector<16xf32>, vector<16xi1>
            %broadcast_in_dim3A_2188 = arith.constant 28 : i32
            %broadcast_in_dim3A_2189 = vector.broadcast %broadcast_in_dim3A_2188 : i32 to vector<16xi32>
            %gather3A_2190 = arith.constant 1 : i32
            %gather3A_2191 = arith.constant 0 : i32
            %gather3A_2192 = arith.constant 0 : i32
            %gather3A_2193 = tpu.memref_slice %arg7[%gather3A_2190, %gather3A_2191, %gather3A_2192] : memref<2x512x32xf32, #tpu.memory_space<vmem>> -> memref<1x512x32xf32, #tpu.memory_space<vmem>>
            %gather3A_2194 = tpu.memref_squeeze %gather3A_2193 : memref<1x512x32xf32, #tpu.memory_space<vmem>> -> memref<512x32xf32, #tpu.memory_space<vmem>>
            %gather3A_2195 = tpu.vector_load_idx %gather3A_2194[%add3A_1505, %broadcast_in_dim3A_2189] masked %eq3A_1501 : memref<512x32xf32, #tpu.memory_space<vmem>>[vector<16xi32>, vector<16xi32>], vector<16xf32>, vector<16xi1>
            %broadcast_in_dim3A_2196 = arith.constant 12 : i32
            %broadcast_in_dim3A_2197 = vector.broadcast %broadcast_in_dim3A_2196 : i32 to vector<16xi32>
            %broadcast_in_dim3A_2198 = vector.shape_cast %broadcast_in_dim3A_2197 : vector<16xi32> to vector<16x1xi32>
            %gather3A_2199 = vector.shape_cast %broadcast_in_dim3A_2198 : vector<16x1xi32> to vector<16xi32>
            %gather3A_2200 = tpu.dynamic_gather %get3A_1441[%gather3A_2199] in [0] : vector<16xf32>, vector<16xi32> -> vector<16xf32>
            %broadcast_in_dim3A_2201 = arith.constant 3 : i32
            %broadcast_in_dim3A_2202 = vector.broadcast %broadcast_in_dim3A_2201 : i32 to vector<16xi32>
            %broadcast_in_dim3A_2203 = arith.constant 4 : i32
            %broadcast_in_dim3A_2204 = vector.broadcast %broadcast_in_dim3A_2203 : i32 to vector<16xi32>
            %add3A_2205 = arith.addf %gather3A_2195, %gather3A_2200 : vector<16xf32>
            %scatter3A_2206 = arith.constant 1 : i32
            %scatter3A_2207 = arith.constant 0 : i32
            %scatter3A_2208 = arith.constant 0 : i32
            %scatter3A_2209 = arith.constant 0 : i32
            %scatter3A_2210 = tpu.memref_slice %arg8[%scatter3A_2206, %scatter3A_2207, %scatter3A_2208, %scatter3A_2209] : memref<2x4x8x513xf32, #tpu.memory_space<vmem>> -> memref<1x4x8x513xf32, #tpu.memory_space<vmem>>
            %scatter3A_2211 = tpu.memref_squeeze %scatter3A_2210 : memref<1x4x8x513xf32, #tpu.memory_space<vmem>> -> memref<4x8x513xf32, #tpu.memory_space<vmem>>
            tpu.vector_store_idx %scatter3A_2211[%broadcast_in_dim3A_2202, %broadcast_in_dim3A_2204, %add3A_1505], %add3A_2205 masked %eq3A_1501 : memref<4x8x513xf32, #tpu.memory_space<vmem>>[vector<16xi32>, vector<16xi32>, vector<16xi32>], vector<16xf32>, vector<16xi1>
            %broadcast_in_dim3A_2212 = arith.constant 29 : i32
            %broadcast_in_dim3A_2213 = vector.broadcast %broadcast_in_dim3A_2212 : i32 to vector<16xi32>
            %gather3A_2214 = arith.constant 1 : i32
            %gather3A_2215 = arith.constant 0 : i32
            %gather3A_2216 = arith.constant 0 : i32
            %gather3A_2217 = tpu.memref_slice %arg7[%gather3A_2214, %gather3A_2215, %gather3A_2216] : memref<2x512x32xf32, #tpu.memory_space<vmem>> -> memref<1x512x32xf32, #tpu.memory_space<vmem>>
            %gather3A_2218 = tpu.memref_squeeze %gather3A_2217 : memref<1x512x32xf32, #tpu.memory_space<vmem>> -> memref<512x32xf32, #tpu.memory_space<vmem>>
            %gather3A_2219 = tpu.vector_load_idx %gather3A_2218[%add3A_1505, %broadcast_in_dim3A_2213] masked %eq3A_1501 : memref<512x32xf32, #tpu.memory_space<vmem>>[vector<16xi32>, vector<16xi32>], vector<16xf32>, vector<16xi1>
            %broadcast_in_dim3A_2220 = arith.constant 13 : i32
            %broadcast_in_dim3A_2221 = vector.broadcast %broadcast_in_dim3A_2220 : i32 to vector<16xi32>
            %broadcast_in_dim3A_2222 = vector.shape_cast %broadcast_in_dim3A_2221 : vector<16xi32> to vector<16x1xi32>
            %gather3A_2223 = vector.shape_cast %broadcast_in_dim3A_2222 : vector<16x1xi32> to vector<16xi32>
            %gather3A_2224 = tpu.dynamic_gather %get3A_1441[%gather3A_2223] in [0] : vector<16xf32>, vector<16xi32> -> vector<16xf32>
            %broadcast_in_dim3A_2225 = arith.constant 3 : i32
            %broadcast_in_dim3A_2226 = vector.broadcast %broadcast_in_dim3A_2225 : i32 to vector<16xi32>
            %broadcast_in_dim3A_2227 = arith.constant 5 : i32
            %broadcast_in_dim3A_2228 = vector.broadcast %broadcast_in_dim3A_2227 : i32 to vector<16xi32>
            %add3A_2229 = arith.addf %gather3A_2219, %gather3A_2224 : vector<16xf32>
            %scatter3A_2230 = arith.constant 1 : i32
            %scatter3A_2231 = arith.constant 0 : i32
            %scatter3A_2232 = arith.constant 0 : i32
            %scatter3A_2233 = arith.constant 0 : i32
            %scatter3A_2234 = tpu.memref_slice %arg8[%scatter3A_2230, %scatter3A_2231, %scatter3A_2232, %scatter3A_2233] : memref<2x4x8x513xf32, #tpu.memory_space<vmem>> -> memref<1x4x8x513xf32, #tpu.memory_space<vmem>>
            %scatter3A_2235 = tpu.memref_squeeze %scatter3A_2234 : memref<1x4x8x513xf32, #tpu.memory_space<vmem>> -> memref<4x8x513xf32, #tpu.memory_space<vmem>>
            tpu.vector_store_idx %scatter3A_2235[%broadcast_in_dim3A_2226, %broadcast_in_dim3A_2228, %add3A_1505], %add3A_2229 masked %eq3A_1501 : memref<4x8x513xf32, #tpu.memory_space<vmem>>[vector<16xi32>, vector<16xi32>, vector<16xi32>], vector<16xf32>, vector<16xi1>
            %broadcast_in_dim3A_2236 = arith.constant 30 : i32
            %broadcast_in_dim3A_2237 = vector.broadcast %broadcast_in_dim3A_2236 : i32 to vector<16xi32>
            %gather3A_2238 = arith.constant 1 : i32
            %gather3A_2239 = arith.constant 0 : i32
            %gather3A_2240 = arith.constant 0 : i32
            %gather3A_2241 = tpu.memref_slice %arg7[%gather3A_2238, %gather3A_2239, %gather3A_2240] : memref<2x512x32xf32, #tpu.memory_space<vmem>> -> memref<1x512x32xf32, #tpu.memory_space<vmem>>
            %gather3A_2242 = tpu.memref_squeeze %gather3A_2241 : memref<1x512x32xf32, #tpu.memory_space<vmem>> -> memref<512x32xf32, #tpu.memory_space<vmem>>
            %gather3A_2243 = tpu.vector_load_idx %gather3A_2242[%add3A_1505, %broadcast_in_dim3A_2237] masked %eq3A_1501 : memref<512x32xf32, #tpu.memory_space<vmem>>[vector<16xi32>, vector<16xi32>], vector<16xf32>, vector<16xi1>
            %broadcast_in_dim3A_2244 = arith.constant 14 : i32
            %broadcast_in_dim3A_2245 = vector.broadcast %broadcast_in_dim3A_2244 : i32 to vector<16xi32>
            %broadcast_in_dim3A_2246 = vector.shape_cast %broadcast_in_dim3A_2245 : vector<16xi32> to vector<16x1xi32>
            %gather3A_2247 = vector.shape_cast %broadcast_in_dim3A_2246 : vector<16x1xi32> to vector<16xi32>
            %gather3A_2248 = tpu.dynamic_gather %get3A_1441[%gather3A_2247] in [0] : vector<16xf32>, vector<16xi32> -> vector<16xf32>
            %broadcast_in_dim3A_2249 = arith.constant 3 : i32
            %broadcast_in_dim3A_2250 = vector.broadcast %broadcast_in_dim3A_2249 : i32 to vector<16xi32>
            %broadcast_in_dim3A_2251 = arith.constant 6 : i32
            %broadcast_in_dim3A_2252 = vector.broadcast %broadcast_in_dim3A_2251 : i32 to vector<16xi32>
            %add3A_2253 = arith.addf %gather3A_2243, %gather3A_2248 : vector<16xf32>
            %scatter3A_2254 = arith.constant 1 : i32
            %scatter3A_2255 = arith.constant 0 : i32
            %scatter3A_2256 = arith.constant 0 : i32
            %scatter3A_2257 = arith.constant 0 : i32
            %scatter3A_2258 = tpu.memref_slice %arg8[%scatter3A_2254, %scatter3A_2255, %scatter3A_2256, %scatter3A_2257] : memref<2x4x8x513xf32, #tpu.memory_space<vmem>> -> memref<1x4x8x513xf32, #tpu.memory_space<vmem>>
            %scatter3A_2259 = tpu.memref_squeeze %scatter3A_2258 : memref<1x4x8x513xf32, #tpu.memory_space<vmem>> -> memref<4x8x513xf32, #tpu.memory_space<vmem>>
            tpu.vector_store_idx %scatter3A_2259[%broadcast_in_dim3A_2250, %broadcast_in_dim3A_2252, %add3A_1505], %add3A_2253 masked %eq3A_1501 : memref<4x8x513xf32, #tpu.memory_space<vmem>>[vector<16xi32>, vector<16xi32>, vector<16xi32>], vector<16xf32>, vector<16xi1>
            %broadcast_in_dim3A_2260 = arith.constant 31 : i32
            %broadcast_in_dim3A_2261 = vector.broadcast %broadcast_in_dim3A_2260 : i32 to vector<16xi32>
            %gather3A_2262 = arith.constant 1 : i32
            %gather3A_2263 = arith.constant 0 : i32
            %gather3A_2264 = arith.constant 0 : i32
            %gather3A_2265 = tpu.memref_slice %arg7[%gather3A_2262, %gather3A_2263, %gather3A_2264] : memref<2x512x32xf32, #tpu.memory_space<vmem>> -> memref<1x512x32xf32, #tpu.memory_space<vmem>>
            %gather3A_2266 = tpu.memref_squeeze %gather3A_2265 : memref<1x512x32xf32, #tpu.memory_space<vmem>> -> memref<512x32xf32, #tpu.memory_space<vmem>>
            %gather3A_2267 = tpu.vector_load_idx %gather3A_2266[%add3A_1505, %broadcast_in_dim3A_2261] masked %eq3A_1501 : memref<512x32xf32, #tpu.memory_space<vmem>>[vector<16xi32>, vector<16xi32>], vector<16xf32>, vector<16xi1>
            %broadcast_in_dim3A_2268 = arith.constant 15 : i32
            %broadcast_in_dim3A_2269 = vector.broadcast %broadcast_in_dim3A_2268 : i32 to vector<16xi32>
            %broadcast_in_dim3A_2270 = vector.shape_cast %broadcast_in_dim3A_2269 : vector<16xi32> to vector<16x1xi32>
            %gather3A_2271 = vector.shape_cast %broadcast_in_dim3A_2270 : vector<16x1xi32> to vector<16xi32>
            %gather3A_2272 = tpu.dynamic_gather %get3A_1441[%gather3A_2271] in [0] : vector<16xf32>, vector<16xi32> -> vector<16xf32>
            %broadcast_in_dim3A_2273 = arith.constant 3 : i32
            %broadcast_in_dim3A_2274 = vector.broadcast %broadcast_in_dim3A_2273 : i32 to vector<16xi32>
            %broadcast_in_dim3A_2275 = arith.constant 7 : i32
            %broadcast_in_dim3A_2276 = vector.broadcast %broadcast_in_dim3A_2275 : i32 to vector<16xi32>
            %add3A_2277 = arith.addf %gather3A_2267, %gather3A_2272 : vector<16xf32>
            %scatter3A_2278 = arith.constant 1 : i32
            %scatter3A_2279 = arith.constant 0 : i32
            %scatter3A_2280 = arith.constant 0 : i32
            %scatter3A_2281 = arith.constant 0 : i32
            %scatter3A_2282 = tpu.memref_slice %arg8[%scatter3A_2278, %scatter3A_2279, %scatter3A_2280, %scatter3A_2281] : memref<2x4x8x513xf32, #tpu.memory_space<vmem>> -> memref<1x4x8x513xf32, #tpu.memory_space<vmem>>
            %scatter3A_2283 = tpu.memref_squeeze %scatter3A_2282 : memref<1x4x8x513xf32, #tpu.memory_space<vmem>> -> memref<4x8x513xf32, #tpu.memory_space<vmem>>
            tpu.vector_store_idx %scatter3A_2283[%broadcast_in_dim3A_2274, %broadcast_in_dim3A_2276, %add3A_1505], %add3A_2277 masked %eq3A_1501 : memref<4x8x513xf32, #tpu.memory_space<vmem>>[vector<16xi32>, vector<16xi32>, vector<16xi32>], vector<16xf32>, vector<16xi1>
          } else {
          }
        }
        %scan3A_1446 = arith.constant 32 : i32
      } else {
      }
      %add3A_1327 = arith.constant 2 : i32
      %add3A_1328 = arith.addi %add3A_898, %add3A_1327 : i32
      %lt3A_1329 = arith.constant 200 : i32
      %lt3A_1330 = arith.cmpi slt, %add3A_1328, %lt3A_1329 : i32
      %convert_element_type3A_1331 = arith.extui %lt3A_1330 : i1 to i32
      %cond3A_1332 = arith.constant 0 : i32
      %cond3A_1333 = arith.cmpi ne, %convert_element_type3A_1331, %cond3A_1332 : i32
      scf.if %cond3A_1333 {
        %add3A_1434 = arith.constant 2 : i32
        %add3A_1435 = arith.addi %add3A_898, %add3A_1434 : i32
        %dma_start3A_1436 = arith.constant 1 : i32
        %dma_start3A_1437 = arith.constant 0 : i32
        %dma_start3A_1438 = arith.constant 0 : i32
        %dma_start3A_1439 = tpu.memref_slice %arg6[%dma_start3A_1436, %dma_start3A_1437, %dma_start3A_1438] : memref<2x4x128xi32, #tpu.memory_space<vmem>> -> memref<1x4x128xi32, #tpu.memory_space<vmem>>
        %dma_start3A_1440 = tpu.memref_squeeze %dma_start3A_1439 : memref<1x4x128xi32, #tpu.memory_space<vmem>> -> memref<4x128xi32, #tpu.memory_space<vmem>>
        %dma_start3A_1441 = arith.constant 0 : i32
        %dma_start3A_1442 = tpu.memref_slice %arg2[%add3A_1435, %mul3A_4, %dma_start3A_1441] : memref<200x128x128xi32, #tpu.memory_space<hbm>> -> memref<1x4x128xi32, #tpu.memory_space<hbm>>
        %dma_start3A_1443 = tpu.memref_squeeze %dma_start3A_1442 : memref<1x4x128xi32, #tpu.memory_space<hbm>> -> memref<4x128xi32, #tpu.memory_space<hbm>>
        %dma_start3A_1444 = arith.constant 0 : i32
        %dma_start3A_1445 = arith.constant 0 : i32
        %dma_start3A_1446 = tpu.memref_slice %arg6[%dma_start3A_1436, %dma_start3A_1444, %dma_start3A_1445] : memref<2x4x128xi32, #tpu.memory_space<vmem>> -> memref<1x4x128xi32, #tpu.memory_space<vmem>>
        %dma_start3A_1447 = tpu.memref_squeeze %dma_start3A_1446 : memref<1x4x128xi32, #tpu.memory_space<vmem>> -> memref<4x128xi32, #tpu.memory_space<vmem>>
        %dma_start3A_1448 = arith.constant 0 : i32
        %dma_start3A_1449 = tpu.memref_slice %arg2[%add3A_1435, %mul3A_4, %dma_start3A_1448] : memref<200x128x128xi32, #tpu.memory_space<hbm>> -> memref<1x4x128xi32, #tpu.memory_space<hbm>>
        %dma_start3A_1450 = tpu.memref_squeeze %dma_start3A_1449 : memref<1x4x128xi32, #tpu.memory_space<hbm>> -> memref<4x128xi32, #tpu.memory_space<hbm>>
        tpu.enqueue_dma source(%dma_start3A_1450 : memref<4x128xi32, #tpu.memory_space<hbm>>) target(%dma_start3A_1447 : memref<4x128xi32, #tpu.memory_space<vmem>>) target_semaphore(%arg12 : memref<!tpu.dma_semaphore, #tpu.memory_space<semaphore_mem>>)
      } else {
      }
      %mul3A_1334 = arith.constant 4 : i32
      %mul3A_1335 = arith.muli %add3A, %mul3A_1334 : i32
      %add3A_1336 = arith.constant 0 : i32
      %add3A_1337 = arith.addi %mul3A_1335, %add3A_1336 : i32
      %dma_start3A_1338 = arith.constant 1 : i32
      %dma_start3A_1339 = arith.constant 0 : i32
      %dma_start3A_1340 = arith.constant 0 : i32
      %dma_start3A_1341 = arith.constant 0 : i32
      %dma_start3A_1342 = tpu.memref_slice %arg8[%dma_start3A_1338, %dma_start3A_1339, %dma_start3A_1340, %dma_start3A_1341] : memref<2x4x8x513xf32, #tpu.memory_space<vmem>> -> memref<1x4x8x128xf32, #tpu.memory_space<vmem>>
      %dma_start3A_1343 = tpu.memref_squeeze %dma_start3A_1342 : memref<1x4x8x128xf32, #tpu.memory_space<vmem>> -> memref<4x8x128xf32, #tpu.memory_space<vmem>>
      %dma_start3A_1344 = arith.constant 0 : i32
      %dma_start3A_1345 = arith.constant 0 : i32
      %dma_start3A_1346 = arith.constant 0 : i32
      %dma_start3A_1347 = tpu.memref_slice %arg5[%add3A_898, %dma_start3A_1344, %add3A_1337, %dma_start3A_1345, %dma_start3A_1346] : memref<200x4x128x8x128xf32, #tpu.memory_space<hbm>> -> memref<1x4x1x8x128xf32, #tpu.memory_space<hbm>>
      %dma_start3A_1348 = tpu.memref_squeeze %dma_start3A_1347 : memref<1x4x1x8x128xf32, #tpu.memory_space<hbm>> -> memref<4x8x128xf32, #tpu.memory_space<hbm>>
      %dma_start3A_1349 = arith.constant 0 : i32
      %dma_start3A_1350 = arith.constant 0 : i32
      %dma_start3A_1351 = arith.constant 0 : i32
      %dma_start3A_1352 = tpu.memref_slice %arg5[%add3A_898, %dma_start3A_1349, %add3A_1337, %dma_start3A_1350, %dma_start3A_1351] : memref<200x4x128x8x128xf32, #tpu.memory_space<hbm>> -> memref<1x4x1x8x128xf32, #tpu.memory_space<hbm>>
      %dma_start3A_1353 = tpu.memref_squeeze %dma_start3A_1352 : memref<1x4x1x8x128xf32, #tpu.memory_space<hbm>> -> memref<4x8x128xf32, #tpu.memory_space<hbm>>
      %dma_start3A_1354 = arith.constant 0 : i32
      %dma_start3A_1355 = arith.constant 0 : i32
      %dma_start3A_1356 = arith.constant 0 : i32
      %dma_start3A_1357 = tpu.memref_slice %arg8[%dma_start3A_1338, %dma_start3A_1354, %dma_start3A_1355, %dma_start3A_1356] : memref<2x4x8x513xf32, #tpu.memory_space<vmem>> -> memref<1x4x8x128xf32, #tpu.memory_space<vmem>>
      %dma_start3A_1358 = tpu.memref_squeeze %dma_start3A_1357 : memref<1x4x8x128xf32, #tpu.memory_space<vmem>> -> memref<4x8x128xf32, #tpu.memory_space<vmem>>
      tpu.enqueue_dma source(%dma_start3A_1358 : memref<4x8x128xf32, #tpu.memory_space<vmem>>) target(%dma_start3A_1353 : memref<4x8x128xf32, #tpu.memory_space<hbm>>) target_semaphore(%arg16 : memref<!tpu.dma_semaphore, #tpu.memory_space<semaphore_mem>>)
      %mul3A_1359 = arith.constant 4 : i32
      %mul3A_1360 = arith.muli %add3A, %mul3A_1359 : i32
      %add3A_1361 = arith.constant 1 : i32
      %add3A_1362 = arith.addi %mul3A_1360, %add3A_1361 : i32
      %dma_start3A_1363 = arith.constant 1 : i32
      %dma_start3A_1364 = arith.constant 0 : i32
      %dma_start3A_1365 = arith.constant 0 : i32
      %dma_start3A_1366 = arith.constant 128 : i32
      %dma_start3A_1367 = tpu.memref_slice %arg8[%dma_start3A_1363, %dma_start3A_1364, %dma_start3A_1365, %dma_start3A_1366] : memref<2x4x8x513xf32, #tpu.memory_space<vmem>> -> memref<1x4x8x128xf32, #tpu.memory_space<vmem>>
      %dma_start3A_1368 = tpu.memref_squeeze %dma_start3A_1367 : memref<1x4x8x128xf32, #tpu.memory_space<vmem>> -> memref<4x8x128xf32, #tpu.memory_space<vmem>>
      %dma_start3A_1369 = arith.constant 0 : i32
      %dma_start3A_1370 = arith.constant 0 : i32
      %dma_start3A_1371 = arith.constant 0 : i32
      %dma_start3A_1372 = tpu.memref_slice %arg5[%add3A_898, %dma_start3A_1369, %add3A_1362, %dma_start3A_1370, %dma_start3A_1371] : memref<200x4x128x8x128xf32, #tpu.memory_space<hbm>> -> memref<1x4x1x8x128xf32, #tpu.memory_space<hbm>>
      %dma_start3A_1373 = tpu.memref_squeeze %dma_start3A_1372 : memref<1x4x1x8x128xf32, #tpu.memory_space<hbm>> -> memref<4x8x128xf32, #tpu.memory_space<hbm>>
      %dma_start3A_1374 = arith.constant 0 : i32
      %dma_start3A_1375 = arith.constant 0 : i32
      %dma_start3A_1376 = arith.constant 0 : i32
      %dma_start3A_1377 = tpu.memref_slice %arg5[%add3A_898, %dma_start3A_1374, %add3A_1362, %dma_start3A_1375, %dma_start3A_1376] : memref<200x4x128x8x128xf32, #tpu.memory_space<hbm>> -> memref<1x4x1x8x128xf32, #tpu.memory_space<hbm>>
      %dma_start3A_1378 = tpu.memref_squeeze %dma_start3A_1377 : memref<1x4x1x8x128xf32, #tpu.memory_space<hbm>> -> memref<4x8x128xf32, #tpu.memory_space<hbm>>
      %dma_start3A_1379 = arith.constant 0 : i32
      %dma_start3A_1380 = arith.constant 0 : i32
      %dma_start3A_1381 = arith.constant 128 : i32
      %dma_start3A_1382 = tpu.memref_slice %arg8[%dma_start3A_1363, %dma_start3A_1379, %dma_start3A_1380, %dma_start3A_1381] : memref<2x4x8x513xf32, #tpu.memory_space<vmem>> -> memref<1x4x8x128xf32, #tpu.memory_space<vmem>>
      %dma_start3A_1383 = tpu.memref_squeeze %dma_start3A_1382 : memref<1x4x8x128xf32, #tpu.memory_space<vmem>> -> memref<4x8x128xf32, #tpu.memory_space<vmem>>
      tpu.enqueue_dma source(%dma_start3A_1383 : memref<4x8x128xf32, #tpu.memory_space<vmem>>) target(%dma_start3A_1378 : memref<4x8x128xf32, #tpu.memory_space<hbm>>) target_semaphore(%arg16 : memref<!tpu.dma_semaphore, #tpu.memory_space<semaphore_mem>>)
      %mul3A_1384 = arith.constant 4 : i32
      %mul3A_1385 = arith.muli %add3A, %mul3A_1384 : i32
      %add3A_1386 = arith.constant 2 : i32
      %add3A_1387 = arith.addi %mul3A_1385, %add3A_1386 : i32
      %dma_start3A_1388 = arith.constant 1 : i32
      %dma_start3A_1389 = arith.constant 0 : i32
      %dma_start3A_1390 = arith.constant 0 : i32
      %dma_start3A_1391 = arith.constant 256 : i32
      %dma_start3A_1392 = tpu.memref_slice %arg8[%dma_start3A_1388, %dma_start3A_1389, %dma_start3A_1390, %dma_start3A_1391] : memref<2x4x8x513xf32, #tpu.memory_space<vmem>> -> memref<1x4x8x128xf32, #tpu.memory_space<vmem>>
      %dma_start3A_1393 = tpu.memref_squeeze %dma_start3A_1392 : memref<1x4x8x128xf32, #tpu.memory_space<vmem>> -> memref<4x8x128xf32, #tpu.memory_space<vmem>>
      %dma_start3A_1394 = arith.constant 0 : i32
      %dma_start3A_1395 = arith.constant 0 : i32
      %dma_start3A_1396 = arith.constant 0 : i32
      %dma_start3A_1397 = tpu.memref_slice %arg5[%add3A_898, %dma_start3A_1394, %add3A_1387, %dma_start3A_1395, %dma_start3A_1396] : memref<200x4x128x8x128xf32, #tpu.memory_space<hbm>> -> memref<1x4x1x8x128xf32, #tpu.memory_space<hbm>>
      %dma_start3A_1398 = tpu.memref_squeeze %dma_start3A_1397 : memref<1x4x1x8x128xf32, #tpu.memory_space<hbm>> -> memref<4x8x128xf32, #tpu.memory_space<hbm>>
      %dma_start3A_1399 = arith.constant 0 : i32
      %dma_start3A_1400 = arith.constant 0 : i32
      %dma_start3A_1401 = arith.constant 0 : i32
      %dma_start3A_1402 = tpu.memref_slice %arg5[%add3A_898, %dma_start3A_1399, %add3A_1387, %dma_start3A_1400, %dma_start3A_1401] : memref<200x4x128x8x128xf32, #tpu.memory_space<hbm>> -> memref<1x4x1x8x128xf32, #tpu.memory_space<hbm>>
      %dma_start3A_1403 = tpu.memref_squeeze %dma_start3A_1402 : memref<1x4x1x8x128xf32, #tpu.memory_space<hbm>> -> memref<4x8x128xf32, #tpu.memory_space<hbm>>
      %dma_start3A_1404 = arith.constant 0 : i32
      %dma_start3A_1405 = arith.constant 0 : i32
      %dma_start3A_1406 = arith.constant 256 : i32
      %dma_start3A_1407 = tpu.memref_slice %arg8[%dma_start3A_1388, %dma_start3A_1404, %dma_start3A_1405, %dma_start3A_1406] : memref<2x4x8x513xf32, #tpu.memory_space<vmem>> -> memref<1x4x8x128xf32, #tpu.memory_space<vmem>>
      %dma_start3A_1408 = tpu.memref_squeeze %dma_start3A_1407 : memref<1x4x8x128xf32, #tpu.memory_space<vmem>> -> memref<4x8x128xf32, #tpu.memory_space<vmem>>
      tpu.enqueue_dma source(%dma_start3A_1408 : memref<4x8x128xf32, #tpu.memory_space<vmem>>) target(%dma_start3A_1403 : memref<4x8x128xf32, #tpu.memory_space<hbm>>) target_semaphore(%arg16 : memref<!tpu.dma_semaphore, #tpu.memory_space<semaphore_mem>>)
      %mul3A_1409 = arith.constant 4 : i32
      %mul3A_1410 = arith.muli %add3A, %mul3A_1409 : i32
      %add3A_1411 = arith.constant 3 : i32
      %add3A_1412 = arith.addi %mul3A_1410, %add3A_1411 : i32
      %dma_start3A_1413 = arith.constant 1 : i32
      %dma_start3A_1414 = arith.constant 0 : i32
      %dma_start3A_1415 = arith.constant 0 : i32
      %dma_start3A_1416 = arith.constant 384 : i32
      %dma_start3A_1417 = tpu.memref_slice %arg8[%dma_start3A_1413, %dma_start3A_1414, %dma_start3A_1415, %dma_start3A_1416] : memref<2x4x8x513xf32, #tpu.memory_space<vmem>> -> memref<1x4x8x128xf32, #tpu.memory_space<vmem>>
      %dma_start3A_1418 = tpu.memref_squeeze %dma_start3A_1417 : memref<1x4x8x128xf32, #tpu.memory_space<vmem>> -> memref<4x8x128xf32, #tpu.memory_space<vmem>>
      %dma_start3A_1419 = arith.constant 0 : i32
      %dma_start3A_1420 = arith.constant 0 : i32
      %dma_start3A_1421 = arith.constant 0 : i32
      %dma_start3A_1422 = tpu.memref_slice %arg5[%add3A_898, %dma_start3A_1419, %add3A_1412, %dma_start3A_1420, %dma_start3A_1421] : memref<200x4x128x8x128xf32, #tpu.memory_space<hbm>> -> memref<1x4x1x8x128xf32, #tpu.memory_space<hbm>>
      %dma_start3A_1423 = tpu.memref_squeeze %dma_start3A_1422 : memref<1x4x1x8x128xf32, #tpu.memory_space<hbm>> -> memref<4x8x128xf32, #tpu.memory_space<hbm>>
      %dma_start3A_1424 = arith.constant 0 : i32
      %dma_start3A_1425 = arith.constant 0 : i32
      %dma_start3A_1426 = arith.constant 0 : i32
      %dma_start3A_1427 = tpu.memref_slice %arg5[%add3A_898, %dma_start3A_1424, %add3A_1412, %dma_start3A_1425, %dma_start3A_1426] : memref<200x4x128x8x128xf32, #tpu.memory_space<hbm>> -> memref<1x4x1x8x128xf32, #tpu.memory_space<hbm>>
      %dma_start3A_1428 = tpu.memref_squeeze %dma_start3A_1427 : memref<1x4x1x8x128xf32, #tpu.memory_space<hbm>> -> memref<4x8x128xf32, #tpu.memory_space<hbm>>
      %dma_start3A_1429 = arith.constant 0 : i32
      %dma_start3A_1430 = arith.constant 0 : i32
      %dma_start3A_1431 = arith.constant 384 : i32
      %dma_start3A_1432 = tpu.memref_slice %arg8[%dma_start3A_1413, %dma_start3A_1429, %dma_start3A_1430, %dma_start3A_1431] : memref<2x4x8x513xf32, #tpu.memory_space<vmem>> -> memref<1x4x8x128xf32, #tpu.memory_space<vmem>>
      %dma_start3A_1433 = tpu.memref_squeeze %dma_start3A_1432 : memref<1x4x8x128xf32, #tpu.memory_space<vmem>> -> memref<4x8x128xf32, #tpu.memory_space<vmem>>
      tpu.enqueue_dma source(%dma_start3A_1433 : memref<4x8x128xf32, #tpu.memory_space<vmem>>) target(%dma_start3A_1428 : memref<4x8x128xf32, #tpu.memory_space<hbm>>) target_semaphore(%arg16 : memref<!tpu.dma_semaphore, #tpu.memory_space<semaphore_mem>>)
    }
    %scan3A_39 = arith.constant 100 : i32
    %dma_wait3A = arith.constant 0 : i32
    %dma_wait3A_40 = arith.constant 0 : i32
    %dma_wait3A_41 = arith.constant 0 : i32
    %dma_wait3A_42 = arith.constant 0 : i32
    %dma_wait3A_43 = arith.constant 0 : i32
    %dma_wait3A_44 = arith.constant 0 : i32
    %dma_wait3A_45 = tpu.memref_slice %arg8[%dma_wait3A, %dma_wait3A_42, %dma_wait3A_43, %dma_wait3A_44] : memref<2x4x8x513xf32, #tpu.memory_space<vmem>> -> memref<1x4x8x128xf32, #tpu.memory_space<vmem>>
    %dma_wait3A_46 = tpu.memref_squeeze %dma_wait3A_45 : memref<1x4x8x128xf32, #tpu.memory_space<vmem>> -> memref<4x8x128xf32, #tpu.memory_space<vmem>>
    %dma_wait3A_47 = arith.constant 0 : i32
    %dma_wait3A_48 = arith.constant 0 : i32
    %dma_wait3A_49 = arith.constant 0 : i32
    %dma_wait3A_50 = tpu.memref_slice %arg5[%dma_wait3A_40, %dma_wait3A_47, %dma_wait3A_41, %dma_wait3A_48, %dma_wait3A_49] : memref<200x4x128x8x128xf32, #tpu.memory_space<hbm>> -> memref<1x4x1x8x128xf32, #tpu.memory_space<hbm>>
    %dma_wait3A_51 = tpu.memref_squeeze %dma_wait3A_50 : memref<1x4x1x8x128xf32, #tpu.memory_space<hbm>> -> memref<4x8x128xf32, #tpu.memory_space<hbm>>
    %dma_wait3A_52 = arith.constant 0 : i32
    %dma_wait3A_53 = arith.constant 0 : i32
    %dma_wait3A_54 = arith.constant 0 : i32
    %dma_wait3A_55 = tpu.memref_slice %arg5[%dma_wait3A_40, %dma_wait3A_52, %dma_wait3A_41, %dma_wait3A_53, %dma_wait3A_54] : memref<200x4x128x8x128xf32, #tpu.memory_space<hbm>> -> memref<1x4x1x8x128xf32, #tpu.memory_space<hbm>>
    %dma_wait3A_56 = tpu.memref_squeeze %dma_wait3A_55 : memref<1x4x1x8x128xf32, #tpu.memory_space<hbm>> -> memref<4x8x128xf32, #tpu.memory_space<hbm>>
    %dma_wait3A_57 = arith.constant 0 : i32
    %dma_wait3A_58 = arith.constant 0 : i32
    %dma_wait3A_59 = arith.constant 0 : i32
    %dma_wait3A_60 = tpu.memref_slice %arg8[%dma_wait3A, %dma_wait3A_57, %dma_wait3A_58, %dma_wait3A_59] : memref<2x4x8x513xf32, #tpu.memory_space<vmem>> -> memref<1x4x8x128xf32, #tpu.memory_space<vmem>>
    %dma_wait3A_61 = tpu.memref_squeeze %dma_wait3A_60 : memref<1x4x8x128xf32, #tpu.memory_space<vmem>> -> memref<4x8x128xf32, #tpu.memory_space<vmem>>
    tpu.wait_dma2 semaphore(%arg15 : memref<!tpu.dma_semaphore, #tpu.memory_space<semaphore_mem>>) src(%dma_wait3A_61 : memref<4x8x128xf32, #tpu.memory_space<vmem>>) dst(%dma_wait3A_56 : memref<4x8x128xf32, #tpu.memory_space<hbm>>)
    %dma_wait3A_62 = arith.constant 0 : i32
    %dma_wait3A_63 = arith.constant 0 : i32
    %dma_wait3A_64 = arith.constant 0 : i32
    %dma_wait3A_65 = arith.constant 0 : i32
    %dma_wait3A_66 = arith.constant 0 : i32
    %dma_wait3A_67 = arith.constant 128 : i32
    %dma_wait3A_68 = tpu.memref_slice %arg8[%dma_wait3A_62, %dma_wait3A_65, %dma_wait3A_66, %dma_wait3A_67] : memref<2x4x8x513xf32, #tpu.memory_space<vmem>> -> memref<1x4x8x128xf32, #tpu.memory_space<vmem>>
    %dma_wait3A_69 = tpu.memref_squeeze %dma_wait3A_68 : memref<1x4x8x128xf32, #tpu.memory_space<vmem>> -> memref<4x8x128xf32, #tpu.memory_space<vmem>>
    %dma_wait3A_70 = arith.constant 0 : i32
    %dma_wait3A_71 = arith.constant 0 : i32
    %dma_wait3A_72 = arith.constant 0 : i32
    %dma_wait3A_73 = tpu.memref_slice %arg5[%dma_wait3A_63, %dma_wait3A_70, %dma_wait3A_64, %dma_wait3A_71, %dma_wait3A_72] : memref<200x4x128x8x128xf32, #tpu.memory_space<hbm>> -> memref<1x4x1x8x128xf32, #tpu.memory_space<hbm>>
    %dma_wait3A_74 = tpu.memref_squeeze %dma_wait3A_73 : memref<1x4x1x8x128xf32, #tpu.memory_space<hbm>> -> memref<4x8x128xf32, #tpu.memory_space<hbm>>
    %dma_wait3A_75 = arith.constant 0 : i32
    %dma_wait3A_76 = arith.constant 0 : i32
    %dma_wait3A_77 = arith.constant 0 : i32
    %dma_wait3A_78 = tpu.memref_slice %arg5[%dma_wait3A_63, %dma_wait3A_75, %dma_wait3A_64, %dma_wait3A_76, %dma_wait3A_77] : memref<200x4x128x8x128xf32, #tpu.memory_space<hbm>> -> memref<1x4x1x8x128xf32, #tpu.memory_space<hbm>>
    %dma_wait3A_79 = tpu.memref_squeeze %dma_wait3A_78 : memref<1x4x1x8x128xf32, #tpu.memory_space<hbm>> -> memref<4x8x128xf32, #tpu.memory_space<hbm>>
    %dma_wait3A_80 = arith.constant 0 : i32
    %dma_wait3A_81 = arith.constant 0 : i32
    %dma_wait3A_82 = arith.constant 128 : i32
    %dma_wait3A_83 = tpu.memref_slice %arg8[%dma_wait3A_62, %dma_wait3A_80, %dma_wait3A_81, %dma_wait3A_82] : memref<2x4x8x513xf32, #tpu.memory_space<vmem>> -> memref<1x4x8x128xf32, #tpu.memory_space<vmem>>
    %dma_wait3A_84 = tpu.memref_squeeze %dma_wait3A_83 : memref<1x4x8x128xf32, #tpu.memory_space<vmem>> -> memref<4x8x128xf32, #tpu.memory_space<vmem>>
    tpu.wait_dma2 semaphore(%arg15 : memref<!tpu.dma_semaphore, #tpu.memory_space<semaphore_mem>>) src(%dma_wait3A_84 : memref<4x8x128xf32, #tpu.memory_space<vmem>>) dst(%dma_wait3A_79 : memref<4x8x128xf32, #tpu.memory_space<hbm>>)
    %dma_wait3A_85 = arith.constant 0 : i32
    %dma_wait3A_86 = arith.constant 0 : i32
    %dma_wait3A_87 = arith.constant 0 : i32
    %dma_wait3A_88 = arith.constant 0 : i32
    %dma_wait3A_89 = arith.constant 0 : i32
    %dma_wait3A_90 = arith.constant 256 : i32
    %dma_wait3A_91 = tpu.memref_slice %arg8[%dma_wait3A_85, %dma_wait3A_88, %dma_wait3A_89, %dma_wait3A_90] : memref<2x4x8x513xf32, #tpu.memory_space<vmem>> -> memref<1x4x8x128xf32, #tpu.memory_space<vmem>>
    %dma_wait3A_92 = tpu.memref_squeeze %dma_wait3A_91 : memref<1x4x8x128xf32, #tpu.memory_space<vmem>> -> memref<4x8x128xf32, #tpu.memory_space<vmem>>
    %dma_wait3A_93 = arith.constant 0 : i32
    %dma_wait3A_94 = arith.constant 0 : i32
    %dma_wait3A_95 = arith.constant 0 : i32
    %dma_wait3A_96 = tpu.memref_slice %arg5[%dma_wait3A_86, %dma_wait3A_93, %dma_wait3A_87, %dma_wait3A_94, %dma_wait3A_95] : memref<200x4x128x8x128xf32, #tpu.memory_space<hbm>> -> memref<1x4x1x8x128xf32, #tpu.memory_space<hbm>>
    %dma_wait3A_97 = tpu.memref_squeeze %dma_wait3A_96 : memref<1x4x1x8x128xf32, #tpu.memory_space<hbm>> -> memref<4x8x128xf32, #tpu.memory_space<hbm>>
    %dma_wait3A_98 = arith.constant 0 : i32
    %dma_wait3A_99 = arith.constant 0 : i32
    %dma_wait3A_100 = arith.constant 0 : i32
    %dma_wait3A_101 = tpu.memref_slice %arg5[%dma_wait3A_86, %dma_wait3A_98, %dma_wait3A_87, %dma_wait3A_99, %dma_wait3A_100] : memref<200x4x128x8x128xf32, #tpu.memory_space<hbm>> -> memref<1x4x1x8x128xf32, #tpu.memory_space<hbm>>
    %dma_wait3A_102 = tpu.memref_squeeze %dma_wait3A_101 : memref<1x4x1x8x128xf32, #tpu.memory_space<hbm>> -> memref<4x8x128xf32, #tpu.memory_space<hbm>>
    %dma_wait3A_103 = arith.constant 0 : i32
    %dma_wait3A_104 = arith.constant 0 : i32
    %dma_wait3A_105 = arith.constant 256 : i32
    %dma_wait3A_106 = tpu.memref_slice %arg8[%dma_wait3A_85, %dma_wait3A_103, %dma_wait3A_104, %dma_wait3A_105] : memref<2x4x8x513xf32, #tpu.memory_space<vmem>> -> memref<1x4x8x128xf32, #tpu.memory_space<vmem>>
    %dma_wait3A_107 = tpu.memref_squeeze %dma_wait3A_106 : memref<1x4x8x128xf32, #tpu.memory_space<vmem>> -> memref<4x8x128xf32, #tpu.memory_space<vmem>>
    tpu.wait_dma2 semaphore(%arg15 : memref<!tpu.dma_semaphore, #tpu.memory_space<semaphore_mem>>) src(%dma_wait3A_107 : memref<4x8x128xf32, #tpu.memory_space<vmem>>) dst(%dma_wait3A_102 : memref<4x8x128xf32, #tpu.memory_space<hbm>>)
    %dma_wait3A_108 = arith.constant 0 : i32
    %dma_wait3A_109 = arith.constant 0 : i32
    %dma_wait3A_110 = arith.constant 0 : i32
    %dma_wait3A_111 = arith.constant 0 : i32
    %dma_wait3A_112 = arith.constant 0 : i32
    %dma_wait3A_113 = arith.constant 384 : i32
    %dma_wait3A_114 = tpu.memref_slice %arg8[%dma_wait3A_108, %dma_wait3A_111, %dma_wait3A_112, %dma_wait3A_113] : memref<2x4x8x513xf32, #tpu.memory_space<vmem>> -> memref<1x4x8x128xf32, #tpu.memory_space<vmem>>
    %dma_wait3A_115 = tpu.memref_squeeze %dma_wait3A_114 : memref<1x4x8x128xf32, #tpu.memory_space<vmem>> -> memref<4x8x128xf32, #tpu.memory_space<vmem>>
    %dma_wait3A_116 = arith.constant 0 : i32
    %dma_wait3A_117 = arith.constant 0 : i32
    %dma_wait3A_118 = arith.constant 0 : i32
    %dma_wait3A_119 = tpu.memref_slice %arg5[%dma_wait3A_109, %dma_wait3A_116, %dma_wait3A_110, %dma_wait3A_117, %dma_wait3A_118] : memref<200x4x128x8x128xf32, #tpu.memory_space<hbm>> -> memref<1x4x1x8x128xf32, #tpu.memory_space<hbm>>
    %dma_wait3A_120 = tpu.memref_squeeze %dma_wait3A_119 : memref<1x4x1x8x128xf32, #tpu.memory_space<hbm>> -> memref<4x8x128xf32, #tpu.memory_space<hbm>>
    %dma_wait3A_121 = arith.constant 0 : i32
    %dma_wait3A_122 = arith.constant 0 : i32
    %dma_wait3A_123 = arith.constant 0 : i32
    %dma_wait3A_124 = tpu.memref_slice %arg5[%dma_wait3A_109, %dma_wait3A_121, %dma_wait3A_110, %dma_wait3A_122, %dma_wait3A_123] : memref<200x4x128x8x128xf32, #tpu.memory_space<hbm>> -> memref<1x4x1x8x128xf32, #tpu.memory_space<hbm>>
    %dma_wait3A_125 = tpu.memref_squeeze %dma_wait3A_124 : memref<1x4x1x8x128xf32, #tpu.memory_space<hbm>> -> memref<4x8x128xf32, #tpu.memory_space<hbm>>
    %dma_wait3A_126 = arith.constant 0 : i32
    %dma_wait3A_127 = arith.constant 0 : i32
    %dma_wait3A_128 = arith.constant 384 : i32
    %dma_wait3A_129 = tpu.memref_slice %arg8[%dma_wait3A_108, %dma_wait3A_126, %dma_wait3A_127, %dma_wait3A_128] : memref<2x4x8x513xf32, #tpu.memory_space<vmem>> -> memref<1x4x8x128xf32, #tpu.memory_space<vmem>>
    %dma_wait3A_130 = tpu.memref_squeeze %dma_wait3A_129 : memref<1x4x8x128xf32, #tpu.memory_space<vmem>> -> memref<4x8x128xf32, #tpu.memory_space<vmem>>
    tpu.wait_dma2 semaphore(%arg15 : memref<!tpu.dma_semaphore, #tpu.memory_space<semaphore_mem>>) src(%dma_wait3A_130 : memref<4x8x128xf32, #tpu.memory_space<vmem>>) dst(%dma_wait3A_125 : memref<4x8x128xf32, #tpu.memory_space<hbm>>)
    %dma_wait3A_131 = arith.constant 1 : i32
    %dma_wait3A_132 = arith.constant 0 : i32
    %dma_wait3A_133 = arith.constant 0 : i32
    %dma_wait3A_134 = arith.constant 0 : i32
    %dma_wait3A_135 = arith.constant 0 : i32
    %dma_wait3A_136 = arith.constant 0 : i32
    %dma_wait3A_137 = tpu.memref_slice %arg8[%dma_wait3A_131, %dma_wait3A_134, %dma_wait3A_135, %dma_wait3A_136] : memref<2x4x8x513xf32, #tpu.memory_space<vmem>> -> memref<1x4x8x128xf32, #tpu.memory_space<vmem>>
    %dma_wait3A_138 = tpu.memref_squeeze %dma_wait3A_137 : memref<1x4x8x128xf32, #tpu.memory_space<vmem>> -> memref<4x8x128xf32, #tpu.memory_space<vmem>>
    %dma_wait3A_139 = arith.constant 0 : i32
    %dma_wait3A_140 = arith.constant 0 : i32
    %dma_wait3A_141 = arith.constant 0 : i32
    %dma_wait3A_142 = tpu.memref_slice %arg5[%dma_wait3A_132, %dma_wait3A_139, %dma_wait3A_133, %dma_wait3A_140, %dma_wait3A_141] : memref<200x4x128x8x128xf32, #tpu.memory_space<hbm>> -> memref<1x4x1x8x128xf32, #tpu.memory_space<hbm>>
    %dma_wait3A_143 = tpu.memref_squeeze %dma_wait3A_142 : memref<1x4x1x8x128xf32, #tpu.memory_space<hbm>> -> memref<4x8x128xf32, #tpu.memory_space<hbm>>
    %dma_wait3A_144 = arith.constant 0 : i32
    %dma_wait3A_145 = arith.constant 0 : i32
    %dma_wait3A_146 = arith.constant 0 : i32
    %dma_wait3A_147 = tpu.memref_slice %arg5[%dma_wait3A_132, %dma_wait3A_144, %dma_wait3A_133, %dma_wait3A_145, %dma_wait3A_146] : memref<200x4x128x8x128xf32, #tpu.memory_space<hbm>> -> memref<1x4x1x8x128xf32, #tpu.memory_space<hbm>>
    %dma_wait3A_148 = tpu.memref_squeeze %dma_wait3A_147 : memref<1x4x1x8x128xf32, #tpu.memory_space<hbm>> -> memref<4x8x128xf32, #tpu.memory_space<hbm>>
    %dma_wait3A_149 = arith.constant 0 : i32
    %dma_wait3A_150 = arith.constant 0 : i32
    %dma_wait3A_151 = arith.constant 0 : i32
    %dma_wait3A_152 = tpu.memref_slice %arg8[%dma_wait3A_131, %dma_wait3A_149, %dma_wait3A_150, %dma_wait3A_151] : memref<2x4x8x513xf32, #tpu.memory_space<vmem>> -> memref<1x4x8x128xf32, #tpu.memory_space<vmem>>
    %dma_wait3A_153 = tpu.memref_squeeze %dma_wait3A_152 : memref<1x4x8x128xf32, #tpu.memory_space<vmem>> -> memref<4x8x128xf32, #tpu.memory_space<vmem>>
    tpu.wait_dma2 semaphore(%arg16 : memref<!tpu.dma_semaphore, #tpu.memory_space<semaphore_mem>>) src(%dma_wait3A_153 : memref<4x8x128xf32, #tpu.memory_space<vmem>>) dst(%dma_wait3A_148 : memref<4x8x128xf32, #tpu.memory_space<hbm>>)
    %dma_wait3A_154 = arith.constant 1 : i32
    %dma_wait3A_155 = arith.constant 0 : i32
    %dma_wait3A_156 = arith.constant 0 : i32
    %dma_wait3A_157 = arith.constant 0 : i32
    %dma_wait3A_158 = arith.constant 0 : i32
    %dma_wait3A_159 = arith.constant 128 : i32
    %dma_wait3A_160 = tpu.memref_slice %arg8[%dma_wait3A_154, %dma_wait3A_157, %dma_wait3A_158, %dma_wait3A_159] : memref<2x4x8x513xf32, #tpu.memory_space<vmem>> -> memref<1x4x8x128xf32, #tpu.memory_space<vmem>>
    %dma_wait3A_161 = tpu.memref_squeeze %dma_wait3A_160 : memref<1x4x8x128xf32, #tpu.memory_space<vmem>> -> memref<4x8x128xf32, #tpu.memory_space<vmem>>
    %dma_wait3A_162 = arith.constant 0 : i32
    %dma_wait3A_163 = arith.constant 0 : i32
    %dma_wait3A_164 = arith.constant 0 : i32
    %dma_wait3A_165 = tpu.memref_slice %arg5[%dma_wait3A_155, %dma_wait3A_162, %dma_wait3A_156, %dma_wait3A_163, %dma_wait3A_164] : memref<200x4x128x8x128xf32, #tpu.memory_space<hbm>> -> memref<1x4x1x8x128xf32, #tpu.memory_space<hbm>>
    %dma_wait3A_166 = tpu.memref_squeeze %dma_wait3A_165 : memref<1x4x1x8x128xf32, #tpu.memory_space<hbm>> -> memref<4x8x128xf32, #tpu.memory_space<hbm>>
    %dma_wait3A_167 = arith.constant 0 : i32
    %dma_wait3A_168 = arith.constant 0 : i32
    %dma_wait3A_169 = arith.constant 0 : i32
    %dma_wait3A_170 = tpu.memref_slice %arg5[%dma_wait3A_155, %dma_wait3A_167, %dma_wait3A_156, %dma_wait3A_168, %dma_wait3A_169] : memref<200x4x128x8x128xf32, #tpu.memory_space<hbm>> -> memref<1x4x1x8x128xf32, #tpu.memory_space<hbm>>
    %dma_wait3A_171 = tpu.memref_squeeze %dma_wait3A_170 : memref<1x4x1x8x128xf32, #tpu.memory_space<hbm>> -> memref<4x8x128xf32, #tpu.memory_space<hbm>>
    %dma_wait3A_172 = arith.constant 0 : i32
    %dma_wait3A_173 = arith.constant 0 : i32
    %dma_wait3A_174 = arith.constant 128 : i32
    %dma_wait3A_175 = tpu.memref_slice %arg8[%dma_wait3A_154, %dma_wait3A_172, %dma_wait3A_173, %dma_wait3A_174] : memref<2x4x8x513xf32, #tpu.memory_space<vmem>> -> memref<1x4x8x128xf32, #tpu.memory_space<vmem>>
    %dma_wait3A_176 = tpu.memref_squeeze %dma_wait3A_175 : memref<1x4x8x128xf32, #tpu.memory_space<vmem>> -> memref<4x8x128xf32, #tpu.memory_space<vmem>>
    tpu.wait_dma2 semaphore(%arg16 : memref<!tpu.dma_semaphore, #tpu.memory_space<semaphore_mem>>) src(%dma_wait3A_176 : memref<4x8x128xf32, #tpu.memory_space<vmem>>) dst(%dma_wait3A_171 : memref<4x8x128xf32, #tpu.memory_space<hbm>>)
    %dma_wait3A_177 = arith.constant 1 : i32
    %dma_wait3A_178 = arith.constant 0 : i32
    %dma_wait3A_179 = arith.constant 0 : i32
    %dma_wait3A_180 = arith.constant 0 : i32
    %dma_wait3A_181 = arith.constant 0 : i32
    %dma_wait3A_182 = arith.constant 256 : i32
    %dma_wait3A_183 = tpu.memref_slice %arg8[%dma_wait3A_177, %dma_wait3A_180, %dma_wait3A_181, %dma_wait3A_182] : memref<2x4x8x513xf32, #tpu.memory_space<vmem>> -> memref<1x4x8x128xf32, #tpu.memory_space<vmem>>
    %dma_wait3A_184 = tpu.memref_squeeze %dma_wait3A_183 : memref<1x4x8x128xf32, #tpu.memory_space<vmem>> -> memref<4x8x128xf32, #tpu.memory_space<vmem>>
    %dma_wait3A_185 = arith.constant 0 : i32
    %dma_wait3A_186 = arith.constant 0 : i32
    %dma_wait3A_187 = arith.constant 0 : i32
    %dma_wait3A_188 = tpu.memref_slice %arg5[%dma_wait3A_178, %dma_wait3A_185, %dma_wait3A_179, %dma_wait3A_186, %dma_wait3A_187] : memref<200x4x128x8x128xf32, #tpu.memory_space<hbm>> -> memref<1x4x1x8x128xf32, #tpu.memory_space<hbm>>
    %dma_wait3A_189 = tpu.memref_squeeze %dma_wait3A_188 : memref<1x4x1x8x128xf32, #tpu.memory_space<hbm>> -> memref<4x8x128xf32, #tpu.memory_space<hbm>>
    %dma_wait3A_190 = arith.constant 0 : i32
    %dma_wait3A_191 = arith.constant 0 : i32
    %dma_wait3A_192 = arith.constant 0 : i32
    %dma_wait3A_193 = tpu.memref_slice %arg5[%dma_wait3A_178, %dma_wait3A_190, %dma_wait3A_179, %dma_wait3A_191, %dma_wait3A_192] : memref<200x4x128x8x128xf32, #tpu.memory_space<hbm>> -> memref<1x4x1x8x128xf32, #tpu.memory_space<hbm>>
    %dma_wait3A_194 = tpu.memref_squeeze %dma_wait3A_193 : memref<1x4x1x8x128xf32, #tpu.memory_space<hbm>> -> memref<4x8x128xf32, #tpu.memory_space<hbm>>
    %dma_wait3A_195 = arith.constant 0 : i32
    %dma_wait3A_196 = arith.constant 0 : i32
    %dma_wait3A_197 = arith.constant 256 : i32
    %dma_wait3A_198 = tpu.memref_slice %arg8[%dma_wait3A_177, %dma_wait3A_195, %dma_wait3A_196, %dma_wait3A_197] : memref<2x4x8x513xf32, #tpu.memory_space<vmem>> -> memref<1x4x8x128xf32, #tpu.memory_space<vmem>>
    %dma_wait3A_199 = tpu.memref_squeeze %dma_wait3A_198 : memref<1x4x8x128xf32, #tpu.memory_space<vmem>> -> memref<4x8x128xf32, #tpu.memory_space<vmem>>
    tpu.wait_dma2 semaphore(%arg16 : memref<!tpu.dma_semaphore, #tpu.memory_space<semaphore_mem>>) src(%dma_wait3A_199 : memref<4x8x128xf32, #tpu.memory_space<vmem>>) dst(%dma_wait3A_194 : memref<4x8x128xf32, #tpu.memory_space<hbm>>)
    %dma_wait3A_200 = arith.constant 1 : i32
    %dma_wait3A_201 = arith.constant 0 : i32
    %dma_wait3A_202 = arith.constant 0 : i32
    %dma_wait3A_203 = arith.constant 0 : i32
    %dma_wait3A_204 = arith.constant 0 : i32
    %dma_wait3A_205 = arith.constant 384 : i32
    %dma_wait3A_206 = tpu.memref_slice %arg8[%dma_wait3A_200, %dma_wait3A_203, %dma_wait3A_204, %dma_wait3A_205] : memref<2x4x8x513xf32, #tpu.memory_space<vmem>> -> memref<1x4x8x128xf32, #tpu.memory_space<vmem>>
    %dma_wait3A_207 = tpu.memref_squeeze %dma_wait3A_206 : memref<1x4x8x128xf32, #tpu.memory_space<vmem>> -> memref<4x8x128xf32, #tpu.memory_space<vmem>>
    %dma_wait3A_208 = arith.constant 0 : i32
    %dma_wait3A_209 = arith.constant 0 : i32
    %dma_wait3A_210 = arith.constant 0 : i32
    %dma_wait3A_211 = tpu.memref_slice %arg5[%dma_wait3A_201, %dma_wait3A_208, %dma_wait3A_202, %dma_wait3A_209, %dma_wait3A_210] : memref<200x4x128x8x128xf32, #tpu.memory_space<hbm>> -> memref<1x4x1x8x128xf32, #tpu.memory_space<hbm>>
    %dma_wait3A_212 = tpu.memref_squeeze %dma_wait3A_211 : memref<1x4x1x8x128xf32, #tpu.memory_space<hbm>> -> memref<4x8x128xf32, #tpu.memory_space<hbm>>
    %dma_wait3A_213 = arith.constant 0 : i32
    %dma_wait3A_214 = arith.constant 0 : i32
    %dma_wait3A_215 = arith.constant 0 : i32
    %dma_wait3A_216 = tpu.memref_slice %arg5[%dma_wait3A_201, %dma_wait3A_213, %dma_wait3A_202, %dma_wait3A_214, %dma_wait3A_215] : memref<200x4x128x8x128xf32, #tpu.memory_space<hbm>> -> memref<1x4x1x8x128xf32, #tpu.memory_space<hbm>>
    %dma_wait3A_217 = tpu.memref_squeeze %dma_wait3A_216 : memref<1x4x1x8x128xf32, #tpu.memory_space<hbm>> -> memref<4x8x128xf32, #tpu.memory_space<hbm>>
    %dma_wait3A_218 = arith.constant 0 : i32
    %dma_wait3A_219 = arith.constant 0 : i32
    %dma_wait3A_220 = arith.constant 384 : i32
    %dma_wait3A_221 = tpu.memref_slice %arg8[%dma_wait3A_200, %dma_wait3A_218, %dma_wait3A_219, %dma_wait3A_220] : memref<2x4x8x513xf32, #tpu.memory_space<vmem>> -> memref<1x4x8x128xf32, #tpu.memory_space<vmem>>
    %dma_wait3A_222 = tpu.memref_squeeze %dma_wait3A_221 : memref<1x4x8x128xf32, #tpu.memory_space<vmem>> -> memref<4x8x128xf32, #tpu.memory_space<vmem>>
    tpu.wait_dma2 semaphore(%arg16 : memref<!tpu.dma_semaphore, #tpu.memory_space<semaphore_mem>>) src(%dma_wait3A_222 : memref<4x8x128xf32, #tpu.memory_space<vmem>>) dst(%dma_wait3A_217 : memref<4x8x128xf32, #tpu.memory_space<hbm>>)
    return
  }
}

</mosaic_0001>

<sc_bundles>
// kernel: kernel.3.cloned.1.call-start
scs
__scs_entry_jumppad:
0x0: {  	(pc) =	sbr.rel $0x88, $3  }
0x1: {  	(tag) =	ssettag $0x0;
	lr =	simm.s32 $0x1  }
0x2: {  	[smem:$0x3F9E] =	sst lr;
	_ =	strace $0xD0000000  }
0x3: {  	_ = 	snop  }
0x4: {  	_ = 	snop  }
0x5: {  	_ = 	snop  }
0x6: {  	_ = 	snop  }
0x7: {  	_ = 	snop  }
__scs_overlays_trampoline_lowered:
0x8: {  	[smem:$0x3FAD] =	sst s0  }
0x9: {  	[smem:$0x3FAE] =	sst s1  }
0xa: {  	[smem:$0x3FAF] =	sst s2  }
0xb: {  	[smem:$0x3FB0] =	sst s3  }
0xc: {  	[smem:$0x3FB1] =	sst s4  }
0xd: {  	[smem:$0x3FB2] =	sst s5  }
0xe: {  	[smem:$0x3FB3] =	sst s6  }
0xf: {  	[smem:$0x3FB4] =	sst s7  }
0x10: {  	[smem:$0x3FB5] =	sst s8  }
0x11: {  	[smem:$0x3FB6] =	sst s9;
	s0 =	simm.s32 @!p0 $0x0  }
0x12: {  	s1 =	sld [smem:$0x3F9C];
	s0 =	simm.s32 @p0 $0x1  }
0x13: {  	[smem:$0x3FB7] =	sst s0;
	s0 =	simm.s32 @!p1 $0x0  }
0x14: {  	s2 =	sld [smem:$0x3F9B];
	s0 =	simm.s32 @p1 $0x1  }
0x15: {  	[smem:$0x3FB8] =	sst s0;
	s0 =	simm.s32 @!p2 $0x0  }
0x16: {  	s3 =	sld [smem:$0x3FDB];
	s0 =	simm.s32 @p2 $0x1  }
0x17: {  	s4 =	simm.s32 $0x1BF5;
	[smem:$0x3FBA] =	sst s0  }
0x18: {  	s0 =	sld [smem:$0x3F9D];
	_ =	swait.ge [sflag:s4], $0x0  }
0x19: {  	s7 =	sld [smem:$0x3F9E]  }
0x1a: {  	s8 =	sadd.s32 $0xFFFFE003, lr  }
0x1b: {  	s9 =	sadd.s32 $0xFFFFFEF7, lr;
	s5 =	simm.s32 $0xFFFFFFFF;
	p2 =	slt.u32 s8, $0xFFFFF086  }
0x1c: {  	p1 =	slt.u32 s9, $0xF7A;
	s5 =	simm.s32 @!p2 $0x0  }
0x1d: {  	s5 =	simm.s32 @p1 $0x1;
	p0 =	seq.s32 s7, s2  }
0x1e: {  	s7 =	smul.u32 @!p0 $0xF7A, s2;
	p2 =	seq.s32 @!p0 s5, $0x0  }
0x1f: {  	s9 =	smul.u32 $0xF7A, s1;
	s8 =	simm.s32 @!p0 $0x1BF5;
	p2 =	por !p2, p0  }
0x20: {  	[sflag:s8] =	ssyncset.s32 @!p0 $0xFFFFF086;
	s6 =	sadd.s32 @!p0 s3, s7;
	s7 =	simm.s32 @!p0 $0x108  }
0x21: {  	s3 =	sadd.s32 s3, s9;
	s6 =	sadd.s32 @!p0 $0x88, s6;
	s7 =	simm.s32 @p2 $0x1082  }
0x22: {  	[simem:s7], [sflag:s8] =	dma.local @!p0 [hbm:s6], $0xF7A  }
0x23: {  	s9 =	sor.u32 $0xD0000000, s2;
	s6 =	simm.s32 $0x108;
	_ =	swait.ge @!p0 [sflag:s8], $0x0  }
0x24: {  	s3 =	sadd.s32 $0x88, s3;
	s6 =	simm.s32 @!p1 $0x1082;
	[sflag:s4] =	ssyncset.s32 $0xFFFFF086  }
0x25: {  	[simem:s6], [sflag:s4] =	dma.local [hbm:s3], $0xF7A  }
0x26: {  	[smem:$0x3F9E] =	sst s1;
	(tag) =	ssettag s2;
	_ =	strace s9  }
0x27: {  	s1 =	sld [smem:$0x3FAE]  }
0x28: {  	s2 =	sld [smem:$0x3FAF]  }
0x29: {  	s4 =	sld [smem:$0x3FB1]  }
0x2a: {  	p0 =	seq.s32 s5, $0x0;
	s5 =	sld [smem:$0x3FB2]  }
0x2b: {  	s6 =	sld [smem:$0x3FB3]  }
0x2c: {  	s7 =	sld [smem:$0x3FB4]  }
0x2d: {  	s3 =	simm.s32 $0x108;
	s8 =	sld [smem:$0x3FB5]  }
0x2e: {  	s3 =	simm.s32 @!p0 $0x1082;
	s9 =	sld [smem:$0x3FB6]  }
0x2f: {  	lr =	sadd.s32 s0, s3;
	s0 =	sld [smem:$0x3FAD]  }
0x30: {  	s3 =	sld [smem:$0x3FB0]  }
0x31: {  	[smem:$0x3FB9] =	sst s10  }
0x32: {  	s10 =	sld [smem:$0x3FB7];
	_ =	sdelay $0x3  }
0x33: {  	p0 =	seq.s32 s10, $0x1;
	s10 =	sld [smem:$0x3FB9];
	_ =	sdelay $0x3  }
0x34: {  	[smem:$0x3FB9] =	sst s10  }
0x35: {  	s10 =	sld [smem:$0x3FB8];
	_ =	sdelay $0x3  }
0x36: {  	p1 =	seq.s32 s10, $0x1;
	s10 =	sld [smem:$0x3FB9];
	_ =	sdelay $0x3  }
0x37: {  	[smem:$0x3FB9] =	sst s10  }
0x38: {  	s10 =	sld [smem:$0x3FBA]  }
0x39: {  	_ = 	snop;
	(pc) =	sbr.ind lr, $3  }
0x3a: {  	_ = 	snop  }
0x3b: {  	_ = 	snop  }
0x3c: {  	p2 =	seq.s32 s10, $0x1;
	s10 =	sld [smem:$0x3FB9]  }
0x3d: {  	_ =	shalt  }
0x3e: {  	_ =	shalt  }
0x3f: {  	_ =	shalt  }
0x40: {  	_ =	shalt  }
0x41: {  	_ =	shalt  }
0x42: {  	_ =	shalt  }
0x43: {  	_ =	shalt  }
0x44: {  	_ =	shalt  }
0x45: {  	_ =	shalt  }
0x46: {  	_ =	shalt  }
0x47: {  	_ =	shalt  }
0x48: {  	_ =	shalt  }
0x49: {  	_ =	shalt  }
0x4a: {  	_ =	shalt  }
0x4b: {  	_ =	shalt  }
0x4c: {  	_ =	shalt  }
0x4d: {  	_ =	shalt  }
0x4e: {  	_ =	shalt  }
0x4f: {  	_ =	shalt  }
0x50: {  	_ =	shalt  }
0x51: {  	_ =	shalt  }
0x52: {  	_ =	shalt  }
0x53: {  	_ =	shalt  }
0x54: {  	_ =	shalt  }
0x55: {  	_ =	shalt  }
0x56: {  	_ =	shalt  }
0x57: {  	_ =	shalt  }
0x58: {  	_ =	shalt  }
0x59: {  	_ =	shalt  }
0x5a: {  	_ =	shalt  }
0x5b: {  	_ =	shalt  }
0x5c: {  	_ =	shalt  }
0x5d: {  	_ =	shalt  }
0x5e: {  	_ =	shalt  }
0x5f: {  	_ =	shalt  }
0x60: {  	_ =	shalt  }
0x61: {  	_ =	shalt  }
0x62: {  	_ =	shalt  }
0x63: {  	_ =	shalt  }
0x64: {  	_ =	shalt  }
0x65: {  	_ =	shalt  }
0x66: {  	_ =	shalt  }
0x67: {  	_ =	shalt  }
0x68: {  	_ =	shalt  }
0x69: {  	_ =	shalt  }
0x6a: {  	_ =	shalt  }
0x6b: {  	_ =	shalt  }
0x6c: {  	_ =	shalt  }
0x6d: {  	_ =	shalt  }
0x6e: {  	_ =	shalt  }
0x6f: {  	_ =	shalt  }
0x70: {  	_ =	shalt  }
0x71: {  	_ =	shalt  }
0x72: {  	_ =	shalt  }
0x73: {  	_ =	shalt  }
0x74: {  	_ =	shalt  }
0x75: {  	_ =	shalt  }
0x76: {  	_ =	shalt  }
0x77: {  	_ =	shalt  }
0x78: {  	_ =	shalt  }
0x79: {  	_ =	shalt  }
0x7a: {  	_ =	shalt  }
0x7b: {  	_ =	shalt  }
0x7c: {  	_ =	shalt  }
0x7d: {  	_ =	shalt  }
0x7e: {  	_ =	shalt  }
0x7f: {  	_ =	shalt  }
0x80: {  	_ =	shalt  }
0x81: {  	_ =	shalt  }
0x82: {  	_ =	shalt  }
0x83: {  	_ =	shalt  }
0x84: {  	_ =	shalt  }
0x85: {  	_ =	shalt  }
0x86: {  	_ =	shalt  }
0x87: {  	_ =	shalt  }
.Lfunc_end0:
.L_simem_size_0:
called_computation_lowered:
.L_overlay_start_0:
0x88: {  	s2 =	sld [smem:$0x3FD9]  }
0x89: {  	s3 =	sld [smem:$0x3FFE];
	_ =	sdelay $0x1  }
0x8a: {  	s1 =	srdreg.scid  }
0x8b: {  	s0 =	sand.u32 $0x1, s1  }
0x8c: {  	s17 =	sshll.u32 s0, $0xA;
	s2 =	sadd.s32 s3, s2  }
0x8d: {  	s2 =	sadd.s32 s2, s17  }
0x8e: {  	[smem:$0x3FC5] =	sst s2  }
0x8f: {  	_ = 	snop  }
0x90: {  	s2 =	sld [smem:$0x3FD0];
	(tm) =	ssettm $0x1  }
0x91: {  	s18 =	sld [smem:$0x3FFB];
	_ =	sdelay $0x3  }
0x92: {  	_ =	strace s18  }
0x93: {  	s3 =	sld [smem:$0x3FFC];
	_ =	sdelay $0x3  }
0x94: {  	_ =	strace s3  }
0x95: {  	s3 =	sld [smem:$0x3FFD];
	_ =	sdelay $0x3  }
0x96: {  	_ =	strace s3  }
0x97: {  	_ =	strace $0x8FFFFFFF  }
0x98: {  	s19 =	sld [smem:$0x3FDB];
	_ =	sdelay $0x1  }
0x99: {  	s4 =	simm.s32 $_scs_section_size  }
0x9a: {  	s5 =	simm.s32 $_size__tile_overlayer_lowered;
	s6 =	simm.s32 $_tile_overlayer_lowered  }
0x9b: {  	s22 =	simm.s32 $0x1BFF;
	s21 =	sshll.u32 s6, $0x1;
	s3 =	sadd.s32 s4, s19  }
0x9c: {  	s7 =	simm.s32 $0x0;
	s20 =	sshll.u32 s5, $0x1;
	s5 =	sadd.s32 s21, s3  }
0x9d: {  	[timem:s7], [sflag:s22] =	dma.local [hbm:s5], s20  }
0x9e: {  	_ =	swait.ge [sflag:s22], s20  }
0x9f: {  	s4 =	ssub.s32 $0x0, s20;
	[sflag:s22] =	ssyncset.done $0x0  }
0xa0: {  	[sflag:s22] =	ssyncadd.s32 s4;
	_ =	sdelay $0x1  }
0xa1: {  	s23 =	simm.s32 $0x1B8B  }
0xa2: {  	_ =	swait.ge [sflag:s23], $0x1  }
0xa3: {  	[sflag:s23] =	ssyncset.done $0x0  }
0xa4: {  	s25 =	simm.s32 $0x1B8E;
	s24 =	sld [smem:$0x3FFE];
	[sflag:s23] =	ssyncadd.s32 $0xFFFFFFFF  }
0xa5: {  	s26 =	simm.s32 $execute0_lowered;
	[smem:$0x3FD2] =	sst s25  }
0xa6: {  	s5 =	sshll.u32 s26, $0x1;
	_ =	strace $0x80000046;
	[dreg:$0x1] =	wrdreg $0xFFFFFFFF  }
0xa7: {  	s28 =	simm.s32 $_size_execute0_lowered;
	s3 =	sadd.s32 s3, s5;
	[dreg:$0x0] =	wrdreg $0x0  }
0xa8: {  	s5 =	sshll.u32 s28, $0x1;
	[dreg:$0x2] =	wrdreg s3  }
0xa9: {  	[dreg:$0x3] =	wrdreg s5  }
0xaa: {  	[dreg:$0x4] =	wrdreg $0xC0  }
0xab: {  	_ =	task [dreg:s7], $0x5FFFF  }
0xac: {  	[dreg:$0x1] =	wrdreg $0xFFFFFFFF  }
0xad: {  	[dreg:$0x0] =	wrdreg $0x60  }
0xae: {  	[dreg:$0x2] =	wrdreg s24  }
0xaf: {  	[dreg:$0x3] =	wrdreg s2  }
0xb0: {  	[dreg:$0x4] =	wrdreg $0x9  }
0xb1: {  	_ =	task.clear_ibuf [dreg:s7], $0x5FFFF;
	_ =	strace $0x90000046  }
0xb2: {  	s29 =	simm.s32 $0x9;
	_ =	strace $0x80000048  }
0xb3: {  	_ =	swait.ge [sflag:s29], $0x1  }
0xb4: {  	[sflag:s29] =	ssyncadd.s32 $0xFFFFFFFF  }
0xb5: {  	_ =	strace $0x90000048  }
0xb6: {  	_ =	sfence  }
0xb7: {  	s30 =	sld [smem:$0x0];
	_ =	sdelay $0x2  }
0xb8: {  	s31 =	sshll.u32 s1, $0xD;
	s1 =	sshrl.u32 s1, $0x2  }
0xb9: {  	s3 =	sand.u32 $0x4000, s31;
	s1 =	sadd.s32 s1, s30  }
0xba: {  	s0 =	sor.u32 s3, s0;
	s1 =	sshll.u32 s1, $0x11  }
0xbb: {  	s0 =	sor.u32 s1, s0  }
0xbc: {  	s0 =	sadd.s32 $0x8F2B, s0  }
0xbd: {  	[sflag:s0] =	ssyncadd.remote.s32 $0x1  }
0xbe: {  	_ =	sfence.sel $0xFFFF  }
0xbf: {  	[dreg:$0x0] =	wrdreg $0xFFFFFFFF;
	(pc) =	sbr.abs _section_cstart, $3  }
0xc0: {  	[dreg:$0x1] =	wrdreg $0xFFFFFFFF  }
0xc1: {  	_ =	task.clear_ibuf [dreg:s7], $0x2FFFF;
	_ =	strace $0x9FFFFFFF  }
0xc2: {  	(tm) =	ssettm $0x7FFFFFFF  }
0xc3: {  	_ =	shalt  }
tec
execute0_lowered:
.L_overlay_start_1:
0x0: {  	(tag) =	ssettag $0x1  }
0x1: {  	s0 =	rddreg [dreg:$0x0]  }
0x2: {  	s1 =	rddreg [dreg:$0x1];
	s3 =	simm.s32 $0x0;
	s2 =	srdreg.scid  }
0x3: {  	s4 =	stileid.u32;
	s19 =	simm.s32 $0x2;
	s20 =	simm.s32 $0x80  }
0x4: {  	s21 =	simm.s32 $0x400;
	s28 =	simm.s32 $0x3;
	s29 =	simm.s32 $0x4400  }
0x5: {  	s9 =	simm.s32 $0x4;
	s15 =	simm.s32 $0x8400;
	s25 =	simm.s32 $0x5;
	v0 =	vlaneseq.u32;
	v2 =	vimm.s32 $0x0;
	vm0 =	vcmask $0x300  }
0x6: {  	s26 =	simm.s32 $0xC500;
	v19 =	vimm.f32 $0.0e+00;
	v20 =	vimm.s32 $0x5;
	v21 =	vimm.s32 $0x1;
	s16 =	simm.s32 $0x104F8;
	s18 =	simm.s32 $0x0  }
0x7: {  	v22 =	vimm.s32 $0x2;
	v23 =	vimm.s32 $0x3;
	v24 =	vimm.s32 $0x4;
	[smem:$0x7FF] =	sst s3;
	s2 =	sand.u32 $0x1, s2;
	s5 =	sshll.u32 s4, $0x3  }
0x8: {  	v25 =	vimm.s32 $0x6;
	v26 =	vimm.s32 $0x7;
	v27 =	vimm.s32 $0x8;
	s4 =	sadd.s32 $0x800, s0;
	_ =	strace $0x80000047;
	s6 =	sshll.u32 s2, $0x2  }
0x9: {  	v28 =	vimm.s32 $0x9;
	v29 =	vimm.s32 $0xA;
	v30 =	vimm.s32 $0xB;
	s2 =	ssub.s32 $0x2, s2;
	s6 =	sor.u32 s6, s5;
	s5 =	sadd.s32 $0xF42C00, s0  }
0xa: {  	v31 =	vimm.s32 $0xC;
	v32 =	vimm.s32 $0xD;
	v1 =	vmul.u32 $0x208, v0;
	s7 =	sshrl.u32 s2, $0x1;
	s0 =	sadd.s32 $0x64800, s0;
	s8 =	sshll.u32 s6, $0x4  }
0xb: {  	v33 =	vimm.s32 $0xE;
	v34 =	vimm.s32 $0xF;
	v3 =	vsel vm0, $0x3, v2;
	[dreg:$0x3] =	wrdreg s0;
	s30 =	ssub.s32 s2, s7;
	s10 =	sshll.u32 s6, $0xA  }
.Ltmp0:
0xc: {  	v4 =	vadd.s32 $0x2080, v1;
	v5 =	vor.u32 $0x1, v1;
	v6 =	vadd.s32 $0x2081, v1;
	s7 =	simm.s32 $0xC888;
	s31 =	sadd.s32 s4, s8;
	(pc) =	sbr.rel .LBB2_1-.Ltmp0, $4  }
0xd: {  	v7 =	vor.u32 $0x2, v1;
	v8 =	vadd.s32 $0x2082, v1;
	v9 =	vor.u32 $0x3, v1;
	s8 =	sshll.u32 s6, $0x7;
	s12 =	sor.u32 $0x400, s10;
	s13 =	sor.u32 $0x800, s10  }
0xe: {  	v10 =	vadd.s32 $0x2083, v1;
	v11 =	vor.u32 $0x4, v1;
	v12 =	vadd.s32 $0x2084, v1;
	s14 =	sor.u32 $0xC00, s10;
	s0 =	smax.u32 s30, $0x1;
	[dreg:$0x4] =	wrdreg s31  }
0xf: {  	v13 =	vor.u32 $0x5, v1;
	v14 =	vadd.s32 $0x2085, v1;
	v15 =	vor.u32 $0x6, v1;
	s6 =	simm.s32 $0xC680;
	s2 =	sadd.s32 $0x800, s31;
	[dreg:$0x6] =	wrdreg s0  }
0x10: {  	v16 =	vadd.s32 $0x2086, v1;
	v17 =	vor.u32 $0x7, v1;
	v18 =	vadd.s32 $0x2087, v1;
	s11 =	sor.u32 $0xC000, s8;
	[dreg:$0x5] =	wrdreg s2;
	s2 =	simm.s32 $0x102F0  }
.LBB2_17:
0x11: {  	s0 =	simm.s32 $0x6  }
0x12: {  	_ =	swait.ge [sflag:s0], $0x1000  }
0x13: {  	[sflag:s0] =	ssyncset.done $0x0  }
0x14: {  	[sflag:s0] =	ssyncadd.s32 $0xFFFFF000  }
0x15: {  	_ =	swait.ge [sflag:s0], $0x1000  }
0x16: {  	[sflag:s0] =	ssyncset.done $0x0  }
0x17: {  	[sflag:s0] =	ssyncadd.s32 $0xFFFFF000  }
0x18: {  	_ =	swait.ge [sflag:s0], $0x1000  }
0x19: {  	[sflag:s0] =	ssyncset.done $0x0  }
0x1a: {  	[sflag:s0] =	ssyncadd.s32 $0xFFFFF000  }
0x1b: {  	_ =	swait.ge [sflag:s0], $0x1000  }
0x1c: {  	[sflag:s0] =	ssyncset.done $0x0  }
0x1d: {  	s31 =	simm.s32 $0x7;
	[sflag:s0] =	ssyncadd.s32 $0xFFFFF000  }
0x1e: {  	_ =	swait.ge [sflag:s31], $0x1000  }
0x1f: {  	[sflag:s31] =	ssyncset.done $0x0  }
0x20: {  	[sflag:s31] =	ssyncadd.s32 $0xFFFFF000  }
0x21: {  	_ =	swait.ge [sflag:s31], $0x1000  }
0x22: {  	[sflag:s31] =	ssyncset.done $0x0  }
0x23: {  	[sflag:s31] =	ssyncadd.s32 $0xFFFFF000  }
0x24: {  	_ =	swait.ge [sflag:s31], $0x1000  }
0x25: {  	[sflag:s31] =	ssyncset.done $0x0  }
0x26: {  	[sflag:s31] =	ssyncadd.s32 $0xFFFFF000  }
0x27: {  	_ =	swait.ge [sflag:s31], $0x1000  }
0x28: {  	s18 =	rddreg [dreg:$0x7]  }
0x29: {  	s17 =	rddreg [dreg:$0x6];
	s18 =	sadd.s32 $0x1, s18  }
0x2a: {  	p0 =	sne.s32 s18, s17  }
.Ltmp1:
0x2b: {  	_ = 	snop;
	(pc) =	sbr.rel @!p0 .LBB2_18-.Ltmp1, $3  }
0x2c: {  	_ =	sdelay $0x1  }
0x2d: {  	[sflag:s31] =	ssyncset.done $0x0  }
0x2e: {  	[sflag:s31] =	ssyncadd.s32 $0xFFFFF000  }
.LBB2_1:
0x2f: {  	[dreg:$0x7] =	wrdreg s18  }
0x30: {  	s17 =	rddreg [dreg:$0x3];
	s22 =	simm.s32 $0x10600;
	s23 =	simm.s32 $0x1  }
0x31: {  	[tilespmem:s22], [sflag:$0x1] =	stream.linear.gather [hbm4b:s17+s3], $0x1920, $0x38;
	[tilespmem:$0x11F20] =	vst v63  }
0x32: {  	_ =	swait.ge [sflag:s23], $0x1920  }
.Ltmp2:
0x33: {  	[sflag:s23] =	ssyncset.done $0x0;
	(pc) =	sbr.rel .LBB2_2-.Ltmp2, $4  }
0x34: {  	s24 =	rddreg [dreg:$0x4];
	[sflag:s23] =	ssyncadd.s32 $0xFFFFE6E0  }
0x35: {  	[tilespmem:s3], [sflag:$0x2] =	stream.linear.gather [hbm4b:s24+s3], $0x200, $0x38;
	[tilespmem:$0x11F20] =	vst v63  }
0x36: {  	s31 =	simm.s32 $0x200;
	s17 =	simm.s32 $0x0;
	s30 =	rddreg [dreg:$0x5]  }
0x37: {  	[tilespmem:s31], [sflag:$0x3] =	stream.linear.gather [hbm4b:s30+s3], $0x200, $0x38;
	[tilespmem:$0x11F20] =	vst v63  }
.LBB2_16:
0x38: {  	s22 =	sshll.u32 @!p0 s17, $0xF  }
0x39: {  	s22 =	sadd.s32 @!p0 s11, s22  }
0x3a: {  	s23 =	simm.s32 @!p0 $0x0;
	s18 =	sshll.u32 s18, $0x13;
	s22 =	sshrl.u32 @!p0 s22, $0x3  }
0x3b: {  	s24 =	simm.s32 @!p0 $0x200;
	s30 =	sor.u32 s10, s18;
	s22 =	sadd.s32 @!p0 s4, s22  }
0x3c: {  	[tilespmem:s24], [sflag:$0x3] =	stream.linear.gather @!p0 [hbm4b:s22+s23], $0x200, $0x38;
	[tilespmem:$0x11F20] =	vst v63  }
0x3d: {  	s22 =	sshrl.u32 s30, $0x3  }
0x3e: {  	s22 =	sadd.s32 s1, s22  }
0x3f: {  	[hbm4b:s22+s3] =	stream.linear.scatter [tilespmem:s26], [sflag:$0x7], $0x80, $0x38;
	[tilespmem:$0x11F20] =	vst v63  }
0x40: {  	s0 =	simm.s32 $0xC708;
	s31 =	sadd.s32 $0x10, s22  }
0x41: {  	[hbm4b:s31+s3] =	stream.linear.scatter [tilespmem:s0], [sflag:$0x7], $0x80, $0x38;
	[tilespmem:$0x11F20] =	vst v63  }
0x42: {  	s24 =	simm.s32 $0xC910;
	s0 =	sadd.s32 $0x20, s22  }
0x43: {  	[hbm4b:s0+s3] =	stream.linear.scatter [tilespmem:s24], [sflag:$0x7], $0x80, $0x38;
	[tilespmem:$0x11F20] =	vst v63  }
0x44: {  	s30 =	sadd.s32 $0x30, s22;
	s31 =	simm.s32 $0xCB18  }
0x45: {  	[hbm4b:s30+s3] =	stream.linear.scatter [tilespmem:s31], [sflag:$0x7], $0x80, $0x38;
	[tilespmem:$0x11F20] =	vst v63  }
0x46: {  	s0 =	sadd.s32 $0x40, s22;
	s24 =	simm.s32 $0xCD20  }
0x47: {  	[hbm4b:s0+s3] =	stream.linear.scatter [tilespmem:s24], [sflag:$0x7], $0x80, $0x38;
	[tilespmem:$0x11F20] =	vst v63  }
0x48: {  	s30 =	sadd.s32 $0x50, s22;
	s31 =	simm.s32 $0xCF28  }
0x49: {  	[hbm4b:s30+s3] =	stream.linear.scatter [tilespmem:s31], [sflag:$0x7], $0x80, $0x38;
	[tilespmem:$0x11F20] =	vst v63  }
0x4a: {  	s0 =	sadd.s32 $0x60, s22;
	s24 =	simm.s32 $0xD130  }
0x4b: {  	[hbm4b:s0+s3] =	stream.linear.scatter [tilespmem:s24], [sflag:$0x7], $0x80, $0x38;
	[tilespmem:$0x11F20] =	vst v63  }
0x4c: {  	s30 =	sadd.s32 $0x70, s22;
	s31 =	simm.s32 $0xD338  }
0x4d: {  	[hbm4b:s30+s3] =	stream.linear.scatter [tilespmem:s31], [sflag:$0x7], $0x80, $0x38;
	[tilespmem:$0x11F20] =	vst v63  }
0x4e: {  	s0 =	sadd.s32 $0x4000, s22;
	s24 =	simm.s32 $0xD540  }
0x4f: {  	[hbm4b:s0+s3] =	stream.linear.scatter [tilespmem:s24], [sflag:$0x7], $0x80, $0x38;
	[tilespmem:$0x11F20] =	vst v63  }
0x50: {  	s30 =	sadd.s32 $0x4010, s22;
	s31 =	simm.s32 $0xD748  }
0x51: {  	[hbm4b:s30+s3] =	stream.linear.scatter [tilespmem:s31], [sflag:$0x7], $0x80, $0x38;
	[tilespmem:$0x11F20] =	vst v63  }
0x52: {  	s0 =	sadd.s32 $0x4020, s22;
	s24 =	simm.s32 $0xD950  }
0x53: {  	[hbm4b:s0+s3] =	stream.linear.scatter [tilespmem:s24], [sflag:$0x7], $0x80, $0x38;
	[tilespmem:$0x11F20] =	vst v63  }
0x54: {  	s30 =	sadd.s32 $0x4030, s22;
	s31 =	simm.s32 $0xDB58  }
0x55: {  	[hbm4b:s30+s3] =	stream.linear.scatter [tilespmem:s31], [sflag:$0x7], $0x80, $0x38;
	[tilespmem:$0x11F20] =	vst v63  }
0x56: {  	s0 =	sadd.s32 $0x4040, s22;
	s24 =	simm.s32 $0xDD60  }
0x57: {  	[hbm4b:s0+s3] =	stream.linear.scatter [tilespmem:s24], [sflag:$0x7], $0x80, $0x38;
	[tilespmem:$0x11F20] =	vst v63  }
0x58: {  	s30 =	sadd.s32 $0x4050, s22;
	s31 =	simm.s32 $0xDF68  }
0x59: {  	[hbm4b:s30+s3] =	stream.linear.scatter [tilespmem:s31], [sflag:$0x7], $0x80, $0x38;
	[tilespmem:$0x11F20] =	vst v63  }
0x5a: {  	s0 =	sadd.s32 $0x4060, s22;
	s24 =	simm.s32 $0xE170  }
0x5b: {  	[hbm4b:s0+s3] =	stream.linear.scatter [tilespmem:s24], [sflag:$0x7], $0x80, $0x38;
	[tilespmem:$0x11F20] =	vst v63  }
0x5c: {  	s30 =	sadd.s32 $0x4070, s22;
	s31 =	simm.s32 $0xE378  }
0x5d: {  	[hbm4b:s30+s3] =	stream.linear.scatter [tilespmem:s31], [sflag:$0x7], $0x80, $0x38;
	[tilespmem:$0x11F20] =	vst v63  }
0x5e: {  	s0 =	sadd.s32 $0x8000, s22;
	s24 =	simm.s32 $0xE580  }
0x5f: {  	[hbm4b:s0+s3] =	stream.linear.scatter [tilespmem:s24], [sflag:$0x7], $0x80, $0x38;
	[tilespmem:$0x11F20] =	vst v63  }
0x60: {  	s30 =	sadd.s32 $0x8010, s22;
	s31 =	simm.s32 $0xE788  }
0x61: {  	[hbm4b:s30+s3] =	stream.linear.scatter [tilespmem:s31], [sflag:$0x7], $0x80, $0x38;
	[tilespmem:$0x11F20] =	vst v63  }
0x62: {  	s0 =	sadd.s32 $0x8020, s22;
	s24 =	simm.s32 $0xE990  }
0x63: {  	[hbm4b:s0+s3] =	stream.linear.scatter [tilespmem:s24], [sflag:$0x7], $0x80, $0x38;
	[tilespmem:$0x11F20] =	vst v63  }
0x64: {  	s30 =	sadd.s32 $0x8030, s22;
	s31 =	simm.s32 $0xEB98  }
0x65: {  	[hbm4b:s30+s3] =	stream.linear.scatter [tilespmem:s31], [sflag:$0x7], $0x80, $0x38;
	[tilespmem:$0x11F20] =	vst v63  }
0x66: {  	s0 =	sadd.s32 $0x8040, s22;
	s24 =	simm.s32 $0xEDA0  }
0x67: {  	[hbm4b:s0+s3] =	stream.linear.scatter [tilespmem:s24], [sflag:$0x7], $0x80, $0x38;
	[tilespmem:$0x11F20] =	vst v63  }
0x68: {  	s30 =	sadd.s32 $0x8050, s22;
	s31 =	simm.s32 $0xEFA8  }
0x69: {  	[hbm4b:s30+s3] =	stream.linear.scatter [tilespmem:s31], [sflag:$0x7], $0x80, $0x38;
	[tilespmem:$0x11F20] =	vst v63  }
0x6a: {  	s0 =	sadd.s32 $0x8060, s22;
	s24 =	simm.s32 $0xF1B0  }
0x6b: {  	[hbm4b:s0+s3] =	stream.linear.scatter [tilespmem:s24], [sflag:$0x7], $0x80, $0x38;
	[tilespmem:$0x11F20] =	vst v63  }
0x6c: {  	s30 =	sadd.s32 $0x8070, s22;
	s31 =	simm.s32 $0xF3B8  }
0x6d: {  	[hbm4b:s30+s3] =	stream.linear.scatter [tilespmem:s31], [sflag:$0x7], $0x80, $0x38;
	[tilespmem:$0x11F20] =	vst v63  }
0x6e: {  	s0 =	sadd.s32 $0xC000, s22;
	s24 =	simm.s32 $0xF5C0  }
0x6f: {  	[hbm4b:s0+s3] =	stream.linear.scatter [tilespmem:s24], [sflag:$0x7], $0x80, $0x38;
	[tilespmem:$0x11F20] =	vst v63  }
0x70: {  	s30 =	sadd.s32 $0xC010, s22;
	s31 =	simm.s32 $0xF7C8  }
0x71: {  	[hbm4b:s30+s3] =	stream.linear.scatter [tilespmem:s31], [sflag:$0x7], $0x80, $0x38;
	[tilespmem:$0x11F20] =	vst v63  }
0x72: {  	s0 =	sadd.s32 $0xC020, s22;
	s24 =	simm.s32 $0xF9D0  }
0x73: {  	[hbm4b:s0+s3] =	stream.linear.scatter [tilespmem:s24], [sflag:$0x7], $0x80, $0x38;
	[tilespmem:$0x11F20] =	vst v63  }
0x74: {  	s30 =	sadd.s32 $0xC030, s22;
	s31 =	simm.s32 $0xFBD8  }
0x75: {  	[hbm4b:s30+s3] =	stream.linear.scatter [tilespmem:s31], [sflag:$0x7], $0x80, $0x38;
	[tilespmem:$0x11F20] =	vst v63  }
0x76: {  	s0 =	sadd.s32 $0xC040, s22;
	s24 =	simm.s32 $0xFDE0  }
0x77: {  	[hbm4b:s0+s3] =	stream.linear.scatter [tilespmem:s24], [sflag:$0x7], $0x80, $0x38;
	[tilespmem:$0x11F20] =	vst v63  }
0x78: {  	s30 =	sadd.s32 $0xC050, s22;
	s31 =	simm.s32 $0xFFE8  }
0x79: {  	[hbm4b:s30+s3] =	stream.linear.scatter [tilespmem:s31], [sflag:$0x7], $0x80, $0x38;
	[tilespmem:$0x11F20] =	vst v63  }
0x7a: {  	s24 =	sadd.s32 $0xC060, s22;
	s30 =	simm.s32 $0x101F0  }
0x7b: {  	[hbm4b:s24+s3] =	stream.linear.scatter [tilespmem:s30], [sflag:$0x7], $0x80, $0x38;
	[tilespmem:$0x11F20] =	vst v63  }
0x7c: {  	s23 =	sor.u32 s12, s18;
	s22 =	sadd.s32 $0xC070, s22;
	s31 =	simm.s32 $0x103F8  }
0x7d: {  	[hbm4b:s22+s3] =	stream.linear.scatter [tilespmem:s31], [sflag:$0x7], $0x80, $0x38;
	[tilespmem:$0x11F20] =	vst v63  }
0x7e: {  	s22 =	sshrl.u32 s23, $0x3  }
0x7f: {  	s24 =	simm.s32 $0xC580;
	s22 =	sadd.s32 s1, s22  }
0x80: {  	[hbm4b:s22+s3] =	stream.linear.scatter [tilespmem:s24], [sflag:$0x7], $0x80, $0x38;
	[tilespmem:$0x11F20] =	vst v63  }
0x81: {  	s31 =	simm.s32 $0xC788;
	s30 =	sadd.s32 $0x10, s22  }
0x82: {  	[hbm4b:s30+s3] =	stream.linear.scatter [tilespmem:s31], [sflag:$0x7], $0x80, $0x38;
	[tilespmem:$0x11F20] =	vst v63  }
0x83: {  	s0 =	sadd.s32 $0x20, s22;
	s24 =	simm.s32 $0xC990  }
0x84: {  	[hbm4b:s0+s3] =	stream.linear.scatter [tilespmem:s24], [sflag:$0x7], $0x80, $0x38;
	[tilespmem:$0x11F20] =	vst v63  }
0x85: {  	s30 =	sadd.s32 $0x30, s22;
	s31 =	simm.s32 $0xCB98  }
0x86: {  	[hbm4b:s30+s3] =	stream.linear.scatter [tilespmem:s31], [sflag:$0x7], $0x80, $0x38;
	[tilespmem:$0x11F20] =	vst v63  }
0x87: {  	s0 =	sadd.s32 $0x40, s22;
	s24 =	simm.s32 $0xCDA0  }
0x88: {  	[hbm4b:s0+s3] =	stream.linear.scatter [tilespmem:s24], [sflag:$0x7], $0x80, $0x38;
	[tilespmem:$0x11F20] =	vst v63  }
0x89: {  	s30 =	sadd.s32 $0x50, s22;
	s31 =	simm.s32 $0xCFA8  }
0x8a: {  	[hbm4b:s30+s3] =	stream.linear.scatter [tilespmem:s31], [sflag:$0x7], $0x80, $0x38;
	[tilespmem:$0x11F20] =	vst v63  }
0x8b: {  	s0 =	sadd.s32 $0x60, s22;
	s24 =	simm.s32 $0xD1B0  }
0x8c: {  	[hbm4b:s0+s3] =	stream.linear.scatter [tilespmem:s24], [sflag:$0x7], $0x80, $0x38;
	[tilespmem:$0x11F20] =	vst v63  }
0x8d: {  	s30 =	sadd.s32 $0x70, s22;
	s31 =	simm.s32 $0xD3B8  }
0x8e: {  	[hbm4b:s30+s3] =	stream.linear.scatter [tilespmem:s31], [sflag:$0x7], $0x80, $0x38;
	[tilespmem:$0x11F20] =	vst v63  }
0x8f: {  	s0 =	sadd.s32 $0x4000, s22;
	s24 =	simm.s32 $0xD5C0  }
0x90: {  	[hbm4b:s0+s3] =	stream.linear.scatter [tilespmem:s24], [sflag:$0x7], $0x80, $0x38;
	[tilespmem:$0x11F20] =	vst v63  }
0x91: {  	s30 =	sadd.s32 $0x4010, s22;
	s31 =	simm.s32 $0xD7C8  }
0x92: {  	[hbm4b:s30+s3] =	stream.linear.scatter [tilespmem:s31], [sflag:$0x7], $0x80, $0x38;
	[tilespmem:$0x11F20] =	vst v63  }
0x93: {  	s0 =	sadd.s32 $0x4020, s22;
	s24 =	simm.s32 $0xD9D0  }
0x94: {  	[hbm4b:s0+s3] =	stream.linear.scatter [tilespmem:s24], [sflag:$0x7], $0x80, $0x38;
	[tilespmem:$0x11F20] =	vst v63  }
0x95: {  	s30 =	sadd.s32 $0x4030, s22;
	s31 =	simm.s32 $0xDBD8  }
0x96: {  	[hbm4b:s30+s3] =	stream.linear.scatter [tilespmem:s31], [sflag:$0x7], $0x80, $0x38;
	[tilespmem:$0x11F20] =	vst v63  }
0x97: {  	s0 =	sadd.s32 $0x4040, s22;
	s24 =	simm.s32 $0xDDE0  }
0x98: {  	[hbm4b:s0+s3] =	stream.linear.scatter [tilespmem:s24], [sflag:$0x7], $0x80, $0x38;
	[tilespmem:$0x11F20] =	vst v63  }
0x99: {  	s30 =	sadd.s32 $0x4050, s22;
	s31 =	simm.s32 $0xDFE8  }
0x9a: {  	[hbm4b:s30+s3] =	stream.linear.scatter [tilespmem:s31], [sflag:$0x7], $0x80, $0x38;
	[tilespmem:$0x11F20] =	vst v63  }
0x9b: {  	s0 =	sadd.s32 $0x4060, s22;
	s24 =	simm.s32 $0xE1F0  }
0x9c: {  	[hbm4b:s0+s3] =	stream.linear.scatter [tilespmem:s24], [sflag:$0x7], $0x80, $0x38;
	[tilespmem:$0x11F20] =	vst v63  }
0x9d: {  	s30 =	sadd.s32 $0x4070, s22;
	s31 =	simm.s32 $0xE3F8  }
0x9e: {  	[hbm4b:s30+s3] =	stream.linear.scatter [tilespmem:s31], [sflag:$0x7], $0x80, $0x38;
	[tilespmem:$0x11F20] =	vst v63  }
0x9f: {  	s0 =	sadd.s32 $0x8000, s22;
	s24 =	simm.s32 $0xE600  }
0xa0: {  	[hbm4b:s0+s3] =	stream.linear.scatter [tilespmem:s24], [sflag:$0x7], $0x80, $0x38;
	[tilespmem:$0x11F20] =	vst v63  }
0xa1: {  	s30 =	sadd.s32 $0x8010, s22;
	s31 =	simm.s32 $0xE808  }
0xa2: {  	[hbm4b:s30+s3] =	stream.linear.scatter [tilespmem:s31], [sflag:$0x7], $0x80, $0x38;
	[tilespmem:$0x11F20] =	vst v63  }
0xa3: {  	s0 =	sadd.s32 $0x8020, s22;
	s24 =	simm.s32 $0xEA10  }
0xa4: {  	[hbm4b:s0+s3] =	stream.linear.scatter [tilespmem:s24], [sflag:$0x7], $0x80, $0x38;
	[tilespmem:$0x11F20] =	vst v63  }
0xa5: {  	s30 =	sadd.s32 $0x8030, s22;
	s31 =	simm.s32 $0xEC18  }
0xa6: {  	[hbm4b:s30+s3] =	stream.linear.scatter [tilespmem:s31], [sflag:$0x7], $0x80, $0x38;
	[tilespmem:$0x11F20] =	vst v63  }
0xa7: {  	s0 =	sadd.s32 $0x8040, s22;
	s24 =	simm.s32 $0xEE20  }
0xa8: {  	[hbm4b:s0+s3] =	stream.linear.scatter [tilespmem:s24], [sflag:$0x7], $0x80, $0x38;
	[tilespmem:$0x11F20] =	vst v63  }
0xa9: {  	s30 =	sadd.s32 $0x8050, s22;
	s31 =	simm.s32 $0xF028  }
0xaa: {  	[hbm4b:s30+s3] =	stream.linear.scatter [tilespmem:s31], [sflag:$0x7], $0x80, $0x38;
	[tilespmem:$0x11F20] =	vst v63  }
0xab: {  	s0 =	sadd.s32 $0x8060, s22;
	s24 =	simm.s32 $0xF230  }
0xac: {  	[hbm4b:s0+s3] =	stream.linear.scatter [tilespmem:s24], [sflag:$0x7], $0x80, $0x38;
	[tilespmem:$0x11F20] =	vst v63  }
0xad: {  	s30 =	sadd.s32 $0x8070, s22;
	s31 =	simm.s32 $0xF438  }
0xae: {  	[hbm4b:s30+s3] =	stream.linear.scatter [tilespmem:s31], [sflag:$0x7], $0x80, $0x38;
	[tilespmem:$0x11F20] =	vst v63  }
0xaf: {  	s0 =	sadd.s32 $0xC000, s22;
	s24 =	simm.s32 $0xF640  }
0xb0: {  	[hbm4b:s0+s3] =	stream.linear.scatter [tilespmem:s24], [sflag:$0x7], $0x80, $0x38;
	[tilespmem:$0x11F20] =	vst v63  }
0xb1: {  	s30 =	sadd.s32 $0xC010, s22;
	s31 =	simm.s32 $0xF848  }
0xb2: {  	[hbm4b:s30+s3] =	stream.linear.scatter [tilespmem:s31], [sflag:$0x7], $0x80, $0x38;
	[tilespmem:$0x11F20] =	vst v63  }
0xb3: {  	s0 =	sadd.s32 $0xC020, s22;
	s24 =	simm.s32 $0xFA50  }
0xb4: {  	[hbm4b:s0+s3] =	stream.linear.scatter [tilespmem:s24], [sflag:$0x7], $0x80, $0x38;
	[tilespmem:$0x11F20] =	vst v63  }
0xb5: {  	s30 =	sadd.s32 $0xC030, s22;
	s31 =	simm.s32 $0xFC58  }
0xb6: {  	[hbm4b:s30+s3] =	stream.linear.scatter [tilespmem:s31], [sflag:$0x7], $0x80, $0x38;
	[tilespmem:$0x11F20] =	vst v63  }
0xb7: {  	s0 =	sadd.s32 $0xC040, s22;
	s24 =	simm.s32 $0xFE60  }
0xb8: {  	[hbm4b:s0+s3] =	stream.linear.scatter [tilespmem:s24], [sflag:$0x7], $0x80, $0x38;
	[tilespmem:$0x11F20] =	vst v63  }
0xb9: {  	s30 =	sadd.s32 $0xC050, s22;
	s31 =	simm.s32 $0x10068  }
0xba: {  	[hbm4b:s30+s3] =	stream.linear.scatter [tilespmem:s31], [sflag:$0x7], $0x80, $0x38;
	[tilespmem:$0x11F20] =	vst v63  }
0xbb: {  	s24 =	sadd.s32 $0xC060, s22;
	s30 =	simm.s32 $0x10270  }
0xbc: {  	[hbm4b:s24+s3] =	stream.linear.scatter [tilespmem:s30], [sflag:$0x7], $0x80, $0x38;
	[tilespmem:$0x11F20] =	vst v63  }
0xbd: {  	s23 =	sor.u32 s13, s18;
	s22 =	sadd.s32 $0xC070, s22;
	s31 =	simm.s32 $0x10478  }
0xbe: {  	[hbm4b:s22+s3] =	stream.linear.scatter [tilespmem:s31], [sflag:$0x7], $0x80, $0x38;
	[tilespmem:$0x11F20] =	vst v63  }
0xbf: {  	s22 =	sshrl.u32 s23, $0x3  }
0xc0: {  	s24 =	simm.s32 $0xC600;
	s22 =	sadd.s32 s1, s22  }
0xc1: {  	[hbm4b:s22+s3] =	stream.linear.scatter [tilespmem:s24], [sflag:$0x7], $0x80, $0x38;
	[tilespmem:$0x11F20] =	vst v63  }
0xc2: {  	s31 =	simm.s32 $0xC808;
	s30 =	sadd.s32 $0x10, s22  }
0xc3: {  	[hbm4b:s30+s3] =	stream.linear.scatter [tilespmem:s31], [sflag:$0x7], $0x80, $0x38;
	[tilespmem:$0x11F20] =	vst v63  }
0xc4: {  	s0 =	sadd.s32 $0x20, s22;
	s24 =	simm.s32 $0xCA10  }
0xc5: {  	[hbm4b:s0+s3] =	stream.linear.scatter [tilespmem:s24], [sflag:$0x7], $0x80, $0x38;
	[tilespmem:$0x11F20] =	vst v63  }
0xc6: {  	s30 =	sadd.s32 $0x30, s22;
	s31 =	simm.s32 $0xCC18  }
0xc7: {  	[hbm4b:s30+s3] =	stream.linear.scatter [tilespmem:s31], [sflag:$0x7], $0x80, $0x38;
	[tilespmem:$0x11F20] =	vst v63  }
0xc8: {  	s0 =	sadd.s32 $0x40, s22;
	s24 =	simm.s32 $0xCE20  }
0xc9: {  	[hbm4b:s0+s3] =	stream.linear.scatter [tilespmem:s24], [sflag:$0x7], $0x80, $0x38;
	[tilespmem:$0x11F20] =	vst v63  }
0xca: {  	s30 =	sadd.s32 $0x50, s22;
	s31 =	simm.s32 $0xD028  }
0xcb: {  	[hbm4b:s30+s3] =	stream.linear.scatter [tilespmem:s31], [sflag:$0x7], $0x80, $0x38;
	[tilespmem:$0x11F20] =	vst v63  }
0xcc: {  	s0 =	sadd.s32 $0x60, s22;
	s24 =	simm.s32 $0xD230  }
0xcd: {  	[hbm4b:s0+s3] =	stream.linear.scatter [tilespmem:s24], [sflag:$0x7], $0x80, $0x38;
	[tilespmem:$0x11F20] =	vst v63  }
0xce: {  	s30 =	sadd.s32 $0x70, s22;
	s31 =	simm.s32 $0xD438  }
0xcf: {  	[hbm4b:s30+s3] =	stream.linear.scatter [tilespmem:s31], [sflag:$0x7], $0x80, $0x38;
	[tilespmem:$0x11F20] =	vst v63  }
0xd0: {  	s0 =	sadd.s32 $0x4000, s22;
	s24 =	simm.s32 $0xD640  }
0xd1: {  	[hbm4b:s0+s3] =	stream.linear.scatter [tilespmem:s24], [sflag:$0x7], $0x80, $0x38;
	[tilespmem:$0x11F20] =	vst v63  }
0xd2: {  	s30 =	sadd.s32 $0x4010, s22;
	s31 =	simm.s32 $0xD848  }
0xd3: {  	[hbm4b:s30+s3] =	stream.linear.scatter [tilespmem:s31], [sflag:$0x7], $0x80, $0x38;
	[tilespmem:$0x11F20] =	vst v63  }
0xd4: {  	s0 =	sadd.s32 $0x4020, s22;
	s24 =	simm.s32 $0xDA50  }
0xd5: {  	[hbm4b:s0+s3] =	stream.linear.scatter [tilespmem:s24], [sflag:$0x7], $0x80, $0x38;
	[tilespmem:$0x11F20] =	vst v63  }
0xd6: {  	s30 =	sadd.s32 $0x4030, s22;
	s31 =	simm.s32 $0xDC58  }
0xd7: {  	[hbm4b:s30+s3] =	stream.linear.scatter [tilespmem:s31], [sflag:$0x7], $0x80, $0x38;
	[tilespmem:$0x11F20] =	vst v63  }
0xd8: {  	s0 =	sadd.s32 $0x4040, s22;
	s24 =	simm.s32 $0xDE60  }
0xd9: {  	[hbm4b:s0+s3] =	stream.linear.scatter [tilespmem:s24], [sflag:$0x7], $0x80, $0x38;
	[tilespmem:$0x11F20] =	vst v63  }
0xda: {  	s30 =	sadd.s32 $0x4050, s22;
	s31 =	simm.s32 $0xE068  }
0xdb: {  	[hbm4b:s30+s3] =	stream.linear.scatter [tilespmem:s31], [sflag:$0x7], $0x80, $0x38;
	[tilespmem:$0x11F20] =	vst v63  }
0xdc: {  	s0 =	sadd.s32 $0x4060, s22;
	s24 =	simm.s32 $0xE270  }
0xdd: {  	[hbm4b:s0+s3] =	stream.linear.scatter [tilespmem:s24], [sflag:$0x7], $0x80, $0x38;
	[tilespmem:$0x11F20] =	vst v63  }
0xde: {  	s30 =	sadd.s32 $0x4070, s22;
	s31 =	simm.s32 $0xE478  }
0xdf: {  	[hbm4b:s30+s3] =	stream.linear.scatter [tilespmem:s31], [sflag:$0x7], $0x80, $0x38;
	[tilespmem:$0x11F20] =	vst v63  }
0xe0: {  	s0 =	sadd.s32 $0x8000, s22;
	s24 =	simm.s32 $0xE680  }
0xe1: {  	[hbm4b:s0+s3] =	stream.linear.scatter [tilespmem:s24], [sflag:$0x7], $0x80, $0x38;
	[tilespmem:$0x11F20] =	vst v63  }
0xe2: {  	s30 =	sadd.s32 $0x8010, s22;
	s31 =	simm.s32 $0xE888  }
0xe3: {  	[hbm4b:s30+s3] =	stream.linear.scatter [tilespmem:s31], [sflag:$0x7], $0x80, $0x38;
	[tilespmem:$0x11F20] =	vst v63  }
0xe4: {  	s0 =	sadd.s32 $0x8020, s22;
	s24 =	simm.s32 $0xEA90  }
0xe5: {  	[hbm4b:s0+s3] =	stream.linear.scatter [tilespmem:s24], [sflag:$0x7], $0x80, $0x38;
	[tilespmem:$0x11F20] =	vst v63  }
0xe6: {  	s30 =	sadd.s32 $0x8030, s22;
	s31 =	simm.s32 $0xEC98  }
0xe7: {  	[hbm4b:s30+s3] =	stream.linear.scatter [tilespmem:s31], [sflag:$0x7], $0x80, $0x38;
	[tilespmem:$0x11F20] =	vst v63  }
0xe8: {  	s0 =	sadd.s32 $0x8040, s22;
	s24 =	simm.s32 $0xEEA0  }
0xe9: {  	[hbm4b:s0+s3] =	stream.linear.scatter [tilespmem:s24], [sflag:$0x7], $0x80, $0x38;
	[tilespmem:$0x11F20] =	vst v63  }
0xea: {  	s30 =	sadd.s32 $0x8050, s22;
	s31 =	simm.s32 $0xF0A8  }
0xeb: {  	[hbm4b:s30+s3] =	stream.linear.scatter [tilespmem:s31], [sflag:$0x7], $0x80, $0x38;
	[tilespmem:$0x11F20] =	vst v63  }
0xec: {  	s0 =	sadd.s32 $0x8060, s22;
	s24 =	simm.s32 $0xF2B0  }
0xed: {  	[hbm4b:s0+s3] =	stream.linear.scatter [tilespmem:s24], [sflag:$0x7], $0x80, $0x38;
	[tilespmem:$0x11F20] =	vst v63  }
0xee: {  	s30 =	sadd.s32 $0x8070, s22;
	s31 =	simm.s32 $0xF4B8  }
0xef: {  	[hbm4b:s30+s3] =	stream.linear.scatter [tilespmem:s31], [sflag:$0x7], $0x80, $0x38;
	[tilespmem:$0x11F20] =	vst v63  }
0xf0: {  	s0 =	sadd.s32 $0xC000, s22;
	s24 =	simm.s32 $0xF6C0  }
0xf1: {  	[hbm4b:s0+s3] =	stream.linear.scatter [tilespmem:s24], [sflag:$0x7], $0x80, $0x38;
	[tilespmem:$0x11F20] =	vst v63  }
0xf2: {  	s30 =	sadd.s32 $0xC010, s22;
	s31 =	simm.s32 $0xF8C8  }
0xf3: {  	[hbm4b:s30+s3] =	stream.linear.scatter [tilespmem:s31], [sflag:$0x7], $0x80, $0x38;
	[tilespmem:$0x11F20] =	vst v63  }
0xf4: {  	s0 =	sadd.s32 $0xC020, s22;
	s24 =	simm.s32 $0xFAD0  }
0xf5: {  	[hbm4b:s0+s3] =	stream.linear.scatter [tilespmem:s24], [sflag:$0x7], $0x80, $0x38;
	[tilespmem:$0x11F20] =	vst v63  }
0xf6: {  	s30 =	sadd.s32 $0xC030, s22;
	s31 =	simm.s32 $0xFCD8  }
0xf7: {  	[hbm4b:s30+s3] =	stream.linear.scatter [tilespmem:s31], [sflag:$0x7], $0x80, $0x38;
	[tilespmem:$0x11F20] =	vst v63  }
0xf8: {  	s0 =	sadd.s32 $0xC040, s22;
	s24 =	simm.s32 $0xFEE0  }
0xf9: {  	[hbm4b:s0+s3] =	stream.linear.scatter [tilespmem:s24], [sflag:$0x7], $0x80, $0x38;
	[tilespmem:$0x11F20] =	vst v63  }
0xfa: {  	s30 =	sadd.s32 $0xC050, s22;
	s31 =	simm.s32 $0x100E8  }
0xfb: {  	[hbm4b:s30+s3] =	stream.linear.scatter [tilespmem:s31], [sflag:$0x7], $0x80, $0x38;
	[tilespmem:$0x11F20] =	vst v63  }
0xfc: {  	s18 =	sor.u32 s14, s18;
	s0 =	sadd.s32 $0xC060, s22  }
0xfd: {  	[hbm4b:s0+s3] =	stream.linear.scatter [tilespmem:s2], [sflag:$0x7], $0x80, $0x38;
	[tilespmem:$0x11F20] =	vst v63  }
0xfe: {  	s18 =	sshrl.u32 s18, $0x3;
	s22 =	sadd.s32 $0xC070, s22  }
0xff: {  	[hbm4b:s22+s3] =	stream.linear.scatter [tilespmem:s16], [sflag:$0x7], $0x80, $0x38;
	[tilespmem:$0x11F20] =	vst v63  }
0x100: {  	s18 =	sadd.s32 s1, s18  }
0x101: {  	[hbm4b:s18+s3] =	stream.linear.scatter [tilespmem:s6], [sflag:$0x7], $0x80, $0x38;
	[tilespmem:$0x11F20] =	vst v63  }
0x102: {  	s24 =	sadd.s32 $0x10, s18  }
0x103: {  	[hbm4b:s24+s3] =	stream.linear.scatter [tilespmem:s7], [sflag:$0x7], $0x80, $0x38;
	[tilespmem:$0x11F20] =	vst v63  }
0x104: {  	s30 =	sadd.s32 $0x20, s18;
	s31 =	simm.s32 $0xCA90  }
0x105: {  	[hbm4b:s30+s3] =	stream.linear.scatter [tilespmem:s31], [sflag:$0x7], $0x80, $0x38;
	[tilespmem:$0x11F20] =	vst v63  }
0x106: {  	s23 =	sadd.s32 $0x30, s18;
	s24 =	simm.s32 $0xCC98  }
0x107: {  	[hbm4b:s23+s3] =	stream.linear.scatter [tilespmem:s24], [sflag:$0x7], $0x80, $0x38;
	[tilespmem:$0x11F20] =	vst v63  }
0x108: {  	s30 =	sadd.s32 $0x40, s18;
	s31 =	simm.s32 $0xCEA0  }
0x109: {  	[hbm4b:s30+s3] =	stream.linear.scatter [tilespmem:s31], [sflag:$0x7], $0x80, $0x38;
	[tilespmem:$0x11F20] =	vst v63  }
0x10a: {  	s23 =	sadd.s32 $0x50, s18;
	s24 =	simm.s32 $0xD0A8  }
0x10b: {  	[hbm4b:s23+s3] =	stream.linear.scatter [tilespmem:s24], [sflag:$0x7], $0x80, $0x38;
	[tilespmem:$0x11F20] =	vst v63  }
0x10c: {  	s30 =	sadd.s32 $0x60, s18;
	s31 =	simm.s32 $0xD2B0  }
0x10d: {  	[hbm4b:s30+s3] =	stream.linear.scatter [tilespmem:s31], [sflag:$0x7], $0x80, $0x38;
	[tilespmem:$0x11F20] =	vst v63  }
0x10e: {  	s23 =	sadd.s32 $0x70, s18;
	s24 =	simm.s32 $0xD4B8  }
0x10f: {  	[hbm4b:s23+s3] =	stream.linear.scatter [tilespmem:s24], [sflag:$0x7], $0x80, $0x38;
	[tilespmem:$0x11F20] =	vst v63  }
0x110: {  	s30 =	sadd.s32 $0x4000, s18;
	s31 =	simm.s32 $0xD6C0  }
0x111: {  	[hbm4b:s30+s3] =	stream.linear.scatter [tilespmem:s31], [sflag:$0x7], $0x80, $0x38;
	[tilespmem:$0x11F20] =	vst v63  }
0x112: {  	s23 =	sadd.s32 $0x4010, s18;
	s24 =	simm.s32 $0xD8C8  }
0x113: {  	[hbm4b:s23+s3] =	stream.linear.scatter [tilespmem:s24], [sflag:$0x7], $0x80, $0x38;
	[tilespmem:$0x11F20] =	vst v63  }
0x114: {  	s30 =	sadd.s32 $0x4020, s18;
	s31 =	simm.s32 $0xDAD0  }
0x115: {  	[hbm4b:s30+s3] =	stream.linear.scatter [tilespmem:s31], [sflag:$0x7], $0x80, $0x38;
	[tilespmem:$0x11F20] =	vst v63  }
0x116: {  	s23 =	sadd.s32 $0x4030, s18;
	s24 =	simm.s32 $0xDCD8  }
0x117: {  	[hbm4b:s23+s3] =	stream.linear.scatter [tilespmem:s24], [sflag:$0x7], $0x80, $0x38;
	[tilespmem:$0x11F20] =	vst v63  }
0x118: {  	s30 =	sadd.s32 $0x4040, s18;
	s31 =	simm.s32 $0xDEE0  }
0x119: {  	[hbm4b:s30+s3] =	stream.linear.scatter [tilespmem:s31], [sflag:$0x7], $0x80, $0x38;
	[tilespmem:$0x11F20] =	vst v63  }
0x11a: {  	s23 =	sadd.s32 $0x4050, s18;
	s24 =	simm.s32 $0xE0E8  }
0x11b: {  	[hbm4b:s23+s3] =	stream.linear.scatter [tilespmem:s24], [sflag:$0x7], $0x80, $0x38;
	[tilespmem:$0x11F20] =	vst v63  }
0x11c: {  	s30 =	sadd.s32 $0x4060, s18;
	s31 =	simm.s32 $0xE2F0  }
0x11d: {  	[hbm4b:s30+s3] =	stream.linear.scatter [tilespmem:s31], [sflag:$0x7], $0x80, $0x38;
	[tilespmem:$0x11F20] =	vst v63  }
0x11e: {  	s23 =	sadd.s32 $0x4070, s18;
	s24 =	simm.s32 $0xE4F8  }
0x11f: {  	[hbm4b:s23+s3] =	stream.linear.scatter [tilespmem:s24], [sflag:$0x7], $0x80, $0x38;
	[tilespmem:$0x11F20] =	vst v63  }
0x120: {  	s30 =	sadd.s32 $0x8000, s18;
	s31 =	simm.s32 $0xE700  }
0x121: {  	[hbm4b:s30+s3] =	stream.linear.scatter [tilespmem:s31], [sflag:$0x7], $0x80, $0x38;
	[tilespmem:$0x11F20] =	vst v63  }
0x122: {  	s23 =	sadd.s32 $0x8010, s18;
	s24 =	simm.s32 $0xE908  }
0x123: {  	[hbm4b:s23+s3] =	stream.linear.scatter [tilespmem:s24], [sflag:$0x7], $0x80, $0x38;
	[tilespmem:$0x11F20] =	vst v63  }
0x124: {  	s30 =	sadd.s32 $0x8020, s18;
	s31 =	simm.s32 $0xEB10  }
0x125: {  	[hbm4b:s30+s3] =	stream.linear.scatter [tilespmem:s31], [sflag:$0x7], $0x80, $0x38;
	[tilespmem:$0x11F20] =	vst v63  }
0x126: {  	s23 =	sadd.s32 $0x8030, s18;
	s24 =	simm.s32 $0xED18  }
0x127: {  	[hbm4b:s23+s3] =	stream.linear.scatter [tilespmem:s24], [sflag:$0x7], $0x80, $0x38;
	[tilespmem:$0x11F20] =	vst v63  }
0x128: {  	s30 =	sadd.s32 $0x8040, s18;
	s31 =	simm.s32 $0xEF20  }
0x129: {  	[hbm4b:s30+s3] =	stream.linear.scatter [tilespmem:s31], [sflag:$0x7], $0x80, $0x38;
	[tilespmem:$0x11F20] =	vst v63  }
0x12a: {  	s23 =	sadd.s32 $0x8050, s18;
	s24 =	simm.s32 $0xF128  }
0x12b: {  	[hbm4b:s23+s3] =	stream.linear.scatter [tilespmem:s24], [sflag:$0x7], $0x80, $0x38;
	[tilespmem:$0x11F20] =	vst v63  }
0x12c: {  	s30 =	sadd.s32 $0x8060, s18;
	s31 =	simm.s32 $0xF330  }
0x12d: {  	[hbm4b:s30+s3] =	stream.linear.scatter [tilespmem:s31], [sflag:$0x7], $0x80, $0x38;
	[tilespmem:$0x11F20] =	vst v63  }
0x12e: {  	s23 =	sadd.s32 $0x8070, s18;
	s24 =	simm.s32 $0xF538  }
0x12f: {  	[hbm4b:s23+s3] =	stream.linear.scatter [tilespmem:s24], [sflag:$0x7], $0x80, $0x38;
	[tilespmem:$0x11F20] =	vst v63  }
0x130: {  	s30 =	sadd.s32 $0xC000, s18;
	s31 =	simm.s32 $0xF740  }
0x131: {  	[hbm4b:s30+s3] =	stream.linear.scatter [tilespmem:s31], [sflag:$0x7], $0x80, $0x38;
	[tilespmem:$0x11F20] =	vst v63  }
0x132: {  	s23 =	sadd.s32 $0xC010, s18;
	s24 =	simm.s32 $0xF948  }
0x133: {  	[hbm4b:s23+s3] =	stream.linear.scatter [tilespmem:s24], [sflag:$0x7], $0x80, $0x38;
	[tilespmem:$0x11F20] =	vst v63  }
0x134: {  	s30 =	sadd.s32 $0xC020, s18;
	s31 =	simm.s32 $0xFB50  }
0x135: {  	[hbm4b:s30+s3] =	stream.linear.scatter [tilespmem:s31], [sflag:$0x7], $0x80, $0x38;
	[tilespmem:$0x11F20] =	vst v63  }
0x136: {  	s23 =	sadd.s32 $0xC030, s18;
	s24 =	simm.s32 $0xFD58  }
0x137: {  	[hbm4b:s23+s3] =	stream.linear.scatter [tilespmem:s24], [sflag:$0x7], $0x80, $0x38;
	[tilespmem:$0x11F20] =	vst v63  }
0x138: {  	s17 =	sadd.s32 $0x1, s17;
	s30 =	sadd.s32 $0xC040, s18;
	s31 =	simm.s32 $0xFF60  }
0x139: {  	[hbm4b:s30+s3] =	stream.linear.scatter [tilespmem:s31], [sflag:$0x7], $0x80, $0x38;
	[tilespmem:$0x11F20] =	vst v63  }
0x13a: {  	p0 =	sne.s32 s17, $0x64;
	s0 =	sadd.s32 $0xC050, s18;
	s23 =	simm.s32 $0x10168  }
0x13b: {  	[hbm4b:s0+s3] =	stream.linear.scatter [tilespmem:s23], [sflag:$0x7], $0x80, $0x38;
	[tilespmem:$0x11F20] =	vst v63  }
.Ltmp3:
0x13c: {  	_ = 	snop;
	(pc) =	sbr.rel @!p0 .LBB2_17-.Ltmp3, $4  }
0x13d: {  	s24 =	sadd.s32 $0xC060, s18;
	s30 =	simm.s32 $0x10370  }
0x13e: {  	[hbm4b:s24+s3] =	stream.linear.scatter [tilespmem:s30], [sflag:$0x7], $0x80, $0x38;
	[tilespmem:$0x11F20] =	vst v63  }
0x13f: {  	s18 =	sadd.s32 $0xC070, s18;
	s31 =	simm.s32 $0x10578  }
0x140: {  	[hbm4b:s18+s3] =	stream.linear.scatter [tilespmem:s31], [sflag:$0x7], $0x80, $0x38;
	[tilespmem:$0x11F20] =	vst v63  }
.LBB2_2:
0x141: {  	_ =	swait.ge [sflag:s19], $0x200  }
0x142: {  	p0 =	seq.s32 s17, $0x0;
	[sflag:s19] =	ssyncset.done $0x0  }
0x143: {  	s18 =	simm.s32 @!p0 $0x6;
	[sflag:s19] =	ssyncadd.s32 $0xFFFFFE00  }
0x144: {  	_ =	swait.ge @!p0 [sflag:s18], $0x1000  }
0x145: {  	[sflag:s18] =	ssyncset.done @!p0 $0x0  }
0x146: {  	[sflag:s18] =	ssyncadd.s32 @!p0 $0xFFFFF000  }
0x147: {  	_ =	swait.ge @!p0 [sflag:s18], $0x1000  }
0x148: {  	[sflag:s18] =	ssyncset.done @!p0 $0x0  }
0x149: {  	[sflag:s18] =	ssyncadd.s32 @!p0 $0xFFFFF000  }
0x14a: {  	_ =	swait.ge @!p0 [sflag:s18], $0x1000  }
0x14b: {  	[sflag:s18] =	ssyncset.done @!p0 $0x0  }
0x14c: {  	[sflag:s18] =	ssyncadd.s32 @!p0 $0xFFFFF000  }
0x14d: {  	_ =	swait.ge @!p0 [sflag:s18], $0x1000  }
0x14e: {  	[sflag:s18] =	ssyncset.done @!p0 $0x0  }
0x14f: {  	[sflag:s18] =	ssyncadd.s32 @!p0 $0xFFFFF000  }
0x150: {  	[tilespmem:s21], [sflag:$0x4] =	stream.indirect.gather [hbm4b:s5+s20], $0x20, s3, s20, $0xb8;
	[tilespmem:$0x11F20] =	vst v63  }
0x151: {  	s23 =	simm.s32 $0x1400  }
0x152: {  	[tilespmem:s23], [sflag:$0x4] =	stream.indirect.gather [hbm4b:s5+s20], $0x20, s20, s20, $0xb8;
	[tilespmem:$0x11F20] =	vst v63  }
0x153: {  	s24 =	simm.s32 $0x100;
	s22 =	simm.s32 $0x2400  }
0x154: {  	[tilespmem:s22], [sflag:$0x4] =	stream.indirect.gather [hbm4b:s5+s20], $0x20, s24, s20, $0xb8;
	[tilespmem:$0x11F20] =	vst v63  }
0x155: {  	s31 =	simm.s32 $0x180;
	s0 =	simm.s32 $0x3400  }
0x156: {  	[tilespmem:s0], [sflag:$0x4] =	stream.indirect.gather [hbm4b:s5+s20], $0x20, s31, s20, $0xb8;
	[tilespmem:$0x11F20] =	vst v63  }
0x157: {  	_ =	swait.ge [sflag:s28], $0x200  }
0x158: {  	[sflag:s28] =	ssyncset.done $0x0  }
0x159: {  	s18 =	simm.s32 @!p0 $0x7;
	[sflag:s28] =	ssyncadd.s32 $0xFFFFFE00  }
0x15a: {  	_ =	swait.ge @!p0 [sflag:s18], $0x1000  }
0x15b: {  	[sflag:s18] =	ssyncset.done @!p0 $0x0  }
0x15c: {  	[sflag:s18] =	ssyncadd.s32 @!p0 $0xFFFFF000  }
0x15d: {  	_ =	swait.ge @!p0 [sflag:s18], $0x1000  }
0x15e: {  	[sflag:s18] =	ssyncset.done @!p0 $0x0  }
0x15f: {  	[sflag:s18] =	ssyncadd.s32 @!p0 $0xFFFFF000  }
0x160: {  	_ =	swait.ge @!p0 [sflag:s18], $0x1000  }
0x161: {  	[sflag:s18] =	ssyncset.done @!p0 $0x0  }
0x162: {  	[sflag:s18] =	ssyncadd.s32 @!p0 $0xFFFFF000  }
0x163: {  	_ =	swait.ge @!p0 [sflag:s18], $0x1000  }
0x164: {  	[sflag:s18] =	ssyncset.done @!p0 $0x0  }
0x165: {  	s22 =	simm.s32 $0x200;
	[sflag:s18] =	ssyncadd.s32 @!p0 $0xFFFFF000  }
0x166: {  	[tilespmem:s29], [sflag:$0x5] =	stream.indirect.gather [hbm4b:s5+s20], $0x20, s22, s20, $0xb8;
	[tilespmem:$0x11F20] =	vst v63  }
0x167: {  	s23 =	simm.s32 $0x280;
	s24 =	simm.s32 $0x5400  }
0x168: {  	[tilespmem:s24], [sflag:$0x5] =	stream.indirect.gather [hbm4b:s5+s20], $0x20, s23, s20, $0xb8;
	[tilespmem:$0x11F20] =	vst v63  }
0x169: {  	s31 =	simm.s32 $0x300;
	s0 =	simm.s32 $0x6400  }
0x16a: {  	[tilespmem:s0], [sflag:$0x5] =	stream.indirect.gather [hbm4b:s5+s20], $0x20, s31, s20, $0xb8;
	[tilespmem:$0x11F20] =	vst v63  }
0x16b: {  	s23 =	simm.s32 $0x380;
	s24 =	simm.s32 $0x7400  }
0x16c: {  	[tilespmem:s24], [sflag:$0x5] =	stream.indirect.gather [hbm4b:s5+s20], $0x20, s23, s20, $0xb8;
	[tilespmem:$0x11F20] =	vst v63  }
0x16d: {  	_ =	swait.ge [sflag:s9], $0x1000  }
0x16e: {  	[sflag:s9] =	ssyncset.done $0x0  }
0x16f: {  	[sflag:s9] =	ssyncadd.s32 $0xFFFFF000  }
0x170: {  	_ =	swait.ge [sflag:s9], $0x1000  }
0x171: {  	[sflag:s9] =	ssyncset.done $0x0  }
0x172: {  	s30 =	simm.s32 $0x4;
	s22 =	sshll.u32 s17, $0x1;
	[sflag:s9] =	ssyncadd.s32 $0xFFFFF000  }
0x173: {  	v39 =	vmov s30;
	s18 =	sor.u32 $0x1, s22;
	_ =	swait.ge [sflag:s9], $0x1000  }
0x174: {  	v39 =	vshrl.u32 v39, $0x3;
	s30 =	sshll.u32 s18, $0x5;
	s31 =	simm.s32 $0x2;
	[sflag:s9] =	ssyncset.done $0x0  }
0x175: {  	v39 =	vshll.u32 v39, v3;
	s0 =	simm.s32 $0x3;
	v37 =	vmov s31;
	s31 =	simm.s32 $0x5;
	[sflag:s9] =	ssyncadd.s32 $0xFFFFF000  }
0x176: {  	v39 =	vbroadcast v39, $0x0;
	v38 =	vmov s0;
	s0 =	simm.s32 $0x6;
	s23 =	simm.s32 $0x0;
	v40 =	vmov s31;
	_ =	swait.ge [sflag:s9], $0x1000  }
0x177: {  	s24 =	simm.s32 $0x1;
	v41 =	vmov s0;
	s31 =	simm.s32 $0x7;
	v37 =	vshrl.u32 v37, $0x3;
	v38 =	vshrl.u32 v38, $0x3;
	[sflag:s9] =	ssyncset.done $0x0  }
0x178: {  	s0 =	sand.u32 $0x3FFFFFE0, s30;
	v35 =	vmov s23;
	v36 =	vmov s24;
	v61 =	vmov s31;
	[sflag:s9] =	ssyncadd.s32 $0xFFFFF000  }
0x179: {  	s23 =	simm.s32 $0x480;
	v40 =	vshrl.u32 v40, $0x3;
	v43 =	vshrl.u32 v36, $0x3;
	v44 =	vshrl.u32 v61, $0x3;
	v36 =	vld [tilespmem:s0+$0x10600]  }
0x17a: {  	v41 =	vshrl.u32 v41, $0x3;
	v35 =	vshrl.u32 v35, $0x3;
	v44 =	vshll.u32 v44, v3;
	v45 =	vld [tilespmem:s23+$0x60]  }
0x17b: {  	v37 =	vshll.u32 v37, v3;
	v42 =	vshll.u32 v35, v3;
	v44 =	vbroadcast v44, $0x0;
	v46 =	vld [tilespmem:s23+$0xFFFFFF80]  }
0x17c: {  	v38 =	vshll.u32 v38, v3;
	v43 =	vshll.u32 v43, v3;
	v42 =	vbroadcast v42, $0x0;
	v47 =	vld [tilespmem:s23+$0xFFFFFFA0]  }
0x17d: {  	v37 =	vbroadcast v37, $0x0;
	v43 =	vbroadcast v43, $0x0;
	v48 =	vadd.s32 v17, v44;
	v50 =	vld [tilespmem:s23+$0xFFFFFFC0]  }
0x17e: {  	v40 =	vshll.u32 v40, v3;
	v38 =	vbroadcast v38, $0x0;
	v49 =	vadd.s32 v1, v42;
	v52 =	vld [tilespmem:s23+$0xFFFFFFE0]  }
0x17f: {  	v41 =	vshll.u32 v41, v3;
	v57 =	vbroadcast v40, $0x0;
	v51 =	vadd.s32 v5, v43;
	v54 =	vld [tilespmem:s23+$0x0]  }
0x180: {  	v53 =	vadd.s32 v7, v37;
	v55 =	vadd.s32 v9, v38;
	v56 =	vld [tilespmem:s23+$0x20];
	v45 =	vadd.f32 v45, v36  }
0x181: {  	v44 =	vadd.s32 v18, v44;
	v58 =	vld [tilespmem:s23+$0x40];
	v46 =	vadd.f32 v46, v36;
	v62 =	vadd.f32 v47, v36  }
0x182: {  	v59 =	vbroadcast v41, $0x0;
	v35 =	vld [tilespmem:s0+$0x10610];
	v47 =	vadd.s32 v11, v39;
	v63 =	vadd.f32 v50, v36;
	[tilespmem:v48+s15+$0x0] =	vst.idx.msk $0xffff, v45  }
0x183: {  	v60 =	vadd.f32 v52, v36;
	[tilespmem:v49+s15+$0x0] =	vst.idx.msk $0xffff, v46;
	v45 =	vadd.s32 v13, v57;
	v46 =	vld [tilespmem:s23+$0x70]  }
0x184: {  	v52 =	vadd.s32 v4, v42;
	[tilespmem:v51+s15+$0x0] =	vst.idx.msk $0xffff, v62;
	v49 =	vadd.s32 v15, v59;
	v48 =	vld [tilespmem:s23+$0xFFFFFF90]  }
0x185: {  	v42 =	vadd.f32 v56, v36;
	[tilespmem:v53+s15+$0x0] =	vst.idx.msk $0xffff, v63;
	v62 =	vadd.f32 v54, v36;
	v51 =	vld [tilespmem:s23+$0xFFFFFFB0]  }
0x186: {  	s31 =	simm.s32 $0x8;
	v41 =	vadd.f32 v58, v36;
	v58 =	vadd.s32 v8, v37;
	[tilespmem:v55+s15+$0x0] =	vst.idx.msk $0xffff, v60;
	v53 =	vld [tilespmem:s23+$0xFFFFFFD0]  }
0x187: {  	v61 =	vmov s31;
	s31 =	simm.s32 $0xA;
	v37 =	vadd.s32 v10, v38;
	v55 =	vadd.s32 v6, v43;
	v56 =	vld [tilespmem:s23+$0xFFFFFFF0];
	[tilespmem:v47+s15+$0x0] =	vst.idx.msk $0xffff, v62  }
0x188: {  	v40 =	vmov s31;
	v38 =	vadd.s32 v12, v39;
	v60 =	vld [tilespmem:s23+$0x10];
	[tilespmem:v45+s15+$0x0] =	vst.idx.msk $0xffff, v42;
	v63 =	vadd.f32 v46, v35  }
0x189: {  	s0 =	simm.s32 $0x9;
	v50 =	vshrl.u32 v61, $0x3;
	v39 =	vadd.s32 v16, v59;
	[tilespmem:v49+s15+$0x0] =	vst.idx.msk $0xffff, v41;
	v61 =	vadd.f32 v48, v35;
	v47 =	vld [tilespmem:s23+$0x30]  }
0x18a: {  	s31 =	simm.s32 $0xC;
	v50 =	vshll.u32 v50, v3;
	v54 =	vmov s0;
	v62 =	vadd.f32 v51, v35;
	v49 =	vld [tilespmem:s23+$0x50];
	[tilespmem:v44+s15+$0x0] =	vst.idx.msk $0xffff, v63  }
0x18b: {  	s0 =	simm.s32 $0xB;
	v43 =	vmov s31;
	s31 =	simm.s32 $0xE;
	v41 =	vadd.s32 v14, v57;
	[tilespmem:v52+s15+$0x0] =	vst.idx.msk $0xffff, v61;
	v63 =	vadd.f32 v53, v35  }
0x18c: {  	v42 =	vmov s0;
	s0 =	simm.s32 $0xD;
	v45 =	vmov s31;
	v48 =	vadd.f32 v56, v35;
	[tilespmem:v55+s15+$0x0] =	vst.idx.msk $0xffff, v62  }
0x18d: {  	s30 =	simm.s32 $0xF;
	s24 =	simm.s32 $0x10;
	v46 =	vshrl.u32 v54, $0x3;
	v44 =	vmov s0;
	v51 =	vadd.f32 v60, v35;
	[tilespmem:v58+s15+$0x0] =	vst.idx.msk $0xffff, v63  }
.LBB2_3:
0x18e: {  	p0 =	slt.u32 s24, $0x1F8;
	v40 =	vshrl.u32 v40, $0x3;
	v52 =	vmov s30;
	[tilespmem:v37+s15+$0x0] =	vst.idx.msk $0xffff, v48;
	v37 =	vadd.f32 v47, v35  }
0x18f: {  	v42 =	vshrl.u32 v42, $0x3;
	v47 =	vshrl.u32 v52, $0x3;
	[tilespmem:v38+s15+$0x0] =	vst.idx.msk $0xffff, v51;
	v38 =	vadd.f32 v49, v35  }
0x190: {  	v43 =	vshrl.u32 v43, $0x3;
	v44 =	vshrl.u32 v44, $0x3;
	s23 =	sadd.s32 $0x100, s23;
	v47 =	vshll.u32 v47, v3;
	[tilespmem:v41+s15+$0x0] =	vst.idx.msk $0xffff, v37  }
0x191: {  	v37 =	vbroadcast v50, $0x0;
	v41 =	vshrl.u32 v45, $0x3;
	v45 =	vld [tilespmem:s23+$0x60];
	v47 =	vbroadcast v47, $0x0;
	[tilespmem:v39+s15+$0x0] =	vst.idx.msk $0xffff, v38  }
0x192: {  	v40 =	vshll.u32 v40, v3;
	v42 =	vshll.u32 v42, v3;
	v39 =	vshll.u32 v46, v3;
	v38 =	vld [tilespmem:s23+$0xFFFFFF80]  }
0x193: {  	v43 =	vshll.u32 v43, v3;
	v39 =	vbroadcast v39, $0x0;
	v46 =	vld [tilespmem:s23+$0xFFFFFFA0];
	v48 =	vadd.s32 v17, v47  }
0x194: {  	v51 =	vbroadcast v40, $0x0;
	v40 =	vshll.u32 v44, v3;
	v49 =	vadd.s32 v1, v37;
	v50 =	vld [tilespmem:s23+$0xFFFFFFC0]  }
0x195: {  	v53 =	vbroadcast v42, $0x0;
	v41 =	vshll.u32 v41, v3;
	v44 =	vadd.s32 v5, v39;
	v52 =	vld [tilespmem:s23+$0xFFFFFFE0]  }
0x196: {  	v55 =	vbroadcast v43, $0x0;
	v42 =	vadd.s32 v7, v51;
	v54 =	vld [tilespmem:s23+$0x0];
	v43 =	vadd.f32 v45, v36  }
0x197: {  	v57 =	vbroadcast v40, $0x0;
	v45 =	vadd.s32 v9, v53;
	v38 =	vadd.f32 v38, v36;
	v56 =	vld [tilespmem:s23+$0x20]  }
0x198: {  	v59 =	vbroadcast v41, $0x0;
	v40 =	vadd.f32 v46, v36;
	v46 =	vadd.s32 v11, v55;
	v58 =	vld [tilespmem:s23+$0x40];
	[tilespmem:v48+s15+$0x0] =	vst.idx.msk $0xffff, v43  }
0x199: {  	v41 =	vadd.s32 v13, v57;
	[tilespmem:v49+s15+$0x0] =	vst.idx.msk $0xffff, v38;
	v38 =	vadd.f32 v50, v36;
	v43 =	vld [tilespmem:s23+$0x70]  }
0x19a: {  	v48 =	vld [tilespmem:s23+$0xFFFFFF90];
	[tilespmem:v44+s15+$0x0] =	vst.idx.msk $0xffff, v40;
	v40 =	vadd.f32 v52, v36;
	v44 =	vadd.s32 v15, v59  }
0x19b: {  	v49 =	vmov s24;
	v52 =	vadd.s32 v18, v47;
	v50 =	vld [tilespmem:s23+$0xFFFFFFB0];
	[tilespmem:v42+s15+$0x0] =	vst.idx.msk $0xffff, v38;
	v38 =	vadd.f32 v54, v36  }
0x19c: {  	s30 =	sadd.s32 $0x1, s24;
	v60 =	vadd.s32 v4, v37;
	v54 =	vshrl.u32 v49, $0x3;
	v61 =	vld [tilespmem:s23+$0xFFFFFFD0];
	[tilespmem:v45+s15+$0x0] =	vst.idx.msk $0xffff, v40;
	v37 =	vadd.f32 v56, v36  }
0x19d: {  	v39 =	vadd.s32 v6, v39;
	v56 =	vmov s30;
	s30 =	sadd.s32 $0x2, s24;
	v62 =	vld [tilespmem:s23+$0xFFFFFFF0];
	[tilespmem:v46+s15+$0x0] =	vst.idx.msk $0xffff, v38;
	v38 =	vadd.f32 v58, v36  }
0x19e: {  	v51 =	vadd.s32 v8, v51;
	v40 =	vmov s30;
	s30 =	sadd.s32 $0x3, s24;
	v58 =	vld [tilespmem:s23+$0x10];
	[tilespmem:v41+s15+$0x0] =	vst.idx.msk $0xffff, v37;
	v41 =	vadd.f32 v43, v35  }
.Ltmp4:
0x19f: {  	v42 =	vmov s30;
	s30 =	sadd.s32 $0x4, s24;
	v37 =	vadd.s32 v10, v53;
	v45 =	vadd.f32 v48, v35;
	v47 =	vld [tilespmem:s23+$0x30];
	[tilespmem:v44+s15+$0x0] =	vst.idx.msk $0xffff, v38;
	(pc) =	sbr.rel @p0 .LBB2_3-.Ltmp4, $4  }
0x1a0: {  	v43 =	vmov s30;
	s30 =	sadd.s32 $0x5, s24;
	v38 =	vadd.s32 v12, v55;
	v46 =	vadd.f32 v50, v35;
	v49 =	vld [tilespmem:s23+$0x50];
	[tilespmem:v52+s15+$0x0] =	vst.idx.msk $0xffff, v41  }
0x1a1: {  	v44 =	vmov s30;
	s30 =	sadd.s32 $0x6, s24;
	v41 =	vadd.s32 v14, v57;
	[tilespmem:v60+s15+$0x0] =	vst.idx.msk $0xffff, v45;
	v52 =	vadd.f32 v61, v35  }
0x1a2: {  	v45 =	vmov s30;
	[tilespmem:v39+s15+$0x0] =	vst.idx.msk $0xffff, v46;
	v48 =	vadd.f32 v62, v35;
	v39 =	vadd.s32 v16, v59  }
0x1a3: {  	v50 =	vshll.u32 v54, v3;
	s30 =	sadd.s32 $0x7, s24;
	s24 =	sadd.s32 $0x8, s24;
	v46 =	vshrl.u32 v56, $0x3;
	[tilespmem:v51+s15+$0x0] =	vst.idx.msk $0xffff, v52;
	v51 =	vadd.f32 v58, v35  }
0x1a4: {  	v40 =	vshrl.u32 v40, $0x3;
	v52 =	vmov s30  }
0x1a5: {  	v47 =	vadd.f32 v47, v35;
	v42 =	vshrl.u32 v42, $0x3;
	v43 =	vshrl.u32 v43, $0x3  }
0x1a6: {  	v44 =	vshrl.u32 v44, $0x3;
	s23 =	sadd.s32 $0x100, s23;
	v50 =	vbroadcast v50, $0x0;
	v45 =	vshrl.u32 v45, $0x3  }
0x1a7: {  	v46 =	vshll.u32 v46, v3;
	v52 =	vshrl.u32 v52, $0x3;
	v49 =	vadd.f32 v49, v35;
	v54 =	vld [tilespmem:s23+$0xFFFFFF80]  }
0x1a8: {  	v40 =	vshll.u32 v40, v3;
	v42 =	vshll.u32 v42, v3;
	v55 =	vld [tilespmem:s23+$0xFFFFFFA0];
	v46 =	vbroadcast v46, $0x0  }
0x1a9: {  	v43 =	vshll.u32 v43, v3;
	v61 =	vld [tilespmem:s23+$0xFFFFFFC0];
	v60 =	vadd.s32 v1, v50;
	v40 =	vbroadcast v40, $0x0  }
0x1aa: {  	[tilespmem:v38+s15+$0x0] =	vst.idx.msk $0xffff, v51;
	v62 =	vld [tilespmem:s23+$0xFFFFFFE0];
	v52 =	vshll.u32 v52, v3;
	v42 =	vbroadcast v42, $0x0;
	v38 =	vadd.s32 v5, v46  }
0x1ab: {  	v53 =	vld [tilespmem:s23+$0x60];
	v44 =	vshll.u32 v44, v3;
	[tilespmem:v41+s15+$0x0] =	vst.idx.msk $0xffff, v47;
	v52 =	vbroadcast v52, $0x0;
	v41 =	vadd.s32 v7, v40  }
0x1ac: {  	v47 =	vld [tilespmem:s23+$0x0];
	v43 =	vbroadcast v43, $0x0;
	[tilespmem:v39+s15+$0x0] =	vst.idx.msk $0xffff, v49;
	v49 =	vadd.s32 v9, v42;
	v63 =	vadd.f32 v54, v36  }
0x1ad: {  	v45 =	vshll.u32 v45, v3;
	v56 =	vadd.s32 v17, v52;
	v55 =	vadd.f32 v55, v36  }
0x1ae: {  	v58 =	vld [tilespmem:s23+$0x40];
	v45 =	vbroadcast v45, $0x0;
	v57 =	vadd.s32 v11, v43;
	v59 =	vadd.f32 v61, v36;
	[tilespmem:v60+s15+$0x0] =	vst.idx.msk $0xffff, v63  }
0x1af: {  	v44 =	vbroadcast v44, $0x0;
	v54 =	vld [tilespmem:s23+$0x20];
	v62 =	vadd.f32 v62, v36;
	[tilespmem:v38+s15+$0x0] =	vst.idx.msk $0xffff, v55  }
0x1b0: {  	v51 =	vadd.s32 v15, v45;
	v53 =	vadd.f32 v53, v36;
	v61 =	vld [tilespmem:s23+$0xFFFFFF90];
	[tilespmem:v41+s15+$0x0] =	vst.idx.msk $0xffff, v59  }
0x1b1: {  	v39 =	vadd.s32 v13, v44;
	v63 =	vadd.f32 v47, v36;
	v55 =	vld [tilespmem:s23+$0xFFFFFFB0];
	[tilespmem:v49+s15+$0x0] =	vst.idx.msk $0xffff, v62  }
0x1b2: {  	v47 =	vadd.s32 v4, v50;
	[tilespmem:v56+s15+$0x0] =	vst.idx.msk $0xffff, v53;
	v50 =	vld [tilespmem:s23+$0xFFFFFFD0]  }
0x1b3: {  	v46 =	vadd.s32 v6, v46;
	v49 =	vld [tilespmem:s23+$0xFFFFFFF0];
	[tilespmem:v57+s15+$0x0] =	vst.idx.msk $0xffff, v63;
	v57 =	vadd.f32 v58, v36  }
0x1b4: {  	[tilespmem:v37+s15+$0x0] =	vst.idx.msk $0xffff, v48;
	v58 =	vadd.s32 v8, v40;
	v60 =	vld [tilespmem:s23+$0x70];
	v56 =	vadd.f32 v54, v36  }
0x1b5: {  	v42 =	vadd.s32 v10, v42;
	v59 =	vld [tilespmem:s23+$0x10];
	[tilespmem:v51+s15+$0x0] =	vst.idx.msk $0xffff, v57;
	v61 =	vadd.f32 v61, v35  }
0x1b6: {  	v41 =	vadd.s32 v18, v52;
	[tilespmem:v39+s15+$0x0] =	vst.idx.msk $0xffff, v56;
	v51 =	vld [tilespmem:s23+$0x50];
	v63 =	vadd.f32 v55, v35  }
0x1b7: {  	v43 =	vadd.s32 v12, v43;
	v62 =	vld [tilespmem:s23+$0x30];
	v53 =	vadd.f32 v50, v35;
	[tilespmem:v47+s15+$0x0] =	vst.idx.msk $0xffff, v61  }
0x1b8: {  	v56 =	vadd.s32 v16, v45;
	v55 =	vadd.f32 v49, v35;
	[tilespmem:v46+s15+$0x0] =	vst.idx.msk $0xffff, v63  }
0x1b9: {  	v54 =	vadd.s32 v14, v44;
	v60 =	vadd.f32 v60, v35;
	[tilespmem:v58+s15+$0x0] =	vst.idx.msk $0xffff, v53  }
0x1ba: {  	v57 =	vadd.f32 v59, v35;
	[tilespmem:v42+s15+$0x0] =	vst.idx.msk $0xffff, v55  }
0x1bb: {  	[tilespmem:v41+s15+$0x0] =	vst.idx.msk $0xffff, v60;
	v59 =	vadd.f32 v51, v35  }
0x1bc: {  	[tilespmem:v43+s15+$0x0] =	vst.idx.msk $0xffff, v57;
	v58 =	vadd.f32 v62, v35  }
0x1bd: {  	[tilespmem:v56+s15+$0x0] =	vst.idx.msk $0xffff, v59  }
0x1be: {  	[tilespmem:v54+s15+$0x0] =	vst.idx.msk $0xffff, v58  }
0x1bf: {  	v35 =	vld [tilespmem:$0x0]  }
0x1c0: {  	v36 =	vld [tilespmem:$0x10];
	_ =	sdelay $0x1  }
0x1c1: {  	v37 =	vld [tilespmem:$0x20];
	_ =	sdelay $0x1  }
0x1c2: {  	v38 =	vld [tilespmem:$0x30]  }
0x1c3: {  	vm0 =	vlt.s32 v35, v36  }
0x1c4: {  	v60 =	vld [tilespmem:$0x40];
	v35 =	vsel vm0, v35, v36  }
0x1c5: {  	vm0 =	vlt.s32 v35, v37  }
0x1c6: {  	v61 =	vld [tilespmem:$0x50];
	v35 =	vsel vm0, v35, v37  }
0x1c7: {  	vm0 =	vlt.s32 v35, v38  }
0x1c8: {  	v62 =	vld [tilespmem:$0x60];
	v35 =	vsel vm0, v35, v38  }
0x1c9: {  	vm0 =	vlt.s32 v35, v60  }
0x1ca: {  	v63 =	vld [tilespmem:$0x70];
	v35 =	vsel vm0, v35, v60  }
0x1cb: {  	vm0 =	vlt.s32 v35, v61  }
0x1cc: {  	v40 =	vld [tilespmem:$0x80];
	v35 =	vsel vm0, v35, v61  }
0x1cd: {  	vm0 =	vlt.s32 v35, v62  }
0x1ce: {  	v41 =	vld [tilespmem:$0x90];
	v35 =	vsel vm0, v35, v62  }
0x1cf: {  	vm0 =	vlt.s32 v35, v63  }
0x1d0: {  	v42 =	vld [tilespmem:$0xA0];
	v35 =	vsel vm0, v35, v63  }
0x1d1: {  	vm0 =	vlt.s32 v35, v40  }
0x1d2: {  	v43 =	vld [tilespmem:$0xB0];
	v35 =	vsel vm0, v35, v40  }
0x1d3: {  	vm0 =	vlt.s32 v35, v41  }
0x1d4: {  	v44 =	vld [tilespmem:$0xC0];
	v35 =	vsel vm0, v35, v41  }
0x1d5: {  	vm0 =	vlt.s32 v35, v42  }
0x1d6: {  	v45 =	vld [tilespmem:$0xD0];
	v35 =	vsel vm0, v35, v42  }
0x1d7: {  	vm0 =	vlt.s32 v35, v43  }
0x1d8: {  	v46 =	vld [tilespmem:$0xE0];
	v35 =	vsel vm0, v35, v43  }
0x1d9: {  	vm0 =	vlt.s32 v35, v44  }
0x1da: {  	v47 =	vld [tilespmem:$0xF0];
	v35 =	vsel vm0, v35, v44  }
0x1db: {  	vm0 =	vlt.s32 v35, v45  }
0x1dc: {  	v48 =	vld [tilespmem:$0x100];
	v35 =	vsel vm0, v35, v45  }
0x1dd: {  	vm0 =	vlt.s32 v35, v46  }
0x1de: {  	v49 =	vld [tilespmem:$0x110];
	v35 =	vsel vm0, v35, v46  }
0x1df: {  	vm0 =	vlt.s32 v35, v47  }
0x1e0: {  	v50 =	vld [tilespmem:$0x120];
	v35 =	vsel vm0, v35, v47  }
0x1e1: {  	vm0 =	vlt.s32 v35, v48  }
0x1e2: {  	v51 =	vld [tilespmem:$0x130];
	v35 =	vsel vm0, v35, v48  }
0x1e3: {  	vm0 =	vlt.s32 v35, v49  }
0x1e4: {  	v52 =	vld [tilespmem:$0x140];
	v35 =	vsel vm0, v35, v49  }
0x1e5: {  	vm0 =	vlt.s32 v35, v50  }
0x1e6: {  	v53 =	vld [tilespmem:$0x150];
	v35 =	vsel vm0, v35, v50  }
0x1e7: {  	vm0 =	vlt.s32 v35, v51  }
0x1e8: {  	v54 =	vld [tilespmem:$0x160];
	v35 =	vsel vm0, v35, v51  }
0x1e9: {  	vm0 =	vlt.s32 v35, v52  }
0x1ea: {  	v55 =	vld [tilespmem:$0x170];
	v35 =	vsel vm0, v35, v52  }
0x1eb: {  	vm0 =	vlt.s32 v35, v53  }
0x1ec: {  	v56 =	vld [tilespmem:$0x180];
	v35 =	vsel vm0, v35, v53  }
0x1ed: {  	vm0 =	vlt.s32 v35, v54  }
0x1ee: {  	v57 =	vld [tilespmem:$0x190];
	v35 =	vsel vm0, v35, v54  }
0x1ef: {  	vm0 =	vlt.s32 v35, v55  }
0x1f0: {  	v58 =	vld [tilespmem:$0x1A0];
	v35 =	vsel vm0, v35, v55  }
0x1f1: {  	vm0 =	vlt.s32 v35, v56  }
0x1f2: {  	v59 =	vld [tilespmem:$0x1B0];
	v35 =	vsel vm0, v35, v56  }
0x1f3: {  	vm0 =	vlt.s32 v35, v57  }
0x1f4: {  	v60 =	vld [tilespmem:$0x1C0];
	v35 =	vsel vm0, v35, v57  }
0x1f5: {  	vm0 =	vlt.s32 v35, v58  }
0x1f6: {  	v61 =	vld [tilespmem:$0x1D0];
	v35 =	vsel vm0, v35, v58  }
0x1f7: {  	vm0 =	vlt.s32 v35, v59  }
0x1f8: {  	v62 =	vld [tilespmem:$0x1E0];
	v35 =	vsel vm0, v35, v59  }
0x1f9: {  	vm0 =	vlt.s32 v35, v60  }
0x1fa: {  	v63 =	vld [tilespmem:$0x1F0];
	v35 =	vsel vm0, v35, v60  }
0x1fb: {  	vm0 =	vlt.s32 v35, v61  }
0x1fc: {  	v35 =	vsel vm0, v35, v61  }
0x1fd: {  	vm0 =	vlt.s32 v35, v62  }
0x1fe: {  	v35 =	vsel vm0, v35, v62  }
0x1ff: {  	vm0 =	vlt.s32 v35, v63  }
0x200: {  	v35 =	vsel vm0, v35, v63  }
0x201: {  	v35 =	vxor.u32 $0x80000000, v35  }
0x202: {  	(xrf0) =	vmin.scan.msk.u32 $0xffff, v35;
	_ =	sdelay $0x5  }
0x203: {  	v35, _, _ =	vpop (xrf0)  }
0x204: {  	(v2sf) =	vpush v35, $0xF;
	_ =	sdelay $0xe  }
0x205: {  	s31 =	spop (v2sf)  }
0x206: {  	p0 =	sne.s32 s31, $0x80000000  }
.Ltmp5:
0x207: {  	_ = 	snop;
	(pc) =	sbr.rel @p0 .LBB2_9-.Ltmp5, $1  }
0x208: {  	_ =	sdelay $0x3  }
.Ltmp6:
0x209: {  	(pc) =	sbr.rel .LBB2_6-.Ltmp6, $3  }
0x20a: {  	_ =	sdelay $0x1  }
0x20b: {  	v35 =	vld [tilespmem:$0x10600]  }
0x20c: {  	s23 =	simm.s32 $0x0;
	v36 =	vld [tilespmem:$0x10610];
	s24 =	simm.s32 $0x0  }
.LBB2_8:
0x20d: {  	s24 =	sadd.s32 $0x40, s24  }
0x20e: {  	p0 =	sne.s32 s24, $0x800  }
.Ltmp7:
0x20f: {  	_ = 	snop;
	(pc) =	sbr.rel @!p0 .LBB2_9-.Ltmp7, $2  }
0x210: {  	_ =	sdelay $0x2  }
0x211: {  	s23 =	sadd.s32 $0x10, s23  }
.LBB2_6:
0x212: {  	s30 =	sand.u32 $0x600, s24  }
0x213: {  	s31 =	sand.u32 $0x70, s23;
	s30 =	sshrl.u32 s30, $0x2  }
0x214: {  	s30 =	sor.u32 s31, s30  }
0x215: {  	v37 =	vld [tilespmem:s30+$0x0];
	_ =	sdelay $0x4  }
0x216: {  	vm0 =	veq.s32 v37, $0x0  }
0x217: {  	v37 =	vsel vm0, $0x3F800000, v19  }
0x218: {  	(xrf0) =	vmax.scan.msk.f32 $0xffff, v37;
	_ =	sdelay $0x5  }
0x219: {  	v37, _, _ =	vpop (xrf0)  }
0x21a: {  	(v2sf) =	vpush v37, $0xF;
	_ =	sdelay $0xe  }
0x21b: {  	s31 =	spop (v2sf)  }
0x21c: {  	p0 =	sgt.f32 s31, $0.0e+00  }
.Ltmp8:
0x21d: {  	_ = 	snop;
	(pc) =	sbr.rel @!p0 .LBB2_8-.Ltmp8, $1  }
0x21e: {  	_ =	sdelay $0x3  }
0x21f: {  	v38 =	vor.u32 s23, v0  }
0x220: {  	v37 =	vshll.u32 v38, $0x5;
	_ =	sdelay $0x4  }
0x221: {  	v39 =	vand.u32 $0x7, v0;
	v40 =	vld.idx.msk [tilespmem:v37+s21+$0x0], vm0  }
0x222: {  	v41 =	vor.u32 $0xFFFFFFF8, v39  }
0x223: {  	v41 =	vand.u32 v41, v38  }
0x224: {  	v42 =	vperm.xlane v35, v2;
	v43 =	vor.u32 $0x1, v37;
	_ =	sdelay $0x1  }
0x225: {  	v40 =	vadd.f32 v42, v40;
	_ =	sdelay $0x1  }
0x226: {  	[tilespmem:v41+s15+$0x0] =	vst.idx.msk vm0, v40  }
0x227: {  	v40 =	vld.idx.msk [tilespmem:v43+s21+$0x0], vm0  }
0x228: {  	v52 =	vor.u32 $0x208, v39;
	v38 =	vand.u32 $0x1F8, v38  }
0x229: {  	v41 =	vadd.s32 v52, v38  }
0x22a: {  	v53 =	vperm.xlane v35, v21;
	v54 =	vor.u32 $0x2, v37;
	_ =	sdelay $0x1  }
0x22b: {  	v40 =	vadd.f32 v53, v40;
	_ =	sdelay $0x1  }
0x22c: {  	[tilespmem:v41+s15+$0x0] =	vst.idx.msk vm0, v40  }
0x22d: {  	v40 =	vld.idx.msk [tilespmem:v54+s21+$0x0], vm0  }
0x22e: {  	v55 =	vor.u32 $0x410, v39  }
0x22f: {  	v41 =	vadd.s32 v55, v38  }
0x230: {  	v56 =	vperm.xlane v35, v22;
	v57 =	vor.u32 $0x3, v37;
	_ =	sdelay $0x1  }
0x231: {  	v40 =	vadd.f32 v56, v40;
	_ =	sdelay $0x1  }
0x232: {  	[tilespmem:v41+s15+$0x0] =	vst.idx.msk vm0, v40  }
0x233: {  	v40 =	vld.idx.msk [tilespmem:v57+s21+$0x0], vm0  }
0x234: {  	v58 =	vor.u32 $0x618, v39  }
0x235: {  	v41 =	vadd.s32 v58, v38  }
0x236: {  	v59 =	vperm.xlane v35, v23;
	v60 =	vor.u32 $0x4, v37;
	_ =	sdelay $0x1  }
0x237: {  	v40 =	vadd.f32 v59, v40;
	_ =	sdelay $0x1  }
0x238: {  	[tilespmem:v41+s15+$0x0] =	vst.idx.msk vm0, v40  }
0x239: {  	v40 =	vld.idx.msk [tilespmem:v60+s21+$0x0], vm0  }
0x23a: {  	v61 =	vor.u32 $0x820, v39  }
0x23b: {  	v41 =	vadd.s32 v61, v38  }
0x23c: {  	v62 =	vperm.xlane v35, v24;
	v63 =	vor.u32 $0x5, v37;
	_ =	sdelay $0x1  }
0x23d: {  	v40 =	vadd.f32 v62, v40;
	_ =	sdelay $0x1  }
0x23e: {  	[tilespmem:v41+s15+$0x0] =	vst.idx.msk vm0, v40  }
0x23f: {  	v40 =	vld.idx.msk [tilespmem:v63+s21+$0x0], vm0  }
0x240: {  	v44 =	vor.u32 $0xA28, v39  }
0x241: {  	v41 =	vadd.s32 v44, v38  }
0x242: {  	v45 =	vperm.xlane v35, v20;
	v46 =	vor.u32 $0x6, v37;
	_ =	sdelay $0x1  }
0x243: {  	v40 =	vadd.f32 v45, v40;
	_ =	sdelay $0x1  }
0x244: {  	[tilespmem:v41+s15+$0x0] =	vst.idx.msk vm0, v40  }
0x245: {  	v40 =	vld.idx.msk [tilespmem:v46+s21+$0x0], vm0  }
0x246: {  	v47 =	vor.u32 $0xC30, v39  }
0x247: {  	v41 =	vadd.s32 v47, v38  }
0x248: {  	v48 =	vperm.xlane v35, v25;
	v49 =	vor.u32 $0x7, v37;
	_ =	sdelay $0x1  }
0x249: {  	v40 =	vadd.f32 v48, v40;
	_ =	sdelay $0x1  }
0x24a: {  	[tilespmem:v41+s15+$0x0] =	vst.idx.msk vm0, v40  }
0x24b: {  	v40 =	vld.idx.msk [tilespmem:v49+s21+$0x0], vm0  }
0x24c: {  	v50 =	vor.u32 $0xE38, v39  }
0x24d: {  	v41 =	vadd.s32 v50, v38  }
0x24e: {  	v51 =	vperm.xlane v35, v26;
	v52 =	vor.u32 $0x8, v37;
	_ =	sdelay $0x1  }
0x24f: {  	v40 =	vadd.f32 v51, v40;
	_ =	sdelay $0x1  }
0x250: {  	[tilespmem:v41+s15+$0x0] =	vst.idx.msk vm0, v40  }
0x251: {  	v40 =	vld.idx.msk [tilespmem:v52+s21+$0x0], vm0  }
0x252: {  	v53 =	vor.u32 $0x1040, v39  }
0x253: {  	v41 =	vadd.s32 v53, v38  }
0x254: {  	v55 =	vor.u32 $0x9, v37;
	v54 =	vperm.xlane v35, v27;
	_ =	sdelay $0x1  }
0x255: {  	v40 =	vadd.f32 v54, v40;
	_ =	sdelay $0x1  }
0x256: {  	[tilespmem:v41+s15+$0x0] =	vst.idx.msk vm0, v40  }
0x257: {  	v40 =	vld.idx.msk [tilespmem:v55+s21+$0x0], vm0  }
0x258: {  	v56 =	vor.u32 $0x1248, v39  }
0x259: {  	v41 =	vadd.s32 v56, v38  }
0x25a: {  	v58 =	vor.u32 $0xA, v37;
	v57 =	vperm.xlane v35, v28;
	_ =	sdelay $0x1  }
0x25b: {  	v40 =	vadd.f32 v57, v40;
	_ =	sdelay $0x1  }
0x25c: {  	[tilespmem:v41+s15+$0x0] =	vst.idx.msk vm0, v40  }
0x25d: {  	v40 =	vld.idx.msk [tilespmem:v58+s21+$0x0], vm0  }
0x25e: {  	v59 =	vor.u32 $0x1450, v39  }
0x25f: {  	v41 =	vadd.s32 v59, v38  }
0x260: {  	v61 =	vor.u32 $0xB, v37;
	v60 =	vperm.xlane v35, v29;
	_ =	sdelay $0x1  }
0x261: {  	v40 =	vadd.f32 v60, v40;
	_ =	sdelay $0x1  }
0x262: {  	[tilespmem:v41+s15+$0x0] =	vst.idx.msk vm0, v40  }
0x263: {  	v40 =	vld.idx.msk [tilespmem:v61+s21+$0x0], vm0  }
0x264: {  	v62 =	vor.u32 $0x1658, v39  }
0x265: {  	v41 =	vadd.s32 v62, v38  }
0x266: {  	v63 =	vperm.xlane v35, v30;
	v45 =	vor.u32 $0xC, v37;
	_ =	sdelay $0x1  }
0x267: {  	v40 =	vadd.f32 v63, v40;
	_ =	sdelay $0x1  }
0x268: {  	[tilespmem:v41+s15+$0x0] =	vst.idx.msk vm0, v40  }
0x269: {  	v40 =	vld.idx.msk [tilespmem:v45+s21+$0x0], vm0  }
0x26a: {  	v46 =	vor.u32 $0x1860, v39  }
0x26b: {  	v41 =	vadd.s32 v46, v38  }
0x26c: {  	v47 =	vperm.xlane v35, v31;
	v48 =	vor.u32 $0xD, v37;
	_ =	sdelay $0x1  }
0x26d: {  	v40 =	vadd.f32 v47, v40;
	_ =	sdelay $0x1  }
0x26e: {  	[tilespmem:v41+s15+$0x0] =	vst.idx.msk vm0, v40  }
0x26f: {  	v40 =	vld.idx.msk [tilespmem:v48+s21+$0x0], vm0  }
0x270: {  	v49 =	vor.u32 $0x1A68, v39  }
0x271: {  	v41 =	vadd.s32 v49, v38  }
0x272: {  	v50 =	vperm.xlane v35, v32;
	v51 =	vor.u32 $0xE, v37;
	_ =	sdelay $0x1  }
0x273: {  	v40 =	vadd.f32 v50, v40;
	_ =	sdelay $0x1  }
0x274: {  	[tilespmem:v41+s15+$0x0] =	vst.idx.msk vm0, v40  }
0x275: {  	v40 =	vld.idx.msk [tilespmem:v51+s21+$0x0], vm0  }
0x276: {  	v52 =	vor.u32 $0x1C70, v39  }
0x277: {  	v41 =	vadd.s32 v52, v38  }
0x278: {  	v53 =	vperm.xlane v35, v33;
	v54 =	vor.u32 $0xF, v37;
	_ =	sdelay $0x1  }
0x279: {  	v40 =	vadd.f32 v53, v40;
	_ =	sdelay $0x1  }
0x27a: {  	[tilespmem:v41+s15+$0x0] =	vst.idx.msk vm0, v40  }
0x27b: {  	v40 =	vld.idx.msk [tilespmem:v54+s21+$0x0], vm0  }
0x27c: {  	v55 =	vor.u32 $0x1E78, v39  }
0x27d: {  	v41 =	vadd.s32 v55, v38  }
0x27e: {  	v56 =	vperm.xlane v35, v34;
	v57 =	vor.u32 $0x10, v37;
	_ =	sdelay $0x1  }
0x27f: {  	v40 =	vadd.f32 v56, v40;
	_ =	sdelay $0x1  }
0x280: {  	[tilespmem:v41+s15+$0x0] =	vst.idx.msk vm0, v40  }
0x281: {  	v40 =	vld.idx.msk [tilespmem:v57+s21+$0x0], vm0  }
0x282: {  	v58 =	vor.u32 $0x2080, v39  }
0x283: {  	v41 =	vadd.s32 v58, v38  }
0x284: {  	v59 =	vperm.xlane v36, v2;
	v60 =	vor.u32 $0x11, v37;
	_ =	sdelay $0x1  }
0x285: {  	v40 =	vadd.f32 v59, v40;
	_ =	sdelay $0x1  }
0x286: {  	[tilespmem:v41+s15+$0x0] =	vst.idx.msk vm0, v40  }
0x287: {  	v40 =	vld.idx.msk [tilespmem:v60+s21+$0x0], vm0  }
0x288: {  	v61 =	vor.u32 $0x2288, v39  }
0x289: {  	v41 =	vadd.s32 v61, v38  }
0x28a: {  	v62 =	vperm.xlane v36, v21;
	v63 =	vor.u32 $0x12, v37;
	_ =	sdelay $0x1  }
0x28b: {  	v40 =	vadd.f32 v62, v40;
	_ =	sdelay $0x1  }
0x28c: {  	[tilespmem:v41+s15+$0x0] =	vst.idx.msk vm0, v40  }
0x28d: {  	v40 =	vld.idx.msk [tilespmem:v63+s21+$0x0], vm0  }
0x28e: {  	v44 =	vor.u32 $0x2490, v39  }
0x28f: {  	v41 =	vadd.s32 v44, v38  }
0x290: {  	v46 =	vor.u32 $0x13, v37;
	v45 =	vperm.xlane v36, v22;
	_ =	sdelay $0x1  }
0x291: {  	v40 =	vadd.f32 v45, v40;
	_ =	sdelay $0x1  }
0x292: {  	[tilespmem:v41+s15+$0x0] =	vst.idx.msk vm0, v40  }
0x293: {  	v40 =	vld.idx.msk [tilespmem:v46+s21+$0x0], vm0  }
0x294: {  	v47 =	vor.u32 $0x2698, v39  }
0x295: {  	v41 =	vadd.s32 v47, v38  }
0x296: {  	v49 =	vor.u32 $0x14, v37;
	v48 =	vperm.xlane v36, v23;
	_ =	sdelay $0x1  }
0x297: {  	v40 =	vadd.f32 v48, v40;
	_ =	sdelay $0x1  }
0x298: {  	[tilespmem:v41+s15+$0x0] =	vst.idx.msk vm0, v40  }
0x299: {  	v40 =	vld.idx.msk [tilespmem:v49+s21+$0x0], vm0  }
0x29a: {  	v50 =	vor.u32 $0x28A0, v39  }
0x29b: {  	v41 =	vadd.s32 v50, v38  }
0x29c: {  	v52 =	vor.u32 $0x15, v37;
	v51 =	vperm.xlane v36, v24;
	_ =	sdelay $0x1  }
0x29d: {  	v40 =	vadd.f32 v51, v40;
	_ =	sdelay $0x1  }
0x29e: {  	[tilespmem:v41+s15+$0x0] =	vst.idx.msk vm0, v40  }
0x29f: {  	v40 =	vld.idx.msk [tilespmem:v52+s21+$0x0], vm0  }
0x2a0: {  	v53 =	vor.u32 $0x2AA8, v39  }
0x2a1: {  	v41 =	vadd.s32 v53, v38  }
0x2a2: {  	v55 =	vor.u32 $0x16, v37;
	v54 =	vperm.xlane v36, v20;
	_ =	sdelay $0x1  }
0x2a3: {  	v40 =	vadd.f32 v54, v40;
	_ =	sdelay $0x1  }
0x2a4: {  	[tilespmem:v41+s15+$0x0] =	vst.idx.msk vm0, v40  }
0x2a5: {  	v40 =	vld.idx.msk [tilespmem:v55+s21+$0x0], vm0  }
0x2a6: {  	v56 =	vor.u32 $0x2CB0, v39  }
0x2a7: {  	v41 =	vadd.s32 v56, v38  }
0x2a8: {  	v58 =	vor.u32 $0x17, v37;
	v57 =	vperm.xlane v36, v25;
	_ =	sdelay $0x1  }
0x2a9: {  	v40 =	vadd.f32 v57, v40;
	_ =	sdelay $0x1  }
0x2aa: {  	[tilespmem:v41+s15+$0x0] =	vst.idx.msk vm0, v40  }
0x2ab: {  	v40 =	vld.idx.msk [tilespmem:v58+s21+$0x0], vm0  }
0x2ac: {  	v59 =	vor.u32 $0x2EB8, v39  }
0x2ad: {  	v41 =	vadd.s32 v59, v38  }
0x2ae: {  	v61 =	vor.u32 $0x18, v37;
	v60 =	vperm.xlane v36, v26;
	_ =	sdelay $0x1  }
0x2af: {  	v40 =	vadd.f32 v60, v40;
	_ =	sdelay $0x1  }
0x2b0: {  	[tilespmem:v41+s15+$0x0] =	vst.idx.msk vm0, v40  }
0x2b1: {  	v40 =	vld.idx.msk [tilespmem:v61+s21+$0x0], vm0  }
0x2b2: {  	v62 =	vor.u32 $0x30C0, v39  }
0x2b3: {  	v41 =	vadd.s32 v62, v38  }
0x2b4: {  	v63 =	vperm.xlane v36, v27;
	v45 =	vor.u32 $0x19, v37;
	_ =	sdelay $0x1  }
0x2b5: {  	v40 =	vadd.f32 v63, v40;
	_ =	sdelay $0x1  }
0x2b6: {  	[tilespmem:v41+s15+$0x0] =	vst.idx.msk vm0, v40  }
0x2b7: {  	v40 =	vld.idx.msk [tilespmem:v45+s21+$0x0], vm0  }
0x2b8: {  	v46 =	vor.u32 $0x32C8, v39  }
0x2b9: {  	v41 =	vadd.s32 v46, v38  }
0x2ba: {  	v47 =	vperm.xlane v36, v28;
	v48 =	vor.u32 $0x1A, v37;
	_ =	sdelay $0x1  }
0x2bb: {  	v40 =	vadd.f32 v47, v40;
	_ =	sdelay $0x1  }
0x2bc: {  	[tilespmem:v41+s15+$0x0] =	vst.idx.msk vm0, v40  }
0x2bd: {  	v40 =	vld.idx.msk [tilespmem:v48+s21+$0x0], vm0  }
0x2be: {  	v49 =	vor.u32 $0x34D0, v39  }
0x2bf: {  	v41 =	vadd.s32 v49, v38  }
0x2c0: {  	v50 =	vperm.xlane v36, v29;
	v51 =	vor.u32 $0x1B, v37;
	_ =	sdelay $0x1  }
0x2c1: {  	v40 =	vadd.f32 v50, v40;
	_ =	sdelay $0x1  }
0x2c2: {  	[tilespmem:v41+s15+$0x0] =	vst.idx.msk vm0, v40  }
0x2c3: {  	v40 =	vld.idx.msk [tilespmem:v51+s21+$0x0], vm0  }
0x2c4: {  	v52 =	vor.u32 $0x36D8, v39  }
0x2c5: {  	v41 =	vadd.s32 v52, v38  }
0x2c6: {  	v53 =	vperm.xlane v36, v30;
	v54 =	vor.u32 $0x1C, v37;
	_ =	sdelay $0x1  }
0x2c7: {  	v40 =	vadd.f32 v53, v40;
	_ =	sdelay $0x1  }
0x2c8: {  	[tilespmem:v41+s15+$0x0] =	vst.idx.msk vm0, v40  }
0x2c9: {  	v40 =	vld.idx.msk [tilespmem:v54+s21+$0x0], vm0  }
0x2ca: {  	v55 =	vor.u32 $0x38E0, v39  }
0x2cb: {  	v41 =	vadd.s32 v55, v38  }
0x2cc: {  	v56 =	vperm.xlane v36, v31;
	v57 =	vor.u32 $0x1D, v37;
	_ =	sdelay $0x1  }
0x2cd: {  	v40 =	vadd.f32 v56, v40;
	_ =	sdelay $0x1  }
0x2ce: {  	[tilespmem:v41+s15+$0x0] =	vst.idx.msk vm0, v40  }
0x2cf: {  	v40 =	vld.idx.msk [tilespmem:v57+s21+$0x0], vm0  }
0x2d0: {  	v58 =	vor.u32 $0x3AE8, v39  }
0x2d1: {  	v41 =	vadd.s32 v58, v38  }
0x2d2: {  	v59 =	vperm.xlane v36, v32;
	v60 =	vor.u32 $0x1E, v37;
	_ =	sdelay $0x1  }
0x2d3: {  	v40 =	vadd.f32 v59, v40;
	_ =	sdelay $0x1  }
0x2d4: {  	[tilespmem:v41+s15+$0x0] =	vst.idx.msk vm0, v40  }
0x2d5: {  	v40 =	vld.idx.msk [tilespmem:v60+s21+$0x0], vm0  }
0x2d6: {  	v39 =	vor.u32 $0x3CF0, v39  }
0x2d7: {  	v39 =	vadd.s32 v39, v38  }
0x2d8: {  	v37 =	vor.u32 $0x1F, v37;
	v61 =	vperm.xlane v36, v33;
	_ =	sdelay $0x1  }
0x2d9: {  	v40 =	vadd.f32 v61, v40;
	_ =	sdelay $0x1  }
0x2da: {  	[tilespmem:v39+s15+$0x0] =	vst.idx.msk vm0, v40  }
0x2db: {  	v37 =	vld.idx.msk [tilespmem:v37+s21+$0x0], vm0  }
0x2dc: {  	v62 =	vor.u32 $0x3EF8, v0  }
0x2dd: {  	v38 =	vadd.s32 v62, v38  }
.Ltmp9:
0x2de: {  	v63 =	vperm.xlane v36, v34;
	(pc) =	sbr.rel .LBB2_8-.Ltmp9, $3  }
0x2df: {  	_ = 	snop  }
0x2e0: {  	v37 =	vadd.f32 v63, v37;
	_ =	sdelay $0x1  }
0x2e1: {  	[tilespmem:v38+s15+$0x0] =	vst.idx.msk vm0, v37  }
.LBB2_9:
0x2e2: {  	s22 =	sadd.s32 $0x2, s22;
	p0 =	seq.s32 s17, $0x63  }
0x2e3: {  	s23 =	sshll.u32 @!p0 s22, $0xE  }
0x2e4: {  	s23 =	sor.u32 @!p0 s8, s23  }
0x2e5: {  	s23 =	sshrl.u32 @!p0 s23, $0x3  }
0x2e6: {  	s24 =	simm.s32 @!p0 $0x0;
	s23 =	sadd.s32 @!p0 s4, s23  }
0x2e7: {  	[tilespmem:s24], [sflag:$0x2] =	stream.linear.gather @!p0 [hbm4b:s23+s24], $0x200, $0x38;
	[tilespmem:$0x11F20] =	vst v63  }
0x2e8: {  	s24 =	sshll.u32 s17, $0x14  }
0x2e9: {  	s30 =	sor.u32 s10, s24  }
0x2ea: {  	s23 =	sshrl.u32 s30, $0x3  }
0x2eb: {  	s30 =	sadd.s32 s1, s23;
	s23 =	simm.s32 $0x0  }
0x2ec: {  	[hbm4b:s30+s23] =	stream.linear.scatter [tilespmem:s15], [sflag:$0x6], $0x80, $0x38;
	[tilespmem:$0x11F20] =	vst v63  }
0x2ed: {  	s0 =	simm.s32 $0x8608;
	s31 =	sadd.s32 $0x10, s30  }
0x2ee: {  	[hbm4b:s31+s23] =	stream.linear.scatter [tilespmem:s0], [sflag:$0x6], $0x80, $0x38;
	[tilespmem:$0x11F20] =	vst v63  }
0x2ef: {  	s31 =	sadd.s32 $0x20, s30;
	s0 =	simm.s32 $0x8810  }
0x2f0: {  	[hbm4b:s31+s23] =	stream.linear.scatter [tilespmem:s0], [sflag:$0x6], $0x80, $0x38;
	[tilespmem:$0x11F20] =	vst v63  }
0x2f1: {  	s31 =	sadd.s32 $0x30, s30;
	s0 =	simm.s32 $0x8A18  }
0x2f2: {  	[hbm4b:s31+s23] =	stream.linear.scatter [tilespmem:s0], [sflag:$0x6], $0x80, $0x38;
	[tilespmem:$0x11F20] =	vst v63  }
0x2f3: {  	s31 =	sadd.s32 $0x40, s30;
	s0 =	simm.s32 $0x8C20  }
0x2f4: {  	[hbm4b:s31+s23] =	stream.linear.scatter [tilespmem:s0], [sflag:$0x6], $0x80, $0x38;
	[tilespmem:$0x11F20] =	vst v63  }
0x2f5: {  	s31 =	sadd.s32 $0x50, s30;
	s0 =	simm.s32 $0x8E28  }
0x2f6: {  	[hbm4b:s31+s23] =	stream.linear.scatter [tilespmem:s0], [sflag:$0x6], $0x80, $0x38;
	[tilespmem:$0x11F20] =	vst v63  }
0x2f7: {  	s31 =	sadd.s32 $0x60, s30;
	s0 =	simm.s32 $0x9030  }
0x2f8: {  	[hbm4b:s31+s23] =	stream.linear.scatter [tilespmem:s0], [sflag:$0x6], $0x80, $0x38;
	[tilespmem:$0x11F20] =	vst v63  }
0x2f9: {  	s31 =	sadd.s32 $0x70, s30;
	s0 =	simm.s32 $0x9238  }
0x2fa: {  	[hbm4b:s31+s23] =	stream.linear.scatter [tilespmem:s0], [sflag:$0x6], $0x80, $0x38;
	[tilespmem:$0x11F20] =	vst v63  }
0x2fb: {  	s31 =	sadd.s32 $0x4000, s30;
	s0 =	simm.s32 $0x9440  }
0x2fc: {  	[hbm4b:s31+s23] =	stream.linear.scatter [tilespmem:s0], [sflag:$0x6], $0x80, $0x38;
	[tilespmem:$0x11F20] =	vst v63  }
0x2fd: {  	s31 =	sadd.s32 $0x4010, s30;
	s0 =	simm.s32 $0x9648  }
0x2fe: {  	[hbm4b:s31+s23] =	stream.linear.scatter [tilespmem:s0], [sflag:$0x6], $0x80, $0x38;
	[tilespmem:$0x11F20] =	vst v63  }
0x2ff: {  	s31 =	sadd.s32 $0x4020, s30;
	s0 =	simm.s32 $0x9850  }
0x300: {  	[hbm4b:s31+s23] =	stream.linear.scatter [tilespmem:s0], [sflag:$0x6], $0x80, $0x38;
	[tilespmem:$0x11F20] =	vst v63  }
0x301: {  	s31 =	sadd.s32 $0x4030, s30;
	s0 =	simm.s32 $0x9A58  }
0x302: {  	[hbm4b:s31+s23] =	stream.linear.scatter [tilespmem:s0], [sflag:$0x6], $0x80, $0x38;
	[tilespmem:$0x11F20] =	vst v63  }
0x303: {  	s31 =	sadd.s32 $0x4040, s30;
	s0 =	simm.s32 $0x9C60  }
0x304: {  	[hbm4b:s31+s23] =	stream.linear.scatter [tilespmem:s0], [sflag:$0x6], $0x80, $0x38;
	[tilespmem:$0x11F20] =	vst v63  }
0x305: {  	s31 =	sadd.s32 $0x4050, s30;
	s0 =	simm.s32 $0x9E68  }
0x306: {  	[hbm4b:s31+s23] =	stream.linear.scatter [tilespmem:s0], [sflag:$0x6], $0x80, $0x38;
	[tilespmem:$0x11F20] =	vst v63  }
0x307: {  	s31 =	sadd.s32 $0x4060, s30;
	s0 =	simm.s32 $0xA070  }
0x308: {  	[hbm4b:s31+s23] =	stream.linear.scatter [tilespmem:s0], [sflag:$0x6], $0x80, $0x38;
	[tilespmem:$0x11F20] =	vst v63  }
0x309: {  	s31 =	sadd.s32 $0x4070, s30;
	s0 =	simm.s32 $0xA278  }
0x30a: {  	[hbm4b:s31+s23] =	stream.linear.scatter [tilespmem:s0], [sflag:$0x6], $0x80, $0x38;
	[tilespmem:$0x11F20] =	vst v63  }
0x30b: {  	s31 =	sadd.s32 $0x8000, s30;
	s0 =	simm.s32 $0xA480  }
0x30c: {  	[hbm4b:s31+s23] =	stream.linear.scatter [tilespmem:s0], [sflag:$0x6], $0x80, $0x38;
	[tilespmem:$0x11F20] =	vst v63  }
0x30d: {  	s31 =	sadd.s32 $0x8010, s30;
	s0 =	simm.s32 $0xA688  }
0x30e: {  	[hbm4b:s31+s23] =	stream.linear.scatter [tilespmem:s0], [sflag:$0x6], $0x80, $0x38;
	[tilespmem:$0x11F20] =	vst v63  }
0x30f: {  	s31 =	sadd.s32 $0x8020, s30;
	s0 =	simm.s32 $0xA890  }
0x310: {  	[hbm4b:s31+s23] =	stream.linear.scatter [tilespmem:s0], [sflag:$0x6], $0x80, $0x38;
	[tilespmem:$0x11F20] =	vst v63  }
0x311: {  	s31 =	sadd.s32 $0x8030, s30;
	s0 =	simm.s32 $0xAA98  }
0x312: {  	[hbm4b:s31+s23] =	stream.linear.scatter [tilespmem:s0], [sflag:$0x6], $0x80, $0x38;
	[tilespmem:$0x11F20] =	vst v63  }
0x313: {  	s31 =	sadd.s32 $0x8040, s30;
	s0 =	simm.s32 $0xACA0  }
0x314: {  	[hbm4b:s31+s23] =	stream.linear.scatter [tilespmem:s0], [sflag:$0x6], $0x80, $0x38;
	[tilespmem:$0x11F20] =	vst v63  }
0x315: {  	s31 =	sadd.s32 $0x8050, s30;
	s0 =	simm.s32 $0xAEA8  }
0x316: {  	[hbm4b:s31+s23] =	stream.linear.scatter [tilespmem:s0], [sflag:$0x6], $0x80, $0x38;
	[tilespmem:$0x11F20] =	vst v63  }
0x317: {  	s31 =	sadd.s32 $0x8060, s30;
	s0 =	simm.s32 $0xB0B0  }
0x318: {  	[hbm4b:s31+s23] =	stream.linear.scatter [tilespmem:s0], [sflag:$0x6], $0x80, $0x38;
	[tilespmem:$0x11F20] =	vst v63  }
0x319: {  	s31 =	sadd.s32 $0x8070, s30;
	s0 =	simm.s32 $0xB2B8  }
0x31a: {  	[hbm4b:s31+s23] =	stream.linear.scatter [tilespmem:s0], [sflag:$0x6], $0x80, $0x38;
	[tilespmem:$0x11F20] =	vst v63  }
0x31b: {  	s31 =	sadd.s32 $0xC000, s30;
	s0 =	simm.s32 $0xB4C0  }
0x31c: {  	[hbm4b:s31+s23] =	stream.linear.scatter [tilespmem:s0], [sflag:$0x6], $0x80, $0x38;
	[tilespmem:$0x11F20] =	vst v63  }
0x31d: {  	s31 =	sadd.s32 $0xC010, s30;
	s0 =	simm.s32 $0xB6C8  }
0x31e: {  	[hbm4b:s31+s23] =	stream.linear.scatter [tilespmem:s0], [sflag:$0x6], $0x80, $0x38;
	[tilespmem:$0x11F20] =	vst v63  }
0x31f: {  	s31 =	sadd.s32 $0xC020, s30;
	s0 =	simm.s32 $0xB8D0  }
0x320: {  	[hbm4b:s31+s23] =	stream.linear.scatter [tilespmem:s0], [sflag:$0x6], $0x80, $0x38;
	[tilespmem:$0x11F20] =	vst v63  }
0x321: {  	s31 =	sadd.s32 $0xC030, s30;
	s0 =	simm.s32 $0xBAD8  }
0x322: {  	[hbm4b:s31+s23] =	stream.linear.scatter [tilespmem:s0], [sflag:$0x6], $0x80, $0x38;
	[tilespmem:$0x11F20] =	vst v63  }
0x323: {  	s31 =	sadd.s32 $0xC040, s30;
	s0 =	simm.s32 $0xBCE0  }
0x324: {  	[hbm4b:s31+s23] =	stream.linear.scatter [tilespmem:s0], [sflag:$0x6], $0x80, $0x38;
	[tilespmem:$0x11F20] =	vst v63  }
0x325: {  	s31 =	sadd.s32 $0xC050, s30;
	s0 =	simm.s32 $0xBEE8  }
0x326: {  	[hbm4b:s31+s23] =	stream.linear.scatter [tilespmem:s0], [sflag:$0x6], $0x80, $0x38;
	[tilespmem:$0x11F20] =	vst v63  }
0x327: {  	s31 =	sadd.s32 $0xC060, s30;
	s0 =	simm.s32 $0xC0F0  }
0x328: {  	[hbm4b:s31+s23] =	stream.linear.scatter [tilespmem:s0], [sflag:$0x6], $0x80, $0x38;
	[tilespmem:$0x11F20] =	vst v63  }
0x329: {  	s30 =	sadd.s32 $0xC070, s30;
	s31 =	simm.s32 $0xC2F8;
	s0 =	sor.u32 s12, s24  }
0x32a: {  	[hbm4b:s30+s23] =	stream.linear.scatter [tilespmem:s31], [sflag:$0x6], $0x80, $0x38;
	[tilespmem:$0x11F20] =	vst v63  }
0x32b: {  	s30 =	sshrl.u32 s0, $0x3  }
0x32c: {  	s31 =	simm.s32 $0x8480;
	s30 =	sadd.s32 s1, s30  }
0x32d: {  	[hbm4b:s30+s23] =	stream.linear.scatter [tilespmem:s31], [sflag:$0x6], $0x80, $0x38;
	[tilespmem:$0x11F20] =	vst v63  }
0x32e: {  	s0 =	simm.s32 $0x8688;
	s31 =	sadd.s32 $0x10, s30  }
0x32f: {  	[hbm4b:s31+s23] =	stream.linear.scatter [tilespmem:s0], [sflag:$0x6], $0x80, $0x38;
	[tilespmem:$0x11F20] =	vst v63  }
0x330: {  	s31 =	sadd.s32 $0x20, s30;
	s0 =	simm.s32 $0x8890  }
0x331: {  	[hbm4b:s31+s23] =	stream.linear.scatter [tilespmem:s0], [sflag:$0x6], $0x80, $0x38;
	[tilespmem:$0x11F20] =	vst v63  }
0x332: {  	s31 =	sadd.s32 $0x30, s30;
	s0 =	simm.s32 $0x8A98  }
0x333: {  	[hbm4b:s31+s23] =	stream.linear.scatter [tilespmem:s0], [sflag:$0x6], $0x80, $0x38;
	[tilespmem:$0x11F20] =	vst v63  }
0x334: {  	s31 =	sadd.s32 $0x40, s30;
	s0 =	simm.s32 $0x8CA0  }
0x335: {  	[hbm4b:s31+s23] =	stream.linear.scatter [tilespmem:s0], [sflag:$0x6], $0x80, $0x38;
	[tilespmem:$0x11F20] =	vst v63  }
0x336: {  	s31 =	sadd.s32 $0x50, s30;
	s0 =	simm.s32 $0x8EA8  }
0x337: {  	[hbm4b:s31+s23] =	stream.linear.scatter [tilespmem:s0], [sflag:$0x6], $0x80, $0x38;
	[tilespmem:$0x11F20] =	vst v63  }
0x338: {  	s31 =	sadd.s32 $0x60, s30;
	s0 =	simm.s32 $0x90B0  }
0x339: {  	[hbm4b:s31+s23] =	stream.linear.scatter [tilespmem:s0], [sflag:$0x6], $0x80, $0x38;
	[tilespmem:$0x11F20] =	vst v63  }
0x33a: {  	s31 =	sadd.s32 $0x70, s30;
	s0 =	simm.s32 $0x92B8  }
0x33b: {  	[hbm4b:s31+s23] =	stream.linear.scatter [tilespmem:s0], [sflag:$0x6], $0x80, $0x38;
	[tilespmem:$0x11F20] =	vst v63  }
0x33c: {  	s31 =	sadd.s32 $0x4000, s30;
	s0 =	simm.s32 $0x94C0  }
0x33d: {  	[hbm4b:s31+s23] =	stream.linear.scatter [tilespmem:s0], [sflag:$0x6], $0x80, $0x38;
	[tilespmem:$0x11F20] =	vst v63  }
0x33e: {  	s31 =	sadd.s32 $0x4010, s30;
	s0 =	simm.s32 $0x96C8  }
0x33f: {  	[hbm4b:s31+s23] =	stream.linear.scatter [tilespmem:s0], [sflag:$0x6], $0x80, $0x38;
	[tilespmem:$0x11F20] =	vst v63  }
0x340: {  	s31 =	sadd.s32 $0x4020, s30;
	s0 =	simm.s32 $0x98D0  }
0x341: {  	[hbm4b:s31+s23] =	stream.linear.scatter [tilespmem:s0], [sflag:$0x6], $0x80, $0x38;
	[tilespmem:$0x11F20] =	vst v63  }
0x342: {  	s31 =	sadd.s32 $0x4030, s30;
	s0 =	simm.s32 $0x9AD8  }
0x343: {  	[hbm4b:s31+s23] =	stream.linear.scatter [tilespmem:s0], [sflag:$0x6], $0x80, $0x38;
	[tilespmem:$0x11F20] =	vst v63  }
0x344: {  	s31 =	sadd.s32 $0x4040, s30;
	s0 =	simm.s32 $0x9CE0  }
0x345: {  	[hbm4b:s31+s23] =	stream.linear.scatter [tilespmem:s0], [sflag:$0x6], $0x80, $0x38;
	[tilespmem:$0x11F20] =	vst v63  }
0x346: {  	s31 =	sadd.s32 $0x4050, s30;
	s0 =	simm.s32 $0x9EE8  }
0x347: {  	[hbm4b:s31+s23] =	stream.linear.scatter [tilespmem:s0], [sflag:$0x6], $0x80, $0x38;
	[tilespmem:$0x11F20] =	vst v63  }
0x348: {  	s31 =	sadd.s32 $0x4060, s30;
	s0 =	simm.s32 $0xA0F0  }
0x349: {  	[hbm4b:s31+s23] =	stream.linear.scatter [tilespmem:s0], [sflag:$0x6], $0x80, $0x38;
	[tilespmem:$0x11F20] =	vst v63  }
0x34a: {  	s31 =	sadd.s32 $0x4070, s30;
	s0 =	simm.s32 $0xA2F8  }
0x34b: {  	[hbm4b:s31+s23] =	stream.linear.scatter [tilespmem:s0], [sflag:$0x6], $0x80, $0x38;
	[tilespmem:$0x11F20] =	vst v63  }
0x34c: {  	s31 =	sadd.s32 $0x8000, s30;
	s0 =	simm.s32 $0xA500  }
0x34d: {  	[hbm4b:s31+s23] =	stream.linear.scatter [tilespmem:s0], [sflag:$0x6], $0x80, $0x38;
	[tilespmem:$0x11F20] =	vst v63  }
0x34e: {  	s31 =	sadd.s32 $0x8010, s30;
	s0 =	simm.s32 $0xA708  }
0x34f: {  	[hbm4b:s31+s23] =	stream.linear.scatter [tilespmem:s0], [sflag:$0x6], $0x80, $0x38;
	[tilespmem:$0x11F20] =	vst v63  }
0x350: {  	s31 =	sadd.s32 $0x8020, s30;
	s0 =	simm.s32 $0xA910  }
0x351: {  	[hbm4b:s31+s23] =	stream.linear.scatter [tilespmem:s0], [sflag:$0x6], $0x80, $0x38;
	[tilespmem:$0x11F20] =	vst v63  }
0x352: {  	s31 =	sadd.s32 $0x8030, s30;
	s0 =	simm.s32 $0xAB18  }
0x353: {  	[hbm4b:s31+s23] =	stream.linear.scatter [tilespmem:s0], [sflag:$0x6], $0x80, $0x38;
	[tilespmem:$0x11F20] =	vst v63  }
0x354: {  	s31 =	sadd.s32 $0x8040, s30;
	s0 =	simm.s32 $0xAD20  }
0x355: {  	[hbm4b:s31+s23] =	stream.linear.scatter [tilespmem:s0], [sflag:$0x6], $0x80, $0x38;
	[tilespmem:$0x11F20] =	vst v63  }
0x356: {  	s31 =	sadd.s32 $0x8050, s30;
	s0 =	simm.s32 $0xAF28  }
0x357: {  	[hbm4b:s31+s23] =	stream.linear.scatter [tilespmem:s0], [sflag:$0x6], $0x80, $0x38;
	[tilespmem:$0x11F20] =	vst v63  }
0x358: {  	s31 =	sadd.s32 $0x8060, s30;
	s0 =	simm.s32 $0xB130  }
0x359: {  	[hbm4b:s31+s23] =	stream.linear.scatter [tilespmem:s0], [sflag:$0x6], $0x80, $0x38;
	[tilespmem:$0x11F20] =	vst v63  }
0x35a: {  	s31 =	sadd.s32 $0x8070, s30;
	s0 =	simm.s32 $0xB338  }
0x35b: {  	[hbm4b:s31+s23] =	stream.linear.scatter [tilespmem:s0], [sflag:$0x6], $0x80, $0x38;
	[tilespmem:$0x11F20] =	vst v63  }
0x35c: {  	s31 =	sadd.s32 $0xC000, s30;
	s0 =	simm.s32 $0xB540  }
0x35d: {  	[hbm4b:s31+s23] =	stream.linear.scatter [tilespmem:s0], [sflag:$0x6], $0x80, $0x38;
	[tilespmem:$0x11F20] =	vst v63  }
0x35e: {  	s31 =	sadd.s32 $0xC010, s30;
	s0 =	simm.s32 $0xB748  }
0x35f: {  	[hbm4b:s31+s23] =	stream.linear.scatter [tilespmem:s0], [sflag:$0x6], $0x80, $0x38;
	[tilespmem:$0x11F20] =	vst v63  }
0x360: {  	s31 =	sadd.s32 $0xC020, s30;
	s0 =	simm.s32 $0xB950  }
0x361: {  	[hbm4b:s31+s23] =	stream.linear.scatter [tilespmem:s0], [sflag:$0x6], $0x80, $0x38;
	[tilespmem:$0x11F20] =	vst v63  }
0x362: {  	s31 =	sadd.s32 $0xC030, s30;
	s0 =	simm.s32 $0xBB58  }
0x363: {  	[hbm4b:s31+s23] =	stream.linear.scatter [tilespmem:s0], [sflag:$0x6], $0x80, $0x38;
	[tilespmem:$0x11F20] =	vst v63  }
0x364: {  	s31 =	sadd.s32 $0xC040, s30;
	s0 =	simm.s32 $0xBD60  }
0x365: {  	[hbm4b:s31+s23] =	stream.linear.scatter [tilespmem:s0], [sflag:$0x6], $0x80, $0x38;
	[tilespmem:$0x11F20] =	vst v63  }
0x366: {  	s31 =	sadd.s32 $0xC050, s30;
	s0 =	simm.s32 $0xBF68  }
0x367: {  	[hbm4b:s31+s23] =	stream.linear.scatter [tilespmem:s0], [sflag:$0x6], $0x80, $0x38;
	[tilespmem:$0x11F20] =	vst v63  }
0x368: {  	s31 =	sadd.s32 $0xC060, s30;
	s0 =	simm.s32 $0xC170  }
0x369: {  	[hbm4b:s31+s23] =	stream.linear.scatter [tilespmem:s0], [sflag:$0x6], $0x80, $0x38;
	[tilespmem:$0x11F20] =	vst v63  }
0x36a: {  	s30 =	sadd.s32 $0xC070, s30;
	s31 =	simm.s32 $0xC378;
	s0 =	sor.u32 s13, s24  }
0x36b: {  	[hbm4b:s30+s23] =	stream.linear.scatter [tilespmem:s31], [sflag:$0x6], $0x80, $0x38;
	[tilespmem:$0x11F20] =	vst v63  }
0x36c: {  	s30 =	sshrl.u32 s0, $0x3  }
0x36d: {  	s31 =	simm.s32 $0x8500;
	s30 =	sadd.s32 s1, s30  }
0x36e: {  	[hbm4b:s30+s23] =	stream.linear.scatter [tilespmem:s31], [sflag:$0x6], $0x80, $0x38;
	[tilespmem:$0x11F20] =	vst v63  }
0x36f: {  	s0 =	simm.s32 $0x8708;
	s31 =	sadd.s32 $0x10, s30  }
0x370: {  	[hbm4b:s31+s23] =	stream.linear.scatter [tilespmem:s0], [sflag:$0x6], $0x80, $0x38;
	[tilespmem:$0x11F20] =	vst v63  }
0x371: {  	s31 =	sadd.s32 $0x20, s30;
	s0 =	simm.s32 $0x8910  }
0x372: {  	[hbm4b:s31+s23] =	stream.linear.scatter [tilespmem:s0], [sflag:$0x6], $0x80, $0x38;
	[tilespmem:$0x11F20] =	vst v63  }
0x373: {  	s31 =	sadd.s32 $0x30, s30;
	s0 =	simm.s32 $0x8B18  }
0x374: {  	[hbm4b:s31+s23] =	stream.linear.scatter [tilespmem:s0], [sflag:$0x6], $0x80, $0x38;
	[tilespmem:$0x11F20] =	vst v63  }
0x375: {  	s31 =	sadd.s32 $0x40, s30;
	s0 =	simm.s32 $0x8D20  }
0x376: {  	[hbm4b:s31+s23] =	stream.linear.scatter [tilespmem:s0], [sflag:$0x6], $0x80, $0x38;
	[tilespmem:$0x11F20] =	vst v63  }
0x377: {  	s31 =	sadd.s32 $0x50, s30;
	s0 =	simm.s32 $0x8F28  }
0x378: {  	[hbm4b:s31+s23] =	stream.linear.scatter [tilespmem:s0], [sflag:$0x6], $0x80, $0x38;
	[tilespmem:$0x11F20] =	vst v63  }
0x379: {  	s31 =	sadd.s32 $0x60, s30;
	s0 =	simm.s32 $0x9130  }
0x37a: {  	[hbm4b:s31+s23] =	stream.linear.scatter [tilespmem:s0], [sflag:$0x6], $0x80, $0x38;
	[tilespmem:$0x11F20] =	vst v63  }
0x37b: {  	s31 =	sadd.s32 $0x70, s30;
	s0 =	simm.s32 $0x9338  }
0x37c: {  	[hbm4b:s31+s23] =	stream.linear.scatter [tilespmem:s0], [sflag:$0x6], $0x80, $0x38;
	[tilespmem:$0x11F20] =	vst v63  }
0x37d: {  	s31 =	sadd.s32 $0x4000, s30;
	s0 =	simm.s32 $0x9540  }
0x37e: {  	[hbm4b:s31+s23] =	stream.linear.scatter [tilespmem:s0], [sflag:$0x6], $0x80, $0x38;
	[tilespmem:$0x11F20] =	vst v63  }
0x37f: {  	s31 =	sadd.s32 $0x4010, s30;
	s0 =	simm.s32 $0x9748  }
0x380: {  	[hbm4b:s31+s23] =	stream.linear.scatter [tilespmem:s0], [sflag:$0x6], $0x80, $0x38;
	[tilespmem:$0x11F20] =	vst v63  }
0x381: {  	s31 =	sadd.s32 $0x4020, s30;
	s0 =	simm.s32 $0x9950  }
0x382: {  	[hbm4b:s31+s23] =	stream.linear.scatter [tilespmem:s0], [sflag:$0x6], $0x80, $0x38;
	[tilespmem:$0x11F20] =	vst v63  }
0x383: {  	s31 =	sadd.s32 $0x4030, s30;
	s0 =	simm.s32 $0x9B58  }
0x384: {  	[hbm4b:s31+s23] =	stream.linear.scatter [tilespmem:s0], [sflag:$0x6], $0x80, $0x38;
	[tilespmem:$0x11F20] =	vst v63  }
0x385: {  	s31 =	sadd.s32 $0x4040, s30;
	s0 =	simm.s32 $0x9D60  }
0x386: {  	[hbm4b:s31+s23] =	stream.linear.scatter [tilespmem:s0], [sflag:$0x6], $0x80, $0x38;
	[tilespmem:$0x11F20] =	vst v63  }
0x387: {  	s31 =	sadd.s32 $0x4050, s30;
	s0 =	simm.s32 $0x9F68  }
0x388: {  	[hbm4b:s31+s23] =	stream.linear.scatter [tilespmem:s0], [sflag:$0x6], $0x80, $0x38;
	[tilespmem:$0x11F20] =	vst v63  }
0x389: {  	s31 =	sadd.s32 $0x4060, s30;
	s0 =	simm.s32 $0xA170  }
0x38a: {  	[hbm4b:s31+s23] =	stream.linear.scatter [tilespmem:s0], [sflag:$0x6], $0x80, $0x38;
	[tilespmem:$0x11F20] =	vst v63  }
0x38b: {  	s31 =	sadd.s32 $0x4070, s30;
	s0 =	simm.s32 $0xA378  }
0x38c: {  	[hbm4b:s31+s23] =	stream.linear.scatter [tilespmem:s0], [sflag:$0x6], $0x80, $0x38;
	[tilespmem:$0x11F20] =	vst v63  }
0x38d: {  	s31 =	sadd.s32 $0x8000, s30;
	s0 =	simm.s32 $0xA580  }
0x38e: {  	[hbm4b:s31+s23] =	stream.linear.scatter [tilespmem:s0], [sflag:$0x6], $0x80, $0x38;
	[tilespmem:$0x11F20] =	vst v63  }
0x38f: {  	s31 =	sadd.s32 $0x8010, s30;
	s0 =	simm.s32 $0xA788  }
0x390: {  	[hbm4b:s31+s23] =	stream.linear.scatter [tilespmem:s0], [sflag:$0x6], $0x80, $0x38;
	[tilespmem:$0x11F20] =	vst v63  }
0x391: {  	s31 =	sadd.s32 $0x8020, s30;
	s0 =	simm.s32 $0xA990  }
0x392: {  	[hbm4b:s31+s23] =	stream.linear.scatter [tilespmem:s0], [sflag:$0x6], $0x80, $0x38;
	[tilespmem:$0x11F20] =	vst v63  }
0x393: {  	s31 =	sadd.s32 $0x8030, s30;
	s0 =	simm.s32 $0xAB98  }
0x394: {  	[hbm4b:s31+s23] =	stream.linear.scatter [tilespmem:s0], [sflag:$0x6], $0x80, $0x38;
	[tilespmem:$0x11F20] =	vst v63  }
0x395: {  	s31 =	sadd.s32 $0x8040, s30;
	s0 =	simm.s32 $0xADA0  }
0x396: {  	[hbm4b:s31+s23] =	stream.linear.scatter [tilespmem:s0], [sflag:$0x6], $0x80, $0x38;
	[tilespmem:$0x11F20] =	vst v63  }
0x397: {  	s31 =	sadd.s32 $0x8050, s30;
	s0 =	simm.s32 $0xAFA8  }
0x398: {  	[hbm4b:s31+s23] =	stream.linear.scatter [tilespmem:s0], [sflag:$0x6], $0x80, $0x38;
	[tilespmem:$0x11F20] =	vst v63  }
0x399: {  	s31 =	sadd.s32 $0x8060, s30;
	s0 =	simm.s32 $0xB1B0  }
0x39a: {  	[hbm4b:s31+s23] =	stream.linear.scatter [tilespmem:s0], [sflag:$0x6], $0x80, $0x38;
	[tilespmem:$0x11F20] =	vst v63  }
0x39b: {  	s31 =	sadd.s32 $0x8070, s30;
	s0 =	simm.s32 $0xB3B8  }
0x39c: {  	[hbm4b:s31+s23] =	stream.linear.scatter [tilespmem:s0], [sflag:$0x6], $0x80, $0x38;
	[tilespmem:$0x11F20] =	vst v63  }
0x39d: {  	s31 =	sadd.s32 $0xC000, s30;
	s0 =	simm.s32 $0xB5C0  }
0x39e: {  	[hbm4b:s31+s23] =	stream.linear.scatter [tilespmem:s0], [sflag:$0x6], $0x80, $0x38;
	[tilespmem:$0x11F20] =	vst v63  }
0x39f: {  	s31 =	sadd.s32 $0xC010, s30;
	s0 =	simm.s32 $0xB7C8  }
0x3a0: {  	[hbm4b:s31+s23] =	stream.linear.scatter [tilespmem:s0], [sflag:$0x6], $0x80, $0x38;
	[tilespmem:$0x11F20] =	vst v63  }
0x3a1: {  	s31 =	sadd.s32 $0xC020, s30;
	s0 =	simm.s32 $0xB9D0  }
0x3a2: {  	[hbm4b:s31+s23] =	stream.linear.scatter [tilespmem:s0], [sflag:$0x6], $0x80, $0x38;
	[tilespmem:$0x11F20] =	vst v63  }
0x3a3: {  	s31 =	sadd.s32 $0xC030, s30;
	s0 =	simm.s32 $0xBBD8  }
0x3a4: {  	[hbm4b:s31+s23] =	stream.linear.scatter [tilespmem:s0], [sflag:$0x6], $0x80, $0x38;
	[tilespmem:$0x11F20] =	vst v63  }
0x3a5: {  	s31 =	sadd.s32 $0xC040, s30;
	s0 =	simm.s32 $0xBDE0  }
0x3a6: {  	[hbm4b:s31+s23] =	stream.linear.scatter [tilespmem:s0], [sflag:$0x6], $0x80, $0x38;
	[tilespmem:$0x11F20] =	vst v63  }
0x3a7: {  	s31 =	sadd.s32 $0xC050, s30;
	s0 =	simm.s32 $0xBFE8  }
0x3a8: {  	[hbm4b:s31+s23] =	stream.linear.scatter [tilespmem:s0], [sflag:$0x6], $0x80, $0x38;
	[tilespmem:$0x11F20] =	vst v63  }
0x3a9: {  	s24 =	sor.u32 s14, s24;
	s31 =	sadd.s32 $0xC060, s30;
	s0 =	simm.s32 $0xC1F0  }
0x3aa: {  	[hbm4b:s31+s23] =	stream.linear.scatter [tilespmem:s0], [sflag:$0x6], $0x80, $0x38;
	[tilespmem:$0x11F20] =	vst v63  }
0x3ab: {  	s24 =	sshrl.u32 s24, $0x3;
	s30 =	sadd.s32 $0xC070, s30;
	s31 =	simm.s32 $0xC3F8  }
0x3ac: {  	[hbm4b:s30+s23] =	stream.linear.scatter [tilespmem:s31], [sflag:$0x6], $0x80, $0x38;
	[tilespmem:$0x11F20] =	vst v63  }
0x3ad: {  	s24 =	sadd.s32 s1, s24;
	s31 =	simm.s32 $0x8580  }
0x3ae: {  	[hbm4b:s24+s23] =	stream.linear.scatter [tilespmem:s31], [sflag:$0x6], $0x80, $0x38;
	[tilespmem:$0x11F20] =	vst v63  }
0x3af: {  	s0 =	sadd.s32 $0x10, s24;
	s31 =	simm.s32 $0x8788  }
0x3b0: {  	[hbm4b:s0+s23] =	stream.linear.scatter [tilespmem:s31], [sflag:$0x6], $0x80, $0x38;
	[tilespmem:$0x11F20] =	vst v63  }
0x3b1: {  	s0 =	sadd.s32 $0x20, s24;
	s31 =	simm.s32 $0x8990  }
0x3b2: {  	[hbm4b:s0+s23] =	stream.linear.scatter [tilespmem:s31], [sflag:$0x6], $0x80, $0x38;
	[tilespmem:$0x11F20] =	vst v63  }
0x3b3: {  	s0 =	sadd.s32 $0x30, s24;
	s31 =	simm.s32 $0x8B98  }
0x3b4: {  	[hbm4b:s0+s23] =	stream.linear.scatter [tilespmem:s31], [sflag:$0x6], $0x80, $0x38;
	[tilespmem:$0x11F20] =	vst v63  }
0x3b5: {  	s0 =	sadd.s32 $0x40, s24;
	s31 =	simm.s32 $0x8DA0  }
0x3b6: {  	[hbm4b:s0+s23] =	stream.linear.scatter [tilespmem:s31], [sflag:$0x6], $0x80, $0x38;
	[tilespmem:$0x11F20] =	vst v63  }
0x3b7: {  	s0 =	sadd.s32 $0x50, s24;
	s31 =	simm.s32 $0x8FA8  }
0x3b8: {  	[hbm4b:s0+s23] =	stream.linear.scatter [tilespmem:s31], [sflag:$0x6], $0x80, $0x38;
	[tilespmem:$0x11F20] =	vst v63  }
0x3b9: {  	s0 =	sadd.s32 $0x60, s24;
	s31 =	simm.s32 $0x91B0  }
0x3ba: {  	[hbm4b:s0+s23] =	stream.linear.scatter [tilespmem:s31], [sflag:$0x6], $0x80, $0x38;
	[tilespmem:$0x11F20] =	vst v63  }
0x3bb: {  	s0 =	sadd.s32 $0x70, s24;
	s31 =	simm.s32 $0x93B8  }
0x3bc: {  	[hbm4b:s0+s23] =	stream.linear.scatter [tilespmem:s31], [sflag:$0x6], $0x80, $0x38;
	[tilespmem:$0x11F20] =	vst v63  }
0x3bd: {  	s0 =	sadd.s32 $0x4000, s24;
	s31 =	simm.s32 $0x95C0  }
0x3be: {  	[hbm4b:s0+s23] =	stream.linear.scatter [tilespmem:s31], [sflag:$0x6], $0x80, $0x38;
	[tilespmem:$0x11F20] =	vst v63  }
0x3bf: {  	s0 =	sadd.s32 $0x4010, s24;
	s31 =	simm.s32 $0x97C8  }
0x3c0: {  	[hbm4b:s0+s23] =	stream.linear.scatter [tilespmem:s31], [sflag:$0x6], $0x80, $0x38;
	[tilespmem:$0x11F20] =	vst v63  }
0x3c1: {  	s0 =	sadd.s32 $0x4020, s24;
	s31 =	simm.s32 $0x99D0  }
0x3c2: {  	[hbm4b:s0+s23] =	stream.linear.scatter [tilespmem:s31], [sflag:$0x6], $0x80, $0x38;
	[tilespmem:$0x11F20] =	vst v63  }
0x3c3: {  	s0 =	sadd.s32 $0x4030, s24;
	s31 =	simm.s32 $0x9BD8  }
0x3c4: {  	[hbm4b:s0+s23] =	stream.linear.scatter [tilespmem:s31], [sflag:$0x6], $0x80, $0x38;
	[tilespmem:$0x11F20] =	vst v63  }
0x3c5: {  	s0 =	sadd.s32 $0x4040, s24;
	s31 =	simm.s32 $0x9DE0  }
0x3c6: {  	[hbm4b:s0+s23] =	stream.linear.scatter [tilespmem:s31], [sflag:$0x6], $0x80, $0x38;
	[tilespmem:$0x11F20] =	vst v63  }
0x3c7: {  	s0 =	sadd.s32 $0x4050, s24;
	s31 =	simm.s32 $0x9FE8  }
0x3c8: {  	[hbm4b:s0+s23] =	stream.linear.scatter [tilespmem:s31], [sflag:$0x6], $0x80, $0x38;
	[tilespmem:$0x11F20] =	vst v63  }
0x3c9: {  	s0 =	sadd.s32 $0x4060, s24;
	s31 =	simm.s32 $0xA1F0  }
0x3ca: {  	[hbm4b:s0+s23] =	stream.linear.scatter [tilespmem:s31], [sflag:$0x6], $0x80, $0x38;
	[tilespmem:$0x11F20] =	vst v63  }
0x3cb: {  	s0 =	sadd.s32 $0x4070, s24;
	s31 =	simm.s32 $0xA3F8  }
0x3cc: {  	[hbm4b:s0+s23] =	stream.linear.scatter [tilespmem:s31], [sflag:$0x6], $0x80, $0x38;
	[tilespmem:$0x11F20] =	vst v63  }
0x3cd: {  	s0 =	sadd.s32 $0x8000, s24;
	s31 =	simm.s32 $0xA600  }
0x3ce: {  	[hbm4b:s0+s23] =	stream.linear.scatter [tilespmem:s31], [sflag:$0x6], $0x80, $0x38;
	[tilespmem:$0x11F20] =	vst v63  }
0x3cf: {  	s0 =	sadd.s32 $0x8010, s24;
	s31 =	simm.s32 $0xA808  }
0x3d0: {  	[hbm4b:s0+s23] =	stream.linear.scatter [tilespmem:s31], [sflag:$0x6], $0x80, $0x38;
	[tilespmem:$0x11F20] =	vst v63  }
0x3d1: {  	s0 =	sadd.s32 $0x8020, s24;
	s31 =	simm.s32 $0xAA10  }
0x3d2: {  	[hbm4b:s0+s23] =	stream.linear.scatter [tilespmem:s31], [sflag:$0x6], $0x80, $0x38;
	[tilespmem:$0x11F20] =	vst v63  }
0x3d3: {  	s0 =	sadd.s32 $0x8030, s24;
	s31 =	simm.s32 $0xAC18  }
0x3d4: {  	[hbm4b:s0+s23] =	stream.linear.scatter [tilespmem:s31], [sflag:$0x6], $0x80, $0x38;
	[tilespmem:$0x11F20] =	vst v63  }
0x3d5: {  	s0 =	sadd.s32 $0x8040, s24;
	s31 =	simm.s32 $0xAE20  }
0x3d6: {  	[hbm4b:s0+s23] =	stream.linear.scatter [tilespmem:s31], [sflag:$0x6], $0x80, $0x38;
	[tilespmem:$0x11F20] =	vst v63  }
0x3d7: {  	s0 =	sadd.s32 $0x8050, s24;
	s31 =	simm.s32 $0xB028  }
0x3d8: {  	[hbm4b:s0+s23] =	stream.linear.scatter [tilespmem:s31], [sflag:$0x6], $0x80, $0x38;
	[tilespmem:$0x11F20] =	vst v63  }
0x3d9: {  	s0 =	sadd.s32 $0x8060, s24;
	s31 =	simm.s32 $0xB230  }
0x3da: {  	[hbm4b:s0+s23] =	stream.linear.scatter [tilespmem:s31], [sflag:$0x6], $0x80, $0x38;
	[tilespmem:$0x11F20] =	vst v63  }
0x3db: {  	s0 =	sadd.s32 $0x8070, s24;
	s31 =	simm.s32 $0xB438  }
0x3dc: {  	[hbm4b:s0+s23] =	stream.linear.scatter [tilespmem:s31], [sflag:$0x6], $0x80, $0x38;
	[tilespmem:$0x11F20] =	vst v63  }
0x3dd: {  	s0 =	sadd.s32 $0xC000, s24;
	s31 =	simm.s32 $0xB640  }
0x3de: {  	[hbm4b:s0+s23] =	stream.linear.scatter [tilespmem:s31], [sflag:$0x6], $0x80, $0x38;
	[tilespmem:$0x11F20] =	vst v63  }
0x3df: {  	s0 =	sadd.s32 $0xC010, s24;
	s31 =	simm.s32 $0xB848  }
0x3e0: {  	[hbm4b:s0+s23] =	stream.linear.scatter [tilespmem:s31], [sflag:$0x6], $0x80, $0x38;
	[tilespmem:$0x11F20] =	vst v63  }
0x3e1: {  	s0 =	sadd.s32 $0xC020, s24;
	s31 =	simm.s32 $0xBA50  }
0x3e2: {  	[hbm4b:s0+s23] =	stream.linear.scatter [tilespmem:s31], [sflag:$0x6], $0x80, $0x38;
	[tilespmem:$0x11F20] =	vst v63  }
0x3e3: {  	s0 =	sadd.s32 $0xC030, s24;
	s31 =	simm.s32 $0xBC58  }
0x3e4: {  	[hbm4b:s0+s23] =	stream.linear.scatter [tilespmem:s31], [sflag:$0x6], $0x80, $0x38;
	[tilespmem:$0x11F20] =	vst v63  }
0x3e5: {  	s0 =	sadd.s32 $0xC040, s24;
	s31 =	simm.s32 $0xBE60  }
0x3e6: {  	[hbm4b:s0+s23] =	stream.linear.scatter [tilespmem:s31], [sflag:$0x6], $0x80, $0x38;
	[tilespmem:$0x11F20] =	vst v63  }
0x3e7: {  	s0 =	sadd.s32 $0xC050, s24;
	s31 =	simm.s32 $0xC068  }
0x3e8: {  	[hbm4b:s0+s23] =	stream.linear.scatter [tilespmem:s31], [sflag:$0x6], $0x80, $0x38;
	[tilespmem:$0x11F20] =	vst v63  }
0x3e9: {  	s0 =	sadd.s32 $0xC060, s24;
	s31 =	simm.s32 $0xC270  }
0x3ea: {  	[hbm4b:s0+s23] =	stream.linear.scatter [tilespmem:s31], [sflag:$0x6], $0x80, $0x38;
	[tilespmem:$0x11F20] =	vst v63  }
0x3eb: {  	s24 =	sadd.s32 $0xC070, s24;
	s31 =	simm.s32 $0xC478  }
0x3ec: {  	[hbm4b:s24+s23] =	stream.linear.scatter [tilespmem:s31], [sflag:$0x6], $0x80, $0x38;
	[tilespmem:$0x11F20] =	vst v63  }
0x3ed: {  	_ =	swait.ge [sflag:s25], $0x1000  }
0x3ee: {  	[sflag:s25] =	ssyncset.done $0x0  }
0x3ef: {  	[sflag:s25] =	ssyncadd.s32 $0xFFFFF000  }
0x3f0: {  	_ =	swait.ge [sflag:s25], $0x1000  }
0x3f1: {  	[sflag:s25] =	ssyncset.done $0x0  }
0x3f2: {  	[sflag:s25] =	ssyncadd.s32 $0xFFFFF000  }
0x3f3: {  	v35 =	vmov s23;
	_ =	swait.ge [sflag:s25], $0x1000  }
0x3f4: {  	v35 =	vshrl.u32 v35, $0x3;
	[sflag:s25] =	ssyncset.done $0x0  }
0x3f5: {  	v42 =	vshll.u32 v35, v3;
	s30 =	simm.s32 $0x5;
	[sflag:s25] =	ssyncadd.s32 $0xFFFFF000  }
0x3f6: {  	v42 =	vbroadcast v42, $0x0;
	v40 =	vmov s30;
	s0 =	simm.s32 $0x1;
	_ =	swait.ge [sflag:s25], $0x1000  }
0x3f7: {  	s22 =	sshll.u32 s22, $0x5;
	v40 =	vshrl.u32 v40, $0x3;
	v36 =	vmov s0;
	s0 =	simm.s32 $0x4;
	[sflag:s25] =	ssyncset.done $0x0  }
0x3f8: {  	s22 =	sand.u32 $0x3FFFFFE0, s22;
	v49 =	vadd.s32 v1, v42;
	v40 =	vshll.u32 v40, v3;
	v39 =	vmov s0;
	s0 =	simm.s32 $0x7;
	[sflag:s25] =	ssyncadd.s32 $0xFFFFF000  }
0x3f9: {  	v57 =	vbroadcast v40, $0x0;
	s24 =	simm.s32 $0x2;
	s31 =	simm.s32 $0x3;
	v43 =	vshrl.u32 v36, $0x3;
	v61 =	vmov s0;
	v36 =	vld [tilespmem:s22+$0x10600]  }
0x3fa: {  	v37 =	vmov s24;
	v38 =	vmov s31;
	v44 =	vshrl.u32 v61, $0x3;
	v35 =	vld [tilespmem:s22+$0x10610];
	s22 =	simm.s32 $0x44F0  }
0x3fb: {  	s31 =	simm.s32 $0x6;
	v39 =	vshrl.u32 v39, $0x3;
	v43 =	vshll.u32 v43, v3;
	v44 =	vshll.u32 v44, v3;
	v45 =	vld [tilespmem:s22+$0xFFFFFFF0]  }
0x3fc: {  	v41 =	vmov s31;
	v37 =	vshrl.u32 v37, $0x3;
	v44 =	vbroadcast v44, $0x0;
	v46 =	vld [tilespmem:s22+$0xFFFFFF10]  }
0x3fd: {  	v38 =	vshrl.u32 v38, $0x3;
	v43 =	vbroadcast v43, $0x0;
	v39 =	vshll.u32 v39, v3;
	v47 =	vld [tilespmem:s22+$0xFFFFFF30]  }
0x3fe: {  	v37 =	vshll.u32 v37, v3;
	v38 =	vshll.u32 v38, v3;
	v48 =	vadd.s32 v17, v44;
	v50 =	vld [tilespmem:s22+$0xFFFFFF50]  }
0x3ff: {  	v41 =	vshrl.u32 v41, $0x3;
	v37 =	vbroadcast v37, $0x0;
	v38 =	vbroadcast v38, $0x0;
	v52 =	vld [tilespmem:s22+$0xFFFFFF70]  }
0x400: {  	v39 =	vbroadcast v39, $0x0;
	v51 =	vadd.s32 v5, v43;
	v41 =	vshll.u32 v41, v3;
	v54 =	vld [tilespmem:s22+$0xFFFFFF90]  }
0x401: {  	v53 =	vadd.s32 v7, v37;
	v55 =	vadd.s32 v9, v38;
	v56 =	vld [tilespmem:s22+$0xFFFFFFB0];
	v45 =	vadd.f32 v45, v36  }
0x402: {  	v44 =	vadd.s32 v18, v44;
	v58 =	vld [tilespmem:s22+$0xFFFFFFD0];
	v46 =	vadd.f32 v46, v36;
	v62 =	vadd.f32 v47, v36  }
0x403: {  	v59 =	vbroadcast v41, $0x0;
	v47 =	vadd.s32 v11, v39;
	v63 =	vadd.f32 v50, v36;
	[tilespmem:v48+s26+$0x0] =	vst.idx.msk $0xffff, v45  }
0x404: {  	v60 =	vadd.f32 v52, v36;
	[tilespmem:v49+s26+$0x0] =	vst.idx.msk $0xffff, v46;
	v45 =	vadd.s32 v13, v57;
	v46 =	vld [tilespmem:s22+$0x0]  }
0x405: {  	v52 =	vadd.s32 v4, v42;
	[tilespmem:v51+s26+$0x0] =	vst.idx.msk $0xffff, v62;
	v49 =	vadd.s32 v15, v59;
	v48 =	vld [tilespmem:s22+$0xFFFFFF20]  }
0x406: {  	v42 =	vadd.f32 v56, v36;
	[tilespmem:v53+s26+$0x0] =	vst.idx.msk $0xffff, v63;
	v62 =	vadd.f32 v54, v36;
	v51 =	vld [tilespmem:s22+$0xFFFFFF40]  }
0x407: {  	s24 =	simm.s32 $0x8;
	v41 =	vadd.f32 v58, v36;
	v58 =	vadd.s32 v8, v37;
	[tilespmem:v55+s26+$0x0] =	vst.idx.msk $0xffff, v60;
	v53 =	vld [tilespmem:s22+$0xFFFFFF60]  }
0x408: {  	v61 =	vmov s24;
	s31 =	simm.s32 $0xA;
	v37 =	vadd.s32 v10, v38;
	v55 =	vadd.s32 v6, v43;
	v56 =	vld [tilespmem:s22+$0xFFFFFF80];
	[tilespmem:v47+s26+$0x0] =	vst.idx.msk $0xffff, v62  }
0x409: {  	v40 =	vmov s31;
	v38 =	vadd.s32 v12, v39;
	v60 =	vld [tilespmem:s22+$0xFFFFFFA0];
	[tilespmem:v45+s26+$0x0] =	vst.idx.msk $0xffff, v42;
	v63 =	vadd.f32 v46, v35  }
0x40a: {  	s30 =	simm.s32 $0x9;
	v50 =	vshrl.u32 v61, $0x3;
	v39 =	vadd.s32 v16, v59;
	[tilespmem:v49+s26+$0x0] =	vst.idx.msk $0xffff, v41;
	v61 =	vadd.f32 v48, v35;
	v47 =	vld [tilespmem:s22+$0xFFFFFFC0]  }
0x40b: {  	s24 =	simm.s32 $0xC;
	v50 =	vshll.u32 v50, v3;
	v54 =	vmov s30;
	v62 =	vadd.f32 v51, v35;
	v49 =	vld [tilespmem:s22+$0xFFFFFFE0];
	[tilespmem:v44+s26+$0x0] =	vst.idx.msk $0xffff, v63  }
0x40c: {  	s0 =	simm.s32 $0xB;
	s31 =	simm.s32 $0xE;
	v43 =	vmov s24;
	v41 =	vadd.s32 v14, v57;
	[tilespmem:v52+s26+$0x0] =	vst.idx.msk $0xffff, v61;
	v63 =	vadd.f32 v53, v35  }
0x40d: {  	s30 =	simm.s32 $0xD;
	v42 =	vmov s0;
	v45 =	vmov s31;
	v48 =	vadd.f32 v56, v35;
	[tilespmem:v55+s26+$0x0] =	vst.idx.msk $0xffff, v62  }
0x40e: {  	s23 =	simm.s32 $0x10;
	s24 =	simm.s32 $0xF;
	v46 =	vshrl.u32 v54, $0x3;
	v44 =	vmov s30;
	v51 =	vadd.f32 v60, v35;
	[tilespmem:v58+s26+$0x0] =	vst.idx.msk $0xffff, v63  }
.LBB2_10:
0x40f: {  	p1 =	slt.u32 s23, $0x1F8;
	v40 =	vshrl.u32 v40, $0x3;
	v52 =	vmov s24;
	[tilespmem:v37+s26+$0x0] =	vst.idx.msk $0xffff, v48;
	v37 =	vadd.f32 v47, v35  }
0x410: {  	v42 =	vshrl.u32 v42, $0x3;
	v47 =	vshrl.u32 v52, $0x3;
	[tilespmem:v38+s26+$0x0] =	vst.idx.msk $0xffff, v51;
	v38 =	vadd.f32 v49, v35  }
0x411: {  	v43 =	vshrl.u32 v43, $0x3;
	v44 =	vshrl.u32 v44, $0x3;
	s22 =	sadd.s32 $0x100, s22;
	v47 =	vshll.u32 v47, v3;
	[tilespmem:v41+s26+$0x0] =	vst.idx.msk $0xffff, v37  }
0x412: {  	v37 =	vbroadcast v50, $0x0;
	v41 =	vshrl.u32 v45, $0x3;
	v45 =	vld [tilespmem:s22+$0xFFFFFFF0];
	v47 =	vbroadcast v47, $0x0;
	[tilespmem:v39+s26+$0x0] =	vst.idx.msk $0xffff, v38  }
0x413: {  	v40 =	vshll.u32 v40, v3;
	v42 =	vshll.u32 v42, v3;
	v39 =	vshll.u32 v46, v3;
	v38 =	vld [tilespmem:s22+$0xFFFFFF10]  }
0x414: {  	v43 =	vshll.u32 v43, v3;
	v39 =	vbroadcast v39, $0x0;
	v46 =	vld [tilespmem:s22+$0xFFFFFF30];
	v48 =	vadd.s32 v17, v47  }
0x415: {  	v51 =	vbroadcast v40, $0x0;
	v40 =	vshll.u32 v44, v3;
	v49 =	vadd.s32 v1, v37;
	v50 =	vld [tilespmem:s22+$0xFFFFFF50]  }
0x416: {  	v53 =	vbroadcast v42, $0x0;
	v41 =	vshll.u32 v41, v3;
	v44 =	vadd.s32 v5, v39;
	v52 =	vld [tilespmem:s22+$0xFFFFFF70]  }
0x417: {  	v55 =	vbroadcast v43, $0x0;
	v42 =	vadd.s32 v7, v51;
	v54 =	vld [tilespmem:s22+$0xFFFFFF90];
	v43 =	vadd.f32 v45, v36  }
0x418: {  	v57 =	vbroadcast v40, $0x0;
	v45 =	vadd.s32 v9, v53;
	v38 =	vadd.f32 v38, v36;
	v56 =	vld [tilespmem:s22+$0xFFFFFFB0]  }
0x419: {  	v59 =	vbroadcast v41, $0x0;
	v40 =	vadd.f32 v46, v36;
	v46 =	vadd.s32 v11, v55;
	v58 =	vld [tilespmem:s22+$0xFFFFFFD0];
	[tilespmem:v48+s26+$0x0] =	vst.idx.msk $0xffff, v43  }
0x41a: {  	v41 =	vadd.s32 v13, v57;
	[tilespmem:v49+s26+$0x0] =	vst.idx.msk $0xffff, v38;
	v38 =	vadd.f32 v50, v36;
	v43 =	vld [tilespmem:s22+$0x0]  }
0x41b: {  	v48 =	vld [tilespmem:s22+$0xFFFFFF20];
	[tilespmem:v44+s26+$0x0] =	vst.idx.msk $0xffff, v40;
	v40 =	vadd.f32 v52, v36;
	v44 =	vadd.s32 v15, v59  }
0x41c: {  	v49 =	vmov s23;
	v52 =	vadd.s32 v18, v47;
	v50 =	vld [tilespmem:s22+$0xFFFFFF40];
	[tilespmem:v42+s26+$0x0] =	vst.idx.msk $0xffff, v38;
	v38 =	vadd.f32 v54, v36  }
0x41d: {  	s24 =	sadd.s32 $0x1, s23;
	v60 =	vadd.s32 v4, v37;
	v54 =	vshrl.u32 v49, $0x3;
	v61 =	vld [tilespmem:s22+$0xFFFFFF60];
	[tilespmem:v45+s26+$0x0] =	vst.idx.msk $0xffff, v40;
	v37 =	vadd.f32 v56, v36  }
0x41e: {  	v39 =	vadd.s32 v6, v39;
	v56 =	vmov s24;
	s24 =	sadd.s32 $0x2, s23;
	v62 =	vld [tilespmem:s22+$0xFFFFFF80];
	[tilespmem:v46+s26+$0x0] =	vst.idx.msk $0xffff, v38;
	v38 =	vadd.f32 v58, v36  }
0x41f: {  	v51 =	vadd.s32 v8, v51;
	v40 =	vmov s24;
	s24 =	sadd.s32 $0x3, s23;
	v58 =	vld [tilespmem:s22+$0xFFFFFFA0];
	[tilespmem:v41+s26+$0x0] =	vst.idx.msk $0xffff, v37;
	v41 =	vadd.f32 v43, v35  }
.Ltmp10:
0x420: {  	v42 =	vmov s24;
	s24 =	sadd.s32 $0x4, s23;
	v37 =	vadd.s32 v10, v53;
	v45 =	vadd.f32 v48, v35;
	v47 =	vld [tilespmem:s22+$0xFFFFFFC0];
	[tilespmem:v44+s26+$0x0] =	vst.idx.msk $0xffff, v38;
	(pc) =	sbr.rel @p1 .LBB2_10-.Ltmp10, $4  }
0x421: {  	v43 =	vmov s24;
	s24 =	sadd.s32 $0x5, s23;
	v38 =	vadd.s32 v12, v55;
	v46 =	vadd.f32 v50, v35;
	v49 =	vld [tilespmem:s22+$0xFFFFFFE0];
	[tilespmem:v52+s26+$0x0] =	vst.idx.msk $0xffff, v41  }
0x422: {  	v44 =	vmov s24;
	s24 =	sadd.s32 $0x6, s23;
	v41 =	vadd.s32 v14, v57;
	[tilespmem:v60+s26+$0x0] =	vst.idx.msk $0xffff, v45;
	v52 =	vadd.f32 v61, v35  }
0x423: {  	v45 =	vmov s24;
	[tilespmem:v39+s26+$0x0] =	vst.idx.msk $0xffff, v46;
	v48 =	vadd.f32 v62, v35;
	v39 =	vadd.s32 v16, v59  }
0x424: {  	v50 =	vshll.u32 v54, v3;
	s24 =	sadd.s32 $0x7, s23;
	s23 =	sadd.s32 $0x8, s23;
	v46 =	vshrl.u32 v56, $0x3;
	[tilespmem:v51+s26+$0x0] =	vst.idx.msk $0xffff, v52;
	v51 =	vadd.f32 v58, v35  }
0x425: {  	v40 =	vshrl.u32 v40, $0x3;
	v52 =	vmov s24  }
0x426: {  	v47 =	vadd.f32 v47, v35;
	v42 =	vshrl.u32 v42, $0x3;
	v43 =	vshrl.u32 v43, $0x3  }
0x427: {  	v44 =	vshrl.u32 v44, $0x3;
	s22 =	sadd.s32 $0x100, s22;
	v50 =	vbroadcast v50, $0x0;
	v45 =	vshrl.u32 v45, $0x3  }
0x428: {  	v46 =	vshll.u32 v46, v3;
	v52 =	vshrl.u32 v52, $0x3;
	v49 =	vadd.f32 v49, v35;
	v54 =	vld [tilespmem:s22+$0xFFFFFF10]  }
0x429: {  	v40 =	vshll.u32 v40, v3;
	v42 =	vshll.u32 v42, v3;
	v55 =	vld [tilespmem:s22+$0xFFFFFF30];
	v46 =	vbroadcast v46, $0x0  }
0x42a: {  	v43 =	vshll.u32 v43, v3;
	v61 =	vld [tilespmem:s22+$0xFFFFFF50];
	v60 =	vadd.s32 v1, v50;
	v40 =	vbroadcast v40, $0x0  }
0x42b: {  	[tilespmem:v38+s26+$0x0] =	vst.idx.msk $0xffff, v51;
	v62 =	vld [tilespmem:s22+$0xFFFFFF70];
	v52 =	vshll.u32 v52, v3;
	v42 =	vbroadcast v42, $0x0;
	v38 =	vadd.s32 v5, v46  }
0x42c: {  	v53 =	vld [tilespmem:s22+$0xFFFFFFF0];
	v44 =	vshll.u32 v44, v3;
	[tilespmem:v41+s26+$0x0] =	vst.idx.msk $0xffff, v47;
	v52 =	vbroadcast v52, $0x0;
	v41 =	vadd.s32 v7, v40  }
0x42d: {  	v47 =	vld [tilespmem:s22+$0xFFFFFF90];
	v43 =	vbroadcast v43, $0x0;
	[tilespmem:v39+s26+$0x0] =	vst.idx.msk $0xffff, v49;
	v49 =	vadd.s32 v9, v42;
	v63 =	vadd.f32 v54, v36  }
0x42e: {  	v45 =	vshll.u32 v45, v3;
	v56 =	vadd.s32 v17, v52;
	v55 =	vadd.f32 v55, v36  }
0x42f: {  	v58 =	vld [tilespmem:s22+$0xFFFFFFD0];
	v45 =	vbroadcast v45, $0x0;
	v57 =	vadd.s32 v11, v43;
	v59 =	vadd.f32 v61, v36;
	[tilespmem:v60+s26+$0x0] =	vst.idx.msk $0xffff, v63  }
0x430: {  	v44 =	vbroadcast v44, $0x0;
	v54 =	vld [tilespmem:s22+$0xFFFFFFB0];
	v62 =	vadd.f32 v62, v36;
	[tilespmem:v38+s26+$0x0] =	vst.idx.msk $0xffff, v55  }
0x431: {  	v51 =	vadd.s32 v15, v45;
	v53 =	vadd.f32 v53, v36;
	v61 =	vld [tilespmem:s22+$0xFFFFFF20];
	[tilespmem:v41+s26+$0x0] =	vst.idx.msk $0xffff, v59  }
0x432: {  	v39 =	vadd.s32 v13, v44;
	v63 =	vadd.f32 v47, v36;
	v55 =	vld [tilespmem:s22+$0xFFFFFF40];
	[tilespmem:v49+s26+$0x0] =	vst.idx.msk $0xffff, v62  }
0x433: {  	v47 =	vadd.s32 v4, v50;
	[tilespmem:v56+s26+$0x0] =	vst.idx.msk $0xffff, v53;
	v50 =	vld [tilespmem:s22+$0xFFFFFF60]  }
0x434: {  	v46 =	vadd.s32 v6, v46;
	v49 =	vld [tilespmem:s22+$0xFFFFFF80];
	[tilespmem:v57+s26+$0x0] =	vst.idx.msk $0xffff, v63;
	v57 =	vadd.f32 v58, v36  }
0x435: {  	[tilespmem:v37+s26+$0x0] =	vst.idx.msk $0xffff, v48;
	v58 =	vadd.s32 v8, v40;
	v60 =	vld [tilespmem:s22+$0x0];
	v56 =	vadd.f32 v54, v36  }
0x436: {  	v42 =	vadd.s32 v10, v42;
	v59 =	vld [tilespmem:s22+$0xFFFFFFA0];
	[tilespmem:v51+s26+$0x0] =	vst.idx.msk $0xffff, v57;
	v61 =	vadd.f32 v61, v35  }
0x437: {  	v41 =	vadd.s32 v18, v52;
	[tilespmem:v39+s26+$0x0] =	vst.idx.msk $0xffff, v56;
	v51 =	vld [tilespmem:s22+$0xFFFFFFE0];
	v63 =	vadd.f32 v55, v35  }
0x438: {  	v43 =	vadd.s32 v12, v43;
	v62 =	vld [tilespmem:s22+$0xFFFFFFC0];
	v53 =	vadd.f32 v50, v35;
	[tilespmem:v47+s26+$0x0] =	vst.idx.msk $0xffff, v61  }
0x439: {  	v56 =	vadd.s32 v16, v45;
	v55 =	vadd.f32 v49, v35;
	[tilespmem:v46+s26+$0x0] =	vst.idx.msk $0xffff, v63  }
0x43a: {  	v54 =	vadd.s32 v14, v44;
	v60 =	vadd.f32 v60, v35;
	[tilespmem:v58+s26+$0x0] =	vst.idx.msk $0xffff, v53  }
0x43b: {  	v57 =	vadd.f32 v59, v35;
	[tilespmem:v42+s26+$0x0] =	vst.idx.msk $0xffff, v55  }
0x43c: {  	[tilespmem:v41+s26+$0x0] =	vst.idx.msk $0xffff, v60;
	v59 =	vadd.f32 v51, v35  }
0x43d: {  	[tilespmem:v43+s26+$0x0] =	vst.idx.msk $0xffff, v57;
	v58 =	vadd.f32 v62, v35  }
0x43e: {  	[tilespmem:v56+s26+$0x0] =	vst.idx.msk $0xffff, v59  }
0x43f: {  	[tilespmem:v54+s26+$0x0] =	vst.idx.msk $0xffff, v58  }
0x440: {  	v35 =	vld [tilespmem:$0x200]  }
0x441: {  	v36 =	vld [tilespmem:$0x210];
	_ =	sdelay $0x1  }
0x442: {  	v37 =	vld [tilespmem:$0x220];
	_ =	sdelay $0x1  }
0x443: {  	v38 =	vld [tilespmem:$0x230]  }
0x444: {  	vm0 =	vlt.s32 v35, v36  }
0x445: {  	v60 =	vld [tilespmem:$0x240];
	v35 =	vsel vm0, v35, v36  }
0x446: {  	vm0 =	vlt.s32 v35, v37  }
0x447: {  	v61 =	vld [tilespmem:$0x250];
	v35 =	vsel vm0, v35, v37  }
0x448: {  	vm0 =	vlt.s32 v35, v38  }
0x449: {  	v62 =	vld [tilespmem:$0x260];
	v35 =	vsel vm0, v35, v38  }
0x44a: {  	vm0 =	vlt.s32 v35, v60  }
0x44b: {  	v63 =	vld [tilespmem:$0x270];
	v35 =	vsel vm0, v35, v60  }
0x44c: {  	vm0 =	vlt.s32 v35, v61  }
0x44d: {  	v40 =	vld [tilespmem:$0x280];
	v35 =	vsel vm0, v35, v61  }
0x44e: {  	vm0 =	vlt.s32 v35, v62  }
0x44f: {  	v41 =	vld [tilespmem:$0x290];
	v35 =	vsel vm0, v35, v62  }
0x450: {  	vm0 =	vlt.s32 v35, v63  }
0x451: {  	v42 =	vld [tilespmem:$0x2A0];
	v35 =	vsel vm0, v35, v63  }
0x452: {  	vm0 =	vlt.s32 v35, v40  }
0x453: {  	v43 =	vld [tilespmem:$0x2B0];
	v35 =	vsel vm0, v35, v40  }
0x454: {  	vm0 =	vlt.s32 v35, v41  }
0x455: {  	v44 =	vld [tilespmem:$0x2C0];
	v35 =	vsel vm0, v35, v41  }
0x456: {  	vm0 =	vlt.s32 v35, v42  }
0x457: {  	v45 =	vld [tilespmem:$0x2D0];
	v35 =	vsel vm0, v35, v42  }
0x458: {  	vm0 =	vlt.s32 v35, v43  }
0x459: {  	v46 =	vld [tilespmem:$0x2E0];
	v35 =	vsel vm0, v35, v43  }
0x45a: {  	vm0 =	vlt.s32 v35, v44  }
0x45b: {  	v47 =	vld [tilespmem:$0x2F0];
	v35 =	vsel vm0, v35, v44  }
0x45c: {  	vm0 =	vlt.s32 v35, v45  }
0x45d: {  	v48 =	vld [tilespmem:$0x300];
	v35 =	vsel vm0, v35, v45  }
0x45e: {  	vm0 =	vlt.s32 v35, v46  }
0x45f: {  	v49 =	vld [tilespmem:$0x310];
	v35 =	vsel vm0, v35, v46  }
0x460: {  	vm0 =	vlt.s32 v35, v47  }
0x461: {  	v50 =	vld [tilespmem:$0x320];
	v35 =	vsel vm0, v35, v47  }
0x462: {  	vm0 =	vlt.s32 v35, v48  }
0x463: {  	v51 =	vld [tilespmem:$0x330];
	v35 =	vsel vm0, v35, v48  }
0x464: {  	vm0 =	vlt.s32 v35, v49  }
0x465: {  	v52 =	vld [tilespmem:$0x340];
	v35 =	vsel vm0, v35, v49  }
0x466: {  	vm0 =	vlt.s32 v35, v50  }
0x467: {  	v53 =	vld [tilespmem:$0x350];
	v35 =	vsel vm0, v35, v50  }
0x468: {  	vm0 =	vlt.s32 v35, v51  }
0x469: {  	v54 =	vld [tilespmem:$0x360];
	v35 =	vsel vm0, v35, v51  }
0x46a: {  	vm0 =	vlt.s32 v35, v52  }
0x46b: {  	v55 =	vld [tilespmem:$0x370];
	v35 =	vsel vm0, v35, v52  }
0x46c: {  	vm0 =	vlt.s32 v35, v53  }
0x46d: {  	v56 =	vld [tilespmem:$0x380];
	v35 =	vsel vm0, v35, v53  }
0x46e: {  	vm0 =	vlt.s32 v35, v54  }
0x46f: {  	v57 =	vld [tilespmem:$0x390];
	v35 =	vsel vm0, v35, v54  }
0x470: {  	vm0 =	vlt.s32 v35, v55  }
0x471: {  	v58 =	vld [tilespmem:$0x3A0];
	v35 =	vsel vm0, v35, v55  }
0x472: {  	vm0 =	vlt.s32 v35, v56  }
0x473: {  	v59 =	vld [tilespmem:$0x3B0];
	v35 =	vsel vm0, v35, v56  }
0x474: {  	vm0 =	vlt.s32 v35, v57  }
0x475: {  	v60 =	vld [tilespmem:$0x3C0];
	v35 =	vsel vm0, v35, v57  }
0x476: {  	vm0 =	vlt.s32 v35, v58  }
0x477: {  	v61 =	vld [tilespmem:$0x3D0];
	v35 =	vsel vm0, v35, v58  }
0x478: {  	vm0 =	vlt.s32 v35, v59  }
0x479: {  	v62 =	vld [tilespmem:$0x3E0];
	v35 =	vsel vm0, v35, v59  }
0x47a: {  	vm0 =	vlt.s32 v35, v60  }
0x47b: {  	v63 =	vld [tilespmem:$0x3F0];
	v35 =	vsel vm0, v35, v60  }
0x47c: {  	vm0 =	vlt.s32 v35, v61  }
0x47d: {  	v35 =	vsel vm0, v35, v61  }
0x47e: {  	vm0 =	vlt.s32 v35, v62  }
0x47f: {  	v35 =	vsel vm0, v35, v62  }
0x480: {  	vm0 =	vlt.s32 v35, v63  }
0x481: {  	v35 =	vsel vm0, v35, v63  }
0x482: {  	v35 =	vxor.u32 $0x80000000, v35  }
0x483: {  	(xrf0) =	vmin.scan.msk.u32 $0xffff, v35;
	_ =	sdelay $0x5  }
0x484: {  	v35, _, _ =	vpop (xrf0)  }
0x485: {  	(v2sf) =	vpush v35, $0xF;
	_ =	sdelay $0xe  }
0x486: {  	s31 =	spop (v2sf)  }
0x487: {  	p1 =	sne.s32 s31, $0x80000000  }
.Ltmp11:
0x488: {  	_ = 	snop;
	(pc) =	sbr.rel @p1 .LBB2_16-.Ltmp11, $1  }
0x489: {  	_ =	sdelay $0x3  }
.Ltmp12:
0x48a: {  	(pc) =	sbr.rel .LBB2_13-.Ltmp12, $3  }
0x48b: {  	_ =	sdelay $0x1  }
0x48c: {  	v35 =	vld [tilespmem:$0x10600]  }
0x48d: {  	s22 =	simm.s32 $0x0;
	v36 =	vld [tilespmem:$0x10610];
	s23 =	simm.s32 $0x0  }
.LBB2_15:
0x48e: {  	s23 =	sadd.s32 $0x40, s23  }
0x48f: {  	p1 =	sne.s32 s23, $0x800  }
.Ltmp13:
0x490: {  	_ = 	snop;
	(pc) =	sbr.rel @!p1 .LBB2_16-.Ltmp13, $2  }
0x491: {  	_ =	sdelay $0x2  }
0x492: {  	s22 =	sadd.s32 $0x10, s22  }
.LBB2_13:
0x493: {  	s24 =	sand.u32 $0x600, s23  }
0x494: {  	s30 =	sand.u32 $0x70, s22;
	s24 =	sshrl.u32 s24, $0x2  }
0x495: {  	s24 =	sor.u32 s30, s24  }
0x496: {  	v37 =	vld [tilespmem:s24+$0x200];
	_ =	sdelay $0x4  }
0x497: {  	vm0 =	veq.s32 v37, $0x0  }
0x498: {  	v37 =	vsel vm0, $0x3F800000, v19  }
0x499: {  	(xrf0) =	vmax.scan.msk.f32 $0xffff, v37;
	_ =	sdelay $0x5  }
0x49a: {  	v37, _, _ =	vpop (xrf0)  }
0x49b: {  	(v2sf) =	vpush v37, $0xF;
	_ =	sdelay $0xe  }
0x49c: {  	s31 =	spop (v2sf)  }
0x49d: {  	p1 =	sgt.f32 s31, $0.0e+00  }
.Ltmp14:
0x49e: {  	_ = 	snop;
	(pc) =	sbr.rel @!p1 .LBB2_15-.Ltmp14, $1  }
0x49f: {  	_ =	sdelay $0x3  }
0x4a0: {  	v38 =	vor.u32 s22, v0  }
0x4a1: {  	v37 =	vshll.u32 v38, $0x5;
	_ =	sdelay $0x4  }
0x4a2: {  	v39 =	vand.u32 $0x7, v0;
	v40 =	vld.idx.msk [tilespmem:v37+s29+$0x0], vm0  }
0x4a3: {  	v41 =	vor.u32 $0xFFFFFFF8, v39  }
0x4a4: {  	v41 =	vand.u32 v41, v38  }
0x4a5: {  	v42 =	vperm.xlane v35, v2;
	v43 =	vor.u32 $0x1, v37;
	_ =	sdelay $0x1  }
0x4a6: {  	v40 =	vadd.f32 v42, v40;
	_ =	sdelay $0x1  }
0x4a7: {  	[tilespmem:v41+s26+$0x0] =	vst.idx.msk vm0, v40  }
0x4a8: {  	v40 =	vld.idx.msk [tilespmem:v43+s29+$0x0], vm0  }
0x4a9: {  	v52 =	vor.u32 $0x208, v39;
	v38 =	vand.u32 $0x1F8, v38  }
0x4aa: {  	v41 =	vadd.s32 v52, v38  }
0x4ab: {  	v53 =	vperm.xlane v35, v21;
	v54 =	vor.u32 $0x2, v37;
	_ =	sdelay $0x1  }
0x4ac: {  	v40 =	vadd.f32 v53, v40;
	_ =	sdelay $0x1  }
0x4ad: {  	[tilespmem:v41+s26+$0x0] =	vst.idx.msk vm0, v40  }
0x4ae: {  	v40 =	vld.idx.msk [tilespmem:v54+s29+$0x0], vm0  }
0x4af: {  	v55 =	vor.u32 $0x410, v39  }
0x4b0: {  	v41 =	vadd.s32 v55, v38  }
0x4b1: {  	v56 =	vperm.xlane v35, v22;
	v57 =	vor.u32 $0x3, v37;
	_ =	sdelay $0x1  }
0x4b2: {  	v40 =	vadd.f32 v56, v40;
	_ =	sdelay $0x1  }
0x4b3: {  	[tilespmem:v41+s26+$0x0] =	vst.idx.msk vm0, v40  }
0x4b4: {  	v40 =	vld.idx.msk [tilespmem:v57+s29+$0x0], vm0  }
0x4b5: {  	v58 =	vor.u32 $0x618, v39  }
0x4b6: {  	v41 =	vadd.s32 v58, v38  }
0x4b7: {  	v59 =	vperm.xlane v35, v23;
	v60 =	vor.u32 $0x4, v37;
	_ =	sdelay $0x1  }
0x4b8: {  	v40 =	vadd.f32 v59, v40;
	_ =	sdelay $0x1  }
0x4b9: {  	[tilespmem:v41+s26+$0x0] =	vst.idx.msk vm0, v40  }
0x4ba: {  	v40 =	vld.idx.msk [tilespmem:v60+s29+$0x0], vm0  }
0x4bb: {  	v61 =	vor.u32 $0x820, v39  }
0x4bc: {  	v41 =	vadd.s32 v61, v38  }
0x4bd: {  	v62 =	vperm.xlane v35, v24;
	v63 =	vor.u32 $0x5, v37;
	_ =	sdelay $0x1  }
0x4be: {  	v40 =	vadd.f32 v62, v40;
	_ =	sdelay $0x1  }
0x4bf: {  	[tilespmem:v41+s26+$0x0] =	vst.idx.msk vm0, v40  }
0x4c0: {  	v40 =	vld.idx.msk [tilespmem:v63+s29+$0x0], vm0  }
0x4c1: {  	v44 =	vor.u32 $0xA28, v39  }
0x4c2: {  	v41 =	vadd.s32 v44, v38  }
0x4c3: {  	v45 =	vperm.xlane v35, v20;
	v46 =	vor.u32 $0x6, v37;
	_ =	sdelay $0x1  }
0x4c4: {  	v40 =	vadd.f32 v45, v40;
	_ =	sdelay $0x1  }
0x4c5: {  	[tilespmem:v41+s26+$0x0] =	vst.idx.msk vm0, v40  }
0x4c6: {  	v40 =	vld.idx.msk [tilespmem:v46+s29+$0x0], vm0  }
0x4c7: {  	v47 =	vor.u32 $0xC30, v39  }
0x4c8: {  	v41 =	vadd.s32 v47, v38  }
0x4c9: {  	v48 =	vperm.xlane v35, v25;
	v49 =	vor.u32 $0x7, v37;
	_ =	sdelay $0x1  }
0x4ca: {  	v40 =	vadd.f32 v48, v40;
	_ =	sdelay $0x1  }
0x4cb: {  	[tilespmem:v41+s26+$0x0] =	vst.idx.msk vm0, v40  }
0x4cc: {  	v40 =	vld.idx.msk [tilespmem:v49+s29+$0x0], vm0  }
0x4cd: {  	v50 =	vor.u32 $0xE38, v39  }
0x4ce: {  	v41 =	vadd.s32 v50, v38  }
0x4cf: {  	v51 =	vperm.xlane v35, v26;
	v52 =	vor.u32 $0x8, v37;
	_ =	sdelay $0x1  }
0x4d0: {  	v40 =	vadd.f32 v51, v40;
	_ =	sdelay $0x1  }
0x4d1: {  	[tilespmem:v41+s26+$0x0] =	vst.idx.msk vm0, v40  }
0x4d2: {  	v40 =	vld.idx.msk [tilespmem:v52+s29+$0x0], vm0  }
0x4d3: {  	v53 =	vor.u32 $0x1040, v39  }
0x4d4: {  	v41 =	vadd.s32 v53, v38  }
0x4d5: {  	v55 =	vor.u32 $0x9, v37;
	v54 =	vperm.xlane v35, v27;
	_ =	sdelay $0x1  }
0x4d6: {  	v40 =	vadd.f32 v54, v40;
	_ =	sdelay $0x1  }
0x4d7: {  	[tilespmem:v41+s26+$0x0] =	vst.idx.msk vm0, v40  }
0x4d8: {  	v40 =	vld.idx.msk [tilespmem:v55+s29+$0x0], vm0  }
0x4d9: {  	v56 =	vor.u32 $0x1248, v39  }
0x4da: {  	v41 =	vadd.s32 v56, v38  }
0x4db: {  	v58 =	vor.u32 $0xA, v37;
	v57 =	vperm.xlane v35, v28;
	_ =	sdelay $0x1  }
0x4dc: {  	v40 =	vadd.f32 v57, v40;
	_ =	sdelay $0x1  }
0x4dd: {  	[tilespmem:v41+s26+$0x0] =	vst.idx.msk vm0, v40  }
0x4de: {  	v40 =	vld.idx.msk [tilespmem:v58+s29+$0x0], vm0  }
0x4df: {  	v59 =	vor.u32 $0x1450, v39  }
0x4e0: {  	v41 =	vadd.s32 v59, v38  }
0x4e1: {  	v61 =	vor.u32 $0xB, v37;
	v60 =	vperm.xlane v35, v29;
	_ =	sdelay $0x1  }
0x4e2: {  	v40 =	vadd.f32 v60, v40;
	_ =	sdelay $0x1  }
0x4e3: {  	[tilespmem:v41+s26+$0x0] =	vst.idx.msk vm0, v40  }
0x4e4: {  	v40 =	vld.idx.msk [tilespmem:v61+s29+$0x0], vm0  }
0x4e5: {  	v62 =	vor.u32 $0x1658, v39  }
0x4e6: {  	v41 =	vadd.s32 v62, v38  }
0x4e7: {  	v63 =	vperm.xlane v35, v30;
	v45 =	vor.u32 $0xC, v37;
	_ =	sdelay $0x1  }
0x4e8: {  	v40 =	vadd.f32 v63, v40;
	_ =	sdelay $0x1  }
0x4e9: {  	[tilespmem:v41+s26+$0x0] =	vst.idx.msk vm0, v40  }
0x4ea: {  	v40 =	vld.idx.msk [tilespmem:v45+s29+$0x0], vm0  }
0x4eb: {  	v46 =	vor.u32 $0x1860, v39  }
0x4ec: {  	v41 =	vadd.s32 v46, v38  }
0x4ed: {  	v47 =	vperm.xlane v35, v31;
	v48 =	vor.u32 $0xD, v37;
	_ =	sdelay $0x1  }
0x4ee: {  	v40 =	vadd.f32 v47, v40;
	_ =	sdelay $0x1  }
0x4ef: {  	[tilespmem:v41+s26+$0x0] =	vst.idx.msk vm0, v40  }
0x4f0: {  	v40 =	vld.idx.msk [tilespmem:v48+s29+$0x0], vm0  }
0x4f1: {  	v49 =	vor.u32 $0x1A68, v39  }
0x4f2: {  	v41 =	vadd.s32 v49, v38  }
0x4f3: {  	v50 =	vperm.xlane v35, v32;
	v51 =	vor.u32 $0xE, v37;
	_ =	sdelay $0x1  }
0x4f4: {  	v40 =	vadd.f32 v50, v40;
	_ =	sdelay $0x1  }
0x4f5: {  	[tilespmem:v41+s26+$0x0] =	vst.idx.msk vm0, v40  }
0x4f6: {  	v40 =	vld.idx.msk [tilespmem:v51+s29+$0x0], vm0  }
0x4f7: {  	v52 =	vor.u32 $0x1C70, v39  }
0x4f8: {  	v41 =	vadd.s32 v52, v38  }
0x4f9: {  	v53 =	vperm.xlane v35, v33;
	v54 =	vor.u32 $0xF, v37;
	_ =	sdelay $0x1  }
0x4fa: {  	v40 =	vadd.f32 v53, v40;
	_ =	sdelay $0x1  }
0x4fb: {  	[tilespmem:v41+s26+$0x0] =	vst.idx.msk vm0, v40  }
0x4fc: {  	v40 =	vld.idx.msk [tilespmem:v54+s29+$0x0], vm0  }
0x4fd: {  	v55 =	vor.u32 $0x1E78, v39  }
0x4fe: {  	v41 =	vadd.s32 v55, v38  }
0x4ff: {  	v56 =	vperm.xlane v35, v34;
	v57 =	vor.u32 $0x10, v37;
	_ =	sdelay $0x1  }
0x500: {  	v40 =	vadd.f32 v56, v40;
	_ =	sdelay $0x1  }
0x501: {  	[tilespmem:v41+s26+$0x0] =	vst.idx.msk vm0, v40  }
0x502: {  	v40 =	vld.idx.msk [tilespmem:v57+s29+$0x0], vm0  }
0x503: {  	v58 =	vor.u32 $0x2080, v39  }
0x504: {  	v41 =	vadd.s32 v58, v38  }
0x505: {  	v59 =	vperm.xlane v36, v2;
	v60 =	vor.u32 $0x11, v37;
	_ =	sdelay $0x1  }
0x506: {  	v40 =	vadd.f32 v59, v40;
	_ =	sdelay $0x1  }
0x507: {  	[tilespmem:v41+s26+$0x0] =	vst.idx.msk vm0, v40  }
0x508: {  	v40 =	vld.idx.msk [tilespmem:v60+s29+$0x0], vm0  }
0x509: {  	v61 =	vor.u32 $0x2288, v39  }
0x50a: {  	v41 =	vadd.s32 v61, v38  }
0x50b: {  	v62 =	vperm.xlane v36, v21;
	v63 =	vor.u32 $0x12, v37;
	_ =	sdelay $0x1  }
0x50c: {  	v40 =	vadd.f32 v62, v40;
	_ =	sdelay $0x1  }
0x50d: {  	[tilespmem:v41+s26+$0x0] =	vst.idx.msk vm0, v40  }
0x50e: {  	v40 =	vld.idx.msk [tilespmem:v63+s29+$0x0], vm0  }
0x50f: {  	v44 =	vor.u32 $0x2490, v39  }
0x510: {  	v41 =	vadd.s32 v44, v38  }
0x511: {  	v46 =	vor.u32 $0x13, v37;
	v45 =	vperm.xlane v36, v22;
	_ =	sdelay $0x1  }
0x512: {  	v40 =	vadd.f32 v45, v40;
	_ =	sdelay $0x1  }
0x513: {  	[tilespmem:v41+s26+$0x0] =	vst.idx.msk vm0, v40  }
0x514: {  	v40 =	vld.idx.msk [tilespmem:v46+s29+$0x0], vm0  }
0x515: {  	v47 =	vor.u32 $0x2698, v39  }
0x516: {  	v41 =	vadd.s32 v47, v38  }
0x517: {  	v49 =	vor.u32 $0x14, v37;
	v48 =	vperm.xlane v36, v23;
	_ =	sdelay $0x1  }
0x518: {  	v40 =	vadd.f32 v48, v40;
	_ =	sdelay $0x1  }
0x519: {  	[tilespmem:v41+s26+$0x0] =	vst.idx.msk vm0, v40  }
0x51a: {  	v40 =	vld.idx.msk [tilespmem:v49+s29+$0x0], vm0  }
0x51b: {  	v50 =	vor.u32 $0x28A0, v39  }
0x51c: {  	v41 =	vadd.s32 v50, v38  }
0x51d: {  	v52 =	vor.u32 $0x15, v37;
	v51 =	vperm.xlane v36, v24;
	_ =	sdelay $0x1  }
0x51e: {  	v40 =	vadd.f32 v51, v40;
	_ =	sdelay $0x1  }
0x51f: {  	[tilespmem:v41+s26+$0x0] =	vst.idx.msk vm0, v40  }
0x520: {  	v40 =	vld.idx.msk [tilespmem:v52+s29+$0x0], vm0  }
0x521: {  	v53 =	vor.u32 $0x2AA8, v39  }
0x522: {  	v41 =	vadd.s32 v53, v38  }
0x523: {  	v55 =	vor.u32 $0x16, v37;
	v54 =	vperm.xlane v36, v20;
	_ =	sdelay $0x1  }
0x524: {  	v40 =	vadd.f32 v54, v40;
	_ =	sdelay $0x1  }
0x525: {  	[tilespmem:v41+s26+$0x0] =	vst.idx.msk vm0, v40  }
0x526: {  	v40 =	vld.idx.msk [tilespmem:v55+s29+$0x0], vm0  }
0x527: {  	v56 =	vor.u32 $0x2CB0, v39  }
0x528: {  	v41 =	vadd.s32 v56, v38  }
0x529: {  	v58 =	vor.u32 $0x17, v37;
	v57 =	vperm.xlane v36, v25;
	_ =	sdelay $0x1  }
0x52a: {  	v40 =	vadd.f32 v57, v40;
	_ =	sdelay $0x1  }
0x52b: {  	[tilespmem:v41+s26+$0x0] =	vst.idx.msk vm0, v40  }
0x52c: {  	v40 =	vld.idx.msk [tilespmem:v58+s29+$0x0], vm0  }
0x52d: {  	v59 =	vor.u32 $0x2EB8, v39  }
0x52e: {  	v41 =	vadd.s32 v59, v38  }
0x52f: {  	v61 =	vor.u32 $0x18, v37;
	v60 =	vperm.xlane v36, v26;
	_ =	sdelay $0x1  }
0x530: {  	v40 =	vadd.f32 v60, v40;
	_ =	sdelay $0x1  }
0x531: {  	[tilespmem:v41+s26+$0x0] =	vst.idx.msk vm0, v40  }
0x532: {  	v40 =	vld.idx.msk [tilespmem:v61+s29+$0x0], vm0  }
0x533: {  	v62 =	vor.u32 $0x30C0, v39  }
0x534: {  	v41 =	vadd.s32 v62, v38  }
0x535: {  	v63 =	vperm.xlane v36, v27;
	v45 =	vor.u32 $0x19, v37;
	_ =	sdelay $0x1  }
0x536: {  	v40 =	vadd.f32 v63, v40;
	_ =	sdelay $0x1  }
0x537: {  	[tilespmem:v41+s26+$0x0] =	vst.idx.msk vm0, v40  }
0x538: {  	v40 =	vld.idx.msk [tilespmem:v45+s29+$0x0], vm0  }
0x539: {  	v46 =	vor.u32 $0x32C8, v39  }
0x53a: {  	v41 =	vadd.s32 v46, v38  }
0x53b: {  	v47 =	vperm.xlane v36, v28;
	v48 =	vor.u32 $0x1A, v37;
	_ =	sdelay $0x1  }
0x53c: {  	v40 =	vadd.f32 v47, v40;
	_ =	sdelay $0x1  }
0x53d: {  	[tilespmem:v41+s26+$0x0] =	vst.idx.msk vm0, v40  }
0x53e: {  	v40 =	vld.idx.msk [tilespmem:v48+s29+$0x0], vm0  }
0x53f: {  	v49 =	vor.u32 $0x34D0, v39  }
0x540: {  	v41 =	vadd.s32 v49, v38  }
0x541: {  	v50 =	vperm.xlane v36, v29;
	v51 =	vor.u32 $0x1B, v37;
	_ =	sdelay $0x1  }
0x542: {  	v40 =	vadd.f32 v50, v40;
	_ =	sdelay $0x1  }
0x543: {  	[tilespmem:v41+s26+$0x0] =	vst.idx.msk vm0, v40  }
0x544: {  	v40 =	vld.idx.msk [tilespmem:v51+s29+$0x0], vm0  }
0x545: {  	v52 =	vor.u32 $0x36D8, v39  }
0x546: {  	v41 =	vadd.s32 v52, v38  }
0x547: {  	v53 =	vperm.xlane v36, v30;
	v54 =	vor.u32 $0x1C, v37;
	_ =	sdelay $0x1  }
0x548: {  	v40 =	vadd.f32 v53, v40;
	_ =	sdelay $0x1  }
0x549: {  	[tilespmem:v41+s26+$0x0] =	vst.idx.msk vm0, v40  }
0x54a: {  	v40 =	vld.idx.msk [tilespmem:v54+s29+$0x0], vm0  }
0x54b: {  	v55 =	vor.u32 $0x38E0, v39  }
0x54c: {  	v41 =	vadd.s32 v55, v38  }
0x54d: {  	v56 =	vperm.xlane v36, v31;
	v57 =	vor.u32 $0x1D, v37;
	_ =	sdelay $0x1  }
0x54e: {  	v40 =	vadd.f32 v56, v40;
	_ =	sdelay $0x1  }
0x54f: {  	[tilespmem:v41+s26+$0x0] =	vst.idx.msk vm0, v40  }
0x550: {  	v40 =	vld.idx.msk [tilespmem:v57+s29+$0x0], vm0  }
0x551: {  	v58 =	vor.u32 $0x3AE8, v39  }
0x552: {  	v41 =	vadd.s32 v58, v38  }
0x553: {  	v59 =	vperm.xlane v36, v32;
	v60 =	vor.u32 $0x1E, v37;
	_ =	sdelay $0x1  }
0x554: {  	v40 =	vadd.f32 v59, v40;
	_ =	sdelay $0x1  }
0x555: {  	[tilespmem:v41+s26+$0x0] =	vst.idx.msk vm0, v40  }
0x556: {  	v40 =	vld.idx.msk [tilespmem:v60+s29+$0x0], vm0  }
0x557: {  	v39 =	vor.u32 $0x3CF0, v39  }
0x558: {  	v39 =	vadd.s32 v39, v38  }
0x559: {  	v37 =	vor.u32 $0x1F, v37;
	v61 =	vperm.xlane v36, v33;
	_ =	sdelay $0x1  }
0x55a: {  	v40 =	vadd.f32 v61, v40;
	_ =	sdelay $0x1  }
0x55b: {  	[tilespmem:v39+s26+$0x0] =	vst.idx.msk vm0, v40  }
0x55c: {  	v37 =	vld.idx.msk [tilespmem:v37+s29+$0x0], vm0  }
0x55d: {  	v62 =	vor.u32 $0x3EF8, v0  }
0x55e: {  	v38 =	vadd.s32 v62, v38  }
.Ltmp15:
0x55f: {  	v63 =	vperm.xlane v36, v34;
	(pc) =	sbr.rel .LBB2_15-.Ltmp15, $3  }
0x560: {  	_ = 	snop  }
0x561: {  	v37 =	vadd.f32 v63, v37;
	_ =	sdelay $0x1  }
0x562: {  	[tilespmem:v38+s26+$0x0] =	vst.idx.msk vm0, v37  }
.LBB2_18:
0x563: {  	_ =	sfence.sel $0x180000  }
0x564: {  	[bflag:$0x0] =	sbarrier.arrive $0xFFFF  }
0x565: {  	_ =	strace $0x90000047  }
0x566: {  	s0 =	stileid.u32;
	[bflag:$0x2] =	sbarrier.arrive $0xFFFF  }
0x567: {  	p0 =	sne.s32 s0, $0x0;
	s0 =	rddreg [dreg:$0x2]  }
0x568: {  	s0 =	sadd.s32 @!p0 $0x100000, s0  }
0x569: {  	[sflag:s0] =	ssyncadd.tile.s32 @!p0 $0x1;
	_ =	shalt  }
.Lfunc_end2:
_tile_overlayer_lowered:
.L_overlay_start_2:
0x56a: {  	(tag) =	ssettag $0x2  }
0x56b: {  	s0 =	rddreg [dreg:$0x0];
	s2 =	stileid.u32  }
0x56c: {  	s1 =	rddreg [dreg:$0x1];
	p0 =	sne.s32 s2, $0x0  }
0x56d: {  	s3 =	rddreg [dreg:$0x2];
	[bflag:$0x3] =	sbarrier.arrive $0xFFFF;
	s2 =	simm.s32 @!p0 $0x1C08  }
0x56e: {  	[timem:s3], [sflag:s2] =	dma.local @!p0 [hbm:s0], s1  }
0x56f: {  	s0 =	simm.s32 @!p0 $0x8  }
0x570: {  	_ =	swait.ge @!p0 [sflag:s0], s1  }
0x571: {  	s1 =	ssub.s32 @!p0 $0x0, s1;
	[sflag:s0] =	ssyncset.done @!p0 $0x0  }
0x572: {  	[sflag:s0] =	ssyncadd.s32 @!p0 s1  }
0x573: {  	[bflag:$0x3] =	sbarrier.arrive $0xFFFF  }
0x574: {  	_ =	shalt  }

</sc_bundles>
